<compile_context>
chip_gen: v7x
topology: tpu7x:2x2x1
jax: 0.10.2.dev20260603
libtpu: 0.0.44.dev20260713+nightly
codegen_flags: <defaults>
</compile_context>

<pallas_src>
import functools
import math

import jax
import jax.numpy as jnp
from jax import lax
from jax.experimental import pallas as pl
from jax.experimental.pallas import tpu as pltpu
from jax.experimental.pallas import tpu_sc as plsc

_FIELD_CONSTANT = 4.0 * math.pi * 14.399645351950548
_CUBIC_MADELUNG = -2.8372974794806
_CONST = _FIELD_CONSTANT / (4.0 * math.pi)
_PI = math.pi

_N = 1600000
_B = 4096
_NC = 2
_NS = 16
_NW = _NC * _NS
_ACC = 5 * _B

_PART_BLOCKS = 4096
_NPARTS = 3
_WBLK = _PART_BLOCKS // _NW
_CHB = 16
_NCHUNK = _WBLK // _CHB
_CHA = _CHB * 128
_TAIL_START = _NPARTS * _PART_BLOCKS * 128
_TAIL_ATOMS = _N - _TAIL_START
_TAIL_W = _TAIL_ATOMS // _NW
_TAIL_VEC = _TAIL_W // 16


def _vec_step(acc, iota, ids, ids_n, q_v, c1_v, c2_v, c3_v, px_v, py_v, pz_v):
    d0 = q_v * px_v + c3_v
    d1 = q_v * py_v + c1_v
    d2 = q_v * pz_v + c2_v
    r2 = px_v * px_v + py_v * py_v + pz_v * pz_v
    pdr = px_v * c3_v + py_v * c1_v + pz_v * c2_v
    qq = r2 * q_v + 2.0 * pdr
    is_bound = ids != ids_n
    is_last = jnp.logical_or(is_bound, iota == 15)
    for k, contrib in enumerate((q_v, d0, d1, d2, qq)):
        cum = plsc.cumsum(contrib)
        off = jnp.int32(k * _B)
        plsc.addupdate_scatter(acc, [ids + off], cum, mask=is_last)
        plsc.addupdate_scatter(acc, [ids_n + off], -cum, mask=is_bound)


def _zero_acc(acc):
    zeros16f = jnp.zeros((16,), jnp.float32)

    def zero_chunk(i, carry):
        acc[pl.ds(i * 16, 16)] = zeros16f
        return carry
    lax.fori_loop(0, _ACC // 16, zero_chunk, 0)


_MESH = plsc.VectorSubcoreMesh(core_axis_name="c", subcore_axis_name="s")
_PARAMS = pltpu.CompilerParams(needs_layout_passes=False,
                               use_tc_tiling_on_sc=False)


def _make_main_call():
    @functools.partial(
        pl.kernel,
        out_type=jax.ShapeDtypeStruct((_NW, _ACC), jnp.float32),
        mesh=_MESH,
        scratch_types=[
            pltpu.VMEM((_ACC,), jnp.float32),
            pltpu.VMEM((2, _CHB * 512), jnp.float32),
            pltpu.VMEM((2, 3, _CHA), jnp.float32),
            pltpu.VMEM((2, _CHA), jnp.int32),
            pltpu.SemaphoreType.DMA,
            pltpu.SemaphoreType.DMA,
        ],
        compiler_params=_PARAMS,
    )
    def body(ccf_h, px_h, py_h, pz_h, b_h, out_hbm,
             acc, ccb, pcb, bb, sem0, sem1):
        c = lax.axis_index("c")
        s = lax.axis_index("s")
        wid = s * _NC + c
        base_blk = wid * _WBLK
        base_atom = base_blk * 128
        iota = lax.iota(jnp.int32, 16)
        sems = (sem0, sem1)
        pcols = (px_h, py_h, pz_h)

        _zero_acc(acc)

        def fire(ci, b):
            pltpu.async_copy(
                ccf_h.at[pl.ds((base_blk + ci * _CHB) * 512, _CHB * 512)],
                ccb.at[b], sems[b])
            sl = pl.ds(base_atom + ci * _CHA, _CHA)
            for j, col in enumerate(pcols):
                pltpu.async_copy(col.at[sl], pcb.at[b, j], sems[b])
            pltpu.async_copy(b_h.at[sl], bb.at[b], sems[b])

        def drain(b):
            pltpu.make_async_copy(ccf_h.at[pl.ds(0, _CHB * 512)], ccb.at[b],
                                  sems[b]).wait()
            for j, col in enumerate(pcols):
                pltpu.make_async_copy(col.at[pl.ds(0, _CHA)], pcb.at[b, j],
                                      sems[b]).wait()
            pltpu.make_async_copy(b_h.at[pl.ds(0, _CHA)], bb.at[b],
                                  sems[b]).wait()

        def vec_body_for(b):
            def vec_body(vi, carry):
                a0 = vi * 16
                cbase = lax.shift_right_logical(vi, 3) * 512 \
                    + lax.bitwise_and(vi, 7) * 16
                ids = bb[b, pl.ds(a0, 16)]
                q_v = ccb[b, pl.ds(cbase, 16)]
                c1_v = ccb[b, pl.ds(cbase + 128, 16)]
                c2_v = ccb[b, pl.ds(cbase + 256, 16)]
                c3_v = ccb[b, pl.ds(cbase + 384, 16)]
                px_v = pcb[b, 0, pl.ds(a0, 16)]
                py_v = pcb[b, 1, pl.ds(a0, 16)]
                pz_v = pcb[b, 2, pl.ds(a0, 16)]
                nxt = a0 + jnp.minimum(iota + 1, 15)
                ids_n = plsc.load_gather(bb.at[b], [nxt])
                _vec_step(acc, iota, ids, ids_n,
                          q_v, c1_v, c2_v, c3_v, px_v, py_v, pz_v)
                return carry
            return vec_body

        nvec = _CHA // 16

        def compute(b, carry):
            return plsc.parallel_loop(0, nvec, 1, unroll=2,
                                      carry=carry)(vec_body_for(b))

        fire(0, 0)

        def pair_body(gi, carry):
            c0 = 2 * gi
            fire(c0 + 1, 1)
            drain(0)
            carry = compute(0, carry)

            @pl.when(c0 + 2 < _NCHUNK)
            def _():
                fire(c0 + 2, 0)
            drain(1)
            return compute(1, carry)

        lax.fori_loop(0, _NCHUNK // 2, pair_body, 0)
        pltpu.sync_copy(acc, out_hbm.at[wid])

    return body


def _make_tail_call():
    @functools.partial(
        pl.kernel,
        out_type=jax.ShapeDtypeStruct((_NW, _ACC), jnp.float32),
        mesh=_MESH,
        scratch_types=[
            pltpu.VMEM((_ACC,), jnp.float32),
            pltpu.VMEM((7, _TAIL_W), jnp.float32),
            pltpu.VMEM((_TAIL_W,), jnp.int32),
        ],
        compiler_params=_PARAMS,
    )
    def body(q_h, c1_h, c2_h, c3_h, px_h, py_h, pz_h, b_h, out_hbm,
             acc, colb, bb):
        c = lax.axis_index("c")
        s = lax.axis_index("s")
        wid = s * _NC + c
        base = wid * _TAIL_W
        iota = lax.iota(jnp.int32, 16)

        _zero_acc(acc)
        sl = pl.ds(base, _TAIL_W)
        for j, col in enumerate((q_h, c1_h, c2_h, c3_h, px_h, py_h, pz_h)):
            pltpu.sync_copy(col.at[sl], colb.at[j])
        pltpu.sync_copy(b_h.at[sl], bb)

        def vec_body(vi, carry):
            a0 = vi * 16
            ids = bb[pl.ds(a0, 16)]
            q_v = colb[0, pl.ds(a0, 16)]
            c1_v = colb[1, pl.ds(a0, 16)]
            c2_v = colb[2, pl.ds(a0, 16)]
            c3_v = colb[3, pl.ds(a0, 16)]
            px_v = colb[4, pl.ds(a0, 16)]
            py_v = colb[5, pl.ds(a0, 16)]
            pz_v = colb[6, pl.ds(a0, 16)]
            nxt = a0 + jnp.minimum(iota + 1, 15)
            ids_n = plsc.load_gather(bb, [nxt])
            _vec_step(acc, iota, ids, ids_n,
                      q_v, c1_v, c2_v, c3_v, px_v, py_v, pz_v)
            return carry

        lax.fori_loop(0, _TAIL_VEC, vec_body, 0)
        pltpu.sync_copy(acc, out_hbm.at[wid])

    return body


def _tc_combine_body(p_ref, v_ref, o_ref):
    p = jnp.sum(p_ref[...], axis=0)
    t = p[0 * _B:1 * _B]
    d0 = p[1 * _B:2 * _B]
    d1 = p[2 * _B:3 * _B]
    d2 = p[3 * _B:4 * _B]
    quad = p[4 * _B:5 * _B]
    vol = v_ref[...]
    ls = jnp.power(vol, 0.3333)
    de = 0.5 * _CUBIC_MADELUNG * _CONST * t * t / ls
    de = de + 2.0 * _CONST * _PI * (d0 * d0 + d1 * d1 + d2 * d2) / (3.0 * vol)
    de = de - 2.0 * _CONST * _PI * t * quad / (3.0 * vol)
    o_ref[...] = de


def kernel(charge_coefficients, positions, volumes, batch):
    batch_i = batch.astype(jnp.int32)
    partials = []
    for p in range(_NPARTS):
        s = p * _PART_BLOCKS * 128
        e = s + _PART_BLOCKS * 128
        ccf = (charge_coefficients[s:e]
               .reshape(_PART_BLOCKS, 128, 4)
               .transpose(0, 2, 1)
               .reshape(_PART_BLOCKS * 512))
        pcols = [positions[s:e, j] for j in range(3)]
        partials.append(
            _make_main_call()(ccf, *pcols, batch_i[s:e]))
    ts = _TAIL_START
    tcols = [charge_coefficients[ts:, j] for j in range(4)]
    tpcols = [positions[ts:, j] for j in range(3)]
    partials.append(_make_tail_call()(*tcols, *tpcols, batch_i[ts:]))
    all_partials = jnp.concatenate(partials, axis=0)
    de = pl.pallas_call(
        _tc_combine_body,
        out_shape=jax.ShapeDtypeStruct((_B,), jnp.float32),
    )(all_partials, volumes)
    return de

# --- scband reference (transcript-rebuilt; emitter-appended) ---
"""Pipeline reference for scband-monopole-dipole-correction-block-80109730005616 (READ-ONLY COPY).

The authoritative reference and input builder live on the scoring server;
editing this copy changes nothing except your own understanding.
"""

import jax, jax.numpy as jnp
import numpy as np

# Constants not defined in the snippet; standard values assumed:
# FIELD_CONSTANT = e^2/epsilon_0 prefactor such that const = FIELD_CONSTANT/(4*pi) = Coulomb constant in eV*Angstrom
FIELD_CONSTANT = 4.0 * np.pi * 14.399645351950548
CUBIC_MADELUNG = -2.8372974794806
CONST = FIELD_CONSTANT / (4.0 * np.pi)
PI = np.pi

N = 1600000
B = 4096

def setup_inputs(seed: int = 0) -> dict:
    key = jax.random.key(seed)
    k1, k2, k3, k4 = jax.random.split(key, 4)
    charge_coefficients = jax.random.normal(k1, (N, 4), dtype=jnp.float32)
    positions = jax.random.normal(k2, (N, 3), dtype=jnp.float32)
    volumes = jax.random.uniform(k3, (B,), dtype=jnp.float32)
    batch = jnp.sort(jax.random.randint(k4, (N,), 0, B)).astype(jnp.int64)
    return {
        "charge_coefficients": charge_coefficients,
        "positions": positions,
        "volumes": volumes,
        "batch": batch,
    }

def reference(charge_coefficients, positions, volumes, batch):
    num_segments = volumes.shape[0]
    q = charge_coefficients[:, 0]
    total_charge = jax.ops.segment_sum(q, batch, num_segments=num_segments)
    charge_norms_squared = jnp.square(total_charge)
    q_r = positions * q[:, None]
    total_dipole = jax.ops.segment_sum(q_r, batch, num_segments=num_segments)
    r_squared = jnp.sum(jnp.square(positions), axis=-1)
    q_rr = r_squared * q
    quadrupole = jax.ops.segment_sum(q_rr, batch, num_segments=num_segments)
    # density_max_l = 1 > 0 branch
    local_dipoles_cartesian = charge_coefficients[:, jnp.array([3, 1, 2])]
    total_dipole = total_dipole + jax.ops.segment_sum(local_dipoles_cartesian, batch, num_segments=num_segments)
    # positions_normed is computed in the original forward but never used (dead code)
    positions_normed = positions / (jnp.linalg.norm(positions, axis=-1, keepdims=True) + 0.001)
    p_dot_r = jnp.einsum('bi,bi->b', positions, local_dipoles_cartesian)
    quadrupole = quadrupole + 2.0 * jax.ops.segment_sum(p_dot_r, batch, num_segments=num_segments)
    Ls = jnp.power(volumes, 0.3333)
    delta_E = 0.5 * CUBIC_MADELUNG * CONST * charge_norms_squared / Ls
    delta_E = delta_E + 2.0 * CONST * PI * jnp.sum(jnp.square(total_dipole), axis=-1) / (3.0 * volumes)
    delta_E = delta_E + (-2.0) * CONST * PI * total_charge * quadrupole / (3.0 * volumes)
    return delta_E

if __name__ == "__main__":
    import jax
    _d = setup_inputs()
    print(jax.jit(kernel)(*tuple(_d.values())))

</pallas_src>

<mosaic_0001>
#map = affine_map<(d0, d1) -> (0)>
#map1 = affine_map<(d0, d1) -> (0, 0)>
module attributes {stable_mosaic.version = 14 : i64} {
  func.func @body(%arg0: i32, %arg1: i32, %arg2: memref<2097152xf32, #tpu.memory_space<hbm>>, %arg3: memref<524288xf32, #tpu.memory_space<hbm>>, %arg4: memref<524288xf32, #tpu.memory_space<hbm>>, %arg5: memref<524288xf32, #tpu.memory_space<hbm>>, %arg6: memref<524288xi32, #tpu.memory_space<hbm>>, %arg7: memref<32x20480xf32, #tpu.memory_space<hbm>>, %arg8: memref<20480xf32, #tpu.memory_space<vmem>>, %arg9: memref<2x8192xf32, #tpu.memory_space<vmem>>, %arg10: memref<2x3x2048xf32, #tpu.memory_space<vmem>>, %arg11: memref<2x2048xi32, #tpu.memory_space<vmem>>, %arg12: memref<!tpu.dma_semaphore, #tpu.memory_space<semaphore_mem>>, %arg13: memref<!tpu.dma_semaphore, #tpu.memory_space<semaphore_mem>>) attributes {dimension_semantics = [#tpu.dimension_semantics<core_parallel>, #tpu.dimension_semantics<subcore_parallel>], iteration_bounds = array<i64: 2, 16>, scalar_prefetch = 0 : i64, scratch_operands = 6 : i64, tpu.core_type = #tpu.core_type<sc_vector_subcore>, window_params = [{transform_indices = #map}, {transform_indices = #map}, {transform_indices = #map}, {transform_indices = #map}, {transform_indices = #map}, {transform_indices = #map1}]} {
    %mul3A = arith.constant 2 : i32
    %mul3A_0 = arith.muli %arg1, %mul3A : i32
    %add3A = arith.addi %mul3A_0, %arg0 : i32
    %mul3A_1 = arith.constant 128 : i32
    %mul3A_2 = arith.muli %add3A, %mul3A_1 : i32
    %mul3A_3 = arith.constant 128 : i32
    %mul3A_4 = arith.muli %mul3A_2, %mul3A_3 : i32
    %iota3A = tpu.iota {dimensions = array<i32: 0>} : vector<16xi32>
    %broadcast_in_dim3A = arith.constant 0.000000e+00 : f32
    %broadcast_in_dim3A_5 = vector.broadcast %broadcast_in_dim3A : f32 to vector<16xf32>
    %scan3A = arith.constant 0 : i32
    %scan3A_6 = arith.constant 0 : i32
    %scan3A_7 = arith.constant 1280 : i32
    %scan3A_8 = arith.addi %scan3A_6, %scan3A_7 : i32
    %scan3A_9 = arith.constant 1 : i32
    scf.for %scan3A_71 = %scan3A_6 to %scan3A_8 step %scan3A_9  : i32 {
      %mul3A_72 = arith.constant 16 : i32
      %mul3A_73 = arith.muli %scan3A_71, %mul3A_72 : i32
      %swap3A = arith.index_cast %mul3A_73 : i32 to index
      %swap3A_74 = tpu.vector_load %arg8[%swap3A] {strides = array<i32>} : memref<20480xf32, #tpu.memory_space<vmem>>, vector<16xf32>,
      tpu.vector_store %arg8[%swap3A], %broadcast_in_dim3A_5 {strides = array<i32>} : memref<20480xf32, #tpu.memory_space<vmem>>, vector<16xf32>,
    }
    %scan3A_10 = arith.constant 1280 : i32
    %add3A_11 = arith.constant 0 : i32
    %add3A_12 = arith.addi %mul3A_2, %add3A_11 : i32
    %mul3A_13 = arith.constant 512 : i32
    %mul3A_14 = arith.muli %add3A_12, %mul3A_13 : i32
    %dma_start3A = arith.constant 0 : i32
    %dma_start3A_15 = arith.constant 0 : i32
    %dma_start3A_16 = tpu.memref_slice %arg9[%dma_start3A, %dma_start3A_15] : memref<2x8192xf32, #tpu.memory_space<vmem>> -> memref<1x8192xf32, #tpu.memory_space<vmem>>
    %dma_start3A_17 = tpu.memref_squeeze %dma_start3A_16 : memref<1x8192xf32, #tpu.memory_space<vmem>> -> memref<8192xf32, #tpu.memory_space<vmem>>
    %dma_start3A_18 = tpu.memref_slice %arg2[%mul3A_14] : memref<2097152xf32, #tpu.memory_space<hbm>> -> memref<8192xf32, #tpu.memory_space<hbm>>
    %dma_start3A_19 = arith.constant 0 : i32
    %dma_start3A_20 = tpu.memref_slice %arg9[%dma_start3A, %dma_start3A_19] : memref<2x8192xf32, #tpu.memory_space<vmem>> -> memref<1x8192xf32, #tpu.memory_space<vmem>>
    %dma_start3A_21 = tpu.memref_squeeze %dma_start3A_20 : memref<1x8192xf32, #tpu.memory_space<vmem>> -> memref<8192xf32, #tpu.memory_space<vmem>>
    %dma_start3A_22 = tpu.memref_slice %arg2[%mul3A_14] : memref<2097152xf32, #tpu.memory_space<hbm>> -> memref<8192xf32, #tpu.memory_space<hbm>>
    tpu.enqueue_dma source(%dma_start3A_22 : memref<8192xf32, #tpu.memory_space<hbm>>) target(%dma_start3A_21 : memref<8192xf32, #tpu.memory_space<vmem>>) target_semaphore(%arg12 : memref<!tpu.dma_semaphore, #tpu.memory_space<semaphore_mem>>)
    %add3A_23 = arith.constant 0 : i32
    %add3A_24 = arith.addi %mul3A_4, %add3A_23 : i32
    %dma_start3A_25 = arith.constant 0 : i32
    %dma_start3A_26 = arith.constant 0 : i32
    %dma_start3A_27 = arith.constant 0 : i32
    %dma_start3A_28 = tpu.memref_slice %arg10[%dma_start3A_25, %dma_start3A_26, %dma_start3A_27] : memref<2x3x2048xf32, #tpu.memory_space<vmem>> -> memref<1x1x2048xf32, #tpu.memory_space<vmem>>
    %dma_start3A_29 = tpu.memref_squeeze %dma_start3A_28 : memref<1x1x2048xf32, #tpu.memory_space<vmem>> -> memref<2048xf32, #tpu.memory_space<vmem>>
    %dma_start3A_30 = tpu.memref_slice %arg3[%add3A_24] : memref<524288xf32, #tpu.memory_space<hbm>> -> memref<2048xf32, #tpu.memory_space<hbm>>
    %dma_start3A_31 = arith.constant 0 : i32
    %dma_start3A_32 = tpu.memref_slice %arg10[%dma_start3A_25, %dma_start3A_26, %dma_start3A_31] : memref<2x3x2048xf32, #tpu.memory_space<vmem>> -> memref<1x1x2048xf32, #tpu.memory_space<vmem>>
    %dma_start3A_33 = tpu.memref_squeeze %dma_start3A_32 : memref<1x1x2048xf32, #tpu.memory_space<vmem>> -> memref<2048xf32, #tpu.memory_space<vmem>>
    %dma_start3A_34 = tpu.memref_slice %arg3[%add3A_24] : memref<524288xf32, #tpu.memory_space<hbm>> -> memref<2048xf32, #tpu.memory_space<hbm>>
    tpu.enqueue_dma source(%dma_start3A_34 : memref<2048xf32, #tpu.memory_space<hbm>>) target(%dma_start3A_33 : memref<2048xf32, #tpu.memory_space<vmem>>) target_semaphore(%arg12 : memref<!tpu.dma_semaphore, #tpu.memory_space<semaphore_mem>>)
    %dma_start3A_35 = arith.constant 0 : i32
    %dma_start3A_36 = arith.constant 1 : i32
    %dma_start3A_37 = arith.constant 0 : i32
    %dma_start3A_38 = tpu.memref_slice %arg10[%dma_start3A_35, %dma_start3A_36, %dma_start3A_37] : memref<2x3x2048xf32, #tpu.memory_space<vmem>> -> memref<1x1x2048xf32, #tpu.memory_space<vmem>>
    %dma_start3A_39 = tpu.memref_squeeze %dma_start3A_38 : memref<1x1x2048xf32, #tpu.memory_space<vmem>> -> memref<2048xf32, #tpu.memory_space<vmem>>
    %dma_start3A_40 = tpu.memref_slice %arg4[%add3A_24] : memref<524288xf32, #tpu.memory_space<hbm>> -> memref<2048xf32, #tpu.memory_space<hbm>>
    %dma_start3A_41 = arith.constant 0 : i32
    %dma_start3A_42 = tpu.memref_slice %arg10[%dma_start3A_35, %dma_start3A_36, %dma_start3A_41] : memref<2x3x2048xf32, #tpu.memory_space<vmem>> -> memref<1x1x2048xf32, #tpu.memory_space<vmem>>
    %dma_start3A_43 = tpu.memref_squeeze %dma_start3A_42 : memref<1x1x2048xf32, #tpu.memory_space<vmem>> -> memref<2048xf32, #tpu.memory_space<vmem>>
    %dma_start3A_44 = tpu.memref_slice %arg4[%add3A_24] : memref<524288xf32, #tpu.memory_space<hbm>> -> memref<2048xf32, #tpu.memory_space<hbm>>
    tpu.enqueue_dma source(%dma_start3A_44 : memref<2048xf32, #tpu.memory_space<hbm>>) target(%dma_start3A_43 : memref<2048xf32, #tpu.memory_space<vmem>>) target_semaphore(%arg12 : memref<!tpu.dma_semaphore, #tpu.memory_space<semaphore_mem>>)
    %dma_start3A_45 = arith.constant 0 : i32
    %dma_start3A_46 = arith.constant 2 : i32
    %dma_start3A_47 = arith.constant 0 : i32
    %dma_start3A_48 = tpu.memref_slice %arg10[%dma_start3A_45, %dma_start3A_46, %dma_start3A_47] : memref<2x3x2048xf32, #tpu.memory_space<vmem>> -> memref<1x1x2048xf32, #tpu.memory_space<vmem>>
    %dma_start3A_49 = tpu.memref_squeeze %dma_start3A_48 : memref<1x1x2048xf32, #tpu.memory_space<vmem>> -> memref<2048xf32, #tpu.memory_space<vmem>>
    %dma_start3A_50 = tpu.memref_slice %arg5[%add3A_24] : memref<524288xf32, #tpu.memory_space<hbm>> -> memref<2048xf32, #tpu.memory_space<hbm>>
    %dma_start3A_51 = arith.constant 0 : i32
    %dma_start3A_52 = tpu.memref_slice %arg10[%dma_start3A_45, %dma_start3A_46, %dma_start3A_51] : memref<2x3x2048xf32, #tpu.memory_space<vmem>> -> memref<1x1x2048xf32, #tpu.memory_space<vmem>>
    %dma_start3A_53 = tpu.memref_squeeze %dma_start3A_52 : memref<1x1x2048xf32, #tpu.memory_space<vmem>> -> memref<2048xf32, #tpu.memory_space<vmem>>
    %dma_start3A_54 = tpu.memref_slice %arg5[%add3A_24] : memref<524288xf32, #tpu.memory_space<hbm>> -> memref<2048xf32, #tpu.memory_space<hbm>>
    tpu.enqueue_dma source(%dma_start3A_54 : memref<2048xf32, #tpu.memory_space<hbm>>) target(%dma_start3A_53 : memref<2048xf32, #tpu.memory_space<vmem>>) target_semaphore(%arg12 : memref<!tpu.dma_semaphore, #tpu.memory_space<semaphore_mem>>)
    %dma_start3A_55 = arith.constant 0 : i32
    %dma_start3A_56 = arith.constant 0 : i32
    %dma_start3A_57 = tpu.memref_slice %arg11[%dma_start3A_55, %dma_start3A_56] : memref<2x2048xi32, #tpu.memory_space<vmem>> -> memref<1x2048xi32, #tpu.memory_space<vmem>>
    %dma_start3A_58 = tpu.memref_squeeze %dma_start3A_57 : memref<1x2048xi32, #tpu.memory_space<vmem>> -> memref<2048xi32, #tpu.memory_space<vmem>>
    %dma_start3A_59 = tpu.memref_slice %arg6[%add3A_24] : memref<524288xi32, #tpu.memory_space<hbm>> -> memref<2048xi32, #tpu.memory_space<hbm>>
    %dma_start3A_60 = arith.constant 0 : i32
    %dma_start3A_61 = tpu.memref_slice %arg11[%dma_start3A_55, %dma_start3A_60] : memref<2x2048xi32, #tpu.memory_space<vmem>> -> memref<1x2048xi32, #tpu.memory_space<vmem>>
    %dma_start3A_62 = tpu.memref_squeeze %dma_start3A_61 : memref<1x2048xi32, #tpu.memory_space<vmem>> -> memref<2048xi32, #tpu.memory_space<vmem>>
    %dma_start3A_63 = tpu.memref_slice %arg6[%add3A_24] : memref<524288xi32, #tpu.memory_space<hbm>> -> memref<2048xi32, #tpu.memory_space<hbm>>
    tpu.enqueue_dma source(%dma_start3A_63 : memref<2048xi32, #tpu.memory_space<hbm>>) target(%dma_start3A_62 : memref<2048xi32, #tpu.memory_space<vmem>>) target_semaphore(%arg12 : memref<!tpu.dma_semaphore, #tpu.memory_space<semaphore_mem>>)
    %scan3A_64 = arith.constant 0 : i32
    %scan3A_65 = arith.constant 0 : i32
    %scan3A_66 = arith.constant 4 : i32
    %scan3A_67 = arith.addi %scan3A_65, %scan3A_66 : i32
    %scan3A_68 = arith.constant 1 : i32
    %scan3A_69 = scf.for %scan3A_71 = %scan3A_65 to %scan3A_67 step %scan3A_68 iter_args(%scan3A_72 = %scan3A_64) -> (i32)  : i32 {
      %mul3A_73 = arith.constant 2 : i32
      %mul3A_74 = arith.muli %mul3A_73, %scan3A_71 : i32
      %add3A_75 = arith.constant 1 : i32
      %add3A_76 = arith.addi %mul3A_74, %add3A_75 : i32
      %mul3A_77 = arith.constant 16 : i32
      %mul3A_78 = arith.muli %add3A_76, %mul3A_77 : i32
      %add3A_79 = arith.addi %mul3A_2, %mul3A_78 : i32
      %mul3A_80 = arith.constant 512 : i32
      %mul3A_81 = arith.muli %add3A_79, %mul3A_80 : i32
      %dma_start3A_82 = arith.constant 1 : i32
      %dma_start3A_83 = arith.constant 0 : i32
      %dma_start3A_84 = tpu.memref_slice %arg9[%dma_start3A_82, %dma_start3A_83] : memref<2x8192xf32, #tpu.memory_space<vmem>> -> memref<1x8192xf32, #tpu.memory_space<vmem>>
      %dma_start3A_85 = tpu.memref_squeeze %dma_start3A_84 : memref<1x8192xf32, #tpu.memory_space<vmem>> -> memref<8192xf32, #tpu.memory_space<vmem>>
      %dma_start3A_86 = tpu.memref_slice %arg2[%mul3A_81] : memref<2097152xf32, #tpu.memory_space<hbm>> -> memref<8192xf32, #tpu.memory_space<hbm>>
      %dma_start3A_87 = arith.constant 0 : i32
      %dma_start3A_88 = tpu.memref_slice %arg9[%dma_start3A_82, %dma_start3A_87] : memref<2x8192xf32, #tpu.memory_space<vmem>> -> memref<1x8192xf32, #tpu.memory_space<vmem>>
      %dma_start3A_89 = tpu.memref_squeeze %dma_start3A_88 : memref<1x8192xf32, #tpu.memory_space<vmem>> -> memref<8192xf32, #tpu.memory_space<vmem>>
      %dma_start3A_90 = tpu.memref_slice %arg2[%mul3A_81] : memref<2097152xf32, #tpu.memory_space<hbm>> -> memref<8192xf32, #tpu.memory_space<hbm>>
      tpu.enqueue_dma source(%dma_start3A_90 : memref<8192xf32, #tpu.memory_space<hbm>>) target(%dma_start3A_89 : memref<8192xf32, #tpu.memory_space<vmem>>) target_semaphore(%arg13 : memref<!tpu.dma_semaphore, #tpu.memory_space<semaphore_mem>>)
      %mul3A_91 = arith.constant 2048 : i32
      %mul3A_92 = arith.muli %add3A_76, %mul3A_91 : i32
      %add3A_93 = arith.addi %mul3A_4, %mul3A_92 : i32
      %dma_start3A_94 = arith.constant 1 : i32
      %dma_start3A_95 = arith.constant 0 : i32
      %dma_start3A_96 = arith.constant 0 : i32
      %dma_start3A_97 = tpu.memref_slice %arg10[%dma_start3A_94, %dma_start3A_95, %dma_start3A_96] : memref<2x3x2048xf32, #tpu.memory_space<vmem>> -> memref<1x1x2048xf32, #tpu.memory_space<vmem>>
      %dma_start3A_98 = tpu.memref_squeeze %dma_start3A_97 : memref<1x1x2048xf32, #tpu.memory_space<vmem>> -> memref<2048xf32, #tpu.memory_space<vmem>>
      %dma_start3A_99 = tpu.memref_slice %arg3[%add3A_93] : memref<524288xf32, #tpu.memory_space<hbm>> -> memref<2048xf32, #tpu.memory_space<hbm>>
      %dma_start3A_100 = arith.constant 0 : i32
      %dma_start3A_101 = tpu.memref_slice %arg10[%dma_start3A_94, %dma_start3A_95, %dma_start3A_100] : memref<2x3x2048xf32, #tpu.memory_space<vmem>> -> memref<1x1x2048xf32, #tpu.memory_space<vmem>>
      %dma_start3A_102 = tpu.memref_squeeze %dma_start3A_101 : memref<1x1x2048xf32, #tpu.memory_space<vmem>> -> memref<2048xf32, #tpu.memory_space<vmem>>
      %dma_start3A_103 = tpu.memref_slice %arg3[%add3A_93] : memref<524288xf32, #tpu.memory_space<hbm>> -> memref<2048xf32, #tpu.memory_space<hbm>>
      tpu.enqueue_dma source(%dma_start3A_103 : memref<2048xf32, #tpu.memory_space<hbm>>) target(%dma_start3A_102 : memref<2048xf32, #tpu.memory_space<vmem>>) target_semaphore(%arg13 : memref<!tpu.dma_semaphore, #tpu.memory_space<semaphore_mem>>)
      %dma_start3A_104 = arith.constant 1 : i32
      %dma_start3A_105 = arith.constant 1 : i32
      %dma_start3A_106 = arith.constant 0 : i32
      %dma_start3A_107 = tpu.memref_slice %arg10[%dma_start3A_104, %dma_start3A_105, %dma_start3A_106] : memref<2x3x2048xf32, #tpu.memory_space<vmem>> -> memref<1x1x2048xf32, #tpu.memory_space<vmem>>
      %dma_start3A_108 = tpu.memref_squeeze %dma_start3A_107 : memref<1x1x2048xf32, #tpu.memory_space<vmem>> -> memref<2048xf32, #tpu.memory_space<vmem>>
      %dma_start3A_109 = tpu.memref_slice %arg4[%add3A_93] : memref<524288xf32, #tpu.memory_space<hbm>> -> memref<2048xf32, #tpu.memory_space<hbm>>
      %dma_start3A_110 = arith.constant 0 : i32
      %dma_start3A_111 = tpu.memref_slice %arg10[%dma_start3A_104, %dma_start3A_105, %dma_start3A_110] : memref<2x3x2048xf32, #tpu.memory_space<vmem>> -> memref<1x1x2048xf32, #tpu.memory_space<vmem>>
      %dma_start3A_112 = tpu.memref_squeeze %dma_start3A_111 : memref<1x1x2048xf32, #tpu.memory_space<vmem>> -> memref<2048xf32, #tpu.memory_space<vmem>>
      %dma_start3A_113 = tpu.memref_slice %arg4[%add3A_93] : memref<524288xf32, #tpu.memory_space<hbm>> -> memref<2048xf32, #tpu.memory_space<hbm>>
      tpu.enqueue_dma source(%dma_start3A_113 : memref<2048xf32, #tpu.memory_space<hbm>>) target(%dma_start3A_112 : memref<2048xf32, #tpu.memory_space<vmem>>) target_semaphore(%arg13 : memref<!tpu.dma_semaphore, #tpu.memory_space<semaphore_mem>>)
      %dma_start3A_114 = arith.constant 1 : i32
      %dma_start3A_115 = arith.constant 2 : i32
      %dma_start3A_116 = arith.constant 0 : i32
      %dma_start3A_117 = tpu.memref_slice %arg10[%dma_start3A_114, %dma_start3A_115, %dma_start3A_116] : memref<2x3x2048xf32, #tpu.memory_space<vmem>> -> memref<1x1x2048xf32, #tpu.memory_space<vmem>>
      %dma_start3A_118 = tpu.memref_squeeze %dma_start3A_117 : memref<1x1x2048xf32, #tpu.memory_space<vmem>> -> memref<2048xf32, #tpu.memory_space<vmem>>
      %dma_start3A_119 = tpu.memref_slice %arg5[%add3A_93] : memref<524288xf32, #tpu.memory_space<hbm>> -> memref<2048xf32, #tpu.memory_space<hbm>>
      %dma_start3A_120 = arith.constant 0 : i32
      %dma_start3A_121 = tpu.memref_slice %arg10[%dma_start3A_114, %dma_start3A_115, %dma_start3A_120] : memref<2x3x2048xf32, #tpu.memory_space<vmem>> -> memref<1x1x2048xf32, #tpu.memory_space<vmem>>
      %dma_start3A_122 = tpu.memref_squeeze %dma_start3A_121 : memref<1x1x2048xf32, #tpu.memory_space<vmem>> -> memref<2048xf32, #tpu.memory_space<vmem>>
      %dma_start3A_123 = tpu.memref_slice %arg5[%add3A_93] : memref<524288xf32, #tpu.memory_space<hbm>> -> memref<2048xf32, #tpu.memory_space<hbm>>
      tpu.enqueue_dma source(%dma_start3A_123 : memref<2048xf32, #tpu.memory_space<hbm>>) target(%dma_start3A_122 : memref<2048xf32, #tpu.memory_space<vmem>>) target_semaphore(%arg13 : memref<!tpu.dma_semaphore, #tpu.memory_space<semaphore_mem>>)
      %dma_start3A_124 = arith.constant 1 : i32
      %dma_start3A_125 = arith.constant 0 : i32
      %dma_start3A_126 = tpu.memref_slice %arg11[%dma_start3A_124, %dma_start3A_125] : memref<2x2048xi32, #tpu.memory_space<vmem>> -> memref<1x2048xi32, #tpu.memory_space<vmem>>
      %dma_start3A_127 = tpu.memref_squeeze %dma_start3A_126 : memref<1x2048xi32, #tpu.memory_space<vmem>> -> memref<2048xi32, #tpu.memory_space<vmem>>
      %dma_start3A_128 = tpu.memref_slice %arg6[%add3A_93] : memref<524288xi32, #tpu.memory_space<hbm>> -> memref<2048xi32, #tpu.memory_space<hbm>>
      %dma_start3A_129 = arith.constant 0 : i32
      %dma_start3A_130 = tpu.memref_slice %arg11[%dma_start3A_124, %dma_start3A_129] : memref<2x2048xi32, #tpu.memory_space<vmem>> -> memref<1x2048xi32, #tpu.memory_space<vmem>>
      %dma_start3A_131 = tpu.memref_squeeze %dma_start3A_130 : memref<1x2048xi32, #tpu.memory_space<vmem>> -> memref<2048xi32, #tpu.memory_space<vmem>>
      %dma_start3A_132 = tpu.memref_slice %arg6[%add3A_93] : memref<524288xi32, #tpu.memory_space<hbm>> -> memref<2048xi32, #tpu.memory_space<hbm>>
      tpu.enqueue_dma source(%dma_start3A_132 : memref<2048xi32, #tpu.memory_space<hbm>>) target(%dma_start3A_131 : memref<2048xi32, #tpu.memory_space<vmem>>) target_semaphore(%arg13 : memref<!tpu.dma_semaphore, #tpu.memory_space<semaphore_mem>>)
      %dma_wait3A = arith.constant 0 : i32
      %dma_wait3A_133 = arith.constant 0 : i32
      %dma_wait3A_134 = tpu.memref_slice %arg9[%dma_wait3A, %dma_wait3A_133] : memref<2x8192xf32, #tpu.memory_space<vmem>> -> memref<1x8192xf32, #tpu.memory_space<vmem>>
      %dma_wait3A_135 = tpu.memref_squeeze %dma_wait3A_134 : memref<1x8192xf32, #tpu.memory_space<vmem>> -> memref<8192xf32, #tpu.memory_space<vmem>>
      %dma_wait3A_136 = arith.constant 0 : i32
      %dma_wait3A_137 = tpu.memref_slice %arg2[%dma_wait3A_136] : memref<2097152xf32, #tpu.memory_space<hbm>> -> memref<8192xf32, #tpu.memory_space<hbm>>
      %dma_wait3A_138 = arith.constant 0 : i32
      %dma_wait3A_139 = tpu.memref_slice %arg9[%dma_wait3A, %dma_wait3A_138] : memref<2x8192xf32, #tpu.memory_space<vmem>> -> memref<1x8192xf32, #tpu.memory_space<vmem>>
      %dma_wait3A_140 = tpu.memref_squeeze %dma_wait3A_139 : memref<1x8192xf32, #tpu.memory_space<vmem>> -> memref<8192xf32, #tpu.memory_space<vmem>>
      %dma_wait3A_141 = arith.constant 0 : i32
      %dma_wait3A_142 = tpu.memref_slice %arg2[%dma_wait3A_141] : memref<2097152xf32, #tpu.memory_space<hbm>> -> memref<8192xf32, #tpu.memory_space<hbm>>
      tpu.wait_dma2 semaphore(%arg12 : memref<!tpu.dma_semaphore, #tpu.memory_space<semaphore_mem>>) src(%dma_wait3A_142 : memref<8192xf32, #tpu.memory_space<hbm>>) dst(%dma_wait3A_140 : memref<8192xf32, #tpu.memory_space<vmem>>)
      %dma_wait3A_143 = arith.constant 0 : i32
      %dma_wait3A_144 = arith.constant 0 : i32
      %dma_wait3A_145 = arith.constant 0 : i32
      %dma_wait3A_146 = tpu.memref_slice %arg10[%dma_wait3A_143, %dma_wait3A_144, %dma_wait3A_145] : memref<2x3x2048xf32, #tpu.memory_space<vmem>> -> memref<1x1x2048xf32, #tpu.memory_space<vmem>>
      %dma_wait3A_147 = tpu.memref_squeeze %dma_wait3A_146 : memref<1x1x2048xf32, #tpu.memory_space<vmem>> -> memref<2048xf32, #tpu.memory_space<vmem>>
      %dma_wait3A_148 = arith.constant 0 : i32
      %dma_wait3A_149 = tpu.memref_slice %arg3[%dma_wait3A_148] : memref<524288xf32, #tpu.memory_space<hbm>> -> memref<2048xf32, #tpu.memory_space<hbm>>
      %dma_wait3A_150 = arith.constant 0 : i32
      %dma_wait3A_151 = tpu.memref_slice %arg10[%dma_wait3A_143, %dma_wait3A_144, %dma_wait3A_150] : memref<2x3x2048xf32, #tpu.memory_space<vmem>> -> memref<1x1x2048xf32, #tpu.memory_space<vmem>>
      %dma_wait3A_152 = tpu.memref_squeeze %dma_wait3A_151 : memref<1x1x2048xf32, #tpu.memory_space<vmem>> -> memref<2048xf32, #tpu.memory_space<vmem>>
      %dma_wait3A_153 = arith.constant 0 : i32
      %dma_wait3A_154 = tpu.memref_slice %arg3[%dma_wait3A_153] : memref<524288xf32, #tpu.memory_space<hbm>> -> memref<2048xf32, #tpu.memory_space<hbm>>
      tpu.wait_dma2 semaphore(%arg12 : memref<!tpu.dma_semaphore, #tpu.memory_space<semaphore_mem>>) src(%dma_wait3A_154 : memref<2048xf32, #tpu.memory_space<hbm>>) dst(%dma_wait3A_152 : memref<2048xf32, #tpu.memory_space<vmem>>)
      %dma_wait3A_155 = arith.constant 0 : i32
      %dma_wait3A_156 = arith.constant 1 : i32
      %dma_wait3A_157 = arith.constant 0 : i32
      %dma_wait3A_158 = tpu.memref_slice %arg10[%dma_wait3A_155, %dma_wait3A_156, %dma_wait3A_157] : memref<2x3x2048xf32, #tpu.memory_space<vmem>> -> memref<1x1x2048xf32, #tpu.memory_space<vmem>>
      %dma_wait3A_159 = tpu.memref_squeeze %dma_wait3A_158 : memref<1x1x2048xf32, #tpu.memory_space<vmem>> -> memref<2048xf32, #tpu.memory_space<vmem>>
      %dma_wait3A_160 = arith.constant 0 : i32
      %dma_wait3A_161 = tpu.memref_slice %arg4[%dma_wait3A_160] : memref<524288xf32, #tpu.memory_space<hbm>> -> memref<2048xf32, #tpu.memory_space<hbm>>
      %dma_wait3A_162 = arith.constant 0 : i32
      %dma_wait3A_163 = tpu.memref_slice %arg10[%dma_wait3A_155, %dma_wait3A_156, %dma_wait3A_162] : memref<2x3x2048xf32, #tpu.memory_space<vmem>> -> memref<1x1x2048xf32, #tpu.memory_space<vmem>>
      %dma_wait3A_164 = tpu.memref_squeeze %dma_wait3A_163 : memref<1x1x2048xf32, #tpu.memory_space<vmem>> -> memref<2048xf32, #tpu.memory_space<vmem>>
      %dma_wait3A_165 = arith.constant 0 : i32
      %dma_wait3A_166 = tpu.memref_slice %arg4[%dma_wait3A_165] : memref<524288xf32, #tpu.memory_space<hbm>> -> memref<2048xf32, #tpu.memory_space<hbm>>
      tpu.wait_dma2 semaphore(%arg12 : memref<!tpu.dma_semaphore, #tpu.memory_space<semaphore_mem>>) src(%dma_wait3A_166 : memref<2048xf32, #tpu.memory_space<hbm>>) dst(%dma_wait3A_164 : memref<2048xf32, #tpu.memory_space<vmem>>)
      %dma_wait3A_167 = arith.constant 0 : i32
      %dma_wait3A_168 = arith.constant 2 : i32
      %dma_wait3A_169 = arith.constant 0 : i32
      %dma_wait3A_170 = tpu.memref_slice %arg10[%dma_wait3A_167, %dma_wait3A_168, %dma_wait3A_169] : memref<2x3x2048xf32, #tpu.memory_space<vmem>> -> memref<1x1x2048xf32, #tpu.memory_space<vmem>>
      %dma_wait3A_171 = tpu.memref_squeeze %dma_wait3A_170 : memref<1x1x2048xf32, #tpu.memory_space<vmem>> -> memref<2048xf32, #tpu.memory_space<vmem>>
      %dma_wait3A_172 = arith.constant 0 : i32
      %dma_wait3A_173 = tpu.memref_slice %arg5[%dma_wait3A_172] : memref<524288xf32, #tpu.memory_space<hbm>> -> memref<2048xf32, #tpu.memory_space<hbm>>
      %dma_wait3A_174 = arith.constant 0 : i32
      %dma_wait3A_175 = tpu.memref_slice %arg10[%dma_wait3A_167, %dma_wait3A_168, %dma_wait3A_174] : memref<2x3x2048xf32, #tpu.memory_space<vmem>> -> memref<1x1x2048xf32, #tpu.memory_space<vmem>>
      %dma_wait3A_176 = tpu.memref_squeeze %dma_wait3A_175 : memref<1x1x2048xf32, #tpu.memory_space<vmem>> -> memref<2048xf32, #tpu.memory_space<vmem>>
      %dma_wait3A_177 = arith.constant 0 : i32
      %dma_wait3A_178 = tpu.memref_slice %arg5[%dma_wait3A_177] : memref<524288xf32, #tpu.memory_space<hbm>> -> memref<2048xf32, #tpu.memory_space<hbm>>
      tpu.wait_dma2 semaphore(%arg12 : memref<!tpu.dma_semaphore, #tpu.memory_space<semaphore_mem>>) src(%dma_wait3A_178 : memref<2048xf32, #tpu.memory_space<hbm>>) dst(%dma_wait3A_176 : memref<2048xf32, #tpu.memory_space<vmem>>)
      %dma_wait3A_179 = arith.constant 0 : i32
      %dma_wait3A_180 = arith.constant 0 : i32
      %dma_wait3A_181 = tpu.memref_slice %arg11[%dma_wait3A_179, %dma_wait3A_180] : memref<2x2048xi32, #tpu.memory_space<vmem>> -> memref<1x2048xi32, #tpu.memory_space<vmem>>
      %dma_wait3A_182 = tpu.memref_squeeze %dma_wait3A_181 : memref<1x2048xi32, #tpu.memory_space<vmem>> -> memref<2048xi32, #tpu.memory_space<vmem>>
      %dma_wait3A_183 = arith.constant 0 : i32
      %dma_wait3A_184 = tpu.memref_slice %arg6[%dma_wait3A_183] : memref<524288xi32, #tpu.memory_space<hbm>> -> memref<2048xi32, #tpu.memory_space<hbm>>
      %dma_wait3A_185 = arith.constant 0 : i32
      %dma_wait3A_186 = tpu.memref_slice %arg11[%dma_wait3A_179, %dma_wait3A_185] : memref<2x2048xi32, #tpu.memory_space<vmem>> -> memref<1x2048xi32, #tpu.memory_space<vmem>>
      %dma_wait3A_187 = tpu.memref_squeeze %dma_wait3A_186 : memref<1x2048xi32, #tpu.memory_space<vmem>> -> memref<2048xi32, #tpu.memory_space<vmem>>
      %dma_wait3A_188 = arith.constant 0 : i32
      %dma_wait3A_189 = tpu.memref_slice %arg6[%dma_wait3A_188] : memref<524288xi32, #tpu.memory_space<hbm>> -> memref<2048xi32, #tpu.memory_space<hbm>>
      tpu.wait_dma2 semaphore(%arg12 : memref<!tpu.dma_semaphore, #tpu.memory_space<semaphore_mem>>) src(%dma_wait3A_189 : memref<2048xi32, #tpu.memory_space<hbm>>) dst(%dma_wait3A_187 : memref<2048xi32, #tpu.memory_space<vmem>>)
      %parallel_loop3A = arith.constant 0 : i32
      %parallel_loop3A_190 = arith.constant 128 : i32
      %parallel_loop3A_191 = arith.constant 1 : i32
      %parallel_loop3A_192 = scf.for %parallel_loop3A_259 = %parallel_loop3A to %parallel_loop3A_190 step %parallel_loop3A_191 iter_args(%parallel_loop3A_260 = %scan3A_72) -> (i32)  : i32 {
        %parallel_loop3A_261 = arith.constant 16 : i32
        %parallel_loop3A_262 = arith.muli %parallel_loop3A_259, %parallel_loop3A_261 : i32
        %parallel_loop3A_263 = arith.constant 3 : i32
        %parallel_loop3A_264 = arith.shrui %parallel_loop3A_259, %parallel_loop3A_263 : i32
        %parallel_loop3A_265 = arith.constant 512 : i32
        %parallel_loop3A_266 = arith.muli %parallel_loop3A_264, %parallel_loop3A_265 : i32
        %parallel_loop3A_267 = arith.constant 7 : i32
        %parallel_loop3A_268 = arith.andi %parallel_loop3A_259, %parallel_loop3A_267 : i32
        %parallel_loop3A_269 = arith.constant 16 : i32
        %parallel_loop3A_270 = arith.muli %parallel_loop3A_268, %parallel_loop3A_269 : i32
        %parallel_loop3A_271 = arith.addi %parallel_loop3A_266, %parallel_loop3A_270 : i32
        %parallel_loop3A_272 = arith.constant 0 : i32
        %parallel_loop3A_273 = arith.index_cast %parallel_loop3A_272 : i32 to index
        %parallel_loop3A_274 = arith.index_cast %parallel_loop3A_262 : i32 to index
        %parallel_loop3A_275 = tpu.vector_load %arg11[%parallel_loop3A_273, %parallel_loop3A_274] {strides = array<i32>} : memref<2x2048xi32, #tpu.memory_space<vmem>>, vector<16xi32>,
        %parallel_loop3A_276 = arith.constant 0 : i32
        %parallel_loop3A_277 = arith.index_cast %parallel_loop3A_276 : i32 to index
        %parallel_loop3A_278 = arith.index_cast %parallel_loop3A_271 : i32 to index
        %parallel_loop3A_279 = tpu.vector_load %arg9[%parallel_loop3A_277, %parallel_loop3A_278] {strides = array<i32>} : memref<2x8192xf32, #tpu.memory_space<vmem>>, vector<16xf32>,
        %parallel_loop3A_280 = arith.constant 128 : i32
        %parallel_loop3A_281 = arith.addi %parallel_loop3A_271, %parallel_loop3A_280 : i32
        %parallel_loop3A_282 = arith.constant 0 : i32
        %parallel_loop3A_283 = arith.index_cast %parallel_loop3A_282 : i32 to index
        %parallel_loop3A_284 = arith.index_cast %parallel_loop3A_281 : i32 to index
        %parallel_loop3A_285 = tpu.vector_load %arg9[%parallel_loop3A_283, %parallel_loop3A_284] {strides = array<i32>} : memref<2x8192xf32, #tpu.memory_space<vmem>>, vector<16xf32>,
        %parallel_loop3A_286 = arith.constant 256 : i32
        %parallel_loop3A_287 = arith.addi %parallel_loop3A_271, %parallel_loop3A_286 : i32
        %parallel_loop3A_288 = arith.constant 0 : i32
        %parallel_loop3A_289 = arith.index_cast %parallel_loop3A_288 : i32 to index
        %parallel_loop3A_290 = arith.index_cast %parallel_loop3A_287 : i32 to index
        %parallel_loop3A_291 = tpu.vector_load %arg9[%parallel_loop3A_289, %parallel_loop3A_290] {strides = array<i32>} : memref<2x8192xf32, #tpu.memory_space<vmem>>, vector<16xf32>,
        %parallel_loop3A_292 = arith.constant 384 : i32
        %parallel_loop3A_293 = arith.addi %parallel_loop3A_271, %parallel_loop3A_292 : i32
        %parallel_loop3A_294 = arith.constant 0 : i32
        %parallel_loop3A_295 = arith.index_cast %parallel_loop3A_294 : i32 to index
        %parallel_loop3A_296 = arith.index_cast %parallel_loop3A_293 : i32 to index
        %parallel_loop3A_297 = tpu.vector_load %arg9[%parallel_loop3A_295, %parallel_loop3A_296] {strides = array<i32>} : memref<2x8192xf32, #tpu.memory_space<vmem>>, vector<16xf32>,
        %parallel_loop3A_298 = arith.constant 0 : i32
        %parallel_loop3A_299 = arith.constant 0 : i32
        %parallel_loop3A_300 = arith.index_cast %parallel_loop3A_298 : i32 to index
        %parallel_loop3A_301 = arith.index_cast %parallel_loop3A_299 : i32 to index
        %parallel_loop3A_302 = arith.index_cast %parallel_loop3A_262 : i32 to index
        %parallel_loop3A_303 = tpu.vector_load %arg10[%parallel_loop3A_300, %parallel_loop3A_301, %parallel_loop3A_302] {strides = array<i32>} : memref<2x3x2048xf32, #tpu.memory_space<vmem>>, vector<16xf32>,
        %parallel_loop3A_304 = arith.constant 0 : i32
        %parallel_loop3A_305 = arith.constant 1 : i32
        %parallel_loop3A_306 = arith.index_cast %parallel_loop3A_304 : i32 to index
        %parallel_loop3A_307 = arith.index_cast %parallel_loop3A_305 : i32 to index
        %parallel_loop3A_308 = arith.index_cast %parallel_loop3A_262 : i32 to index
        %parallel_loop3A_309 = tpu.vector_load %arg10[%parallel_loop3A_306, %parallel_loop3A_307, %parallel_loop3A_308] {strides = array<i32>} : memref<2x3x2048xf32, #tpu.memory_space<vmem>>, vector<16xf32>,
        %parallel_loop3A_310 = arith.constant 0 : i32
        %parallel_loop3A_311 = arith.constant 2 : i32
        %parallel_loop3A_312 = arith.index_cast %parallel_loop3A_310 : i32 to index
        %parallel_loop3A_313 = arith.index_cast %parallel_loop3A_311 : i32 to index
        %parallel_loop3A_314 = arith.index_cast %parallel_loop3A_262 : i32 to index
        %parallel_loop3A_315 = tpu.vector_load %arg10[%parallel_loop3A_312, %parallel_loop3A_313, %parallel_loop3A_314] {strides = array<i32>} : memref<2x3x2048xf32, #tpu.memory_space<vmem>>, vector<16xf32>,
        %parallel_loop3A_316 = arith.constant 1 : i32
        %parallel_loop3A_317 = vector.broadcast %parallel_loop3A_316 : i32 to vector<16xi32>
        %parallel_loop3A_318 = arith.addi %iota3A, %parallel_loop3A_317 : vector<16xi32>
        %parallel_loop3A_319 = arith.constant 15 : i32
        %parallel_loop3A_320 = vector.broadcast %parallel_loop3A_319 : i32 to vector<16xi32>
        %parallel_loop3A_321 = arith.minsi %parallel_loop3A_318, %parallel_loop3A_320 : vector<16xi32>
        %parallel_loop3A_322 = vector.broadcast %parallel_loop3A_262 : i32 to vector<16xi32>
        %parallel_loop3A_323 = arith.addi %parallel_loop3A_322, %parallel_loop3A_321 : vector<16xi32>
        %parallel_loop3A_324 = arith.constant 0 : i32
        %parallel_loop3A_325 = arith.constant 0 : i32
        %parallel_loop3A_326 = tpu.memref_slice %arg11[%parallel_loop3A_324, %parallel_loop3A_325] : memref<2x2048xi32, #tpu.memory_space<vmem>> -> memref<1x2048xi32, #tpu.memory_space<vmem>>
        %parallel_loop3A_327 = tpu.memref_squeeze %parallel_loop3A_326 : memref<1x2048xi32, #tpu.memory_space<vmem>> -> memref<2048xi32, #tpu.memory_space<vmem>>
        %parallel_loop3A_328 = tpu.vector_load_idx %parallel_loop3A_327[%parallel_loop3A_323] : memref<2048xi32, #tpu.memory_space<vmem>>[vector<16xi32>], vector<16xi32>,
        %parallel_loop3A_329 = arith.mulf %parallel_loop3A_279, %parallel_loop3A_303 : vector<16xf32>
        %parallel_loop3A_330 = arith.addf %parallel_loop3A_329, %parallel_loop3A_297 : vector<16xf32>
        %parallel_loop3A_331 = arith.mulf %parallel_loop3A_279, %parallel_loop3A_309 : vector<16xf32>
        %parallel_loop3A_332 = arith.addf %parallel_loop3A_331, %parallel_loop3A_285 : vector<16xf32>
        %parallel_loop3A_333 = arith.mulf %parallel_loop3A_279, %parallel_loop3A_315 : vector<16xf32>
        %parallel_loop3A_334 = arith.addf %parallel_loop3A_333, %parallel_loop3A_291 : vector<16xf32>
        %parallel_loop3A_335 = arith.mulf %parallel_loop3A_303, %parallel_loop3A_303 : vector<16xf32>
        %parallel_loop3A_336 = arith.mulf %parallel_loop3A_309, %parallel_loop3A_309 : vector<16xf32>
        %parallel_loop3A_337 = arith.addf %parallel_loop3A_335, %parallel_loop3A_336 : vector<16xf32>
        %parallel_loop3A_338 = arith.mulf %parallel_loop3A_315, %parallel_loop3A_315 : vector<16xf32>
        %parallel_loop3A_339 = arith.addf %parallel_loop3A_337, %parallel_loop3A_338 : vector<16xf32>
        %parallel_loop3A_340 = arith.mulf %parallel_loop3A_303, %parallel_loop3A_297 : vector<16xf32>
        %parallel_loop3A_341 = arith.mulf %parallel_loop3A_309, %parallel_loop3A_285 : vector<16xf32>
        %parallel_loop3A_342 = arith.addf %parallel_loop3A_340, %parallel_loop3A_341 : vector<16xf32>
        %parallel_loop3A_343 = arith.mulf %parallel_loop3A_315, %parallel_loop3A_291 : vector<16xf32>
        %parallel_loop3A_344 = arith.addf %parallel_loop3A_342, %parallel_loop3A_343 : vector<16xf32>
        %parallel_loop3A_345 = arith.mulf %parallel_loop3A_339, %parallel_loop3A_279 : vector<16xf32>
        %parallel_loop3A_346 = arith.constant 2.000000e+00 : f32
        %parallel_loop3A_347 = vector.broadcast %parallel_loop3A_346 : f32 to vector<16xf32>
        %parallel_loop3A_348 = arith.mulf %parallel_loop3A_347, %parallel_loop3A_344 : vector<16xf32>
        %parallel_loop3A_349 = arith.addf %parallel_loop3A_345, %parallel_loop3A_348 : vector<16xf32>
        %parallel_loop3A_350 = arith.cmpi ne, %parallel_loop3A_275, %parallel_loop3A_328 : vector<16xi32>
        %parallel_loop3A_351 = arith.constant 15 : i32
        %parallel_loop3A_352 = vector.broadcast %parallel_loop3A_351 : i32 to vector<16xi32>
        %parallel_loop3A_353 = arith.cmpi eq, %iota3A, %parallel_loop3A_352 : vector<16xi32>
        %parallel_loop3A_354 = arith.ori %parallel_loop3A_350, %parallel_loop3A_353 : vector<16xi1>
        %parallel_loop3A_355 = arith.constant true
        %parallel_loop3A_356 = vector.broadcast %parallel_loop3A_355 : i1 to vector<16xi1>
        %parallel_loop3A_357 = tpu.scan <sum>, %parallel_loop3A_279 masked %parallel_loop3A_356 : vector<16xf32>, vector<16xi1> -> vector<16xf32>
        %parallel_loop3A_358 = arith.constant 0 : i32
        %parallel_loop3A_359 = vector.broadcast %parallel_loop3A_358 : i32 to vector<16xi32>
        %parallel_loop3A_360 = arith.addi %parallel_loop3A_275, %parallel_loop3A_359 : vector<16xi32>
        tpu.vector_store_idx %arg8[%parallel_loop3A_360], %parallel_loop3A_357 masked %parallel_loop3A_354 {add = true} : memref<20480xf32, #tpu.memory_space<vmem>>[vector<16xi32>], vector<16xf32>, vector<16xi1>
        %parallel_loop3A_361 = arith.constant 0 : i32
        %parallel_loop3A_362 = vector.broadcast %parallel_loop3A_361 : i32 to vector<16xi32>
        %parallel_loop3A_363 = arith.addi %parallel_loop3A_328, %parallel_loop3A_362 : vector<16xi32>
        %parallel_loop3A_364 = arith.constant 0.000000e+00 : f32
        %parallel_loop3A_365 = vector.broadcast %parallel_loop3A_364 : f32 to vector<16xf32>
        %parallel_loop3A_366 = arith.subf %parallel_loop3A_365, %parallel_loop3A_357 : vector<16xf32>
        tpu.vector_store_idx %arg8[%parallel_loop3A_363], %parallel_loop3A_366 masked %parallel_loop3A_350 {add = true} : memref<20480xf32, #tpu.memory_space<vmem>>[vector<16xi32>], vector<16xf32>, vector<16xi1>
        %parallel_loop3A_367 = arith.constant true
        %parallel_loop3A_368 = vector.broadcast %parallel_loop3A_367 : i1 to vector<16xi1>
        %parallel_loop3A_369 = tpu.scan <sum>, %parallel_loop3A_330 masked %parallel_loop3A_368 : vector<16xf32>, vector<16xi1> -> vector<16xf32>
        %parallel_loop3A_370 = arith.constant 4096 : i32
        %parallel_loop3A_371 = vector.broadcast %parallel_loop3A_370 : i32 to vector<16xi32>
        %parallel_loop3A_372 = arith.addi %parallel_loop3A_275, %parallel_loop3A_371 : vector<16xi32>
        tpu.vector_store_idx %arg8[%parallel_loop3A_372], %parallel_loop3A_369 masked %parallel_loop3A_354 {add = true} : memref<20480xf32, #tpu.memory_space<vmem>>[vector<16xi32>], vector<16xf32>, vector<16xi1>
        %parallel_loop3A_373 = arith.constant 4096 : i32
        %parallel_loop3A_374 = vector.broadcast %parallel_loop3A_373 : i32 to vector<16xi32>
        %parallel_loop3A_375 = arith.addi %parallel_loop3A_328, %parallel_loop3A_374 : vector<16xi32>
        %parallel_loop3A_376 = arith.constant 0.000000e+00 : f32
        %parallel_loop3A_377 = vector.broadcast %parallel_loop3A_376 : f32 to vector<16xf32>
        %parallel_loop3A_378 = arith.subf %parallel_loop3A_377, %parallel_loop3A_369 : vector<16xf32>
        tpu.vector_store_idx %arg8[%parallel_loop3A_375], %parallel_loop3A_378 masked %parallel_loop3A_350 {add = true} : memref<20480xf32, #tpu.memory_space<vmem>>[vector<16xi32>], vector<16xf32>, vector<16xi1>
        %parallel_loop3A_379 = arith.constant true
        %parallel_loop3A_380 = vector.broadcast %parallel_loop3A_379 : i1 to vector<16xi1>
        %parallel_loop3A_381 = tpu.scan <sum>, %parallel_loop3A_332 masked %parallel_loop3A_380 : vector<16xf32>, vector<16xi1> -> vector<16xf32>
        %parallel_loop3A_382 = arith.constant 8192 : i32
        %parallel_loop3A_383 = vector.broadcast %parallel_loop3A_382 : i32 to vector<16xi32>
        %parallel_loop3A_384 = arith.addi %parallel_loop3A_275, %parallel_loop3A_383 : vector<16xi32>
        tpu.vector_store_idx %arg8[%parallel_loop3A_384], %parallel_loop3A_381 masked %parallel_loop3A_354 {add = true} : memref<20480xf32, #tpu.memory_space<vmem>>[vector<16xi32>], vector<16xf32>, vector<16xi1>
        %parallel_loop3A_385 = arith.constant 8192 : i32
        %parallel_loop3A_386 = vector.broadcast %parallel_loop3A_385 : i32 to vector<16xi32>
        %parallel_loop3A_387 = arith.addi %parallel_loop3A_328, %parallel_loop3A_386 : vector<16xi32>
        %parallel_loop3A_388 = arith.constant 0.000000e+00 : f32
        %parallel_loop3A_389 = vector.broadcast %parallel_loop3A_388 : f32 to vector<16xf32>
        %parallel_loop3A_390 = arith.subf %parallel_loop3A_389, %parallel_loop3A_381 : vector<16xf32>
        tpu.vector_store_idx %arg8[%parallel_loop3A_387], %parallel_loop3A_390 masked %parallel_loop3A_350 {add = true} : memref<20480xf32, #tpu.memory_space<vmem>>[vector<16xi32>], vector<16xf32>, vector<16xi1>
        %parallel_loop3A_391 = arith.constant true
        %parallel_loop3A_392 = vector.broadcast %parallel_loop3A_391 : i1 to vector<16xi1>
        %parallel_loop3A_393 = tpu.scan <sum>, %parallel_loop3A_334 masked %parallel_loop3A_392 : vector<16xf32>, vector<16xi1> -> vector<16xf32>
        %parallel_loop3A_394 = arith.constant 12288 : i32
        %parallel_loop3A_395 = vector.broadcast %parallel_loop3A_394 : i32 to vector<16xi32>
        %parallel_loop3A_396 = arith.addi %parallel_loop3A_275, %parallel_loop3A_395 : vector<16xi32>
        tpu.vector_store_idx %arg8[%parallel_loop3A_396], %parallel_loop3A_393 masked %parallel_loop3A_354 {add = true} : memref<20480xf32, #tpu.memory_space<vmem>>[vector<16xi32>], vector<16xf32>, vector<16xi1>
        %parallel_loop3A_397 = arith.constant 12288 : i32
        %parallel_loop3A_398 = vector.broadcast %parallel_loop3A_397 : i32 to vector<16xi32>
        %parallel_loop3A_399 = arith.addi %parallel_loop3A_328, %parallel_loop3A_398 : vector<16xi32>
        %parallel_loop3A_400 = arith.constant 0.000000e+00 : f32
        %parallel_loop3A_401 = vector.broadcast %parallel_loop3A_400 : f32 to vector<16xf32>
        %parallel_loop3A_402 = arith.subf %parallel_loop3A_401, %parallel_loop3A_393 : vector<16xf32>
        tpu.vector_store_idx %arg8[%parallel_loop3A_399], %parallel_loop3A_402 masked %parallel_loop3A_350 {add = true} : memref<20480xf32, #tpu.memory_space<vmem>>[vector<16xi32>], vector<16xf32>, vector<16xi1>
        %parallel_loop3A_403 = arith.constant true
        %parallel_loop3A_404 = vector.broadcast %parallel_loop3A_403 : i1 to vector<16xi1>
        %parallel_loop3A_405 = tpu.scan <sum>, %parallel_loop3A_349 masked %parallel_loop3A_404 : vector<16xf32>, vector<16xi1> -> vector<16xf32>
        %parallel_loop3A_406 = arith.constant 16384 : i32
        %parallel_loop3A_407 = vector.broadcast %parallel_loop3A_406 : i32 to vector<16xi32>
        %parallel_loop3A_408 = arith.addi %parallel_loop3A_275, %parallel_loop3A_407 : vector<16xi32>
        tpu.vector_store_idx %arg8[%parallel_loop3A_408], %parallel_loop3A_405 masked %parallel_loop3A_354 {add = true} : memref<20480xf32, #tpu.memory_space<vmem>>[vector<16xi32>], vector<16xf32>, vector<16xi1>
        %parallel_loop3A_409 = arith.constant 16384 : i32
        %parallel_loop3A_410 = vector.broadcast %parallel_loop3A_409 : i32 to vector<16xi32>
        %parallel_loop3A_411 = arith.addi %parallel_loop3A_328, %parallel_loop3A_410 : vector<16xi32>
        %parallel_loop3A_412 = arith.constant 0.000000e+00 : f32
        %parallel_loop3A_413 = vector.broadcast %parallel_loop3A_412 : f32 to vector<16xf32>
        %parallel_loop3A_414 = arith.subf %parallel_loop3A_413, %parallel_loop3A_405 : vector<16xf32>
        tpu.vector_store_idx %arg8[%parallel_loop3A_411], %parallel_loop3A_414 masked %parallel_loop3A_350 {add = true} : memref<20480xf32, #tpu.memory_space<vmem>>[vector<16xi32>], vector<16xf32>, vector<16xi1>
        scf.yield %parallel_loop3A_260 : i32
      } {sc.loop_unroll_factor = 2 : i64, sc.parallel_access}
      %add3A_193 = arith.constant 2 : i32
      %add3A_194 = arith.addi %mul3A_74, %add3A_193 : i32
      %lt3A = arith.constant 8 : i32
      %lt3A_195 = arith.cmpi slt, %add3A_194, %lt3A : i32
      %convert_element_type3A = arith.extui %lt3A_195 : i1 to i32
      %cond3A = arith.constant 0 : i32
      %cond3A_196 = arith.cmpi ne, %convert_element_type3A, %cond3A : i32
      scf.if %cond3A_196 {
        %add3A_259 = arith.constant 2 : i32
        %add3A_260 = arith.addi %mul3A_74, %add3A_259 : i32
        %mul3A_261 = arith.constant 16 : i32
        %mul3A_262 = arith.muli %add3A_260, %mul3A_261 : i32
        %add3A_263 = arith.addi %mul3A_2, %mul3A_262 : i32
        %mul3A_264 = arith.constant 512 : i32
        %mul3A_265 = arith.muli %add3A_263, %mul3A_264 : i32
        %dma_start3A_266 = arith.constant 0 : i32
        %dma_start3A_267 = arith.constant 0 : i32
        %dma_start3A_268 = tpu.memref_slice %arg9[%dma_start3A_266, %dma_start3A_267] : memref<2x8192xf32, #tpu.memory_space<vmem>> -> memref<1x8192xf32, #tpu.memory_space<vmem>>
        %dma_start3A_269 = tpu.memref_squeeze %dma_start3A_268 : memref<1x8192xf32, #tpu.memory_space<vmem>> -> memref<8192xf32, #tpu.memory_space<vmem>>
        %dma_start3A_270 = tpu.memref_slice %arg2[%mul3A_265] : memref<2097152xf32, #tpu.memory_space<hbm>> -> memref<8192xf32, #tpu.memory_space<hbm>>
        %dma_start3A_271 = arith.constant 0 : i32
        %dma_start3A_272 = tpu.memref_slice %arg9[%dma_start3A_266, %dma_start3A_271] : memref<2x8192xf32, #tpu.memory_space<vmem>> -> memref<1x8192xf32, #tpu.memory_space<vmem>>
        %dma_start3A_273 = tpu.memref_squeeze %dma_start3A_272 : memref<1x8192xf32, #tpu.memory_space<vmem>> -> memref<8192xf32, #tpu.memory_space<vmem>>
        %dma_start3A_274 = tpu.memref_slice %arg2[%mul3A_265] : memref<2097152xf32, #tpu.memory_space<hbm>> -> memref<8192xf32, #tpu.memory_space<hbm>>
        tpu.enqueue_dma source(%dma_start3A_274 : memref<8192xf32, #tpu.memory_space<hbm>>) target(%dma_start3A_273 : memref<8192xf32, #tpu.memory_space<vmem>>) target_semaphore(%arg12 : memref<!tpu.dma_semaphore, #tpu.memory_space<semaphore_mem>>)
        %mul3A_275 = arith.constant 2048 : i32
        %mul3A_276 = arith.muli %add3A_260, %mul3A_275 : i32
        %add3A_277 = arith.addi %mul3A_4, %mul3A_276 : i32
        %dma_start3A_278 = arith.constant 0 : i32
        %dma_start3A_279 = arith.constant 0 : i32
        %dma_start3A_280 = arith.constant 0 : i32
        %dma_start3A_281 = tpu.memref_slice %arg10[%dma_start3A_278, %dma_start3A_279, %dma_start3A_280] : memref<2x3x2048xf32, #tpu.memory_space<vmem>> -> memref<1x1x2048xf32, #tpu.memory_space<vmem>>
        %dma_start3A_282 = tpu.memref_squeeze %dma_start3A_281 : memref<1x1x2048xf32, #tpu.memory_space<vmem>> -> memref<2048xf32, #tpu.memory_space<vmem>>
        %dma_start3A_283 = tpu.memref_slice %arg3[%add3A_277] : memref<524288xf32, #tpu.memory_space<hbm>> -> memref<2048xf32, #tpu.memory_space<hbm>>
        %dma_start3A_284 = arith.constant 0 : i32
        %dma_start3A_285 = tpu.memref_slice %arg10[%dma_start3A_278, %dma_start3A_279, %dma_start3A_284] : memref<2x3x2048xf32, #tpu.memory_space<vmem>> -> memref<1x1x2048xf32, #tpu.memory_space<vmem>>
        %dma_start3A_286 = tpu.memref_squeeze %dma_start3A_285 : memref<1x1x2048xf32, #tpu.memory_space<vmem>> -> memref<2048xf32, #tpu.memory_space<vmem>>
        %dma_start3A_287 = tpu.memref_slice %arg3[%add3A_277] : memref<524288xf32, #tpu.memory_space<hbm>> -> memref<2048xf32, #tpu.memory_space<hbm>>
        tpu.enqueue_dma source(%dma_start3A_287 : memref<2048xf32, #tpu.memory_space<hbm>>) target(%dma_start3A_286 : memref<2048xf32, #tpu.memory_space<vmem>>) target_semaphore(%arg12 : memref<!tpu.dma_semaphore, #tpu.memory_space<semaphore_mem>>)
        %dma_start3A_288 = arith.constant 0 : i32
        %dma_start3A_289 = arith.constant 1 : i32
        %dma_start3A_290 = arith.constant 0 : i32
        %dma_start3A_291 = tpu.memref_slice %arg10[%dma_start3A_288, %dma_start3A_289, %dma_start3A_290] : memref<2x3x2048xf32, #tpu.memory_space<vmem>> -> memref<1x1x2048xf32, #tpu.memory_space<vmem>>
        %dma_start3A_292 = tpu.memref_squeeze %dma_start3A_291 : memref<1x1x2048xf32, #tpu.memory_space<vmem>> -> memref<2048xf32, #tpu.memory_space<vmem>>
        %dma_start3A_293 = tpu.memref_slice %arg4[%add3A_277] : memref<524288xf32, #tpu.memory_space<hbm>> -> memref<2048xf32, #tpu.memory_space<hbm>>
        %dma_start3A_294 = arith.constant 0 : i32
        %dma_start3A_295 = tpu.memref_slice %arg10[%dma_start3A_288, %dma_start3A_289, %dma_start3A_294] : memref<2x3x2048xf32, #tpu.memory_space<vmem>> -> memref<1x1x2048xf32, #tpu.memory_space<vmem>>
        %dma_start3A_296 = tpu.memref_squeeze %dma_start3A_295 : memref<1x1x2048xf32, #tpu.memory_space<vmem>> -> memref<2048xf32, #tpu.memory_space<vmem>>
        %dma_start3A_297 = tpu.memref_slice %arg4[%add3A_277] : memref<524288xf32, #tpu.memory_space<hbm>> -> memref<2048xf32, #tpu.memory_space<hbm>>
        tpu.enqueue_dma source(%dma_start3A_297 : memref<2048xf32, #tpu.memory_space<hbm>>) target(%dma_start3A_296 : memref<2048xf32, #tpu.memory_space<vmem>>) target_semaphore(%arg12 : memref<!tpu.dma_semaphore, #tpu.memory_space<semaphore_mem>>)
        %dma_start3A_298 = arith.constant 0 : i32
        %dma_start3A_299 = arith.constant 2 : i32
        %dma_start3A_300 = arith.constant 0 : i32
        %dma_start3A_301 = tpu.memref_slice %arg10[%dma_start3A_298, %dma_start3A_299, %dma_start3A_300] : memref<2x3x2048xf32, #tpu.memory_space<vmem>> -> memref<1x1x2048xf32, #tpu.memory_space<vmem>>
        %dma_start3A_302 = tpu.memref_squeeze %dma_start3A_301 : memref<1x1x2048xf32, #tpu.memory_space<vmem>> -> memref<2048xf32, #tpu.memory_space<vmem>>
        %dma_start3A_303 = tpu.memref_slice %arg5[%add3A_277] : memref<524288xf32, #tpu.memory_space<hbm>> -> memref<2048xf32, #tpu.memory_space<hbm>>
        %dma_start3A_304 = arith.constant 0 : i32
        %dma_start3A_305 = tpu.memref_slice %arg10[%dma_start3A_298, %dma_start3A_299, %dma_start3A_304] : memref<2x3x2048xf32, #tpu.memory_space<vmem>> -> memref<1x1x2048xf32, #tpu.memory_space<vmem>>
        %dma_start3A_306 = tpu.memref_squeeze %dma_start3A_305 : memref<1x1x2048xf32, #tpu.memory_space<vmem>> -> memref<2048xf32, #tpu.memory_space<vmem>>
        %dma_start3A_307 = tpu.memref_slice %arg5[%add3A_277] : memref<524288xf32, #tpu.memory_space<hbm>> -> memref<2048xf32, #tpu.memory_space<hbm>>
        tpu.enqueue_dma source(%dma_start3A_307 : memref<2048xf32, #tpu.memory_space<hbm>>) target(%dma_start3A_306 : memref<2048xf32, #tpu.memory_space<vmem>>) target_semaphore(%arg12 : memref<!tpu.dma_semaphore, #tpu.memory_space<semaphore_mem>>)
        %dma_start3A_308 = arith.constant 0 : i32
        %dma_start3A_309 = arith.constant 0 : i32
        %dma_start3A_310 = tpu.memref_slice %arg11[%dma_start3A_308, %dma_start3A_309] : memref<2x2048xi32, #tpu.memory_space<vmem>> -> memref<1x2048xi32, #tpu.memory_space<vmem>>
        %dma_start3A_311 = tpu.memref_squeeze %dma_start3A_310 : memref<1x2048xi32, #tpu.memory_space<vmem>> -> memref<2048xi32, #tpu.memory_space<vmem>>
        %dma_start3A_312 = tpu.memref_slice %arg6[%add3A_277] : memref<524288xi32, #tpu.memory_space<hbm>> -> memref<2048xi32, #tpu.memory_space<hbm>>
        %dma_start3A_313 = arith.constant 0 : i32
        %dma_start3A_314 = tpu.memref_slice %arg11[%dma_start3A_308, %dma_start3A_313] : memref<2x2048xi32, #tpu.memory_space<vmem>> -> memref<1x2048xi32, #tpu.memory_space<vmem>>
        %dma_start3A_315 = tpu.memref_squeeze %dma_start3A_314 : memref<1x2048xi32, #tpu.memory_space<vmem>> -> memref<2048xi32, #tpu.memory_space<vmem>>
        %dma_start3A_316 = tpu.memref_slice %arg6[%add3A_277] : memref<524288xi32, #tpu.memory_space<hbm>> -> memref<2048xi32, #tpu.memory_space<hbm>>
        tpu.enqueue_dma source(%dma_start3A_316 : memref<2048xi32, #tpu.memory_space<hbm>>) target(%dma_start3A_315 : memref<2048xi32, #tpu.memory_space<vmem>>) target_semaphore(%arg12 : memref<!tpu.dma_semaphore, #tpu.memory_space<semaphore_mem>>)
      } else {
      }
      %dma_wait3A_197 = arith.constant 1 : i32
      %dma_wait3A_198 = arith.constant 0 : i32
      %dma_wait3A_199 = tpu.memref_slice %arg9[%dma_wait3A_197, %dma_wait3A_198] : memref<2x8192xf32, #tpu.memory_space<vmem>> -> memref<1x8192xf32, #tpu.memory_space<vmem>>
      %dma_wait3A_200 = tpu.memref_squeeze %dma_wait3A_199 : memref<1x8192xf32, #tpu.memory_space<vmem>> -> memref<8192xf32, #tpu.memory_space<vmem>>
      %dma_wait3A_201 = arith.constant 0 : i32
      %dma_wait3A_202 = tpu.memref_slice %arg2[%dma_wait3A_201] : memref<2097152xf32, #tpu.memory_space<hbm>> -> memref<8192xf32, #tpu.memory_space<hbm>>
      %dma_wait3A_203 = arith.constant 0 : i32
      %dma_wait3A_204 = tpu.memref_slice %arg9[%dma_wait3A_197, %dma_wait3A_203] : memref<2x8192xf32, #tpu.memory_space<vmem>> -> memref<1x8192xf32, #tpu.memory_space<vmem>>
      %dma_wait3A_205 = tpu.memref_squeeze %dma_wait3A_204 : memref<1x8192xf32, #tpu.memory_space<vmem>> -> memref<8192xf32, #tpu.memory_space<vmem>>
      %dma_wait3A_206 = arith.constant 0 : i32
      %dma_wait3A_207 = tpu.memref_slice %arg2[%dma_wait3A_206] : memref<2097152xf32, #tpu.memory_space<hbm>> -> memref<8192xf32, #tpu.memory_space<hbm>>
      tpu.wait_dma2 semaphore(%arg13 : memref<!tpu.dma_semaphore, #tpu.memory_space<semaphore_mem>>) src(%dma_wait3A_207 : memref<8192xf32, #tpu.memory_space<hbm>>) dst(%dma_wait3A_205 : memref<8192xf32, #tpu.memory_space<vmem>>)
      %dma_wait3A_208 = arith.constant 1 : i32
      %dma_wait3A_209 = arith.constant 0 : i32
      %dma_wait3A_210 = arith.constant 0 : i32
      %dma_wait3A_211 = tpu.memref_slice %arg10[%dma_wait3A_208, %dma_wait3A_209, %dma_wait3A_210] : memref<2x3x2048xf32, #tpu.memory_space<vmem>> -> memref<1x1x2048xf32, #tpu.memory_space<vmem>>
      %dma_wait3A_212 = tpu.memref_squeeze %dma_wait3A_211 : memref<1x1x2048xf32, #tpu.memory_space<vmem>> -> memref<2048xf32, #tpu.memory_space<vmem>>
      %dma_wait3A_213 = arith.constant 0 : i32
      %dma_wait3A_214 = tpu.memref_slice %arg3[%dma_wait3A_213] : memref<524288xf32, #tpu.memory_space<hbm>> -> memref<2048xf32, #tpu.memory_space<hbm>>
      %dma_wait3A_215 = arith.constant 0 : i32
      %dma_wait3A_216 = tpu.memref_slice %arg10[%dma_wait3A_208, %dma_wait3A_209, %dma_wait3A_215] : memref<2x3x2048xf32, #tpu.memory_space<vmem>> -> memref<1x1x2048xf32, #tpu.memory_space<vmem>>
      %dma_wait3A_217 = tpu.memref_squeeze %dma_wait3A_216 : memref<1x1x2048xf32, #tpu.memory_space<vmem>> -> memref<2048xf32, #tpu.memory_space<vmem>>
      %dma_wait3A_218 = arith.constant 0 : i32
      %dma_wait3A_219 = tpu.memref_slice %arg3[%dma_wait3A_218] : memref<524288xf32, #tpu.memory_space<hbm>> -> memref<2048xf32, #tpu.memory_space<hbm>>
      tpu.wait_dma2 semaphore(%arg13 : memref<!tpu.dma_semaphore, #tpu.memory_space<semaphore_mem>>) src(%dma_wait3A_219 : memref<2048xf32, #tpu.memory_space<hbm>>) dst(%dma_wait3A_217 : memref<2048xf32, #tpu.memory_space<vmem>>)
      %dma_wait3A_220 = arith.constant 1 : i32
      %dma_wait3A_221 = arith.constant 1 : i32
      %dma_wait3A_222 = arith.constant 0 : i32
      %dma_wait3A_223 = tpu.memref_slice %arg10[%dma_wait3A_220, %dma_wait3A_221, %dma_wait3A_222] : memref<2x3x2048xf32, #tpu.memory_space<vmem>> -> memref<1x1x2048xf32, #tpu.memory_space<vmem>>
      %dma_wait3A_224 = tpu.memref_squeeze %dma_wait3A_223 : memref<1x1x2048xf32, #tpu.memory_space<vmem>> -> memref<2048xf32, #tpu.memory_space<vmem>>
      %dma_wait3A_225 = arith.constant 0 : i32
      %dma_wait3A_226 = tpu.memref_slice %arg4[%dma_wait3A_225] : memref<524288xf32, #tpu.memory_space<hbm>> -> memref<2048xf32, #tpu.memory_space<hbm>>
      %dma_wait3A_227 = arith.constant 0 : i32
      %dma_wait3A_228 = tpu.memref_slice %arg10[%dma_wait3A_220, %dma_wait3A_221, %dma_wait3A_227] : memref<2x3x2048xf32, #tpu.memory_space<vmem>> -> memref<1x1x2048xf32, #tpu.memory_space<vmem>>
      %dma_wait3A_229 = tpu.memref_squeeze %dma_wait3A_228 : memref<1x1x2048xf32, #tpu.memory_space<vmem>> -> memref<2048xf32, #tpu.memory_space<vmem>>
      %dma_wait3A_230 = arith.constant 0 : i32
      %dma_wait3A_231 = tpu.memref_slice %arg4[%dma_wait3A_230] : memref<524288xf32, #tpu.memory_space<hbm>> -> memref<2048xf32, #tpu.memory_space<hbm>>
      tpu.wait_dma2 semaphore(%arg13 : memref<!tpu.dma_semaphore, #tpu.memory_space<semaphore_mem>>) src(%dma_wait3A_231 : memref<2048xf32, #tpu.memory_space<hbm>>) dst(%dma_wait3A_229 : memref<2048xf32, #tpu.memory_space<vmem>>)
      %dma_wait3A_232 = arith.constant 1 : i32
      %dma_wait3A_233 = arith.constant 2 : i32
      %dma_wait3A_234 = arith.constant 0 : i32
      %dma_wait3A_235 = tpu.memref_slice %arg10[%dma_wait3A_232, %dma_wait3A_233, %dma_wait3A_234] : memref<2x3x2048xf32, #tpu.memory_space<vmem>> -> memref<1x1x2048xf32, #tpu.memory_space<vmem>>
      %dma_wait3A_236 = tpu.memref_squeeze %dma_wait3A_235 : memref<1x1x2048xf32, #tpu.memory_space<vmem>> -> memref<2048xf32, #tpu.memory_space<vmem>>
      %dma_wait3A_237 = arith.constant 0 : i32
      %dma_wait3A_238 = tpu.memref_slice %arg5[%dma_wait3A_237] : memref<524288xf32, #tpu.memory_space<hbm>> -> memref<2048xf32, #tpu.memory_space<hbm>>
      %dma_wait3A_239 = arith.constant 0 : i32
      %dma_wait3A_240 = tpu.memref_slice %arg10[%dma_wait3A_232, %dma_wait3A_233, %dma_wait3A_239] : memref<2x3x2048xf32, #tpu.memory_space<vmem>> -> memref<1x1x2048xf32, #tpu.memory_space<vmem>>
      %dma_wait3A_241 = tpu.memref_squeeze %dma_wait3A_240 : memref<1x1x2048xf32, #tpu.memory_space<vmem>> -> memref<2048xf32, #tpu.memory_space<vmem>>
      %dma_wait3A_242 = arith.constant 0 : i32
      %dma_wait3A_243 = tpu.memref_slice %arg5[%dma_wait3A_242] : memref<524288xf32, #tpu.memory_space<hbm>> -> memref<2048xf32, #tpu.memory_space<hbm>>
      tpu.wait_dma2 semaphore(%arg13 : memref<!tpu.dma_semaphore, #tpu.memory_space<semaphore_mem>>) src(%dma_wait3A_243 : memref<2048xf32, #tpu.memory_space<hbm>>) dst(%dma_wait3A_241 : memref<2048xf32, #tpu.memory_space<vmem>>)
      %dma_wait3A_244 = arith.constant 1 : i32
      %dma_wait3A_245 = arith.constant 0 : i32
      %dma_wait3A_246 = tpu.memref_slice %arg11[%dma_wait3A_244, %dma_wait3A_245] : memref<2x2048xi32, #tpu.memory_space<vmem>> -> memref<1x2048xi32, #tpu.memory_space<vmem>>
      %dma_wait3A_247 = tpu.memref_squeeze %dma_wait3A_246 : memref<1x2048xi32, #tpu.memory_space<vmem>> -> memref<2048xi32, #tpu.memory_space<vmem>>
      %dma_wait3A_248 = arith.constant 0 : i32
      %dma_wait3A_249 = tpu.memref_slice %arg6[%dma_wait3A_248] : memref<524288xi32, #tpu.memory_space<hbm>> -> memref<2048xi32, #tpu.memory_space<hbm>>
      %dma_wait3A_250 = arith.constant 0 : i32
      %dma_wait3A_251 = tpu.memref_slice %arg11[%dma_wait3A_244, %dma_wait3A_250] : memref<2x2048xi32, #tpu.memory_space<vmem>> -> memref<1x2048xi32, #tpu.memory_space<vmem>>
      %dma_wait3A_252 = tpu.memref_squeeze %dma_wait3A_251 : memref<1x2048xi32, #tpu.memory_space<vmem>> -> memref<2048xi32, #tpu.memory_space<vmem>>
      %dma_wait3A_253 = arith.constant 0 : i32
      %dma_wait3A_254 = tpu.memref_slice %arg6[%dma_wait3A_253] : memref<524288xi32, #tpu.memory_space<hbm>> -> memref<2048xi32, #tpu.memory_space<hbm>>
      tpu.wait_dma2 semaphore(%arg13 : memref<!tpu.dma_semaphore, #tpu.memory_space<semaphore_mem>>) src(%dma_wait3A_254 : memref<2048xi32, #tpu.memory_space<hbm>>) dst(%dma_wait3A_252 : memref<2048xi32, #tpu.memory_space<vmem>>)
      %parallel_loop3A_255 = arith.constant 0 : i32
      %parallel_loop3A_256 = arith.constant 128 : i32
      %parallel_loop3A_257 = arith.constant 1 : i32
      %parallel_loop3A_258 = scf.for %parallel_loop3A_259 = %parallel_loop3A_255 to %parallel_loop3A_256 step %parallel_loop3A_257 iter_args(%parallel_loop3A_260 = %parallel_loop3A_192) -> (i32)  : i32 {
        %parallel_loop3A_261 = arith.constant 16 : i32
        %parallel_loop3A_262 = arith.muli %parallel_loop3A_259, %parallel_loop3A_261 : i32
        %parallel_loop3A_263 = arith.constant 3 : i32
        %parallel_loop3A_264 = arith.shrui %parallel_loop3A_259, %parallel_loop3A_263 : i32
        %parallel_loop3A_265 = arith.constant 512 : i32
        %parallel_loop3A_266 = arith.muli %parallel_loop3A_264, %parallel_loop3A_265 : i32
        %parallel_loop3A_267 = arith.constant 7 : i32
        %parallel_loop3A_268 = arith.andi %parallel_loop3A_259, %parallel_loop3A_267 : i32
        %parallel_loop3A_269 = arith.constant 16 : i32
        %parallel_loop3A_270 = arith.muli %parallel_loop3A_268, %parallel_loop3A_269 : i32
        %parallel_loop3A_271 = arith.addi %parallel_loop3A_266, %parallel_loop3A_270 : i32
        %parallel_loop3A_272 = arith.constant 1 : i32
        %parallel_loop3A_273 = arith.index_cast %parallel_loop3A_272 : i32 to index
        %parallel_loop3A_274 = arith.index_cast %parallel_loop3A_262 : i32 to index
        %parallel_loop3A_275 = tpu.vector_load %arg11[%parallel_loop3A_273, %parallel_loop3A_274] {strides = array<i32>} : memref<2x2048xi32, #tpu.memory_space<vmem>>, vector<16xi32>,
        %parallel_loop3A_276 = arith.constant 1 : i32
        %parallel_loop3A_277 = arith.index_cast %parallel_loop3A_276 : i32 to index
        %parallel_loop3A_278 = arith.index_cast %parallel_loop3A_271 : i32 to index
        %parallel_loop3A_279 = tpu.vector_load %arg9[%parallel_loop3A_277, %parallel_loop3A_278] {strides = array<i32>} : memref<2x8192xf32, #tpu.memory_space<vmem>>, vector<16xf32>,
        %parallel_loop3A_280 = arith.constant 128 : i32
        %parallel_loop3A_281 = arith.addi %parallel_loop3A_271, %parallel_loop3A_280 : i32
        %parallel_loop3A_282 = arith.constant 1 : i32
        %parallel_loop3A_283 = arith.index_cast %parallel_loop3A_282 : i32 to index
        %parallel_loop3A_284 = arith.index_cast %parallel_loop3A_281 : i32 to index
        %parallel_loop3A_285 = tpu.vector_load %arg9[%parallel_loop3A_283, %parallel_loop3A_284] {strides = array<i32>} : memref<2x8192xf32, #tpu.memory_space<vmem>>, vector<16xf32>,
        %parallel_loop3A_286 = arith.constant 256 : i32
        %parallel_loop3A_287 = arith.addi %parallel_loop3A_271, %parallel_loop3A_286 : i32
        %parallel_loop3A_288 = arith.constant 1 : i32
        %parallel_loop3A_289 = arith.index_cast %parallel_loop3A_288 : i32 to index
        %parallel_loop3A_290 = arith.index_cast %parallel_loop3A_287 : i32 to index
        %parallel_loop3A_291 = tpu.vector_load %arg9[%parallel_loop3A_289, %parallel_loop3A_290] {strides = array<i32>} : memref<2x8192xf32, #tpu.memory_space<vmem>>, vector<16xf32>,
        %parallel_loop3A_292 = arith.constant 384 : i32
        %parallel_loop3A_293 = arith.addi %parallel_loop3A_271, %parallel_loop3A_292 : i32
        %parallel_loop3A_294 = arith.constant 1 : i32
        %parallel_loop3A_295 = arith.index_cast %parallel_loop3A_294 : i32 to index
        %parallel_loop3A_296 = arith.index_cast %parallel_loop3A_293 : i32 to index
        %parallel_loop3A_297 = tpu.vector_load %arg9[%parallel_loop3A_295, %parallel_loop3A_296] {strides = array<i32>} : memref<2x8192xf32, #tpu.memory_space<vmem>>, vector<16xf32>,
        %parallel_loop3A_298 = arith.constant 1 : i32
        %parallel_loop3A_299 = arith.constant 0 : i32
        %parallel_loop3A_300 = arith.index_cast %parallel_loop3A_298 : i32 to index
        %parallel_loop3A_301 = arith.index_cast %parallel_loop3A_299 : i32 to index
        %parallel_loop3A_302 = arith.index_cast %parallel_loop3A_262 : i32 to index
        %parallel_loop3A_303 = tpu.vector_load %arg10[%parallel_loop3A_300, %parallel_loop3A_301, %parallel_loop3A_302] {strides = array<i32>} : memref<2x3x2048xf32, #tpu.memory_space<vmem>>, vector<16xf32>,
        %parallel_loop3A_304 = arith.constant 1 : i32
        %parallel_loop3A_305 = arith.constant 1 : i32
        %parallel_loop3A_306 = arith.index_cast %parallel_loop3A_304 : i32 to index
        %parallel_loop3A_307 = arith.index_cast %parallel_loop3A_305 : i32 to index
        %parallel_loop3A_308 = arith.index_cast %parallel_loop3A_262 : i32 to index
        %parallel_loop3A_309 = tpu.vector_load %arg10[%parallel_loop3A_306, %parallel_loop3A_307, %parallel_loop3A_308] {strides = array<i32>} : memref<2x3x2048xf32, #tpu.memory_space<vmem>>, vector<16xf32>,
        %parallel_loop3A_310 = arith.constant 1 : i32
        %parallel_loop3A_311 = arith.constant 2 : i32
        %parallel_loop3A_312 = arith.index_cast %parallel_loop3A_310 : i32 to index
        %parallel_loop3A_313 = arith.index_cast %parallel_loop3A_311 : i32 to index
        %parallel_loop3A_314 = arith.index_cast %parallel_loop3A_262 : i32 to index
        %parallel_loop3A_315 = tpu.vector_load %arg10[%parallel_loop3A_312, %parallel_loop3A_313, %parallel_loop3A_314] {strides = array<i32>} : memref<2x3x2048xf32, #tpu.memory_space<vmem>>, vector<16xf32>,
        %parallel_loop3A_316 = arith.constant 1 : i32
        %parallel_loop3A_317 = vector.broadcast %parallel_loop3A_316 : i32 to vector<16xi32>
        %parallel_loop3A_318 = arith.addi %iota3A, %parallel_loop3A_317 : vector<16xi32>
        %parallel_loop3A_319 = arith.constant 15 : i32
        %parallel_loop3A_320 = vector.broadcast %parallel_loop3A_319 : i32 to vector<16xi32>
        %parallel_loop3A_321 = arith.minsi %parallel_loop3A_318, %parallel_loop3A_320 : vector<16xi32>
        %parallel_loop3A_322 = vector.broadcast %parallel_loop3A_262 : i32 to vector<16xi32>
        %parallel_loop3A_323 = arith.addi %parallel_loop3A_322, %parallel_loop3A_321 : vector<16xi32>
        %parallel_loop3A_324 = arith.constant 1 : i32
        %parallel_loop3A_325 = arith.constant 0 : i32
        %parallel_loop3A_326 = tpu.memref_slice %arg11[%parallel_loop3A_324, %parallel_loop3A_325] : memref<2x2048xi32, #tpu.memory_space<vmem>> -> memref<1x2048xi32, #tpu.memory_space<vmem>>
        %parallel_loop3A_327 = tpu.memref_squeeze %parallel_loop3A_326 : memref<1x2048xi32, #tpu.memory_space<vmem>> -> memref<2048xi32, #tpu.memory_space<vmem>>
        %parallel_loop3A_328 = tpu.vector_load_idx %parallel_loop3A_327[%parallel_loop3A_323] : memref<2048xi32, #tpu.memory_space<vmem>>[vector<16xi32>], vector<16xi32>,
        %parallel_loop3A_329 = arith.mulf %parallel_loop3A_279, %parallel_loop3A_303 : vector<16xf32>
        %parallel_loop3A_330 = arith.addf %parallel_loop3A_329, %parallel_loop3A_297 : vector<16xf32>
        %parallel_loop3A_331 = arith.mulf %parallel_loop3A_279, %parallel_loop3A_309 : vector<16xf32>
        %parallel_loop3A_332 = arith.addf %parallel_loop3A_331, %parallel_loop3A_285 : vector<16xf32>
        %parallel_loop3A_333 = arith.mulf %parallel_loop3A_279, %parallel_loop3A_315 : vector<16xf32>
        %parallel_loop3A_334 = arith.addf %parallel_loop3A_333, %parallel_loop3A_291 : vector<16xf32>
        %parallel_loop3A_335 = arith.mulf %parallel_loop3A_303, %parallel_loop3A_303 : vector<16xf32>
        %parallel_loop3A_336 = arith.mulf %parallel_loop3A_309, %parallel_loop3A_309 : vector<16xf32>
        %parallel_loop3A_337 = arith.addf %parallel_loop3A_335, %parallel_loop3A_336 : vector<16xf32>
        %parallel_loop3A_338 = arith.mulf %parallel_loop3A_315, %parallel_loop3A_315 : vector<16xf32>
        %parallel_loop3A_339 = arith.addf %parallel_loop3A_337, %parallel_loop3A_338 : vector<16xf32>
        %parallel_loop3A_340 = arith.mulf %parallel_loop3A_303, %parallel_loop3A_297 : vector<16xf32>
        %parallel_loop3A_341 = arith.mulf %parallel_loop3A_309, %parallel_loop3A_285 : vector<16xf32>
        %parallel_loop3A_342 = arith.addf %parallel_loop3A_340, %parallel_loop3A_341 : vector<16xf32>
        %parallel_loop3A_343 = arith.mulf %parallel_loop3A_315, %parallel_loop3A_291 : vector<16xf32>
        %parallel_loop3A_344 = arith.addf %parallel_loop3A_342, %parallel_loop3A_343 : vector<16xf32>
        %parallel_loop3A_345 = arith.mulf %parallel_loop3A_339, %parallel_loop3A_279 : vector<16xf32>
        %parallel_loop3A_346 = arith.constant 2.000000e+00 : f32
        %parallel_loop3A_347 = vector.broadcast %parallel_loop3A_346 : f32 to vector<16xf32>
        %parallel_loop3A_348 = arith.mulf %parallel_loop3A_347, %parallel_loop3A_344 : vector<16xf32>
        %parallel_loop3A_349 = arith.addf %parallel_loop3A_345, %parallel_loop3A_348 : vector<16xf32>
        %parallel_loop3A_350 = arith.cmpi ne, %parallel_loop3A_275, %parallel_loop3A_328 : vector<16xi32>
        %parallel_loop3A_351 = arith.constant 15 : i32
        %parallel_loop3A_352 = vector.broadcast %parallel_loop3A_351 : i32 to vector<16xi32>
        %parallel_loop3A_353 = arith.cmpi eq, %iota3A, %parallel_loop3A_352 : vector<16xi32>
        %parallel_loop3A_354 = arith.ori %parallel_loop3A_350, %parallel_loop3A_353 : vector<16xi1>
        %parallel_loop3A_355 = arith.constant true
        %parallel_loop3A_356 = vector.broadcast %parallel_loop3A_355 : i1 to vector<16xi1>
        %parallel_loop3A_357 = tpu.scan <sum>, %parallel_loop3A_279 masked %parallel_loop3A_356 : vector<16xf32>, vector<16xi1> -> vector<16xf32>
        %parallel_loop3A_358 = arith.constant 0 : i32
        %parallel_loop3A_359 = vector.broadcast %parallel_loop3A_358 : i32 to vector<16xi32>
        %parallel_loop3A_360 = arith.addi %parallel_loop3A_275, %parallel_loop3A_359 : vector<16xi32>
        tpu.vector_store_idx %arg8[%parallel_loop3A_360], %parallel_loop3A_357 masked %parallel_loop3A_354 {add = true} : memref<20480xf32, #tpu.memory_space<vmem>>[vector<16xi32>], vector<16xf32>, vector<16xi1>
        %parallel_loop3A_361 = arith.constant 0 : i32
        %parallel_loop3A_362 = vector.broadcast %parallel_loop3A_361 : i32 to vector<16xi32>
        %parallel_loop3A_363 = arith.addi %parallel_loop3A_328, %parallel_loop3A_362 : vector<16xi32>
        %parallel_loop3A_364 = arith.constant 0.000000e+00 : f32
        %parallel_loop3A_365 = vector.broadcast %parallel_loop3A_364 : f32 to vector<16xf32>
        %parallel_loop3A_366 = arith.subf %parallel_loop3A_365, %parallel_loop3A_357 : vector<16xf32>
        tpu.vector_store_idx %arg8[%parallel_loop3A_363], %parallel_loop3A_366 masked %parallel_loop3A_350 {add = true} : memref<20480xf32, #tpu.memory_space<vmem>>[vector<16xi32>], vector<16xf32>, vector<16xi1>
        %parallel_loop3A_367 = arith.constant true
        %parallel_loop3A_368 = vector.broadcast %parallel_loop3A_367 : i1 to vector<16xi1>
        %parallel_loop3A_369 = tpu.scan <sum>, %parallel_loop3A_330 masked %parallel_loop3A_368 : vector<16xf32>, vector<16xi1> -> vector<16xf32>
        %parallel_loop3A_370 = arith.constant 4096 : i32
        %parallel_loop3A_371 = vector.broadcast %parallel_loop3A_370 : i32 to vector<16xi32>
        %parallel_loop3A_372 = arith.addi %parallel_loop3A_275, %parallel_loop3A_371 : vector<16xi32>
        tpu.vector_store_idx %arg8[%parallel_loop3A_372], %parallel_loop3A_369 masked %parallel_loop3A_354 {add = true} : memref<20480xf32, #tpu.memory_space<vmem>>[vector<16xi32>], vector<16xf32>, vector<16xi1>
        %parallel_loop3A_373 = arith.constant 4096 : i32
        %parallel_loop3A_374 = vector.broadcast %parallel_loop3A_373 : i32 to vector<16xi32>
        %parallel_loop3A_375 = arith.addi %parallel_loop3A_328, %parallel_loop3A_374 : vector<16xi32>
        %parallel_loop3A_376 = arith.constant 0.000000e+00 : f32
        %parallel_loop3A_377 = vector.broadcast %parallel_loop3A_376 : f32 to vector<16xf32>
        %parallel_loop3A_378 = arith.subf %parallel_loop3A_377, %parallel_loop3A_369 : vector<16xf32>
        tpu.vector_store_idx %arg8[%parallel_loop3A_375], %parallel_loop3A_378 masked %parallel_loop3A_350 {add = true} : memref<20480xf32, #tpu.memory_space<vmem>>[vector<16xi32>], vector<16xf32>, vector<16xi1>
        %parallel_loop3A_379 = arith.constant true
        %parallel_loop3A_380 = vector.broadcast %parallel_loop3A_379 : i1 to vector<16xi1>
        %parallel_loop3A_381 = tpu.scan <sum>, %parallel_loop3A_332 masked %parallel_loop3A_380 : vector<16xf32>, vector<16xi1> -> vector<16xf32>
        %parallel_loop3A_382 = arith.constant 8192 : i32
        %parallel_loop3A_383 = vector.broadcast %parallel_loop3A_382 : i32 to vector<16xi32>
        %parallel_loop3A_384 = arith.addi %parallel_loop3A_275, %parallel_loop3A_383 : vector<16xi32>
        tpu.vector_store_idx %arg8[%parallel_loop3A_384], %parallel_loop3A_381 masked %parallel_loop3A_354 {add = true} : memref<20480xf32, #tpu.memory_space<vmem>>[vector<16xi32>], vector<16xf32>, vector<16xi1>
        %parallel_loop3A_385 = arith.constant 8192 : i32
        %parallel_loop3A_386 = vector.broadcast %parallel_loop3A_385 : i32 to vector<16xi32>
        %parallel_loop3A_387 = arith.addi %parallel_loop3A_328, %parallel_loop3A_386 : vector<16xi32>
        %parallel_loop3A_388 = arith.constant 0.000000e+00 : f32
        %parallel_loop3A_389 = vector.broadcast %parallel_loop3A_388 : f32 to vector<16xf32>
        %parallel_loop3A_390 = arith.subf %parallel_loop3A_389, %parallel_loop3A_381 : vector<16xf32>
        tpu.vector_store_idx %arg8[%parallel_loop3A_387], %parallel_loop3A_390 masked %parallel_loop3A_350 {add = true} : memref<20480xf32, #tpu.memory_space<vmem>>[vector<16xi32>], vector<16xf32>, vector<16xi1>
        %parallel_loop3A_391 = arith.constant true
        %parallel_loop3A_392 = vector.broadcast %parallel_loop3A_391 : i1 to vector<16xi1>
        %parallel_loop3A_393 = tpu.scan <sum>, %parallel_loop3A_334 masked %parallel_loop3A_392 : vector<16xf32>, vector<16xi1> -> vector<16xf32>
        %parallel_loop3A_394 = arith.constant 12288 : i32
        %parallel_loop3A_395 = vector.broadcast %parallel_loop3A_394 : i32 to vector<16xi32>
        %parallel_loop3A_396 = arith.addi %parallel_loop3A_275, %parallel_loop3A_395 : vector<16xi32>
        tpu.vector_store_idx %arg8[%parallel_loop3A_396], %parallel_loop3A_393 masked %parallel_loop3A_354 {add = true} : memref<20480xf32, #tpu.memory_space<vmem>>[vector<16xi32>], vector<16xf32>, vector<16xi1>
        %parallel_loop3A_397 = arith.constant 12288 : i32
        %parallel_loop3A_398 = vector.broadcast %parallel_loop3A_397 : i32 to vector<16xi32>
        %parallel_loop3A_399 = arith.addi %parallel_loop3A_328, %parallel_loop3A_398 : vector<16xi32>
        %parallel_loop3A_400 = arith.constant 0.000000e+00 : f32
        %parallel_loop3A_401 = vector.broadcast %parallel_loop3A_400 : f32 to vector<16xf32>
        %parallel_loop3A_402 = arith.subf %parallel_loop3A_401, %parallel_loop3A_393 : vector<16xf32>
        tpu.vector_store_idx %arg8[%parallel_loop3A_399], %parallel_loop3A_402 masked %parallel_loop3A_350 {add = true} : memref<20480xf32, #tpu.memory_space<vmem>>[vector<16xi32>], vector<16xf32>, vector<16xi1>
        %parallel_loop3A_403 = arith.constant true
        %parallel_loop3A_404 = vector.broadcast %parallel_loop3A_403 : i1 to vector<16xi1>
        %parallel_loop3A_405 = tpu.scan <sum>, %parallel_loop3A_349 masked %parallel_loop3A_404 : vector<16xf32>, vector<16xi1> -> vector<16xf32>
        %parallel_loop3A_406 = arith.constant 16384 : i32
        %parallel_loop3A_407 = vector.broadcast %parallel_loop3A_406 : i32 to vector<16xi32>
        %parallel_loop3A_408 = arith.addi %parallel_loop3A_275, %parallel_loop3A_407 : vector<16xi32>
        tpu.vector_store_idx %arg8[%parallel_loop3A_408], %parallel_loop3A_405 masked %parallel_loop3A_354 {add = true} : memref<20480xf32, #tpu.memory_space<vmem>>[vector<16xi32>], vector<16xf32>, vector<16xi1>
        %parallel_loop3A_409 = arith.constant 16384 : i32
        %parallel_loop3A_410 = vector.broadcast %parallel_loop3A_409 : i32 to vector<16xi32>
        %parallel_loop3A_411 = arith.addi %parallel_loop3A_328, %parallel_loop3A_410 : vector<16xi32>
        %parallel_loop3A_412 = arith.constant 0.000000e+00 : f32
        %parallel_loop3A_413 = vector.broadcast %parallel_loop3A_412 : f32 to vector<16xf32>
        %parallel_loop3A_414 = arith.subf %parallel_loop3A_413, %parallel_loop3A_405 : vector<16xf32>
        tpu.vector_store_idx %arg8[%parallel_loop3A_411], %parallel_loop3A_414 masked %parallel_loop3A_350 {add = true} : memref<20480xf32, #tpu.memory_space<vmem>>[vector<16xi32>], vector<16xf32>, vector<16xi1>
        scf.yield %parallel_loop3A_260 : i32
      } {sc.loop_unroll_factor = 2 : i64, sc.parallel_access}
      scf.yield %parallel_loop3A_258 : i32
    }
    %scan3A_70 = arith.constant 4 : i32
    "tpu.region"() ({
      %run_scoped3A = tpu.sem_alloc : memref<!tpu.dma_semaphore, #tpu.memory_space<semaphore_mem>>
      %dma_start3A_71 = arith.constant 0 : i32
      %dma_start3A_72 = tpu.memref_slice %arg7[%add3A, %dma_start3A_71] : memref<32x20480xf32, #tpu.memory_space<hbm>> -> memref<1x20480xf32, #tpu.memory_space<hbm>>
      %dma_start3A_73 = tpu.memref_squeeze %dma_start3A_72 : memref<1x20480xf32, #tpu.memory_space<hbm>> -> memref<20480xf32, #tpu.memory_space<hbm>>
      %dma_start3A_74 = arith.constant 0 : i32
      %dma_start3A_75 = tpu.memref_slice %arg7[%add3A, %dma_start3A_74] : memref<32x20480xf32, #tpu.memory_space<hbm>> -> memref<1x20480xf32, #tpu.memory_space<hbm>>
      %dma_start3A_76 = tpu.memref_squeeze %dma_start3A_75 : memref<1x20480xf32, #tpu.memory_space<hbm>> -> memref<20480xf32, #tpu.memory_space<hbm>>
      tpu.enqueue_dma source(%arg8 : memref<20480xf32, #tpu.memory_space<vmem>>) target(%dma_start3A_76 : memref<20480xf32, #tpu.memory_space<hbm>>) target_semaphore(%run_scoped3A : memref<!tpu.dma_semaphore, #tpu.memory_space<semaphore_mem>>)
      %dma_wait3A = arith.constant 0 : i32
      %dma_wait3A_77 = tpu.memref_slice %arg7[%add3A, %dma_wait3A] : memref<32x20480xf32, #tpu.memory_space<hbm>> -> memref<1x20480xf32, #tpu.memory_space<hbm>>
      %dma_wait3A_78 = tpu.memref_squeeze %dma_wait3A_77 : memref<1x20480xf32, #tpu.memory_space<hbm>> -> memref<20480xf32, #tpu.memory_space<hbm>>
      %dma_wait3A_79 = arith.constant 0 : i32
      %dma_wait3A_80 = tpu.memref_slice %arg7[%add3A, %dma_wait3A_79] : memref<32x20480xf32, #tpu.memory_space<hbm>> -> memref<1x20480xf32, #tpu.memory_space<hbm>>
      %dma_wait3A_81 = tpu.memref_squeeze %dma_wait3A_80 : memref<1x20480xf32, #tpu.memory_space<hbm>> -> memref<20480xf32, #tpu.memory_space<hbm>>
      tpu.wait_dma2 semaphore(%run_scoped3A : memref<!tpu.dma_semaphore, #tpu.memory_space<semaphore_mem>>) src(%arg8 : memref<20480xf32, #tpu.memory_space<vmem>>) dst(%dma_wait3A_81 : memref<20480xf32, #tpu.memory_space<hbm>>)
      tpu.yield
    }) : () -> ()
    return
  }
}

#map = affine_map<(d0, d1) -> (0)>
#map1 = affine_map<(d0, d1) -> (0, 0)>
module attributes {stable_mosaic.version = 14 : i64} {
  func.func @body(%arg0: i32, %arg1: i32, %arg2: memref<2097152xf32, #tpu.memory_space<hbm>>, %arg3: memref<524288xf32, #tpu.memory_space<hbm>>, %arg4: memref<524288xf32, #tpu.memory_space<hbm>>, %arg5: memref<524288xf32, #tpu.memory_space<hbm>>, %arg6: memref<524288xi32, #tpu.memory_space<hbm>>, %arg7: memref<32x20480xf32, #tpu.memory_space<hbm>>, %arg8: memref<20480xf32, #tpu.memory_space<vmem>>, %arg9: memref<2x8192xf32, #tpu.memory_space<vmem>>, %arg10: memref<2x3x2048xf32, #tpu.memory_space<vmem>>, %arg11: memref<2x2048xi32, #tpu.memory_space<vmem>>, %arg12: memref<!tpu.dma_semaphore, #tpu.memory_space<semaphore_mem>>, %arg13: memref<!tpu.dma_semaphore, #tpu.memory_space<semaphore_mem>>) attributes {dimension_semantics = [#tpu.dimension_semantics<core_parallel>, #tpu.dimension_semantics<subcore_parallel>], iteration_bounds = array<i64: 2, 16>, scalar_prefetch = 0 : i64, scratch_operands = 6 : i64, tpu.core_type = #tpu.core_type<sc_vector_subcore>, window_params = [{transform_indices = #map}, {transform_indices = #map}, {transform_indices = #map}, {transform_indices = #map}, {transform_indices = #map}, {transform_indices = #map1}]} {
    %mul3A = arith.constant 2 : i32
    %mul3A_0 = arith.muli %arg1, %mul3A : i32
    %add3A = arith.addi %mul3A_0, %arg0 : i32
    %mul3A_1 = arith.constant 128 : i32
    %mul3A_2 = arith.muli %add3A, %mul3A_1 : i32
    %mul3A_3 = arith.constant 128 : i32
    %mul3A_4 = arith.muli %mul3A_2, %mul3A_3 : i32
    %iota3A = tpu.iota {dimensions = array<i32: 0>} : vector<16xi32>
    %broadcast_in_dim3A = arith.constant 0.000000e+00 : f32
    %broadcast_in_dim3A_5 = vector.broadcast %broadcast_in_dim3A : f32 to vector<16xf32>
    %scan3A = arith.constant 0 : i32
    %scan3A_6 = arith.constant 0 : i32
    %scan3A_7 = arith.constant 1280 : i32
    %scan3A_8 = arith.addi %scan3A_6, %scan3A_7 : i32
    %scan3A_9 = arith.constant 1 : i32
    scf.for %scan3A_71 = %scan3A_6 to %scan3A_8 step %scan3A_9  : i32 {
      %mul3A_72 = arith.constant 16 : i32
      %mul3A_73 = arith.muli %scan3A_71, %mul3A_72 : i32
      %swap3A = arith.index_cast %mul3A_73 : i32 to index
      %swap3A_74 = tpu.vector_load %arg8[%swap3A] {strides = array<i32>} : memref<20480xf32, #tpu.memory_space<vmem>>, vector<16xf32>,
      tpu.vector_store %arg8[%swap3A], %broadcast_in_dim3A_5 {strides = array<i32>} : memref<20480xf32, #tpu.memory_space<vmem>>, vector<16xf32>,
    }
    %scan3A_10 = arith.constant 1280 : i32
    %add3A_11 = arith.constant 0 : i32
    %add3A_12 = arith.addi %mul3A_2, %add3A_11 : i32
    %mul3A_13 = arith.constant 512 : i32
    %mul3A_14 = arith.muli %add3A_12, %mul3A_13 : i32
    %dma_start3A = arith.constant 0 : i32
    %dma_start3A_15 = arith.constant 0 : i32
    %dma_start3A_16 = tpu.memref_slice %arg9[%dma_start3A, %dma_start3A_15] : memref<2x8192xf32, #tpu.memory_space<vmem>> -> memref<1x8192xf32, #tpu.memory_space<vmem>>
    %dma_start3A_17 = tpu.memref_squeeze %dma_start3A_16 : memref<1x8192xf32, #tpu.memory_space<vmem>> -> memref<8192xf32, #tpu.memory_space<vmem>>
    %dma_start3A_18 = tpu.memref_slice %arg2[%mul3A_14] : memref<2097152xf32, #tpu.memory_space<hbm>> -> memref<8192xf32, #tpu.memory_space<hbm>>
    %dma_start3A_19 = arith.constant 0 : i32
    %dma_start3A_20 = tpu.memref_slice %arg9[%dma_start3A, %dma_start3A_19] : memref<2x8192xf32, #tpu.memory_space<vmem>> -> memref<1x8192xf32, #tpu.memory_space<vmem>>
    %dma_start3A_21 = tpu.memref_squeeze %dma_start3A_20 : memref<1x8192xf32, #tpu.memory_space<vmem>> -> memref<8192xf32, #tpu.memory_space<vmem>>
    %dma_start3A_22 = tpu.memref_slice %arg2[%mul3A_14] : memref<2097152xf32, #tpu.memory_space<hbm>> -> memref<8192xf32, #tpu.memory_space<hbm>>
    tpu.enqueue_dma source(%dma_start3A_22 : memref<8192xf32, #tpu.memory_space<hbm>>) target(%dma_start3A_21 : memref<8192xf32, #tpu.memory_space<vmem>>) target_semaphore(%arg12 : memref<!tpu.dma_semaphore, #tpu.memory_space<semaphore_mem>>)
    %add3A_23 = arith.constant 0 : i32
    %add3A_24 = arith.addi %mul3A_4, %add3A_23 : i32
    %dma_start3A_25 = arith.constant 0 : i32
    %dma_start3A_26 = arith.constant 0 : i32
    %dma_start3A_27 = arith.constant 0 : i32
    %dma_start3A_28 = tpu.memref_slice %arg10[%dma_start3A_25, %dma_start3A_26, %dma_start3A_27] : memref<2x3x2048xf32, #tpu.memory_space<vmem>> -> memref<1x1x2048xf32, #tpu.memory_space<vmem>>
    %dma_start3A_29 = tpu.memref_squeeze %dma_start3A_28 : memref<1x1x2048xf32, #tpu.memory_space<vmem>> -> memref<2048xf32, #tpu.memory_space<vmem>>
    %dma_start3A_30 = tpu.memref_slice %arg3[%add3A_24] : memref<524288xf32, #tpu.memory_space<hbm>> -> memref<2048xf32, #tpu.memory_space<hbm>>
    %dma_start3A_31 = arith.constant 0 : i32
    %dma_start3A_32 = tpu.memref_slice %arg10[%dma_start3A_25, %dma_start3A_26, %dma_start3A_31] : memref<2x3x2048xf32, #tpu.memory_space<vmem>> -> memref<1x1x2048xf32, #tpu.memory_space<vmem>>
    %dma_start3A_33 = tpu.memref_squeeze %dma_start3A_32 : memref<1x1x2048xf32, #tpu.memory_space<vmem>> -> memref<2048xf32, #tpu.memory_space<vmem>>
    %dma_start3A_34 = tpu.memref_slice %arg3[%add3A_24] : memref<524288xf32, #tpu.memory_space<hbm>> -> memref<2048xf32, #tpu.memory_space<hbm>>
    tpu.enqueue_dma source(%dma_start3A_34 : memref<2048xf32, #tpu.memory_space<hbm>>) target(%dma_start3A_33 : memref<2048xf32, #tpu.memory_space<vmem>>) target_semaphore(%arg12 : memref<!tpu.dma_semaphore, #tpu.memory_space<semaphore_mem>>)
    %dma_start3A_35 = arith.constant 0 : i32
    %dma_start3A_36 = arith.constant 1 : i32
    %dma_start3A_37 = arith.constant 0 : i32
    %dma_start3A_38 = tpu.memref_slice %arg10[%dma_start3A_35, %dma_start3A_36, %dma_start3A_37] : memref<2x3x2048xf32, #tpu.memory_space<vmem>> -> memref<1x1x2048xf32, #tpu.memory_space<vmem>>
    %dma_start3A_39 = tpu.memref_squeeze %dma_start3A_38 : memref<1x1x2048xf32, #tpu.memory_space<vmem>> -> memref<2048xf32, #tpu.memory_space<vmem>>
    %dma_start3A_40 = tpu.memref_slice %arg4[%add3A_24] : memref<524288xf32, #tpu.memory_space<hbm>> -> memref<2048xf32, #tpu.memory_space<hbm>>
    %dma_start3A_41 = arith.constant 0 : i32
    %dma_start3A_42 = tpu.memref_slice %arg10[%dma_start3A_35, %dma_start3A_36, %dma_start3A_41] : memref<2x3x2048xf32, #tpu.memory_space<vmem>> -> memref<1x1x2048xf32, #tpu.memory_space<vmem>>
    %dma_start3A_43 = tpu.memref_squeeze %dma_start3A_42 : memref<1x1x2048xf32, #tpu.memory_space<vmem>> -> memref<2048xf32, #tpu.memory_space<vmem>>
    %dma_start3A_44 = tpu.memref_slice %arg4[%add3A_24] : memref<524288xf32, #tpu.memory_space<hbm>> -> memref<2048xf32, #tpu.memory_space<hbm>>
    tpu.enqueue_dma source(%dma_start3A_44 : memref<2048xf32, #tpu.memory_space<hbm>>) target(%dma_start3A_43 : memref<2048xf32, #tpu.memory_space<vmem>>) target_semaphore(%arg12 : memref<!tpu.dma_semaphore, #tpu.memory_space<semaphore_mem>>)
    %dma_start3A_45 = arith.constant 0 : i32
    %dma_start3A_46 = arith.constant 2 : i32
    %dma_start3A_47 = arith.constant 0 : i32
    %dma_start3A_48 = tpu.memref_slice %arg10[%dma_start3A_45, %dma_start3A_46, %dma_start3A_47] : memref<2x3x2048xf32, #tpu.memory_space<vmem>> -> memref<1x1x2048xf32, #tpu.memory_space<vmem>>
    %dma_start3A_49 = tpu.memref_squeeze %dma_start3A_48 : memref<1x1x2048xf32, #tpu.memory_space<vmem>> -> memref<2048xf32, #tpu.memory_space<vmem>>
    %dma_start3A_50 = tpu.memref_slice %arg5[%add3A_24] : memref<524288xf32, #tpu.memory_space<hbm>> -> memref<2048xf32, #tpu.memory_space<hbm>>
    %dma_start3A_51 = arith.constant 0 : i32
    %dma_start3A_52 = tpu.memref_slice %arg10[%dma_start3A_45, %dma_start3A_46, %dma_start3A_51] : memref<2x3x2048xf32, #tpu.memory_space<vmem>> -> memref<1x1x2048xf32, #tpu.memory_space<vmem>>
    %dma_start3A_53 = tpu.memref_squeeze %dma_start3A_52 : memref<1x1x2048xf32, #tpu.memory_space<vmem>> -> memref<2048xf32, #tpu.memory_space<vmem>>
    %dma_start3A_54 = tpu.memref_slice %arg5[%add3A_24] : memref<524288xf32, #tpu.memory_space<hbm>> -> memref<2048xf32, #tpu.memory_space<hbm>>
    tpu.enqueue_dma source(%dma_start3A_54 : memref<2048xf32, #tpu.memory_space<hbm>>) target(%dma_start3A_53 : memref<2048xf32, #tpu.memory_space<vmem>>) target_semaphore(%arg12 : memref<!tpu.dma_semaphore, #tpu.memory_space<semaphore_mem>>)
    %dma_start3A_55 = arith.constant 0 : i32
    %dma_start3A_56 = arith.constant 0 : i32
    %dma_start3A_57 = tpu.memref_slice %arg11[%dma_start3A_55, %dma_start3A_56] : memref<2x2048xi32, #tpu.memory_space<vmem>> -> memref<1x2048xi32, #tpu.memory_space<vmem>>
    %dma_start3A_58 = tpu.memref_squeeze %dma_start3A_57 : memref<1x2048xi32, #tpu.memory_space<vmem>> -> memref<2048xi32, #tpu.memory_space<vmem>>
    %dma_start3A_59 = tpu.memref_slice %arg6[%add3A_24] : memref<524288xi32, #tpu.memory_space<hbm>> -> memref<2048xi32, #tpu.memory_space<hbm>>
    %dma_start3A_60 = arith.constant 0 : i32
    %dma_start3A_61 = tpu.memref_slice %arg11[%dma_start3A_55, %dma_start3A_60] : memref<2x2048xi32, #tpu.memory_space<vmem>> -> memref<1x2048xi32, #tpu.memory_space<vmem>>
    %dma_start3A_62 = tpu.memref_squeeze %dma_start3A_61 : memref<1x2048xi32, #tpu.memory_space<vmem>> -> memref<2048xi32, #tpu.memory_space<vmem>>
    %dma_start3A_63 = tpu.memref_slice %arg6[%add3A_24] : memref<524288xi32, #tpu.memory_space<hbm>> -> memref<2048xi32, #tpu.memory_space<hbm>>
    tpu.enqueue_dma source(%dma_start3A_63 : memref<2048xi32, #tpu.memory_space<hbm>>) target(%dma_start3A_62 : memref<2048xi32, #tpu.memory_space<vmem>>) target_semaphore(%arg12 : memref<!tpu.dma_semaphore, #tpu.memory_space<semaphore_mem>>)
    %scan3A_64 = arith.constant 0 : i32
    %scan3A_65 = arith.constant 0 : i32
    %scan3A_66 = arith.constant 4 : i32
    %scan3A_67 = arith.addi %scan3A_65, %scan3A_66 : i32
    %scan3A_68 = arith.constant 1 : i32
    %scan3A_69 = scf.for %scan3A_71 = %scan3A_65 to %scan3A_67 step %scan3A_68 iter_args(%scan3A_72 = %scan3A_64) -> (i32)  : i32 {
      %mul3A_73 = arith.constant 2 : i32
      %mul3A_74 = arith.muli %mul3A_73, %scan3A_71 : i32
      %add3A_75 = arith.constant 1 : i32
      %add3A_76 = arith.addi %mul3A_74, %add3A_75 : i32
      %mul3A_77 = arith.constant 16 : i32
      %mul3A_78 = arith.muli %add3A_76, %mul3A_77 : i32
      %add3A_79 = arith.addi %mul3A_2, %mul3A_78 : i32
      %mul3A_80 = arith.constant 512 : i32
      %mul3A_81 = arith.muli %add3A_79, %mul3A_80 : i32
      %dma_start3A_82 = arith.constant 1 : i32
      %dma_start3A_83 = arith.constant 0 : i32
      %dma_start3A_84 = tpu.memref_slice %arg9[%dma_start3A_82, %dma_start3A_83] : memref<2x8192xf32, #tpu.memory_space<vmem>> -> memref<1x8192xf32, #tpu.memory_space<vmem>>
      %dma_start3A_85 = tpu.memref_squeeze %dma_start3A_84 : memref<1x8192xf32, #tpu.memory_space<vmem>> -> memref<8192xf32, #tpu.memory_space<vmem>>
      %dma_start3A_86 = tpu.memref_slice %arg2[%mul3A_81] : memref<2097152xf32, #tpu.memory_space<hbm>> -> memref<8192xf32, #tpu.memory_space<hbm>>
      %dma_start3A_87 = arith.constant 0 : i32
      %dma_start3A_88 = tpu.memref_slice %arg9[%dma_start3A_82, %dma_start3A_87] : memref<2x8192xf32, #tpu.memory_space<vmem>> -> memref<1x8192xf32, #tpu.memory_space<vmem>>
      %dma_start3A_89 = tpu.memref_squeeze %dma_start3A_88 : memref<1x8192xf32, #tpu.memory_space<vmem>> -> memref<8192xf32, #tpu.memory_space<vmem>>
      %dma_start3A_90 = tpu.memref_slice %arg2[%mul3A_81] : memref<2097152xf32, #tpu.memory_space<hbm>> -> memref<8192xf32, #tpu.memory_space<hbm>>
      tpu.enqueue_dma source(%dma_start3A_90 : memref<8192xf32, #tpu.memory_space<hbm>>) target(%dma_start3A_89 : memref<8192xf32, #tpu.memory_space<vmem>>) target_semaphore(%arg13 : memref<!tpu.dma_semaphore, #tpu.memory_space<semaphore_mem>>)
      %mul3A_91 = arith.constant 2048 : i32
      %mul3A_92 = arith.muli %add3A_76, %mul3A_91 : i32
      %add3A_93 = arith.addi %mul3A_4, %mul3A_92 : i32
      %dma_start3A_94 = arith.constant 1 : i32
      %dma_start3A_95 = arith.constant 0 : i32
      %dma_start3A_96 = arith.constant 0 : i32
      %dma_start3A_97 = tpu.memref_slice %arg10[%dma_start3A_94, %dma_start3A_95, %dma_start3A_96] : memref<2x3x2048xf32, #tpu.memory_space<vmem>> -> memref<1x1x2048xf32, #tpu.memory_space<vmem>>
      %dma_start3A_98 = tpu.memref_squeeze %dma_start3A_97 : memref<1x1x2048xf32, #tpu.memory_space<vmem>> -> memref<2048xf32, #tpu.memory_space<vmem>>
      %dma_start3A_99 = tpu.memref_slice %arg3[%add3A_93] : memref<524288xf32, #tpu.memory_space<hbm>> -> memref<2048xf32, #tpu.memory_space<hbm>>
      %dma_start3A_100 = arith.constant 0 : i32
      %dma_start3A_101 = tpu.memref_slice %arg10[%dma_start3A_94, %dma_start3A_95, %dma_start3A_100] : memref<2x3x2048xf32, #tpu.memory_space<vmem>> -> memref<1x1x2048xf32, #tpu.memory_space<vmem>>
      %dma_start3A_102 = tpu.memref_squeeze %dma_start3A_101 : memref<1x1x2048xf32, #tpu.memory_space<vmem>> -> memref<2048xf32, #tpu.memory_space<vmem>>
      %dma_start3A_103 = tpu.memref_slice %arg3[%add3A_93] : memref<524288xf32, #tpu.memory_space<hbm>> -> memref<2048xf32, #tpu.memory_space<hbm>>
      tpu.enqueue_dma source(%dma_start3A_103 : memref<2048xf32, #tpu.memory_space<hbm>>) target(%dma_start3A_102 : memref<2048xf32, #tpu.memory_space<vmem>>) target_semaphore(%arg13 : memref<!tpu.dma_semaphore, #tpu.memory_space<semaphore_mem>>)
      %dma_start3A_104 = arith.constant 1 : i32
      %dma_start3A_105 = arith.constant 1 : i32
      %dma_start3A_106 = arith.constant 0 : i32
      %dma_start3A_107 = tpu.memref_slice %arg10[%dma_start3A_104, %dma_start3A_105, %dma_start3A_106] : memref<2x3x2048xf32, #tpu.memory_space<vmem>> -> memref<1x1x2048xf32, #tpu.memory_space<vmem>>
      %dma_start3A_108 = tpu.memref_squeeze %dma_start3A_107 : memref<1x1x2048xf32, #tpu.memory_space<vmem>> -> memref<2048xf32, #tpu.memory_space<vmem>>
      %dma_start3A_109 = tpu.memref_slice %arg4[%add3A_93] : memref<524288xf32, #tpu.memory_space<hbm>> -> memref<2048xf32, #tpu.memory_space<hbm>>
      %dma_start3A_110 = arith.constant 0 : i32
      %dma_start3A_111 = tpu.memref_slice %arg10[%dma_start3A_104, %dma_start3A_105, %dma_start3A_110] : memref<2x3x2048xf32, #tpu.memory_space<vmem>> -> memref<1x1x2048xf32, #tpu.memory_space<vmem>>
      %dma_start3A_112 = tpu.memref_squeeze %dma_start3A_111 : memref<1x1x2048xf32, #tpu.memory_space<vmem>> -> memref<2048xf32, #tpu.memory_space<vmem>>
      %dma_start3A_113 = tpu.memref_slice %arg4[%add3A_93] : memref<524288xf32, #tpu.memory_space<hbm>> -> memref<2048xf32, #tpu.memory_space<hbm>>
      tpu.enqueue_dma source(%dma_start3A_113 : memref<2048xf32, #tpu.memory_space<hbm>>) target(%dma_start3A_112 : memref<2048xf32, #tpu.memory_space<vmem>>) target_semaphore(%arg13 : memref<!tpu.dma_semaphore, #tpu.memory_space<semaphore_mem>>)
      %dma_start3A_114 = arith.constant 1 : i32
      %dma_start3A_115 = arith.constant 2 : i32
      %dma_start3A_116 = arith.constant 0 : i32
      %dma_start3A_117 = tpu.memref_slice %arg10[%dma_start3A_114, %dma_start3A_115, %dma_start3A_116] : memref<2x3x2048xf32, #tpu.memory_space<vmem>> -> memref<1x1x2048xf32, #tpu.memory_space<vmem>>
      %dma_start3A_118 = tpu.memref_squeeze %dma_start3A_117 : memref<1x1x2048xf32, #tpu.memory_space<vmem>> -> memref<2048xf32, #tpu.memory_space<vmem>>
      %dma_start3A_119 = tpu.memref_slice %arg5[%add3A_93] : memref<524288xf32, #tpu.memory_space<hbm>> -> memref<2048xf32, #tpu.memory_space<hbm>>
      %dma_start3A_120 = arith.constant 0 : i32
      %dma_start3A_121 = tpu.memref_slice %arg10[%dma_start3A_114, %dma_start3A_115, %dma_start3A_120] : memref<2x3x2048xf32, #tpu.memory_space<vmem>> -> memref<1x1x2048xf32, #tpu.memory_space<vmem>>
      %dma_start3A_122 = tpu.memref_squeeze %dma_start3A_121 : memref<1x1x2048xf32, #tpu.memory_space<vmem>> -> memref<2048xf32, #tpu.memory_space<vmem>>
      %dma_start3A_123 = tpu.memref_slice %arg5[%add3A_93] : memref<524288xf32, #tpu.memory_space<hbm>> -> memref<2048xf32, #tpu.memory_space<hbm>>
      tpu.enqueue_dma source(%dma_start3A_123 : memref<2048xf32, #tpu.memory_space<hbm>>) target(%dma_start3A_122 : memref<2048xf32, #tpu.memory_space<vmem>>) target_semaphore(%arg13 : memref<!tpu.dma_semaphore, #tpu.memory_space<semaphore_mem>>)
      %dma_start3A_124 = arith.constant 1 : i32
      %dma_start3A_125 = arith.constant 0 : i32
      %dma_start3A_126 = tpu.memref_slice %arg11[%dma_start3A_124, %dma_start3A_125] : memref<2x2048xi32, #tpu.memory_space<vmem>> -> memref<1x2048xi32, #tpu.memory_space<vmem>>
      %dma_start3A_127 = tpu.memref_squeeze %dma_start3A_126 : memref<1x2048xi32, #tpu.memory_space<vmem>> -> memref<2048xi32, #tpu.memory_space<vmem>>
      %dma_start3A_128 = tpu.memref_slice %arg6[%add3A_93] : memref<524288xi32, #tpu.memory_space<hbm>> -> memref<2048xi32, #tpu.memory_space<hbm>>
      %dma_start3A_129 = arith.constant 0 : i32
      %dma_start3A_130 = tpu.memref_slice %arg11[%dma_start3A_124, %dma_start3A_129] : memref<2x2048xi32, #tpu.memory_space<vmem>> -> memref<1x2048xi32, #tpu.memory_space<vmem>>
      %dma_start3A_131 = tpu.memref_squeeze %dma_start3A_130 : memref<1x2048xi32, #tpu.memory_space<vmem>> -> memref<2048xi32, #tpu.memory_space<vmem>>
      %dma_start3A_132 = tpu.memref_slice %arg6[%add3A_93] : memref<524288xi32, #tpu.memory_space<hbm>> -> memref<2048xi32, #tpu.memory_space<hbm>>
      tpu.enqueue_dma source(%dma_start3A_132 : memref<2048xi32, #tpu.memory_space<hbm>>) target(%dma_start3A_131 : memref<2048xi32, #tpu.memory_space<vmem>>) target_semaphore(%arg13 : memref<!tpu.dma_semaphore, #tpu.memory_space<semaphore_mem>>)
      %dma_wait3A = arith.constant 0 : i32
      %dma_wait3A_133 = arith.constant 0 : i32
      %dma_wait3A_134 = tpu.memref_slice %arg9[%dma_wait3A, %dma_wait3A_133] : memref<2x8192xf32, #tpu.memory_space<vmem>> -> memref<1x8192xf32, #tpu.memory_space<vmem>>
      %dma_wait3A_135 = tpu.memref_squeeze %dma_wait3A_134 : memref<1x8192xf32, #tpu.memory_space<vmem>> -> memref<8192xf32, #tpu.memory_space<vmem>>
      %dma_wait3A_136 = arith.constant 0 : i32
      %dma_wait3A_137 = tpu.memref_slice %arg2[%dma_wait3A_136] : memref<2097152xf32, #tpu.memory_space<hbm>> -> memref<8192xf32, #tpu.memory_space<hbm>>
      %dma_wait3A_138 = arith.constant 0 : i32
      %dma_wait3A_139 = tpu.memref_slice %arg9[%dma_wait3A, %dma_wait3A_138] : memref<2x8192xf32, #tpu.memory_space<vmem>> -> memref<1x8192xf32, #tpu.memory_space<vmem>>
      %dma_wait3A_140 = tpu.memref_squeeze %dma_wait3A_139 : memref<1x8192xf32, #tpu.memory_space<vmem>> -> memref<8192xf32, #tpu.memory_space<vmem>>
      %dma_wait3A_141 = arith.constant 0 : i32
      %dma_wait3A_142 = tpu.memref_slice %arg2[%dma_wait3A_141] : memref<2097152xf32, #tpu.memory_space<hbm>> -> memref<8192xf32, #tpu.memory_space<hbm>>
      tpu.wait_dma2 semaphore(%arg12 : memref<!tpu.dma_semaphore, #tpu.memory_space<semaphore_mem>>) src(%dma_wait3A_142 : memref<8192xf32, #tpu.memory_space<hbm>>) dst(%dma_wait3A_140 : memref<8192xf32, #tpu.memory_space<vmem>>)
      %dma_wait3A_143 = arith.constant 0 : i32
      %dma_wait3A_144 = arith.constant 0 : i32
      %dma_wait3A_145 = arith.constant 0 : i32
      %dma_wait3A_146 = tpu.memref_slice %arg10[%dma_wait3A_143, %dma_wait3A_144, %dma_wait3A_145] : memref<2x3x2048xf32, #tpu.memory_space<vmem>> -> memref<1x1x2048xf32, #tpu.memory_space<vmem>>
      %dma_wait3A_147 = tpu.memref_squeeze %dma_wait3A_146 : memref<1x1x2048xf32, #tpu.memory_space<vmem>> -> memref<2048xf32, #tpu.memory_space<vmem>>
      %dma_wait3A_148 = arith.constant 0 : i32
      %dma_wait3A_149 = tpu.memref_slice %arg3[%dma_wait3A_148] : memref<524288xf32, #tpu.memory_space<hbm>> -> memref<2048xf32, #tpu.memory_space<hbm>>
      %dma_wait3A_150 = arith.constant 0 : i32
      %dma_wait3A_151 = tpu.memref_slice %arg10[%dma_wait3A_143, %dma_wait3A_144, %dma_wait3A_150] : memref<2x3x2048xf32, #tpu.memory_space<vmem>> -> memref<1x1x2048xf32, #tpu.memory_space<vmem>>
      %dma_wait3A_152 = tpu.memref_squeeze %dma_wait3A_151 : memref<1x1x2048xf32, #tpu.memory_space<vmem>> -> memref<2048xf32, #tpu.memory_space<vmem>>
      %dma_wait3A_153 = arith.constant 0 : i32
      %dma_wait3A_154 = tpu.memref_slice %arg3[%dma_wait3A_153] : memref<524288xf32, #tpu.memory_space<hbm>> -> memref<2048xf32, #tpu.memory_space<hbm>>
      tpu.wait_dma2 semaphore(%arg12 : memref<!tpu.dma_semaphore, #tpu.memory_space<semaphore_mem>>) src(%dma_wait3A_154 : memref<2048xf32, #tpu.memory_space<hbm>>) dst(%dma_wait3A_152 : memref<2048xf32, #tpu.memory_space<vmem>>)
      %dma_wait3A_155 = arith.constant 0 : i32
      %dma_wait3A_156 = arith.constant 1 : i32
      %dma_wait3A_157 = arith.constant 0 : i32
      %dma_wait3A_158 = tpu.memref_slice %arg10[%dma_wait3A_155, %dma_wait3A_156, %dma_wait3A_157] : memref<2x3x2048xf32, #tpu.memory_space<vmem>> -> memref<1x1x2048xf32, #tpu.memory_space<vmem>>
      %dma_wait3A_159 = tpu.memref_squeeze %dma_wait3A_158 : memref<1x1x2048xf32, #tpu.memory_space<vmem>> -> memref<2048xf32, #tpu.memory_space<vmem>>
      %dma_wait3A_160 = arith.constant 0 : i32
      %dma_wait3A_161 = tpu.memref_slice %arg4[%dma_wait3A_160] : memref<524288xf32, #tpu.memory_space<hbm>> -> memref<2048xf32, #tpu.memory_space<hbm>>
      %dma_wait3A_162 = arith.constant 0 : i32
      %dma_wait3A_163 = tpu.memref_slice %arg10[%dma_wait3A_155, %dma_wait3A_156, %dma_wait3A_162] : memref<2x3x2048xf32, #tpu.memory_space<vmem>> -> memref<1x1x2048xf32, #tpu.memory_space<vmem>>
      %dma_wait3A_164 = tpu.memref_squeeze %dma_wait3A_163 : memref<1x1x2048xf32, #tpu.memory_space<vmem>> -> memref<2048xf32, #tpu.memory_space<vmem>>
      %dma_wait3A_165 = arith.constant 0 : i32
      %dma_wait3A_166 = tpu.memref_slice %arg4[%dma_wait3A_165] : memref<524288xf32, #tpu.memory_space<hbm>> -> memref<2048xf32, #tpu.memory_space<hbm>>
      tpu.wait_dma2 semaphore(%arg12 : memref<!tpu.dma_semaphore, #tpu.memory_space<semaphore_mem>>) src(%dma_wait3A_166 : memref<2048xf32, #tpu.memory_space<hbm>>) dst(%dma_wait3A_164 : memref<2048xf32, #tpu.memory_space<vmem>>)
      %dma_wait3A_167 = arith.constant 0 : i32
      %dma_wait3A_168 = arith.constant 2 : i32
      %dma_wait3A_169 = arith.constant 0 : i32
      %dma_wait3A_170 = tpu.memref_slice %arg10[%dma_wait3A_167, %dma_wait3A_168, %dma_wait3A_169] : memref<2x3x2048xf32, #tpu.memory_space<vmem>> -> memref<1x1x2048xf32, #tpu.memory_space<vmem>>
      %dma_wait3A_171 = tpu.memref_squeeze %dma_wait3A_170 : memref<1x1x2048xf32, #tpu.memory_space<vmem>> -> memref<2048xf32, #tpu.memory_space<vmem>>
      %dma_wait3A_172 = arith.constant 0 : i32
      %dma_wait3A_173 = tpu.memref_slice %arg5[%dma_wait3A_172] : memref<524288xf32, #tpu.memory_space<hbm>> -> memref<2048xf32, #tpu.memory_space<hbm>>
      %dma_wait3A_174 = arith.constant 0 : i32
      %dma_wait3A_175 = tpu.memref_slice %arg10[%dma_wait3A_167, %dma_wait3A_168, %dma_wait3A_174] : memref<2x3x2048xf32, #tpu.memory_space<vmem>> -> memref<1x1x2048xf32, #tpu.memory_space<vmem>>
      %dma_wait3A_176 = tpu.memref_squeeze %dma_wait3A_175 : memref<1x1x2048xf32, #tpu.memory_space<vmem>> -> memref<2048xf32, #tpu.memory_space<vmem>>
      %dma_wait3A_177 = arith.constant 0 : i32
      %dma_wait3A_178 = tpu.memref_slice %arg5[%dma_wait3A_177] : memref<524288xf32, #tpu.memory_space<hbm>> -> memref<2048xf32, #tpu.memory_space<hbm>>
      tpu.wait_dma2 semaphore(%arg12 : memref<!tpu.dma_semaphore, #tpu.memory_space<semaphore_mem>>) src(%dma_wait3A_178 : memref<2048xf32, #tpu.memory_space<hbm>>) dst(%dma_wait3A_176 : memref<2048xf32, #tpu.memory_space<vmem>>)
      %dma_wait3A_179 = arith.constant 0 : i32
      %dma_wait3A_180 = arith.constant 0 : i32
      %dma_wait3A_181 = tpu.memref_slice %arg11[%dma_wait3A_179, %dma_wait3A_180] : memref<2x2048xi32, #tpu.memory_space<vmem>> -> memref<1x2048xi32, #tpu.memory_space<vmem>>
      %dma_wait3A_182 = tpu.memref_squeeze %dma_wait3A_181 : memref<1x2048xi32, #tpu.memory_space<vmem>> -> memref<2048xi32, #tpu.memory_space<vmem>>
      %dma_wait3A_183 = arith.constant 0 : i32
      %dma_wait3A_184 = tpu.memref_slice %arg6[%dma_wait3A_183] : memref<524288xi32, #tpu.memory_space<hbm>> -> memref<2048xi32, #tpu.memory_space<hbm>>
      %dma_wait3A_185 = arith.constant 0 : i32
      %dma_wait3A_186 = tpu.memref_slice %arg11[%dma_wait3A_179, %dma_wait3A_185] : memref<2x2048xi32, #tpu.memory_space<vmem>> -> memref<1x2048xi32, #tpu.memory_space<vmem>>
      %dma_wait3A_187 = tpu.memref_squeeze %dma_wait3A_186 : memref<1x2048xi32, #tpu.memory_space<vmem>> -> memref<2048xi32, #tpu.memory_space<vmem>>
      %dma_wait3A_188 = arith.constant 0 : i32
      %dma_wait3A_189 = tpu.memref_slice %arg6[%dma_wait3A_188] : memref<524288xi32, #tpu.memory_space<hbm>> -> memref<2048xi32, #tpu.memory_space<hbm>>
      tpu.wait_dma2 semaphore(%arg12 : memref<!tpu.dma_semaphore, #tpu.memory_space<semaphore_mem>>) src(%dma_wait3A_189 : memref<2048xi32, #tpu.memory_space<hbm>>) dst(%dma_wait3A_187 : memref<2048xi32, #tpu.memory_space<vmem>>)
      %parallel_loop3A = arith.constant 0 : i32
      %parallel_loop3A_190 = arith.constant 128 : i32
      %parallel_loop3A_191 = arith.constant 1 : i32
      %parallel_loop3A_192 = scf.for %parallel_loop3A_259 = %parallel_loop3A to %parallel_loop3A_190 step %parallel_loop3A_191 iter_args(%parallel_loop3A_260 = %scan3A_72) -> (i32)  : i32 {
        %parallel_loop3A_261 = arith.constant 16 : i32
        %parallel_loop3A_262 = arith.muli %parallel_loop3A_259, %parallel_loop3A_261 : i32
        %parallel_loop3A_263 = arith.constant 3 : i32
        %parallel_loop3A_264 = arith.shrui %parallel_loop3A_259, %parallel_loop3A_263 : i32
        %parallel_loop3A_265 = arith.constant 512 : i32
        %parallel_loop3A_266 = arith.muli %parallel_loop3A_264, %parallel_loop3A_265 : i32
        %parallel_loop3A_267 = arith.constant 7 : i32
        %parallel_loop3A_268 = arith.andi %parallel_loop3A_259, %parallel_loop3A_267 : i32
        %parallel_loop3A_269 = arith.constant 16 : i32
        %parallel_loop3A_270 = arith.muli %parallel_loop3A_268, %parallel_loop3A_269 : i32
        %parallel_loop3A_271 = arith.addi %parallel_loop3A_266, %parallel_loop3A_270 : i32
        %parallel_loop3A_272 = arith.constant 0 : i32
        %parallel_loop3A_273 = arith.index_cast %parallel_loop3A_272 : i32 to index
        %parallel_loop3A_274 = arith.index_cast %parallel_loop3A_262 : i32 to index
        %parallel_loop3A_275 = tpu.vector_load %arg11[%parallel_loop3A_273, %parallel_loop3A_274] {strides = array<i32>} : memref<2x2048xi32, #tpu.memory_space<vmem>>, vector<16xi32>,
        %parallel_loop3A_276 = arith.constant 0 : i32
        %parallel_loop3A_277 = arith.index_cast %parallel_loop3A_276 : i32 to index
        %parallel_loop3A_278 = arith.index_cast %parallel_loop3A_271 : i32 to index
        %parallel_loop3A_279 = tpu.vector_load %arg9[%parallel_loop3A_277, %parallel_loop3A_278] {strides = array<i32>} : memref<2x8192xf32, #tpu.memory_space<vmem>>, vector<16xf32>,
        %parallel_loop3A_280 = arith.constant 128 : i32
        %parallel_loop3A_281 = arith.addi %parallel_loop3A_271, %parallel_loop3A_280 : i32
        %parallel_loop3A_282 = arith.constant 0 : i32
        %parallel_loop3A_283 = arith.index_cast %parallel_loop3A_282 : i32 to index
        %parallel_loop3A_284 = arith.index_cast %parallel_loop3A_281 : i32 to index
        %parallel_loop3A_285 = tpu.vector_load %arg9[%parallel_loop3A_283, %parallel_loop3A_284] {strides = array<i32>} : memref<2x8192xf32, #tpu.memory_space<vmem>>, vector<16xf32>,
        %parallel_loop3A_286 = arith.constant 256 : i32
        %parallel_loop3A_287 = arith.addi %parallel_loop3A_271, %parallel_loop3A_286 : i32
        %parallel_loop3A_288 = arith.constant 0 : i32
        %parallel_loop3A_289 = arith.index_cast %parallel_loop3A_288 : i32 to index
        %parallel_loop3A_290 = arith.index_cast %parallel_loop3A_287 : i32 to index
        %parallel_loop3A_291 = tpu.vector_load %arg9[%parallel_loop3A_289, %parallel_loop3A_290] {strides = array<i32>} : memref<2x8192xf32, #tpu.memory_space<vmem>>, vector<16xf32>,
        %parallel_loop3A_292 = arith.constant 384 : i32
        %parallel_loop3A_293 = arith.addi %parallel_loop3A_271, %parallel_loop3A_292 : i32
        %parallel_loop3A_294 = arith.constant 0 : i32
        %parallel_loop3A_295 = arith.index_cast %parallel_loop3A_294 : i32 to index
        %parallel_loop3A_296 = arith.index_cast %parallel_loop3A_293 : i32 to index
        %parallel_loop3A_297 = tpu.vector_load %arg9[%parallel_loop3A_295, %parallel_loop3A_296] {strides = array<i32>} : memref<2x8192xf32, #tpu.memory_space<vmem>>, vector<16xf32>,
        %parallel_loop3A_298 = arith.constant 0 : i32
        %parallel_loop3A_299 = arith.constant 0 : i32
        %parallel_loop3A_300 = arith.index_cast %parallel_loop3A_298 : i32 to index
        %parallel_loop3A_301 = arith.index_cast %parallel_loop3A_299 : i32 to index
        %parallel_loop3A_302 = arith.index_cast %parallel_loop3A_262 : i32 to index
        %parallel_loop3A_303 = tpu.vector_load %arg10[%parallel_loop3A_300, %parallel_loop3A_301, %parallel_loop3A_302] {strides = array<i32>} : memref<2x3x2048xf32, #tpu.memory_space<vmem>>, vector<16xf32>,
        %parallel_loop3A_304 = arith.constant 0 : i32
        %parallel_loop3A_305 = arith.constant 1 : i32
        %parallel_loop3A_306 = arith.index_cast %parallel_loop3A_304 : i32 to index
        %parallel_loop3A_307 = arith.index_cast %parallel_loop3A_305 : i32 to index
        %parallel_loop3A_308 = arith.index_cast %parallel_loop3A_262 : i32 to index
        %parallel_loop3A_309 = tpu.vector_load %arg10[%parallel_loop3A_306, %parallel_loop3A_307, %parallel_loop3A_308] {strides = array<i32>} : memref<2x3x2048xf32, #tpu.memory_space<vmem>>, vector<16xf32>,
        %parallel_loop3A_310 = arith.constant 0 : i32
        %parallel_loop3A_311 = arith.constant 2 : i32
        %parallel_loop3A_312 = arith.index_cast %parallel_loop3A_310 : i32 to index
        %parallel_loop3A_313 = arith.index_cast %parallel_loop3A_311 : i32 to index
        %parallel_loop3A_314 = arith.index_cast %parallel_loop3A_262 : i32 to index
        %parallel_loop3A_315 = tpu.vector_load %arg10[%parallel_loop3A_312, %parallel_loop3A_313, %parallel_loop3A_314] {strides = array<i32>} : memref<2x3x2048xf32, #tpu.memory_space<vmem>>, vector<16xf32>,
        %parallel_loop3A_316 = arith.constant 1 : i32
        %parallel_loop3A_317 = vector.broadcast %parallel_loop3A_316 : i32 to vector<16xi32>
        %parallel_loop3A_318 = arith.addi %iota3A, %parallel_loop3A_317 : vector<16xi32>
        %parallel_loop3A_319 = arith.constant 15 : i32
        %parallel_loop3A_320 = vector.broadcast %parallel_loop3A_319 : i32 to vector<16xi32>
        %parallel_loop3A_321 = arith.minsi %parallel_loop3A_318, %parallel_loop3A_320 : vector<16xi32>
        %parallel_loop3A_322 = vector.broadcast %parallel_loop3A_262 : i32 to vector<16xi32>
        %parallel_loop3A_323 = arith.addi %parallel_loop3A_322, %parallel_loop3A_321 : vector<16xi32>
        %parallel_loop3A_324 = arith.constant 0 : i32
        %parallel_loop3A_325 = arith.constant 0 : i32
        %parallel_loop3A_326 = tpu.memref_slice %arg11[%parallel_loop3A_324, %parallel_loop3A_325] : memref<2x2048xi32, #tpu.memory_space<vmem>> -> memref<1x2048xi32, #tpu.memory_space<vmem>>
        %parallel_loop3A_327 = tpu.memref_squeeze %parallel_loop3A_326 : memref<1x2048xi32, #tpu.memory_space<vmem>> -> memref<2048xi32, #tpu.memory_space<vmem>>
        %parallel_loop3A_328 = tpu.vector_load_idx %parallel_loop3A_327[%parallel_loop3A_323] : memref<2048xi32, #tpu.memory_space<vmem>>[vector<16xi32>], vector<16xi32>,
        %parallel_loop3A_329 = arith.mulf %parallel_loop3A_279, %parallel_loop3A_303 : vector<16xf32>
        %parallel_loop3A_330 = arith.addf %parallel_loop3A_329, %parallel_loop3A_297 : vector<16xf32>
        %parallel_loop3A_331 = arith.mulf %parallel_loop3A_279, %parallel_loop3A_309 : vector<16xf32>
        %parallel_loop3A_332 = arith.addf %parallel_loop3A_331, %parallel_loop3A_285 : vector<16xf32>
        %parallel_loop3A_333 = arith.mulf %parallel_loop3A_279, %parallel_loop3A_315 : vector<16xf32>
        %parallel_loop3A_334 = arith.addf %parallel_loop3A_333, %parallel_loop3A_291 : vector<16xf32>
        %parallel_loop3A_335 = arith.mulf %parallel_loop3A_303, %parallel_loop3A_303 : vector<16xf32>
        %parallel_loop3A_336 = arith.mulf %parallel_loop3A_309, %parallel_loop3A_309 : vector<16xf32>
        %parallel_loop3A_337 = arith.addf %parallel_loop3A_335, %parallel_loop3A_336 : vector<16xf32>
        %parallel_loop3A_338 = arith.mulf %parallel_loop3A_315, %parallel_loop3A_315 : vector<16xf32>
        %parallel_loop3A_339 = arith.addf %parallel_loop3A_337, %parallel_loop3A_338 : vector<16xf32>
        %parallel_loop3A_340 = arith.mulf %parallel_loop3A_303, %parallel_loop3A_297 : vector<16xf32>
        %parallel_loop3A_341 = arith.mulf %parallel_loop3A_309, %parallel_loop3A_285 : vector<16xf32>
        %parallel_loop3A_342 = arith.addf %parallel_loop3A_340, %parallel_loop3A_341 : vector<16xf32>
        %parallel_loop3A_343 = arith.mulf %parallel_loop3A_315, %parallel_loop3A_291 : vector<16xf32>
        %parallel_loop3A_344 = arith.addf %parallel_loop3A_342, %parallel_loop3A_343 : vector<16xf32>
        %parallel_loop3A_345 = arith.mulf %parallel_loop3A_339, %parallel_loop3A_279 : vector<16xf32>
        %parallel_loop3A_346 = arith.constant 2.000000e+00 : f32
        %parallel_loop3A_347 = vector.broadcast %parallel_loop3A_346 : f32 to vector<16xf32>
        %parallel_loop3A_348 = arith.mulf %parallel_loop3A_347, %parallel_loop3A_344 : vector<16xf32>
        %parallel_loop3A_349 = arith.addf %parallel_loop3A_345, %parallel_loop3A_348 : vector<16xf32>
        %parallel_loop3A_350 = arith.cmpi ne, %parallel_loop3A_275, %parallel_loop3A_328 : vector<16xi32>
        %parallel_loop3A_351 = arith.constant 15 : i32
        %parallel_loop3A_352 = vector.broadcast %parallel_loop3A_351 : i32 to vector<16xi32>
        %parallel_loop3A_353 = arith.cmpi eq, %iota3A, %parallel_loop3A_352 : vector<16xi32>
        %parallel_loop3A_354 = arith.ori %parallel_loop3A_350, %parallel_loop3A_353 : vector<16xi1>
        %parallel_loop3A_355 = arith.constant true
        %parallel_loop3A_356 = vector.broadcast %parallel_loop3A_355 : i1 to vector<16xi1>
        %parallel_loop3A_357 = tpu.scan <sum>, %parallel_loop3A_279 masked %parallel_loop3A_356 : vector<16xf32>, vector<16xi1> -> vector<16xf32>
        %parallel_loop3A_358 = arith.constant 0 : i32
        %parallel_loop3A_359 = vector.broadcast %parallel_loop3A_358 : i32 to vector<16xi32>
        %parallel_loop3A_360 = arith.addi %parallel_loop3A_275, %parallel_loop3A_359 : vector<16xi32>
        tpu.vector_store_idx %arg8[%parallel_loop3A_360], %parallel_loop3A_357 masked %parallel_loop3A_354 {add = true} : memref<20480xf32, #tpu.memory_space<vmem>>[vector<16xi32>], vector<16xf32>, vector<16xi1>
        %parallel_loop3A_361 = arith.constant 0 : i32
        %parallel_loop3A_362 = vector.broadcast %parallel_loop3A_361 : i32 to vector<16xi32>
        %parallel_loop3A_363 = arith.addi %parallel_loop3A_328, %parallel_loop3A_362 : vector<16xi32>
        %parallel_loop3A_364 = arith.constant 0.000000e+00 : f32
        %parallel_loop3A_365 = vector.broadcast %parallel_loop3A_364 : f32 to vector<16xf32>
        %parallel_loop3A_366 = arith.subf %parallel_loop3A_365, %parallel_loop3A_357 : vector<16xf32>
        tpu.vector_store_idx %arg8[%parallel_loop3A_363], %parallel_loop3A_366 masked %parallel_loop3A_350 {add = true} : memref<20480xf32, #tpu.memory_space<vmem>>[vector<16xi32>], vector<16xf32>, vector<16xi1>
        %parallel_loop3A_367 = arith.constant true
        %parallel_loop3A_368 = vector.broadcast %parallel_loop3A_367 : i1 to vector<16xi1>
        %parallel_loop3A_369 = tpu.scan <sum>, %parallel_loop3A_330 masked %parallel_loop3A_368 : vector<16xf32>, vector<16xi1> -> vector<16xf32>
        %parallel_loop3A_370 = arith.constant 4096 : i32
        %parallel_loop3A_371 = vector.broadcast %parallel_loop3A_370 : i32 to vector<16xi32>
        %parallel_loop3A_372 = arith.addi %parallel_loop3A_275, %parallel_loop3A_371 : vector<16xi32>
        tpu.vector_store_idx %arg8[%parallel_loop3A_372], %parallel_loop3A_369 masked %parallel_loop3A_354 {add = true} : memref<20480xf32, #tpu.memory_space<vmem>>[vector<16xi32>], vector<16xf32>, vector<16xi1>
        %parallel_loop3A_373 = arith.constant 4096 : i32
        %parallel_loop3A_374 = vector.broadcast %parallel_loop3A_373 : i32 to vector<16xi32>
        %parallel_loop3A_375 = arith.addi %parallel_loop3A_328, %parallel_loop3A_374 : vector<16xi32>
        %parallel_loop3A_376 = arith.constant 0.000000e+00 : f32
        %parallel_loop3A_377 = vector.broadcast %parallel_loop3A_376 : f32 to vector<16xf32>
        %parallel_loop3A_378 = arith.subf %parallel_loop3A_377, %parallel_loop3A_369 : vector<16xf32>
        tpu.vector_store_idx %arg8[%parallel_loop3A_375], %parallel_loop3A_378 masked %parallel_loop3A_350 {add = true} : memref<20480xf32, #tpu.memory_space<vmem>>[vector<16xi32>], vector<16xf32>, vector<16xi1>
        %parallel_loop3A_379 = arith.constant true
        %parallel_loop3A_380 = vector.broadcast %parallel_loop3A_379 : i1 to vector<16xi1>
        %parallel_loop3A_381 = tpu.scan <sum>, %parallel_loop3A_332 masked %parallel_loop3A_380 : vector<16xf32>, vector<16xi1> -> vector<16xf32>
        %parallel_loop3A_382 = arith.constant 8192 : i32
        %parallel_loop3A_383 = vector.broadcast %parallel_loop3A_382 : i32 to vector<16xi32>
        %parallel_loop3A_384 = arith.addi %parallel_loop3A_275, %parallel_loop3A_383 : vector<16xi32>
        tpu.vector_store_idx %arg8[%parallel_loop3A_384], %parallel_loop3A_381 masked %parallel_loop3A_354 {add = true} : memref<20480xf32, #tpu.memory_space<vmem>>[vector<16xi32>], vector<16xf32>, vector<16xi1>
        %parallel_loop3A_385 = arith.constant 8192 : i32
        %parallel_loop3A_386 = vector.broadcast %parallel_loop3A_385 : i32 to vector<16xi32>
        %parallel_loop3A_387 = arith.addi %parallel_loop3A_328, %parallel_loop3A_386 : vector<16xi32>
        %parallel_loop3A_388 = arith.constant 0.000000e+00 : f32
        %parallel_loop3A_389 = vector.broadcast %parallel_loop3A_388 : f32 to vector<16xf32>
        %parallel_loop3A_390 = arith.subf %parallel_loop3A_389, %parallel_loop3A_381 : vector<16xf32>
        tpu.vector_store_idx %arg8[%parallel_loop3A_387], %parallel_loop3A_390 masked %parallel_loop3A_350 {add = true} : memref<20480xf32, #tpu.memory_space<vmem>>[vector<16xi32>], vector<16xf32>, vector<16xi1>
        %parallel_loop3A_391 = arith.constant true
        %parallel_loop3A_392 = vector.broadcast %parallel_loop3A_391 : i1 to vector<16xi1>
        %parallel_loop3A_393 = tpu.scan <sum>, %parallel_loop3A_334 masked %parallel_loop3A_392 : vector<16xf32>, vector<16xi1> -> vector<16xf32>
        %parallel_loop3A_394 = arith.constant 12288 : i32
        %parallel_loop3A_395 = vector.broadcast %parallel_loop3A_394 : i32 to vector<16xi32>
        %parallel_loop3A_396 = arith.addi %parallel_loop3A_275, %parallel_loop3A_395 : vector<16xi32>
        tpu.vector_store_idx %arg8[%parallel_loop3A_396], %parallel_loop3A_393 masked %parallel_loop3A_354 {add = true} : memref<20480xf32, #tpu.memory_space<vmem>>[vector<16xi32>], vector<16xf32>, vector<16xi1>
        %parallel_loop3A_397 = arith.constant 12288 : i32
        %parallel_loop3A_398 = vector.broadcast %parallel_loop3A_397 : i32 to vector<16xi32>
        %parallel_loop3A_399 = arith.addi %parallel_loop3A_328, %parallel_loop3A_398 : vector<16xi32>
        %parallel_loop3A_400 = arith.constant 0.000000e+00 : f32
        %parallel_loop3A_401 = vector.broadcast %parallel_loop3A_400 : f32 to vector<16xf32>
        %parallel_loop3A_402 = arith.subf %parallel_loop3A_401, %parallel_loop3A_393 : vector<16xf32>
        tpu.vector_store_idx %arg8[%parallel_loop3A_399], %parallel_loop3A_402 masked %parallel_loop3A_350 {add = true} : memref<20480xf32, #tpu.memory_space<vmem>>[vector<16xi32>], vector<16xf32>, vector<16xi1>
        %parallel_loop3A_403 = arith.constant true
        %parallel_loop3A_404 = vector.broadcast %parallel_loop3A_403 : i1 to vector<16xi1>
        %parallel_loop3A_405 = tpu.scan <sum>, %parallel_loop3A_349 masked %parallel_loop3A_404 : vector<16xf32>, vector<16xi1> -> vector<16xf32>
        %parallel_loop3A_406 = arith.constant 16384 : i32
        %parallel_loop3A_407 = vector.broadcast %parallel_loop3A_406 : i32 to vector<16xi32>
        %parallel_loop3A_408 = arith.addi %parallel_loop3A_275, %parallel_loop3A_407 : vector<16xi32>
        tpu.vector_store_idx %arg8[%parallel_loop3A_408], %parallel_loop3A_405 masked %parallel_loop3A_354 {add = true} : memref<20480xf32, #tpu.memory_space<vmem>>[vector<16xi32>], vector<16xf32>, vector<16xi1>
        %parallel_loop3A_409 = arith.constant 16384 : i32
        %parallel_loop3A_410 = vector.broadcast %parallel_loop3A_409 : i32 to vector<16xi32>
        %parallel_loop3A_411 = arith.addi %parallel_loop3A_328, %parallel_loop3A_410 : vector<16xi32>
        %parallel_loop3A_412 = arith.constant 0.000000e+00 : f32
        %parallel_loop3A_413 = vector.broadcast %parallel_loop3A_412 : f32 to vector<16xf32>
        %parallel_loop3A_414 = arith.subf %parallel_loop3A_413, %parallel_loop3A_405 : vector<16xf32>
        tpu.vector_store_idx %arg8[%parallel_loop3A_411], %parallel_loop3A_414 masked %parallel_loop3A_350 {add = true} : memref<20480xf32, #tpu.memory_space<vmem>>[vector<16xi32>], vector<16xf32>, vector<16xi1>
        scf.yield %parallel_loop3A_260 : i32
      } {sc.loop_unroll_factor = 2 : i64, sc.parallel_access}
      %add3A_193 = arith.constant 2 : i32
      %add3A_194 = arith.addi %mul3A_74, %add3A_193 : i32
      %lt3A = arith.constant 8 : i32
      %lt3A_195 = arith.cmpi slt, %add3A_194, %lt3A : i32
      %convert_element_type3A = arith.extui %lt3A_195 : i1 to i32
      %cond3A = arith.constant 0 : i32
      %cond3A_196 = arith.cmpi ne, %convert_element_type3A, %cond3A : i32
      scf.if %cond3A_196 {
        %add3A_259 = arith.constant 2 : i32
        %add3A_260 = arith.addi %mul3A_74, %add3A_259 : i32
        %mul3A_261 = arith.constant 16 : i32
        %mul3A_262 = arith.muli %add3A_260, %mul3A_261 : i32
        %add3A_263 = arith.addi %mul3A_2, %mul3A_262 : i32
        %mul3A_264 = arith.constant 512 : i32
        %mul3A_265 = arith.muli %add3A_263, %mul3A_264 : i32
        %dma_start3A_266 = arith.constant 0 : i32
        %dma_start3A_267 = arith.constant 0 : i32
        %dma_start3A_268 = tpu.memref_slice %arg9[%dma_start3A_266, %dma_start3A_267] : memref<2x8192xf32, #tpu.memory_space<vmem>> -> memref<1x8192xf32, #tpu.memory_space<vmem>>
        %dma_start3A_269 = tpu.memref_squeeze %dma_start3A_268 : memref<1x8192xf32, #tpu.memory_space<vmem>> -> memref<8192xf32, #tpu.memory_space<vmem>>
        %dma_start3A_270 = tpu.memref_slice %arg2[%mul3A_265] : memref<2097152xf32, #tpu.memory_space<hbm>> -> memref<8192xf32, #tpu.memory_space<hbm>>
        %dma_start3A_271 = arith.constant 0 : i32
        %dma_start3A_272 = tpu.memref_slice %arg9[%dma_start3A_266, %dma_start3A_271] : memref<2x8192xf32, #tpu.memory_space<vmem>> -> memref<1x8192xf32, #tpu.memory_space<vmem>>
        %dma_start3A_273 = tpu.memref_squeeze %dma_start3A_272 : memref<1x8192xf32, #tpu.memory_space<vmem>> -> memref<8192xf32, #tpu.memory_space<vmem>>
        %dma_start3A_274 = tpu.memref_slice %arg2[%mul3A_265] : memref<2097152xf32, #tpu.memory_space<hbm>> -> memref<8192xf32, #tpu.memory_space<hbm>>
        tpu.enqueue_dma source(%dma_start3A_274 : memref<8192xf32, #tpu.memory_space<hbm>>) target(%dma_start3A_273 : memref<8192xf32, #tpu.memory_space<vmem>>) target_semaphore(%arg12 : memref<!tpu.dma_semaphore, #tpu.memory_space<semaphore_mem>>)
        %mul3A_275 = arith.constant 2048 : i32
        %mul3A_276 = arith.muli %add3A_260, %mul3A_275 : i32
        %add3A_277 = arith.addi %mul3A_4, %mul3A_276 : i32
        %dma_start3A_278 = arith.constant 0 : i32
        %dma_start3A_279 = arith.constant 0 : i32
        %dma_start3A_280 = arith.constant 0 : i32
        %dma_start3A_281 = tpu.memref_slice %arg10[%dma_start3A_278, %dma_start3A_279, %dma_start3A_280] : memref<2x3x2048xf32, #tpu.memory_space<vmem>> -> memref<1x1x2048xf32, #tpu.memory_space<vmem>>
        %dma_start3A_282 = tpu.memref_squeeze %dma_start3A_281 : memref<1x1x2048xf32, #tpu.memory_space<vmem>> -> memref<2048xf32, #tpu.memory_space<vmem>>
        %dma_start3A_283 = tpu.memref_slice %arg3[%add3A_277] : memref<524288xf32, #tpu.memory_space<hbm>> -> memref<2048xf32, #tpu.memory_space<hbm>>
        %dma_start3A_284 = arith.constant 0 : i32
        %dma_start3A_285 = tpu.memref_slice %arg10[%dma_start3A_278, %dma_start3A_279, %dma_start3A_284] : memref<2x3x2048xf32, #tpu.memory_space<vmem>> -> memref<1x1x2048xf32, #tpu.memory_space<vmem>>
        %dma_start3A_286 = tpu.memref_squeeze %dma_start3A_285 : memref<1x1x2048xf32, #tpu.memory_space<vmem>> -> memref<2048xf32, #tpu.memory_space<vmem>>
        %dma_start3A_287 = tpu.memref_slice %arg3[%add3A_277] : memref<524288xf32, #tpu.memory_space<hbm>> -> memref<2048xf32, #tpu.memory_space<hbm>>
        tpu.enqueue_dma source(%dma_start3A_287 : memref<2048xf32, #tpu.memory_space<hbm>>) target(%dma_start3A_286 : memref<2048xf32, #tpu.memory_space<vmem>>) target_semaphore(%arg12 : memref<!tpu.dma_semaphore, #tpu.memory_space<semaphore_mem>>)
        %dma_start3A_288 = arith.constant 0 : i32
        %dma_start3A_289 = arith.constant 1 : i32
        %dma_start3A_290 = arith.constant 0 : i32
        %dma_start3A_291 = tpu.memref_slice %arg10[%dma_start3A_288, %dma_start3A_289, %dma_start3A_290] : memref<2x3x2048xf32, #tpu.memory_space<vmem>> -> memref<1x1x2048xf32, #tpu.memory_space<vmem>>
        %dma_start3A_292 = tpu.memref_squeeze %dma_start3A_291 : memref<1x1x2048xf32, #tpu.memory_space<vmem>> -> memref<2048xf32, #tpu.memory_space<vmem>>
        %dma_start3A_293 = tpu.memref_slice %arg4[%add3A_277] : memref<524288xf32, #tpu.memory_space<hbm>> -> memref<2048xf32, #tpu.memory_space<hbm>>
        %dma_start3A_294 = arith.constant 0 : i32
        %dma_start3A_295 = tpu.memref_slice %arg10[%dma_start3A_288, %dma_start3A_289, %dma_start3A_294] : memref<2x3x2048xf32, #tpu.memory_space<vmem>> -> memref<1x1x2048xf32, #tpu.memory_space<vmem>>
        %dma_start3A_296 = tpu.memref_squeeze %dma_start3A_295 : memref<1x1x2048xf32, #tpu.memory_space<vmem>> -> memref<2048xf32, #tpu.memory_space<vmem>>
        %dma_start3A_297 = tpu.memref_slice %arg4[%add3A_277] : memref<524288xf32, #tpu.memory_space<hbm>> -> memref<2048xf32, #tpu.memory_space<hbm>>
        tpu.enqueue_dma source(%dma_start3A_297 : memref<2048xf32, #tpu.memory_space<hbm>>) target(%dma_start3A_296 : memref<2048xf32, #tpu.memory_space<vmem>>) target_semaphore(%arg12 : memref<!tpu.dma_semaphore, #tpu.memory_space<semaphore_mem>>)
        %dma_start3A_298 = arith.constant 0 : i32
        %dma_start3A_299 = arith.constant 2 : i32
        %dma_start3A_300 = arith.constant 0 : i32
        %dma_start3A_301 = tpu.memref_slice %arg10[%dma_start3A_298, %dma_start3A_299, %dma_start3A_300] : memref<2x3x2048xf32, #tpu.memory_space<vmem>> -> memref<1x1x2048xf32, #tpu.memory_space<vmem>>
        %dma_start3A_302 = tpu.memref_squeeze %dma_start3A_301 : memref<1x1x2048xf32, #tpu.memory_space<vmem>> -> memref<2048xf32, #tpu.memory_space<vmem>>
        %dma_start3A_303 = tpu.memref_slice %arg5[%add3A_277] : memref<524288xf32, #tpu.memory_space<hbm>> -> memref<2048xf32, #tpu.memory_space<hbm>>
        %dma_start3A_304 = arith.constant 0 : i32
        %dma_start3A_305 = tpu.memref_slice %arg10[%dma_start3A_298, %dma_start3A_299, %dma_start3A_304] : memref<2x3x2048xf32, #tpu.memory_space<vmem>> -> memref<1x1x2048xf32, #tpu.memory_space<vmem>>
        %dma_start3A_306 = tpu.memref_squeeze %dma_start3A_305 : memref<1x1x2048xf32, #tpu.memory_space<vmem>> -> memref<2048xf32, #tpu.memory_space<vmem>>
        %dma_start3A_307 = tpu.memref_slice %arg5[%add3A_277] : memref<524288xf32, #tpu.memory_space<hbm>> -> memref<2048xf32, #tpu.memory_space<hbm>>
        tpu.enqueue_dma source(%dma_start3A_307 : memref<2048xf32, #tpu.memory_space<hbm>>) target(%dma_start3A_306 : memref<2048xf32, #tpu.memory_space<vmem>>) target_semaphore(%arg12 : memref<!tpu.dma_semaphore, #tpu.memory_space<semaphore_mem>>)
        %dma_start3A_308 = arith.constant 0 : i32
        %dma_start3A_309 = arith.constant 0 : i32
        %dma_start3A_310 = tpu.memref_slice %arg11[%dma_start3A_308, %dma_start3A_309] : memref<2x2048xi32, #tpu.memory_space<vmem>> -> memref<1x2048xi32, #tpu.memory_space<vmem>>
        %dma_start3A_311 = tpu.memref_squeeze %dma_start3A_310 : memref<1x2048xi32, #tpu.memory_space<vmem>> -> memref<2048xi32, #tpu.memory_space<vmem>>
        %dma_start3A_312 = tpu.memref_slice %arg6[%add3A_277] : memref<524288xi32, #tpu.memory_space<hbm>> -> memref<2048xi32, #tpu.memory_space<hbm>>
        %dma_start3A_313 = arith.constant 0 : i32
        %dma_start3A_314 = tpu.memref_slice %arg11[%dma_start3A_308, %dma_start3A_313] : memref<2x2048xi32, #tpu.memory_space<vmem>> -> memref<1x2048xi32, #tpu.memory_space<vmem>>
        %dma_start3A_315 = tpu.memref_squeeze %dma_start3A_314 : memref<1x2048xi32, #tpu.memory_space<vmem>> -> memref<2048xi32, #tpu.memory_space<vmem>>
        %dma_start3A_316 = tpu.memref_slice %arg6[%add3A_277] : memref<524288xi32, #tpu.memory_space<hbm>> -> memref<2048xi32, #tpu.memory_space<hbm>>
        tpu.enqueue_dma source(%dma_start3A_316 : memref<2048xi32, #tpu.memory_space<hbm>>) target(%dma_start3A_315 : memref<2048xi32, #tpu.memory_space<vmem>>) target_semaphore(%arg12 : memref<!tpu.dma_semaphore, #tpu.memory_space<semaphore_mem>>)
      } else {
      }
      %dma_wait3A_197 = arith.constant 1 : i32
      %dma_wait3A_198 = arith.constant 0 : i32
      %dma_wait3A_199 = tpu.memref_slice %arg9[%dma_wait3A_197, %dma_wait3A_198] : memref<2x8192xf32, #tpu.memory_space<vmem>> -> memref<1x8192xf32, #tpu.memory_space<vmem>>
      %dma_wait3A_200 = tpu.memref_squeeze %dma_wait3A_199 : memref<1x8192xf32, #tpu.memory_space<vmem>> -> memref<8192xf32, #tpu.memory_space<vmem>>
      %dma_wait3A_201 = arith.constant 0 : i32
      %dma_wait3A_202 = tpu.memref_slice %arg2[%dma_wait3A_201] : memref<2097152xf32, #tpu.memory_space<hbm>> -> memref<8192xf32, #tpu.memory_space<hbm>>
      %dma_wait3A_203 = arith.constant 0 : i32
      %dma_wait3A_204 = tpu.memref_slice %arg9[%dma_wait3A_197, %dma_wait3A_203] : memref<2x8192xf32, #tpu.memory_space<vmem>> -> memref<1x8192xf32, #tpu.memory_space<vmem>>
      %dma_wait3A_205 = tpu.memref_squeeze %dma_wait3A_204 : memref<1x8192xf32, #tpu.memory_space<vmem>> -> memref<8192xf32, #tpu.memory_space<vmem>>
      %dma_wait3A_206 = arith.constant 0 : i32
      %dma_wait3A_207 = tpu.memref_slice %arg2[%dma_wait3A_206] : memref<2097152xf32, #tpu.memory_space<hbm>> -> memref<8192xf32, #tpu.memory_space<hbm>>
      tpu.wait_dma2 semaphore(%arg13 : memref<!tpu.dma_semaphore, #tpu.memory_space<semaphore_mem>>) src(%dma_wait3A_207 : memref<8192xf32, #tpu.memory_space<hbm>>) dst(%dma_wait3A_205 : memref<8192xf32, #tpu.memory_space<vmem>>)
      %dma_wait3A_208 = arith.constant 1 : i32
      %dma_wait3A_209 = arith.constant 0 : i32
      %dma_wait3A_210 = arith.constant 0 : i32
      %dma_wait3A_211 = tpu.memref_slice %arg10[%dma_wait3A_208, %dma_wait3A_209, %dma_wait3A_210] : memref<2x3x2048xf32, #tpu.memory_space<vmem>> -> memref<1x1x2048xf32, #tpu.memory_space<vmem>>
      %dma_wait3A_212 = tpu.memref_squeeze %dma_wait3A_211 : memref<1x1x2048xf32, #tpu.memory_space<vmem>> -> memref<2048xf32, #tpu.memory_space<vmem>>
      %dma_wait3A_213 = arith.constant 0 : i32
      %dma_wait3A_214 = tpu.memref_slice %arg3[%dma_wait3A_213] : memref<524288xf32, #tpu.memory_space<hbm>> -> memref<2048xf32, #tpu.memory_space<hbm>>
      %dma_wait3A_215 = arith.constant 0 : i32
      %dma_wait3A_216 = tpu.memref_slice %arg10[%dma_wait3A_208, %dma_wait3A_209, %dma_wait3A_215] : memref<2x3x2048xf32, #tpu.memory_space<vmem>> -> memref<1x1x2048xf32, #tpu.memory_space<vmem>>
      %dma_wait3A_217 = tpu.memref_squeeze %dma_wait3A_216 : memref<1x1x2048xf32, #tpu.memory_space<vmem>> -> memref<2048xf32, #tpu.memory_space<vmem>>
      %dma_wait3A_218 = arith.constant 0 : i32
      %dma_wait3A_219 = tpu.memref_slice %arg3[%dma_wait3A_218] : memref<524288xf32, #tpu.memory_space<hbm>> -> memref<2048xf32, #tpu.memory_space<hbm>>
      tpu.wait_dma2 semaphore(%arg13 : memref<!tpu.dma_semaphore, #tpu.memory_space<semaphore_mem>>) src(%dma_wait3A_219 : memref<2048xf32, #tpu.memory_space<hbm>>) dst(%dma_wait3A_217 : memref<2048xf32, #tpu.memory_space<vmem>>)
      %dma_wait3A_220 = arith.constant 1 : i32
      %dma_wait3A_221 = arith.constant 1 : i32
      %dma_wait3A_222 = arith.constant 0 : i32
      %dma_wait3A_223 = tpu.memref_slice %arg10[%dma_wait3A_220, %dma_wait3A_221, %dma_wait3A_222] : memref<2x3x2048xf32, #tpu.memory_space<vmem>> -> memref<1x1x2048xf32, #tpu.memory_space<vmem>>
      %dma_wait3A_224 = tpu.memref_squeeze %dma_wait3A_223 : memref<1x1x2048xf32, #tpu.memory_space<vmem>> -> memref<2048xf32, #tpu.memory_space<vmem>>
      %dma_wait3A_225 = arith.constant 0 : i32
      %dma_wait3A_226 = tpu.memref_slice %arg4[%dma_wait3A_225] : memref<524288xf32, #tpu.memory_space<hbm>> -> memref<2048xf32, #tpu.memory_space<hbm>>
      %dma_wait3A_227 = arith.constant 0 : i32
      %dma_wait3A_228 = tpu.memref_slice %arg10[%dma_wait3A_220, %dma_wait3A_221, %dma_wait3A_227] : memref<2x3x2048xf32, #tpu.memory_space<vmem>> -> memref<1x1x2048xf32, #tpu.memory_space<vmem>>
      %dma_wait3A_229 = tpu.memref_squeeze %dma_wait3A_228 : memref<1x1x2048xf32, #tpu.memory_space<vmem>> -> memref<2048xf32, #tpu.memory_space<vmem>>
      %dma_wait3A_230 = arith.constant 0 : i32
      %dma_wait3A_231 = tpu.memref_slice %arg4[%dma_wait3A_230] : memref<524288xf32, #tpu.memory_space<hbm>> -> memref<2048xf32, #tpu.memory_space<hbm>>
      tpu.wait_dma2 semaphore(%arg13 : memref<!tpu.dma_semaphore, #tpu.memory_space<semaphore_mem>>) src(%dma_wait3A_231 : memref<2048xf32, #tpu.memory_space<hbm>>) dst(%dma_wait3A_229 : memref<2048xf32, #tpu.memory_space<vmem>>)
      %dma_wait3A_232 = arith.constant 1 : i32
      %dma_wait3A_233 = arith.constant 2 : i32
      %dma_wait3A_234 = arith.constant 0 : i32
      %dma_wait3A_235 = tpu.memref_slice %arg10[%dma_wait3A_232, %dma_wait3A_233, %dma_wait3A_234] : memref<2x3x2048xf32, #tpu.memory_space<vmem>> -> memref<1x1x2048xf32, #tpu.memory_space<vmem>>
      %dma_wait3A_236 = tpu.memref_squeeze %dma_wait3A_235 : memref<1x1x2048xf32, #tpu.memory_space<vmem>> -> memref<2048xf32, #tpu.memory_space<vmem>>
      %dma_wait3A_237 = arith.constant 0 : i32
      %dma_wait3A_238 = tpu.memref_slice %arg5[%dma_wait3A_237] : memref<524288xf32, #tpu.memory_space<hbm>> -> memref<2048xf32, #tpu.memory_space<hbm>>
      %dma_wait3A_239 = arith.constant 0 : i32
      %dma_wait3A_240 = tpu.memref_slice %arg10[%dma_wait3A_232, %dma_wait3A_233, %dma_wait3A_239] : memref<2x3x2048xf32, #tpu.memory_space<vmem>> -> memref<1x1x2048xf32, #tpu.memory_space<vmem>>
      %dma_wait3A_241 = tpu.memref_squeeze %dma_wait3A_240 : memref<1x1x2048xf32, #tpu.memory_space<vmem>> -> memref<2048xf32, #tpu.memory_space<vmem>>
      %dma_wait3A_242 = arith.constant 0 : i32
      %dma_wait3A_243 = tpu.memref_slice %arg5[%dma_wait3A_242] : memref<524288xf32, #tpu.memory_space<hbm>> -> memref<2048xf32, #tpu.memory_space<hbm>>
      tpu.wait_dma2 semaphore(%arg13 : memref<!tpu.dma_semaphore, #tpu.memory_space<semaphore_mem>>) src(%dma_wait3A_243 : memref<2048xf32, #tpu.memory_space<hbm>>) dst(%dma_wait3A_241 : memref<2048xf32, #tpu.memory_space<vmem>>)
      %dma_wait3A_244 = arith.constant 1 : i32
      %dma_wait3A_245 = arith.constant 0 : i32
      %dma_wait3A_246 = tpu.memref_slice %arg11[%dma_wait3A_244, %dma_wait3A_245] : memref<2x2048xi32, #tpu.memory_space<vmem>> -> memref<1x2048xi32, #tpu.memory_space<vmem>>
      %dma_wait3A_247 = tpu.memref_squeeze %dma_wait3A_246 : memref<1x2048xi32, #tpu.memory_space<vmem>> -> memref<2048xi32, #tpu.memory_space<vmem>>
      %dma_wait3A_248 = arith.constant 0 : i32
      %dma_wait3A_249 = tpu.memref_slice %arg6[%dma_wait3A_248] : memref<524288xi32, #tpu.memory_space<hbm>> -> memref<2048xi32, #tpu.memory_space<hbm>>
      %dma_wait3A_250 = arith.constant 0 : i32
      %dma_wait3A_251 = tpu.memref_slice %arg11[%dma_wait3A_244, %dma_wait3A_250] : memref<2x2048xi32, #tpu.memory_space<vmem>> -> memref<1x2048xi32, #tpu.memory_space<vmem>>
      %dma_wait3A_252 = tpu.memref_squeeze %dma_wait3A_251 : memref<1x2048xi32, #tpu.memory_space<vmem>> -> memref<2048xi32, #tpu.memory_space<vmem>>
      %dma_wait3A_253 = arith.constant 0 : i32
      %dma_wait3A_254 = tpu.memref_slice %arg6[%dma_wait3A_253] : memref<524288xi32, #tpu.memory_space<hbm>> -> memref<2048xi32, #tpu.memory_space<hbm>>
      tpu.wait_dma2 semaphore(%arg13 : memref<!tpu.dma_semaphore, #tpu.memory_space<semaphore_mem>>) src(%dma_wait3A_254 : memref<2048xi32, #tpu.memory_space<hbm>>) dst(%dma_wait3A_252 : memref<2048xi32, #tpu.memory_space<vmem>>)
      %parallel_loop3A_255 = arith.constant 0 : i32
      %parallel_loop3A_256 = arith.constant 128 : i32
      %parallel_loop3A_257 = arith.constant 1 : i32
      %parallel_loop3A_258 = scf.for %parallel_loop3A_259 = %parallel_loop3A_255 to %parallel_loop3A_256 step %parallel_loop3A_257 iter_args(%parallel_loop3A_260 = %parallel_loop3A_192) -> (i32)  : i32 {
        %parallel_loop3A_261 = arith.constant 16 : i32
        %parallel_loop3A_262 = arith.muli %parallel_loop3A_259, %parallel_loop3A_261 : i32
        %parallel_loop3A_263 = arith.constant 3 : i32
        %parallel_loop3A_264 = arith.shrui %parallel_loop3A_259, %parallel_loop3A_263 : i32
        %parallel_loop3A_265 = arith.constant 512 : i32
        %parallel_loop3A_266 = arith.muli %parallel_loop3A_264, %parallel_loop3A_265 : i32
        %parallel_loop3A_267 = arith.constant 7 : i32
        %parallel_loop3A_268 = arith.andi %parallel_loop3A_259, %parallel_loop3A_267 : i32
        %parallel_loop3A_269 = arith.constant 16 : i32
        %parallel_loop3A_270 = arith.muli %parallel_loop3A_268, %parallel_loop3A_269 : i32
        %parallel_loop3A_271 = arith.addi %parallel_loop3A_266, %parallel_loop3A_270 : i32
        %parallel_loop3A_272 = arith.constant 1 : i32
        %parallel_loop3A_273 = arith.index_cast %parallel_loop3A_272 : i32 to index
        %parallel_loop3A_274 = arith.index_cast %parallel_loop3A_262 : i32 to index
        %parallel_loop3A_275 = tpu.vector_load %arg11[%parallel_loop3A_273, %parallel_loop3A_274] {strides = array<i32>} : memref<2x2048xi32, #tpu.memory_space<vmem>>, vector<16xi32>,
        %parallel_loop3A_276 = arith.constant 1 : i32
        %parallel_loop3A_277 = arith.index_cast %parallel_loop3A_276 : i32 to index
        %parallel_loop3A_278 = arith.index_cast %parallel_loop3A_271 : i32 to index
        %parallel_loop3A_279 = tpu.vector_load %arg9[%parallel_loop3A_277, %parallel_loop3A_278] {strides = array<i32>} : memref<2x8192xf32, #tpu.memory_space<vmem>>, vector<16xf32>,
        %parallel_loop3A_280 = arith.constant 128 : i32
        %parallel_loop3A_281 = arith.addi %parallel_loop3A_271, %parallel_loop3A_280 : i32
        %parallel_loop3A_282 = arith.constant 1 : i32
        %parallel_loop3A_283 = arith.index_cast %parallel_loop3A_282 : i32 to index
        %parallel_loop3A_284 = arith.index_cast %parallel_loop3A_281 : i32 to index
        %parallel_loop3A_285 = tpu.vector_load %arg9[%parallel_loop3A_283, %parallel_loop3A_284] {strides = array<i32>} : memref<2x8192xf32, #tpu.memory_space<vmem>>, vector<16xf32>,
        %parallel_loop3A_286 = arith.constant 256 : i32
        %parallel_loop3A_287 = arith.addi %parallel_loop3A_271, %parallel_loop3A_286 : i32
        %parallel_loop3A_288 = arith.constant 1 : i32
        %parallel_loop3A_289 = arith.index_cast %parallel_loop3A_288 : i32 to index
        %parallel_loop3A_290 = arith.index_cast %parallel_loop3A_287 : i32 to index
        %parallel_loop3A_291 = tpu.vector_load %arg9[%parallel_loop3A_289, %parallel_loop3A_290] {strides = array<i32>} : memref<2x8192xf32, #tpu.memory_space<vmem>>, vector<16xf32>,
        %parallel_loop3A_292 = arith.constant 384 : i32
        %parallel_loop3A_293 = arith.addi %parallel_loop3A_271, %parallel_loop3A_292 : i32
        %parallel_loop3A_294 = arith.constant 1 : i32
        %parallel_loop3A_295 = arith.index_cast %parallel_loop3A_294 : i32 to index
        %parallel_loop3A_296 = arith.index_cast %parallel_loop3A_293 : i32 to index
        %parallel_loop3A_297 = tpu.vector_load %arg9[%parallel_loop3A_295, %parallel_loop3A_296] {strides = array<i32>} : memref<2x8192xf32, #tpu.memory_space<vmem>>, vector<16xf32>,
        %parallel_loop3A_298 = arith.constant 1 : i32
        %parallel_loop3A_299 = arith.constant 0 : i32
        %parallel_loop3A_300 = arith.index_cast %parallel_loop3A_298 : i32 to index
        %parallel_loop3A_301 = arith.index_cast %parallel_loop3A_299 : i32 to index
        %parallel_loop3A_302 = arith.index_cast %parallel_loop3A_262 : i32 to index
        %parallel_loop3A_303 = tpu.vector_load %arg10[%parallel_loop3A_300, %parallel_loop3A_301, %parallel_loop3A_302] {strides = array<i32>} : memref<2x3x2048xf32, #tpu.memory_space<vmem>>, vector<16xf32>,
        %parallel_loop3A_304 = arith.constant 1 : i32
        %parallel_loop3A_305 = arith.constant 1 : i32
        %parallel_loop3A_306 = arith.index_cast %parallel_loop3A_304 : i32 to index
        %parallel_loop3A_307 = arith.index_cast %parallel_loop3A_305 : i32 to index
        %parallel_loop3A_308 = arith.index_cast %parallel_loop3A_262 : i32 to index
        %parallel_loop3A_309 = tpu.vector_load %arg10[%parallel_loop3A_306, %parallel_loop3A_307, %parallel_loop3A_308] {strides = array<i32>} : memref<2x3x2048xf32, #tpu.memory_space<vmem>>, vector<16xf32>,
        %parallel_loop3A_310 = arith.constant 1 : i32
        %parallel_loop3A_311 = arith.constant 2 : i32
        %parallel_loop3A_312 = arith.index_cast %parallel_loop3A_310 : i32 to index
        %parallel_loop3A_313 = arith.index_cast %parallel_loop3A_311 : i32 to index
        %parallel_loop3A_314 = arith.index_cast %parallel_loop3A_262 : i32 to index
        %parallel_loop3A_315 = tpu.vector_load %arg10[%parallel_loop3A_312, %parallel_loop3A_313, %parallel_loop3A_314] {strides = array<i32>} : memref<2x3x2048xf32, #tpu.memory_space<vmem>>, vector<16xf32>,
        %parallel_loop3A_316 = arith.constant 1 : i32
        %parallel_loop3A_317 = vector.broadcast %parallel_loop3A_316 : i32 to vector<16xi32>
        %parallel_loop3A_318 = arith.addi %iota3A, %parallel_loop3A_317 : vector<16xi32>
        %parallel_loop3A_319 = arith.constant 15 : i32
        %parallel_loop3A_320 = vector.broadcast %parallel_loop3A_319 : i32 to vector<16xi32>
        %parallel_loop3A_321 = arith.minsi %parallel_loop3A_318, %parallel_loop3A_320 : vector<16xi32>
        %parallel_loop3A_322 = vector.broadcast %parallel_loop3A_262 : i32 to vector<16xi32>
        %parallel_loop3A_323 = arith.addi %parallel_loop3A_322, %parallel_loop3A_321 : vector<16xi32>
        %parallel_loop3A_324 = arith.constant 1 : i32
        %parallel_loop3A_325 = arith.constant 0 : i32
        %parallel_loop3A_326 = tpu.memref_slice %arg11[%parallel_loop3A_324, %parallel_loop3A_325] : memref<2x2048xi32, #tpu.memory_space<vmem>> -> memref<1x2048xi32, #tpu.memory_space<vmem>>
        %parallel_loop3A_327 = tpu.memref_squeeze %parallel_loop3A_326 : memref<1x2048xi32, #tpu.memory_space<vmem>> -> memref<2048xi32, #tpu.memory_space<vmem>>
        %parallel_loop3A_328 = tpu.vector_load_idx %parallel_loop3A_327[%parallel_loop3A_323] : memref<2048xi32, #tpu.memory_space<vmem>>[vector<16xi32>], vector<16xi32>,
        %parallel_loop3A_329 = arith.mulf %parallel_loop3A_279, %parallel_loop3A_303 : vector<16xf32>
        %parallel_loop3A_330 = arith.addf %parallel_loop3A_329, %parallel_loop3A_297 : vector<16xf32>
        %parallel_loop3A_331 = arith.mulf %parallel_loop3A_279, %parallel_loop3A_309 : vector<16xf32>
        %parallel_loop3A_332 = arith.addf %parallel_loop3A_331, %parallel_loop3A_285 : vector<16xf32>
        %parallel_loop3A_333 = arith.mulf %parallel_loop3A_279, %parallel_loop3A_315 : vector<16xf32>
        %parallel_loop3A_334 = arith.addf %parallel_loop3A_333, %parallel_loop3A_291 : vector<16xf32>
        %parallel_loop3A_335 = arith.mulf %parallel_loop3A_303, %parallel_loop3A_303 : vector<16xf32>
        %parallel_loop3A_336 = arith.mulf %parallel_loop3A_309, %parallel_loop3A_309 : vector<16xf32>
        %parallel_loop3A_337 = arith.addf %parallel_loop3A_335, %parallel_loop3A_336 : vector<16xf32>
        %parallel_loop3A_338 = arith.mulf %parallel_loop3A_315, %parallel_loop3A_315 : vector<16xf32>
        %parallel_loop3A_339 = arith.addf %parallel_loop3A_337, %parallel_loop3A_338 : vector<16xf32>
        %parallel_loop3A_340 = arith.mulf %parallel_loop3A_303, %parallel_loop3A_297 : vector<16xf32>
        %parallel_loop3A_341 = arith.mulf %parallel_loop3A_309, %parallel_loop3A_285 : vector<16xf32>
        %parallel_loop3A_342 = arith.addf %parallel_loop3A_340, %parallel_loop3A_341 : vector<16xf32>
        %parallel_loop3A_343 = arith.mulf %parallel_loop3A_315, %parallel_loop3A_291 : vector<16xf32>
        %parallel_loop3A_344 = arith.addf %parallel_loop3A_342, %parallel_loop3A_343 : vector<16xf32>
        %parallel_loop3A_345 = arith.mulf %parallel_loop3A_339, %parallel_loop3A_279 : vector<16xf32>
        %parallel_loop3A_346 = arith.constant 2.000000e+00 : f32
        %parallel_loop3A_347 = vector.broadcast %parallel_loop3A_346 : f32 to vector<16xf32>
        %parallel_loop3A_348 = arith.mulf %parallel_loop3A_347, %parallel_loop3A_344 : vector<16xf32>
        %parallel_loop3A_349 = arith.addf %parallel_loop3A_345, %parallel_loop3A_348 : vector<16xf32>
        %parallel_loop3A_350 = arith.cmpi ne, %parallel_loop3A_275, %parallel_loop3A_328 : vector<16xi32>
        %parallel_loop3A_351 = arith.constant 15 : i32
        %parallel_loop3A_352 = vector.broadcast %parallel_loop3A_351 : i32 to vector<16xi32>
        %parallel_loop3A_353 = arith.cmpi eq, %iota3A, %parallel_loop3A_352 : vector<16xi32>
        %parallel_loop3A_354 = arith.ori %parallel_loop3A_350, %parallel_loop3A_353 : vector<16xi1>
        %parallel_loop3A_355 = arith.constant true
        %parallel_loop3A_356 = vector.broadcast %parallel_loop3A_355 : i1 to vector<16xi1>
        %parallel_loop3A_357 = tpu.scan <sum>, %parallel_loop3A_279 masked %parallel_loop3A_356 : vector<16xf32>, vector<16xi1> -> vector<16xf32>
        %parallel_loop3A_358 = arith.constant 0 : i32
        %parallel_loop3A_359 = vector.broadcast %parallel_loop3A_358 : i32 to vector<16xi32>
        %parallel_loop3A_360 = arith.addi %parallel_loop3A_275, %parallel_loop3A_359 : vector<16xi32>
        tpu.vector_store_idx %arg8[%parallel_loop3A_360], %parallel_loop3A_357 masked %parallel_loop3A_354 {add = true} : memref<20480xf32, #tpu.memory_space<vmem>>[vector<16xi32>], vector<16xf32>, vector<16xi1>
        %parallel_loop3A_361 = arith.constant 0 : i32
        %parallel_loop3A_362 = vector.broadcast %parallel_loop3A_361 : i32 to vector<16xi32>
        %parallel_loop3A_363 = arith.addi %parallel_loop3A_328, %parallel_loop3A_362 : vector<16xi32>
        %parallel_loop3A_364 = arith.constant 0.000000e+00 : f32
        %parallel_loop3A_365 = vector.broadcast %parallel_loop3A_364 : f32 to vector<16xf32>
        %parallel_loop3A_366 = arith.subf %parallel_loop3A_365, %parallel_loop3A_357 : vector<16xf32>
        tpu.vector_store_idx %arg8[%parallel_loop3A_363], %parallel_loop3A_366 masked %parallel_loop3A_350 {add = true} : memref<20480xf32, #tpu.memory_space<vmem>>[vector<16xi32>], vector<16xf32>, vector<16xi1>
        %parallel_loop3A_367 = arith.constant true
        %parallel_loop3A_368 = vector.broadcast %parallel_loop3A_367 : i1 to vector<16xi1>
        %parallel_loop3A_369 = tpu.scan <sum>, %parallel_loop3A_330 masked %parallel_loop3A_368 : vector<16xf32>, vector<16xi1> -> vector<16xf32>
        %parallel_loop3A_370 = arith.constant 4096 : i32
        %parallel_loop3A_371 = vector.broadcast %parallel_loop3A_370 : i32 to vector<16xi32>
        %parallel_loop3A_372 = arith.addi %parallel_loop3A_275, %parallel_loop3A_371 : vector<16xi32>
        tpu.vector_store_idx %arg8[%parallel_loop3A_372], %parallel_loop3A_369 masked %parallel_loop3A_354 {add = true} : memref<20480xf32, #tpu.memory_space<vmem>>[vector<16xi32>], vector<16xf32>, vector<16xi1>
        %parallel_loop3A_373 = arith.constant 4096 : i32
        %parallel_loop3A_374 = vector.broadcast %parallel_loop3A_373 : i32 to vector<16xi32>
        %parallel_loop3A_375 = arith.addi %parallel_loop3A_328, %parallel_loop3A_374 : vector<16xi32>
        %parallel_loop3A_376 = arith.constant 0.000000e+00 : f32
        %parallel_loop3A_377 = vector.broadcast %parallel_loop3A_376 : f32 to vector<16xf32>
        %parallel_loop3A_378 = arith.subf %parallel_loop3A_377, %parallel_loop3A_369 : vector<16xf32>
        tpu.vector_store_idx %arg8[%parallel_loop3A_375], %parallel_loop3A_378 masked %parallel_loop3A_350 {add = true} : memref<20480xf32, #tpu.memory_space<vmem>>[vector<16xi32>], vector<16xf32>, vector<16xi1>
        %parallel_loop3A_379 = arith.constant true
        %parallel_loop3A_380 = vector.broadcast %parallel_loop3A_379 : i1 to vector<16xi1>
        %parallel_loop3A_381 = tpu.scan <sum>, %parallel_loop3A_332 masked %parallel_loop3A_380 : vector<16xf32>, vector<16xi1> -> vector<16xf32>
        %parallel_loop3A_382 = arith.constant 8192 : i32
        %parallel_loop3A_383 = vector.broadcast %parallel_loop3A_382 : i32 to vector<16xi32>
        %parallel_loop3A_384 = arith.addi %parallel_loop3A_275, %parallel_loop3A_383 : vector<16xi32>
        tpu.vector_store_idx %arg8[%parallel_loop3A_384], %parallel_loop3A_381 masked %parallel_loop3A_354 {add = true} : memref<20480xf32, #tpu.memory_space<vmem>>[vector<16xi32>], vector<16xf32>, vector<16xi1>
        %parallel_loop3A_385 = arith.constant 8192 : i32
        %parallel_loop3A_386 = vector.broadcast %parallel_loop3A_385 : i32 to vector<16xi32>
        %parallel_loop3A_387 = arith.addi %parallel_loop3A_328, %parallel_loop3A_386 : vector<16xi32>
        %parallel_loop3A_388 = arith.constant 0.000000e+00 : f32
        %parallel_loop3A_389 = vector.broadcast %parallel_loop3A_388 : f32 to vector<16xf32>
        %parallel_loop3A_390 = arith.subf %parallel_loop3A_389, %parallel_loop3A_381 : vector<16xf32>
        tpu.vector_store_idx %arg8[%parallel_loop3A_387], %parallel_loop3A_390 masked %parallel_loop3A_350 {add = true} : memref<20480xf32, #tpu.memory_space<vmem>>[vector<16xi32>], vector<16xf32>, vector<16xi1>
        %parallel_loop3A_391 = arith.constant true
        %parallel_loop3A_392 = vector.broadcast %parallel_loop3A_391 : i1 to vector<16xi1>
        %parallel_loop3A_393 = tpu.scan <sum>, %parallel_loop3A_334 masked %parallel_loop3A_392 : vector<16xf32>, vector<16xi1> -> vector<16xf32>
        %parallel_loop3A_394 = arith.constant 12288 : i32
        %parallel_loop3A_395 = vector.broadcast %parallel_loop3A_394 : i32 to vector<16xi32>
        %parallel_loop3A_396 = arith.addi %parallel_loop3A_275, %parallel_loop3A_395 : vector<16xi32>
        tpu.vector_store_idx %arg8[%parallel_loop3A_396], %parallel_loop3A_393 masked %parallel_loop3A_354 {add = true} : memref<20480xf32, #tpu.memory_space<vmem>>[vector<16xi32>], vector<16xf32>, vector<16xi1>
        %parallel_loop3A_397 = arith.constant 12288 : i32
        %parallel_loop3A_398 = vector.broadcast %parallel_loop3A_397 : i32 to vector<16xi32>
        %parallel_loop3A_399 = arith.addi %parallel_loop3A_328, %parallel_loop3A_398 : vector<16xi32>
        %parallel_loop3A_400 = arith.constant 0.000000e+00 : f32
        %parallel_loop3A_401 = vector.broadcast %parallel_loop3A_400 : f32 to vector<16xf32>
        %parallel_loop3A_402 = arith.subf %parallel_loop3A_401, %parallel_loop3A_393 : vector<16xf32>
        tpu.vector_store_idx %arg8[%parallel_loop3A_399], %parallel_loop3A_402 masked %parallel_loop3A_350 {add = true} : memref<20480xf32, #tpu.memory_space<vmem>>[vector<16xi32>], vector<16xf32>, vector<16xi1>
        %parallel_loop3A_403 = arith.constant true
        %parallel_loop3A_404 = vector.broadcast %parallel_loop3A_403 : i1 to vector<16xi1>
        %parallel_loop3A_405 = tpu.scan <sum>, %parallel_loop3A_349 masked %parallel_loop3A_404 : vector<16xf32>, vector<16xi1> -> vector<16xf32>
        %parallel_loop3A_406 = arith.constant 16384 : i32
        %parallel_loop3A_407 = vector.broadcast %parallel_loop3A_406 : i32 to vector<16xi32>
        %parallel_loop3A_408 = arith.addi %parallel_loop3A_275, %parallel_loop3A_407 : vector<16xi32>
        tpu.vector_store_idx %arg8[%parallel_loop3A_408], %parallel_loop3A_405 masked %parallel_loop3A_354 {add = true} : memref<20480xf32, #tpu.memory_space<vmem>>[vector<16xi32>], vector<16xf32>, vector<16xi1>
        %parallel_loop3A_409 = arith.constant 16384 : i32
        %parallel_loop3A_410 = vector.broadcast %parallel_loop3A_409 : i32 to vector<16xi32>
        %parallel_loop3A_411 = arith.addi %parallel_loop3A_328, %parallel_loop3A_410 : vector<16xi32>
        %parallel_loop3A_412 = arith.constant 0.000000e+00 : f32
        %parallel_loop3A_413 = vector.broadcast %parallel_loop3A_412 : f32 to vector<16xf32>
        %parallel_loop3A_414 = arith.subf %parallel_loop3A_413, %parallel_loop3A_405 : vector<16xf32>
        tpu.vector_store_idx %arg8[%parallel_loop3A_411], %parallel_loop3A_414 masked %parallel_loop3A_350 {add = true} : memref<20480xf32, #tpu.memory_space<vmem>>[vector<16xi32>], vector<16xf32>, vector<16xi1>
        scf.yield %parallel_loop3A_260 : i32
      } {sc.loop_unroll_factor = 2 : i64, sc.parallel_access}
      scf.yield %parallel_loop3A_258 : i32
    }
    %scan3A_70 = arith.constant 4 : i32
    "tpu.region"() ({
      %run_scoped3A = tpu.sem_alloc : memref<!tpu.dma_semaphore, #tpu.memory_space<semaphore_mem>>
      %dma_start3A_71 = arith.constant 0 : i32
      %dma_start3A_72 = tpu.memref_slice %arg7[%add3A, %dma_start3A_71] : memref<32x20480xf32, #tpu.memory_space<hbm>> -> memref<1x20480xf32, #tpu.memory_space<hbm>>
      %dma_start3A_73 = tpu.memref_squeeze %dma_start3A_72 : memref<1x20480xf32, #tpu.memory_space<hbm>> -> memref<20480xf32, #tpu.memory_space<hbm>>
      %dma_start3A_74 = arith.constant 0 : i32
      %dma_start3A_75 = tpu.memref_slice %arg7[%add3A, %dma_start3A_74] : memref<32x20480xf32, #tpu.memory_space<hbm>> -> memref<1x20480xf32, #tpu.memory_space<hbm>>
      %dma_start3A_76 = tpu.memref_squeeze %dma_start3A_75 : memref<1x20480xf32, #tpu.memory_space<hbm>> -> memref<20480xf32, #tpu.memory_space<hbm>>
      tpu.enqueue_dma source(%arg8 : memref<20480xf32, #tpu.memory_space<vmem>>) target(%dma_start3A_76 : memref<20480xf32, #tpu.memory_space<hbm>>) target_semaphore(%run_scoped3A : memref<!tpu.dma_semaphore, #tpu.memory_space<semaphore_mem>>)
      %dma_wait3A = arith.constant 0 : i32
      %dma_wait3A_77 = tpu.memref_slice %arg7[%add3A, %dma_wait3A] : memref<32x20480xf32, #tpu.memory_space<hbm>> -> memref<1x20480xf32, #tpu.memory_space<hbm>>
      %dma_wait3A_78 = tpu.memref_squeeze %dma_wait3A_77 : memref<1x20480xf32, #tpu.memory_space<hbm>> -> memref<20480xf32, #tpu.memory_space<hbm>>
      %dma_wait3A_79 = arith.constant 0 : i32
      %dma_wait3A_80 = tpu.memref_slice %arg7[%add3A, %dma_wait3A_79] : memref<32x20480xf32, #tpu.memory_space<hbm>> -> memref<1x20480xf32, #tpu.memory_space<hbm>>
      %dma_wait3A_81 = tpu.memref_squeeze %dma_wait3A_80 : memref<1x20480xf32, #tpu.memory_space<hbm>> -> memref<20480xf32, #tpu.memory_space<hbm>>
      tpu.wait_dma2 semaphore(%run_scoped3A : memref<!tpu.dma_semaphore, #tpu.memory_space<semaphore_mem>>) src(%arg8 : memref<20480xf32, #tpu.memory_space<vmem>>) dst(%dma_wait3A_81 : memref<20480xf32, #tpu.memory_space<hbm>>)
      tpu.yield
    }) : () -> ()
    return
  }
}

#map = affine_map<(d0, d1) -> (0)>
#map1 = affine_map<(d0, d1) -> (0, 0)>
module attributes {stable_mosaic.version = 14 : i64} {
  func.func @body(%arg0: i32, %arg1: i32, %arg2: memref<2097152xf32, #tpu.memory_space<hbm>>, %arg3: memref<524288xf32, #tpu.memory_space<hbm>>, %arg4: memref<524288xf32, #tpu.memory_space<hbm>>, %arg5: memref<524288xf32, #tpu.memory_space<hbm>>, %arg6: memref<524288xi32, #tpu.memory_space<hbm>>, %arg7: memref<32x20480xf32, #tpu.memory_space<hbm>>, %arg8: memref<20480xf32, #tpu.memory_space<vmem>>, %arg9: memref<2x8192xf32, #tpu.memory_space<vmem>>, %arg10: memref<2x3x2048xf32, #tpu.memory_space<vmem>>, %arg11: memref<2x2048xi32, #tpu.memory_space<vmem>>, %arg12: memref<!tpu.dma_semaphore, #tpu.memory_space<semaphore_mem>>, %arg13: memref<!tpu.dma_semaphore, #tpu.memory_space<semaphore_mem>>) attributes {dimension_semantics = [#tpu.dimension_semantics<core_parallel>, #tpu.dimension_semantics<subcore_parallel>], iteration_bounds = array<i64: 2, 16>, scalar_prefetch = 0 : i64, scratch_operands = 6 : i64, tpu.core_type = #tpu.core_type<sc_vector_subcore>, window_params = [{transform_indices = #map}, {transform_indices = #map}, {transform_indices = #map}, {transform_indices = #map}, {transform_indices = #map}, {transform_indices = #map1}]} {
    %mul3A = arith.constant 2 : i32
    %mul3A_0 = arith.muli %arg1, %mul3A : i32
    %add3A = arith.addi %mul3A_0, %arg0 : i32
    %mul3A_1 = arith.constant 128 : i32
    %mul3A_2 = arith.muli %add3A, %mul3A_1 : i32
    %mul3A_3 = arith.constant 128 : i32
    %mul3A_4 = arith.muli %mul3A_2, %mul3A_3 : i32
    %iota3A = tpu.iota {dimensions = array<i32: 0>} : vector<16xi32>
    %broadcast_in_dim3A = arith.constant 0.000000e+00 : f32
    %broadcast_in_dim3A_5 = vector.broadcast %broadcast_in_dim3A : f32 to vector<16xf32>
    %scan3A = arith.constant 0 : i32
    %scan3A_6 = arith.constant 0 : i32
    %scan3A_7 = arith.constant 1280 : i32
    %scan3A_8 = arith.addi %scan3A_6, %scan3A_7 : i32
    %scan3A_9 = arith.constant 1 : i32
    scf.for %scan3A_71 = %scan3A_6 to %scan3A_8 step %scan3A_9  : i32 {
      %mul3A_72 = arith.constant 16 : i32
      %mul3A_73 = arith.muli %scan3A_71, %mul3A_72 : i32
      %swap3A = arith.index_cast %mul3A_73 : i32 to index
      %swap3A_74 = tpu.vector_load %arg8[%swap3A] {strides = array<i32>} : memref<20480xf32, #tpu.memory_space<vmem>>, vector<16xf32>,
      tpu.vector_store %arg8[%swap3A], %broadcast_in_dim3A_5 {strides = array<i32>} : memref<20480xf32, #tpu.memory_space<vmem>>, vector<16xf32>,
    }
    %scan3A_10 = arith.constant 1280 : i32
    %add3A_11 = arith.constant 0 : i32
    %add3A_12 = arith.addi %mul3A_2, %add3A_11 : i32
    %mul3A_13 = arith.constant 512 : i32
    %mul3A_14 = arith.muli %add3A_12, %mul3A_13 : i32
    %dma_start3A = arith.constant 0 : i32
    %dma_start3A_15 = arith.constant 0 : i32
    %dma_start3A_16 = tpu.memref_slice %arg9[%dma_start3A, %dma_start3A_15] : memref<2x8192xf32, #tpu.memory_space<vmem>> -> memref<1x8192xf32, #tpu.memory_space<vmem>>
    %dma_start3A_17 = tpu.memref_squeeze %dma_start3A_16 : memref<1x8192xf32, #tpu.memory_space<vmem>> -> memref<8192xf32, #tpu.memory_space<vmem>>
    %dma_start3A_18 = tpu.memref_slice %arg2[%mul3A_14] : memref<2097152xf32, #tpu.memory_space<hbm>> -> memref<8192xf32, #tpu.memory_space<hbm>>
    %dma_start3A_19 = arith.constant 0 : i32
    %dma_start3A_20 = tpu.memref_slice %arg9[%dma_start3A, %dma_start3A_19] : memref<2x8192xf32, #tpu.memory_space<vmem>> -> memref<1x8192xf32, #tpu.memory_space<vmem>>
    %dma_start3A_21 = tpu.memref_squeeze %dma_start3A_20 : memref<1x8192xf32, #tpu.memory_space<vmem>> -> memref<8192xf32, #tpu.memory_space<vmem>>
    %dma_start3A_22 = tpu.memref_slice %arg2[%mul3A_14] : memref<2097152xf32, #tpu.memory_space<hbm>> -> memref<8192xf32, #tpu.memory_space<hbm>>
    tpu.enqueue_dma source(%dma_start3A_22 : memref<8192xf32, #tpu.memory_space<hbm>>) target(%dma_start3A_21 : memref<8192xf32, #tpu.memory_space<vmem>>) target_semaphore(%arg12 : memref<!tpu.dma_semaphore, #tpu.memory_space<semaphore_mem>>)
    %add3A_23 = arith.constant 0 : i32
    %add3A_24 = arith.addi %mul3A_4, %add3A_23 : i32
    %dma_start3A_25 = arith.constant 0 : i32
    %dma_start3A_26 = arith.constant 0 : i32
    %dma_start3A_27 = arith.constant 0 : i32
    %dma_start3A_28 = tpu.memref_slice %arg10[%dma_start3A_25, %dma_start3A_26, %dma_start3A_27] : memref<2x3x2048xf32, #tpu.memory_space<vmem>> -> memref<1x1x2048xf32, #tpu.memory_space<vmem>>
    %dma_start3A_29 = tpu.memref_squeeze %dma_start3A_28 : memref<1x1x2048xf32, #tpu.memory_space<vmem>> -> memref<2048xf32, #tpu.memory_space<vmem>>
    %dma_start3A_30 = tpu.memref_slice %arg3[%add3A_24] : memref<524288xf32, #tpu.memory_space<hbm>> -> memref<2048xf32, #tpu.memory_space<hbm>>
    %dma_start3A_31 = arith.constant 0 : i32
    %dma_start3A_32 = tpu.memref_slice %arg10[%dma_start3A_25, %dma_start3A_26, %dma_start3A_31] : memref<2x3x2048xf32, #tpu.memory_space<vmem>> -> memref<1x1x2048xf32, #tpu.memory_space<vmem>>
    %dma_start3A_33 = tpu.memref_squeeze %dma_start3A_32 : memref<1x1x2048xf32, #tpu.memory_space<vmem>> -> memref<2048xf32, #tpu.memory_space<vmem>>
    %dma_start3A_34 = tpu.memref_slice %arg3[%add3A_24] : memref<524288xf32, #tpu.memory_space<hbm>> -> memref<2048xf32, #tpu.memory_space<hbm>>
    tpu.enqueue_dma source(%dma_start3A_34 : memref<2048xf32, #tpu.memory_space<hbm>>) target(%dma_start3A_33 : memref<2048xf32, #tpu.memory_space<vmem>>) target_semaphore(%arg12 : memref<!tpu.dma_semaphore, #tpu.memory_space<semaphore_mem>>)
    %dma_start3A_35 = arith.constant 0 : i32
    %dma_start3A_36 = arith.constant 1 : i32
    %dma_start3A_37 = arith.constant 0 : i32
    %dma_start3A_38 = tpu.memref_slice %arg10[%dma_start3A_35, %dma_start3A_36, %dma_start3A_37] : memref<2x3x2048xf32, #tpu.memory_space<vmem>> -> memref<1x1x2048xf32, #tpu.memory_space<vmem>>
    %dma_start3A_39 = tpu.memref_squeeze %dma_start3A_38 : memref<1x1x2048xf32, #tpu.memory_space<vmem>> -> memref<2048xf32, #tpu.memory_space<vmem>>
    %dma_start3A_40 = tpu.memref_slice %arg4[%add3A_24] : memref<524288xf32, #tpu.memory_space<hbm>> -> memref<2048xf32, #tpu.memory_space<hbm>>
    %dma_start3A_41 = arith.constant 0 : i32
    %dma_start3A_42 = tpu.memref_slice %arg10[%dma_start3A_35, %dma_start3A_36, %dma_start3A_41] : memref<2x3x2048xf32, #tpu.memory_space<vmem>> -> memref<1x1x2048xf32, #tpu.memory_space<vmem>>
    %dma_start3A_43 = tpu.memref_squeeze %dma_start3A_42 : memref<1x1x2048xf32, #tpu.memory_space<vmem>> -> memref<2048xf32, #tpu.memory_space<vmem>>
    %dma_start3A_44 = tpu.memref_slice %arg4[%add3A_24] : memref<524288xf32, #tpu.memory_space<hbm>> -> memref<2048xf32, #tpu.memory_space<hbm>>
    tpu.enqueue_dma source(%dma_start3A_44 : memref<2048xf32, #tpu.memory_space<hbm>>) target(%dma_start3A_43 : memref<2048xf32, #tpu.memory_space<vmem>>) target_semaphore(%arg12 : memref<!tpu.dma_semaphore, #tpu.memory_space<semaphore_mem>>)
    %dma_start3A_45 = arith.constant 0 : i32
    %dma_start3A_46 = arith.constant 2 : i32
    %dma_start3A_47 = arith.constant 0 : i32
    %dma_start3A_48 = tpu.memref_slice %arg10[%dma_start3A_45, %dma_start3A_46, %dma_start3A_47] : memref<2x3x2048xf32, #tpu.memory_space<vmem>> -> memref<1x1x2048xf32, #tpu.memory_space<vmem>>
    %dma_start3A_49 = tpu.memref_squeeze %dma_start3A_48 : memref<1x1x2048xf32, #tpu.memory_space<vmem>> -> memref<2048xf32, #tpu.memory_space<vmem>>
    %dma_start3A_50 = tpu.memref_slice %arg5[%add3A_24] : memref<524288xf32, #tpu.memory_space<hbm>> -> memref<2048xf32, #tpu.memory_space<hbm>>
    %dma_start3A_51 = arith.constant 0 : i32
    %dma_start3A_52 = tpu.memref_slice %arg10[%dma_start3A_45, %dma_start3A_46, %dma_start3A_51] : memref<2x3x2048xf32, #tpu.memory_space<vmem>> -> memref<1x1x2048xf32, #tpu.memory_space<vmem>>
    %dma_start3A_53 = tpu.memref_squeeze %dma_start3A_52 : memref<1x1x2048xf32, #tpu.memory_space<vmem>> -> memref<2048xf32, #tpu.memory_space<vmem>>
    %dma_start3A_54 = tpu.memref_slice %arg5[%add3A_24] : memref<524288xf32, #tpu.memory_space<hbm>> -> memref<2048xf32, #tpu.memory_space<hbm>>
    tpu.enqueue_dma source(%dma_start3A_54 : memref<2048xf32, #tpu.memory_space<hbm>>) target(%dma_start3A_53 : memref<2048xf32, #tpu.memory_space<vmem>>) target_semaphore(%arg12 : memref<!tpu.dma_semaphore, #tpu.memory_space<semaphore_mem>>)
    %dma_start3A_55 = arith.constant 0 : i32
    %dma_start3A_56 = arith.constant 0 : i32
    %dma_start3A_57 = tpu.memref_slice %arg11[%dma_start3A_55, %dma_start3A_56] : memref<2x2048xi32, #tpu.memory_space<vmem>> -> memref<1x2048xi32, #tpu.memory_space<vmem>>
    %dma_start3A_58 = tpu.memref_squeeze %dma_start3A_57 : memref<1x2048xi32, #tpu.memory_space<vmem>> -> memref<2048xi32, #tpu.memory_space<vmem>>
    %dma_start3A_59 = tpu.memref_slice %arg6[%add3A_24] : memref<524288xi32, #tpu.memory_space<hbm>> -> memref<2048xi32, #tpu.memory_space<hbm>>
    %dma_start3A_60 = arith.constant 0 : i32
    %dma_start3A_61 = tpu.memref_slice %arg11[%dma_start3A_55, %dma_start3A_60] : memref<2x2048xi32, #tpu.memory_space<vmem>> -> memref<1x2048xi32, #tpu.memory_space<vmem>>
    %dma_start3A_62 = tpu.memref_squeeze %dma_start3A_61 : memref<1x2048xi32, #tpu.memory_space<vmem>> -> memref<2048xi32, #tpu.memory_space<vmem>>
    %dma_start3A_63 = tpu.memref_slice %arg6[%add3A_24] : memref<524288xi32, #tpu.memory_space<hbm>> -> memref<2048xi32, #tpu.memory_space<hbm>>
    tpu.enqueue_dma source(%dma_start3A_63 : memref<2048xi32, #tpu.memory_space<hbm>>) target(%dma_start3A_62 : memref<2048xi32, #tpu.memory_space<vmem>>) target_semaphore(%arg12 : memref<!tpu.dma_semaphore, #tpu.memory_space<semaphore_mem>>)
    %scan3A_64 = arith.constant 0 : i32
    %scan3A_65 = arith.constant 0 : i32
    %scan3A_66 = arith.constant 4 : i32
    %scan3A_67 = arith.addi %scan3A_65, %scan3A_66 : i32
    %scan3A_68 = arith.constant 1 : i32
    %scan3A_69 = scf.for %scan3A_71 = %scan3A_65 to %scan3A_67 step %scan3A_68 iter_args(%scan3A_72 = %scan3A_64) -> (i32)  : i32 {
      %mul3A_73 = arith.constant 2 : i32
      %mul3A_74 = arith.muli %mul3A_73, %scan3A_71 : i32
      %add3A_75 = arith.constant 1 : i32
      %add3A_76 = arith.addi %mul3A_74, %add3A_75 : i32
      %mul3A_77 = arith.constant 16 : i32
      %mul3A_78 = arith.muli %add3A_76, %mul3A_77 : i32
      %add3A_79 = arith.addi %mul3A_2, %mul3A_78 : i32
      %mul3A_80 = arith.constant 512 : i32
      %mul3A_81 = arith.muli %add3A_79, %mul3A_80 : i32
      %dma_start3A_82 = arith.constant 1 : i32
      %dma_start3A_83 = arith.constant 0 : i32
      %dma_start3A_84 = tpu.memref_slice %arg9[%dma_start3A_82, %dma_start3A_83] : memref<2x8192xf32, #tpu.memory_space<vmem>> -> memref<1x8192xf32, #tpu.memory_space<vmem>>
      %dma_start3A_85 = tpu.memref_squeeze %dma_start3A_84 : memref<1x8192xf32, #tpu.memory_space<vmem>> -> memref<8192xf32, #tpu.memory_space<vmem>>
      %dma_start3A_86 = tpu.memref_slice %arg2[%mul3A_81] : memref<2097152xf32, #tpu.memory_space<hbm>> -> memref<8192xf32, #tpu.memory_space<hbm>>
      %dma_start3A_87 = arith.constant 0 : i32
      %dma_start3A_88 = tpu.memref_slice %arg9[%dma_start3A_82, %dma_start3A_87] : memref<2x8192xf32, #tpu.memory_space<vmem>> -> memref<1x8192xf32, #tpu.memory_space<vmem>>
      %dma_start3A_89 = tpu.memref_squeeze %dma_start3A_88 : memref<1x8192xf32, #tpu.memory_space<vmem>> -> memref<8192xf32, #tpu.memory_space<vmem>>
      %dma_start3A_90 = tpu.memref_slice %arg2[%mul3A_81] : memref<2097152xf32, #tpu.memory_space<hbm>> -> memref<8192xf32, #tpu.memory_space<hbm>>
      tpu.enqueue_dma source(%dma_start3A_90 : memref<8192xf32, #tpu.memory_space<hbm>>) target(%dma_start3A_89 : memref<8192xf32, #tpu.memory_space<vmem>>) target_semaphore(%arg13 : memref<!tpu.dma_semaphore, #tpu.memory_space<semaphore_mem>>)
      %mul3A_91 = arith.constant 2048 : i32
      %mul3A_92 = arith.muli %add3A_76, %mul3A_91 : i32
      %add3A_93 = arith.addi %mul3A_4, %mul3A_92 : i32
      %dma_start3A_94 = arith.constant 1 : i32
      %dma_start3A_95 = arith.constant 0 : i32
      %dma_start3A_96 = arith.constant 0 : i32
      %dma_start3A_97 = tpu.memref_slice %arg10[%dma_start3A_94, %dma_start3A_95, %dma_start3A_96] : memref<2x3x2048xf32, #tpu.memory_space<vmem>> -> memref<1x1x2048xf32, #tpu.memory_space<vmem>>
      %dma_start3A_98 = tpu.memref_squeeze %dma_start3A_97 : memref<1x1x2048xf32, #tpu.memory_space<vmem>> -> memref<2048xf32, #tpu.memory_space<vmem>>
      %dma_start3A_99 = tpu.memref_slice %arg3[%add3A_93] : memref<524288xf32, #tpu.memory_space<hbm>> -> memref<2048xf32, #tpu.memory_space<hbm>>
      %dma_start3A_100 = arith.constant 0 : i32
      %dma_start3A_101 = tpu.memref_slice %arg10[%dma_start3A_94, %dma_start3A_95, %dma_start3A_100] : memref<2x3x2048xf32, #tpu.memory_space<vmem>> -> memref<1x1x2048xf32, #tpu.memory_space<vmem>>
      %dma_start3A_102 = tpu.memref_squeeze %dma_start3A_101 : memref<1x1x2048xf32, #tpu.memory_space<vmem>> -> memref<2048xf32, #tpu.memory_space<vmem>>
      %dma_start3A_103 = tpu.memref_slice %arg3[%add3A_93] : memref<524288xf32, #tpu.memory_space<hbm>> -> memref<2048xf32, #tpu.memory_space<hbm>>
      tpu.enqueue_dma source(%dma_start3A_103 : memref<2048xf32, #tpu.memory_space<hbm>>) target(%dma_start3A_102 : memref<2048xf32, #tpu.memory_space<vmem>>) target_semaphore(%arg13 : memref<!tpu.dma_semaphore, #tpu.memory_space<semaphore_mem>>)
      %dma_start3A_104 = arith.constant 1 : i32
      %dma_start3A_105 = arith.constant 1 : i32
      %dma_start3A_106 = arith.constant 0 : i32
      %dma_start3A_107 = tpu.memref_slice %arg10[%dma_start3A_104, %dma_start3A_105, %dma_start3A_106] : memref<2x3x2048xf32, #tpu.memory_space<vmem>> -> memref<1x1x2048xf32, #tpu.memory_space<vmem>>
      %dma_start3A_108 = tpu.memref_squeeze %dma_start3A_107 : memref<1x1x2048xf32, #tpu.memory_space<vmem>> -> memref<2048xf32, #tpu.memory_space<vmem>>
      %dma_start3A_109 = tpu.memref_slice %arg4[%add3A_93] : memref<524288xf32, #tpu.memory_space<hbm>> -> memref<2048xf32, #tpu.memory_space<hbm>>
      %dma_start3A_110 = arith.constant 0 : i32
      %dma_start3A_111 = tpu.memref_slice %arg10[%dma_start3A_104, %dma_start3A_105, %dma_start3A_110] : memref<2x3x2048xf32, #tpu.memory_space<vmem>> -> memref<1x1x2048xf32, #tpu.memory_space<vmem>>
      %dma_start3A_112 = tpu.memref_squeeze %dma_start3A_111 : memref<1x1x2048xf32, #tpu.memory_space<vmem>> -> memref<2048xf32, #tpu.memory_space<vmem>>
      %dma_start3A_113 = tpu.memref_slice %arg4[%add3A_93] : memref<524288xf32, #tpu.memory_space<hbm>> -> memref<2048xf32, #tpu.memory_space<hbm>>
      tpu.enqueue_dma source(%dma_start3A_113 : memref<2048xf32, #tpu.memory_space<hbm>>) target(%dma_start3A_112 : memref<2048xf32, #tpu.memory_space<vmem>>) target_semaphore(%arg13 : memref<!tpu.dma_semaphore, #tpu.memory_space<semaphore_mem>>)
      %dma_start3A_114 = arith.constant 1 : i32
      %dma_start3A_115 = arith.constant 2 : i32
      %dma_start3A_116 = arith.constant 0 : i32
      %dma_start3A_117 = tpu.memref_slice %arg10[%dma_start3A_114, %dma_start3A_115, %dma_start3A_116] : memref<2x3x2048xf32, #tpu.memory_space<vmem>> -> memref<1x1x2048xf32, #tpu.memory_space<vmem>>
      %dma_start3A_118 = tpu.memref_squeeze %dma_start3A_117 : memref<1x1x2048xf32, #tpu.memory_space<vmem>> -> memref<2048xf32, #tpu.memory_space<vmem>>
      %dma_start3A_119 = tpu.memref_slice %arg5[%add3A_93] : memref<524288xf32, #tpu.memory_space<hbm>> -> memref<2048xf32, #tpu.memory_space<hbm>>
      %dma_start3A_120 = arith.constant 0 : i32
      %dma_start3A_121 = tpu.memref_slice %arg10[%dma_start3A_114, %dma_start3A_115, %dma_start3A_120] : memref<2x3x2048xf32, #tpu.memory_space<vmem>> -> memref<1x1x2048xf32, #tpu.memory_space<vmem>>
      %dma_start3A_122 = tpu.memref_squeeze %dma_start3A_121 : memref<1x1x2048xf32, #tpu.memory_space<vmem>> -> memref<2048xf32, #tpu.memory_space<vmem>>
      %dma_start3A_123 = tpu.memref_slice %arg5[%add3A_93] : memref<524288xf32, #tpu.memory_space<hbm>> -> memref<2048xf32, #tpu.memory_space<hbm>>
      tpu.enqueue_dma source(%dma_start3A_123 : memref<2048xf32, #tpu.memory_space<hbm>>) target(%dma_start3A_122 : memref<2048xf32, #tpu.memory_space<vmem>>) target_semaphore(%arg13 : memref<!tpu.dma_semaphore, #tpu.memory_space<semaphore_mem>>)
      %dma_start3A_124 = arith.constant 1 : i32
      %dma_start3A_125 = arith.constant 0 : i32
      %dma_start3A_126 = tpu.memref_slice %arg11[%dma_start3A_124, %dma_start3A_125] : memref<2x2048xi32, #tpu.memory_space<vmem>> -> memref<1x2048xi32, #tpu.memory_space<vmem>>
      %dma_start3A_127 = tpu.memref_squeeze %dma_start3A_126 : memref<1x2048xi32, #tpu.memory_space<vmem>> -> memref<2048xi32, #tpu.memory_space<vmem>>
      %dma_start3A_128 = tpu.memref_slice %arg6[%add3A_93] : memref<524288xi32, #tpu.memory_space<hbm>> -> memref<2048xi32, #tpu.memory_space<hbm>>
      %dma_start3A_129 = arith.constant 0 : i32
      %dma_start3A_130 = tpu.memref_slice %arg11[%dma_start3A_124, %dma_start3A_129] : memref<2x2048xi32, #tpu.memory_space<vmem>> -> memref<1x2048xi32, #tpu.memory_space<vmem>>
      %dma_start3A_131 = tpu.memref_squeeze %dma_start3A_130 : memref<1x2048xi32, #tpu.memory_space<vmem>> -> memref<2048xi32, #tpu.memory_space<vmem>>
      %dma_start3A_132 = tpu.memref_slice %arg6[%add3A_93] : memref<524288xi32, #tpu.memory_space<hbm>> -> memref<2048xi32, #tpu.memory_space<hbm>>
      tpu.enqueue_dma source(%dma_start3A_132 : memref<2048xi32, #tpu.memory_space<hbm>>) target(%dma_start3A_131 : memref<2048xi32, #tpu.memory_space<vmem>>) target_semaphore(%arg13 : memref<!tpu.dma_semaphore, #tpu.memory_space<semaphore_mem>>)
      %dma_wait3A = arith.constant 0 : i32
      %dma_wait3A_133 = arith.constant 0 : i32
      %dma_wait3A_134 = tpu.memref_slice %arg9[%dma_wait3A, %dma_wait3A_133] : memref<2x8192xf32, #tpu.memory_space<vmem>> -> memref<1x8192xf32, #tpu.memory_space<vmem>>
      %dma_wait3A_135 = tpu.memref_squeeze %dma_wait3A_134 : memref<1x8192xf32, #tpu.memory_space<vmem>> -> memref<8192xf32, #tpu.memory_space<vmem>>
      %dma_wait3A_136 = arith.constant 0 : i32
      %dma_wait3A_137 = tpu.memref_slice %arg2[%dma_wait3A_136] : memref<2097152xf32, #tpu.memory_space<hbm>> -> memref<8192xf32, #tpu.memory_space<hbm>>
      %dma_wait3A_138 = arith.constant 0 : i32
      %dma_wait3A_139 = tpu.memref_slice %arg9[%dma_wait3A, %dma_wait3A_138] : memref<2x8192xf32, #tpu.memory_space<vmem>> -> memref<1x8192xf32, #tpu.memory_space<vmem>>
      %dma_wait3A_140 = tpu.memref_squeeze %dma_wait3A_139 : memref<1x8192xf32, #tpu.memory_space<vmem>> -> memref<8192xf32, #tpu.memory_space<vmem>>
      %dma_wait3A_141 = arith.constant 0 : i32
      %dma_wait3A_142 = tpu.memref_slice %arg2[%dma_wait3A_141] : memref<2097152xf32, #tpu.memory_space<hbm>> -> memref<8192xf32, #tpu.memory_space<hbm>>
      tpu.wait_dma2 semaphore(%arg12 : memref<!tpu.dma_semaphore, #tpu.memory_space<semaphore_mem>>) src(%dma_wait3A_142 : memref<8192xf32, #tpu.memory_space<hbm>>) dst(%dma_wait3A_140 : memref<8192xf32, #tpu.memory_space<vmem>>)
      %dma_wait3A_143 = arith.constant 0 : i32
      %dma_wait3A_144 = arith.constant 0 : i32
      %dma_wait3A_145 = arith.constant 0 : i32
      %dma_wait3A_146 = tpu.memref_slice %arg10[%dma_wait3A_143, %dma_wait3A_144, %dma_wait3A_145] : memref<2x3x2048xf32, #tpu.memory_space<vmem>> -> memref<1x1x2048xf32, #tpu.memory_space<vmem>>
      %dma_wait3A_147 = tpu.memref_squeeze %dma_wait3A_146 : memref<1x1x2048xf32, #tpu.memory_space<vmem>> -> memref<2048xf32, #tpu.memory_space<vmem>>
      %dma_wait3A_148 = arith.constant 0 : i32
      %dma_wait3A_149 = tpu.memref_slice %arg3[%dma_wait3A_148] : memref<524288xf32, #tpu.memory_space<hbm>> -> memref<2048xf32, #tpu.memory_space<hbm>>
      %dma_wait3A_150 = arith.constant 0 : i32
      %dma_wait3A_151 = tpu.memref_slice %arg10[%dma_wait3A_143, %dma_wait3A_144, %dma_wait3A_150] : memref<2x3x2048xf32, #tpu.memory_space<vmem>> -> memref<1x1x2048xf32, #tpu.memory_space<vmem>>
      %dma_wait3A_152 = tpu.memref_squeeze %dma_wait3A_151 : memref<1x1x2048xf32, #tpu.memory_space<vmem>> -> memref<2048xf32, #tpu.memory_space<vmem>>
      %dma_wait3A_153 = arith.constant 0 : i32
      %dma_wait3A_154 = tpu.memref_slice %arg3[%dma_wait3A_153] : memref<524288xf32, #tpu.memory_space<hbm>> -> memref<2048xf32, #tpu.memory_space<hbm>>
      tpu.wait_dma2 semaphore(%arg12 : memref<!tpu.dma_semaphore, #tpu.memory_space<semaphore_mem>>) src(%dma_wait3A_154 : memref<2048xf32, #tpu.memory_space<hbm>>) dst(%dma_wait3A_152 : memref<2048xf32, #tpu.memory_space<vmem>>)
      %dma_wait3A_155 = arith.constant 0 : i32
      %dma_wait3A_156 = arith.constant 1 : i32
      %dma_wait3A_157 = arith.constant 0 : i32
      %dma_wait3A_158 = tpu.memref_slice %arg10[%dma_wait3A_155, %dma_wait3A_156, %dma_wait3A_157] : memref<2x3x2048xf32, #tpu.memory_space<vmem>> -> memref<1x1x2048xf32, #tpu.memory_space<vmem>>
      %dma_wait3A_159 = tpu.memref_squeeze %dma_wait3A_158 : memref<1x1x2048xf32, #tpu.memory_space<vmem>> -> memref<2048xf32, #tpu.memory_space<vmem>>
      %dma_wait3A_160 = arith.constant 0 : i32
      %dma_wait3A_161 = tpu.memref_slice %arg4[%dma_wait3A_160] : memref<524288xf32, #tpu.memory_space<hbm>> -> memref<2048xf32, #tpu.memory_space<hbm>>
      %dma_wait3A_162 = arith.constant 0 : i32
      %dma_wait3A_163 = tpu.memref_slice %arg10[%dma_wait3A_155, %dma_wait3A_156, %dma_wait3A_162] : memref<2x3x2048xf32, #tpu.memory_space<vmem>> -> memref<1x1x2048xf32, #tpu.memory_space<vmem>>
      %dma_wait3A_164 = tpu.memref_squeeze %dma_wait3A_163 : memref<1x1x2048xf32, #tpu.memory_space<vmem>> -> memref<2048xf32, #tpu.memory_space<vmem>>
      %dma_wait3A_165 = arith.constant 0 : i32
      %dma_wait3A_166 = tpu.memref_slice %arg4[%dma_wait3A_165] : memref<524288xf32, #tpu.memory_space<hbm>> -> memref<2048xf32, #tpu.memory_space<hbm>>
      tpu.wait_dma2 semaphore(%arg12 : memref<!tpu.dma_semaphore, #tpu.memory_space<semaphore_mem>>) src(%dma_wait3A_166 : memref<2048xf32, #tpu.memory_space<hbm>>) dst(%dma_wait3A_164 : memref<2048xf32, #tpu.memory_space<vmem>>)
      %dma_wait3A_167 = arith.constant 0 : i32
      %dma_wait3A_168 = arith.constant 2 : i32
      %dma_wait3A_169 = arith.constant 0 : i32
      %dma_wait3A_170 = tpu.memref_slice %arg10[%dma_wait3A_167, %dma_wait3A_168, %dma_wait3A_169] : memref<2x3x2048xf32, #tpu.memory_space<vmem>> -> memref<1x1x2048xf32, #tpu.memory_space<vmem>>
      %dma_wait3A_171 = tpu.memref_squeeze %dma_wait3A_170 : memref<1x1x2048xf32, #tpu.memory_space<vmem>> -> memref<2048xf32, #tpu.memory_space<vmem>>
      %dma_wait3A_172 = arith.constant 0 : i32
      %dma_wait3A_173 = tpu.memref_slice %arg5[%dma_wait3A_172] : memref<524288xf32, #tpu.memory_space<hbm>> -> memref<2048xf32, #tpu.memory_space<hbm>>
      %dma_wait3A_174 = arith.constant 0 : i32
      %dma_wait3A_175 = tpu.memref_slice %arg10[%dma_wait3A_167, %dma_wait3A_168, %dma_wait3A_174] : memref<2x3x2048xf32, #tpu.memory_space<vmem>> -> memref<1x1x2048xf32, #tpu.memory_space<vmem>>
      %dma_wait3A_176 = tpu.memref_squeeze %dma_wait3A_175 : memref<1x1x2048xf32, #tpu.memory_space<vmem>> -> memref<2048xf32, #tpu.memory_space<vmem>>
      %dma_wait3A_177 = arith.constant 0 : i32
      %dma_wait3A_178 = tpu.memref_slice %arg5[%dma_wait3A_177] : memref<524288xf32, #tpu.memory_space<hbm>> -> memref<2048xf32, #tpu.memory_space<hbm>>
      tpu.wait_dma2 semaphore(%arg12 : memref<!tpu.dma_semaphore, #tpu.memory_space<semaphore_mem>>) src(%dma_wait3A_178 : memref<2048xf32, #tpu.memory_space<hbm>>) dst(%dma_wait3A_176 : memref<2048xf32, #tpu.memory_space<vmem>>)
      %dma_wait3A_179 = arith.constant 0 : i32
      %dma_wait3A_180 = arith.constant 0 : i32
      %dma_wait3A_181 = tpu.memref_slice %arg11[%dma_wait3A_179, %dma_wait3A_180] : memref<2x2048xi32, #tpu.memory_space<vmem>> -> memref<1x2048xi32, #tpu.memory_space<vmem>>
      %dma_wait3A_182 = tpu.memref_squeeze %dma_wait3A_181 : memref<1x2048xi32, #tpu.memory_space<vmem>> -> memref<2048xi32, #tpu.memory_space<vmem>>
      %dma_wait3A_183 = arith.constant 0 : i32
      %dma_wait3A_184 = tpu.memref_slice %arg6[%dma_wait3A_183] : memref<524288xi32, #tpu.memory_space<hbm>> -> memref<2048xi32, #tpu.memory_space<hbm>>
      %dma_wait3A_185 = arith.constant 0 : i32
      %dma_wait3A_186 = tpu.memref_slice %arg11[%dma_wait3A_179, %dma_wait3A_185] : memref<2x2048xi32, #tpu.memory_space<vmem>> -> memref<1x2048xi32, #tpu.memory_space<vmem>>
      %dma_wait3A_187 = tpu.memref_squeeze %dma_wait3A_186 : memref<1x2048xi32, #tpu.memory_space<vmem>> -> memref<2048xi32, #tpu.memory_space<vmem>>
      %dma_wait3A_188 = arith.constant 0 : i32
      %dma_wait3A_189 = tpu.memref_slice %arg6[%dma_wait3A_188] : memref<524288xi32, #tpu.memory_space<hbm>> -> memref<2048xi32, #tpu.memory_space<hbm>>
      tpu.wait_dma2 semaphore(%arg12 : memref<!tpu.dma_semaphore, #tpu.memory_space<semaphore_mem>>) src(%dma_wait3A_189 : memref<2048xi32, #tpu.memory_space<hbm>>) dst(%dma_wait3A_187 : memref<2048xi32, #tpu.memory_space<vmem>>)
      %parallel_loop3A = arith.constant 0 : i32
      %parallel_loop3A_190 = arith.constant 128 : i32
      %parallel_loop3A_191 = arith.constant 1 : i32
      %parallel_loop3A_192 = scf.for %parallel_loop3A_259 = %parallel_loop3A to %parallel_loop3A_190 step %parallel_loop3A_191 iter_args(%parallel_loop3A_260 = %scan3A_72) -> (i32)  : i32 {
        %parallel_loop3A_261 = arith.constant 16 : i32
        %parallel_loop3A_262 = arith.muli %parallel_loop3A_259, %parallel_loop3A_261 : i32
        %parallel_loop3A_263 = arith.constant 3 : i32
        %parallel_loop3A_264 = arith.shrui %parallel_loop3A_259, %parallel_loop3A_263 : i32
        %parallel_loop3A_265 = arith.constant 512 : i32
        %parallel_loop3A_266 = arith.muli %parallel_loop3A_264, %parallel_loop3A_265 : i32
        %parallel_loop3A_267 = arith.constant 7 : i32
        %parallel_loop3A_268 = arith.andi %parallel_loop3A_259, %parallel_loop3A_267 : i32
        %parallel_loop3A_269 = arith.constant 16 : i32
        %parallel_loop3A_270 = arith.muli %parallel_loop3A_268, %parallel_loop3A_269 : i32
        %parallel_loop3A_271 = arith.addi %parallel_loop3A_266, %parallel_loop3A_270 : i32
        %parallel_loop3A_272 = arith.constant 0 : i32
        %parallel_loop3A_273 = arith.index_cast %parallel_loop3A_272 : i32 to index
        %parallel_loop3A_274 = arith.index_cast %parallel_loop3A_262 : i32 to index
        %parallel_loop3A_275 = tpu.vector_load %arg11[%parallel_loop3A_273, %parallel_loop3A_274] {strides = array<i32>} : memref<2x2048xi32, #tpu.memory_space<vmem>>, vector<16xi32>,
        %parallel_loop3A_276 = arith.constant 0 : i32
        %parallel_loop3A_277 = arith.index_cast %parallel_loop3A_276 : i32 to index
        %parallel_loop3A_278 = arith.index_cast %parallel_loop3A_271 : i32 to index
        %parallel_loop3A_279 = tpu.vector_load %arg9[%parallel_loop3A_277, %parallel_loop3A_278] {strides = array<i32>} : memref<2x8192xf32, #tpu.memory_space<vmem>>, vector<16xf32>,
        %parallel_loop3A_280 = arith.constant 128 : i32
        %parallel_loop3A_281 = arith.addi %parallel_loop3A_271, %parallel_loop3A_280 : i32
        %parallel_loop3A_282 = arith.constant 0 : i32
        %parallel_loop3A_283 = arith.index_cast %parallel_loop3A_282 : i32 to index
        %parallel_loop3A_284 = arith.index_cast %parallel_loop3A_281 : i32 to index
        %parallel_loop3A_285 = tpu.vector_load %arg9[%parallel_loop3A_283, %parallel_loop3A_284] {strides = array<i32>} : memref<2x8192xf32, #tpu.memory_space<vmem>>, vector<16xf32>,
        %parallel_loop3A_286 = arith.constant 256 : i32
        %parallel_loop3A_287 = arith.addi %parallel_loop3A_271, %parallel_loop3A_286 : i32
        %parallel_loop3A_288 = arith.constant 0 : i32
        %parallel_loop3A_289 = arith.index_cast %parallel_loop3A_288 : i32 to index
        %parallel_loop3A_290 = arith.index_cast %parallel_loop3A_287 : i32 to index
        %parallel_loop3A_291 = tpu.vector_load %arg9[%parallel_loop3A_289, %parallel_loop3A_290] {strides = array<i32>} : memref<2x8192xf32, #tpu.memory_space<vmem>>, vector<16xf32>,
        %parallel_loop3A_292 = arith.constant 384 : i32
        %parallel_loop3A_293 = arith.addi %parallel_loop3A_271, %parallel_loop3A_292 : i32
        %parallel_loop3A_294 = arith.constant 0 : i32
        %parallel_loop3A_295 = arith.index_cast %parallel_loop3A_294 : i32 to index
        %parallel_loop3A_296 = arith.index_cast %parallel_loop3A_293 : i32 to index
        %parallel_loop3A_297 = tpu.vector_load %arg9[%parallel_loop3A_295, %parallel_loop3A_296] {strides = array<i32>} : memref<2x8192xf32, #tpu.memory_space<vmem>>, vector<16xf32>,
        %parallel_loop3A_298 = arith.constant 0 : i32
        %parallel_loop3A_299 = arith.constant 0 : i32
        %parallel_loop3A_300 = arith.index_cast %parallel_loop3A_298 : i32 to index
        %parallel_loop3A_301 = arith.index_cast %parallel_loop3A_299 : i32 to index
        %parallel_loop3A_302 = arith.index_cast %parallel_loop3A_262 : i32 to index
        %parallel_loop3A_303 = tpu.vector_load %arg10[%parallel_loop3A_300, %parallel_loop3A_301, %parallel_loop3A_302] {strides = array<i32>} : memref<2x3x2048xf32, #tpu.memory_space<vmem>>, vector<16xf32>,
        %parallel_loop3A_304 = arith.constant 0 : i32
        %parallel_loop3A_305 = arith.constant 1 : i32
        %parallel_loop3A_306 = arith.index_cast %parallel_loop3A_304 : i32 to index
        %parallel_loop3A_307 = arith.index_cast %parallel_loop3A_305 : i32 to index
        %parallel_loop3A_308 = arith.index_cast %parallel_loop3A_262 : i32 to index
        %parallel_loop3A_309 = tpu.vector_load %arg10[%parallel_loop3A_306, %parallel_loop3A_307, %parallel_loop3A_308] {strides = array<i32>} : memref<2x3x2048xf32, #tpu.memory_space<vmem>>, vector<16xf32>,
        %parallel_loop3A_310 = arith.constant 0 : i32
        %parallel_loop3A_311 = arith.constant 2 : i32
        %parallel_loop3A_312 = arith.index_cast %parallel_loop3A_310 : i32 to index
        %parallel_loop3A_313 = arith.index_cast %parallel_loop3A_311 : i32 to index
        %parallel_loop3A_314 = arith.index_cast %parallel_loop3A_262 : i32 to index
        %parallel_loop3A_315 = tpu.vector_load %arg10[%parallel_loop3A_312, %parallel_loop3A_313, %parallel_loop3A_314] {strides = array<i32>} : memref<2x3x2048xf32, #tpu.memory_space<vmem>>, vector<16xf32>,
        %parallel_loop3A_316 = arith.constant 1 : i32
        %parallel_loop3A_317 = vector.broadcast %parallel_loop3A_316 : i32 to vector<16xi32>
        %parallel_loop3A_318 = arith.addi %iota3A, %parallel_loop3A_317 : vector<16xi32>
        %parallel_loop3A_319 = arith.constant 15 : i32
        %parallel_loop3A_320 = vector.broadcast %parallel_loop3A_319 : i32 to vector<16xi32>
        %parallel_loop3A_321 = arith.minsi %parallel_loop3A_318, %parallel_loop3A_320 : vector<16xi32>
        %parallel_loop3A_322 = vector.broadcast %parallel_loop3A_262 : i32 to vector<16xi32>
        %parallel_loop3A_323 = arith.addi %parallel_loop3A_322, %parallel_loop3A_321 : vector<16xi32>
        %parallel_loop3A_324 = arith.constant 0 : i32
        %parallel_loop3A_325 = arith.constant 0 : i32
        %parallel_loop3A_326 = tpu.memref_slice %arg11[%parallel_loop3A_324, %parallel_loop3A_325] : memref<2x2048xi32, #tpu.memory_space<vmem>> -> memref<1x2048xi32, #tpu.memory_space<vmem>>
        %parallel_loop3A_327 = tpu.memref_squeeze %parallel_loop3A_326 : memref<1x2048xi32, #tpu.memory_space<vmem>> -> memref<2048xi32, #tpu.memory_space<vmem>>
        %parallel_loop3A_328 = tpu.vector_load_idx %parallel_loop3A_327[%parallel_loop3A_323] : memref<2048xi32, #tpu.memory_space<vmem>>[vector<16xi32>], vector<16xi32>,
        %parallel_loop3A_329 = arith.mulf %parallel_loop3A_279, %parallel_loop3A_303 : vector<16xf32>
        %parallel_loop3A_330 = arith.addf %parallel_loop3A_329, %parallel_loop3A_297 : vector<16xf32>
        %parallel_loop3A_331 = arith.mulf %parallel_loop3A_279, %parallel_loop3A_309 : vector<16xf32>
        %parallel_loop3A_332 = arith.addf %parallel_loop3A_331, %parallel_loop3A_285 : vector<16xf32>
        %parallel_loop3A_333 = arith.mulf %parallel_loop3A_279, %parallel_loop3A_315 : vector<16xf32>
        %parallel_loop3A_334 = arith.addf %parallel_loop3A_333, %parallel_loop3A_291 : vector<16xf32>
        %parallel_loop3A_335 = arith.mulf %parallel_loop3A_303, %parallel_loop3A_303 : vector<16xf32>
        %parallel_loop3A_336 = arith.mulf %parallel_loop3A_309, %parallel_loop3A_309 : vector<16xf32>
        %parallel_loop3A_337 = arith.addf %parallel_loop3A_335, %parallel_loop3A_336 : vector<16xf32>
        %parallel_loop3A_338 = arith.mulf %parallel_loop3A_315, %parallel_loop3A_315 : vector<16xf32>
        %parallel_loop3A_339 = arith.addf %parallel_loop3A_337, %parallel_loop3A_338 : vector<16xf32>
        %parallel_loop3A_340 = arith.mulf %parallel_loop3A_303, %parallel_loop3A_297 : vector<16xf32>
        %parallel_loop3A_341 = arith.mulf %parallel_loop3A_309, %parallel_loop3A_285 : vector<16xf32>
        %parallel_loop3A_342 = arith.addf %parallel_loop3A_340, %parallel_loop3A_341 : vector<16xf32>
        %parallel_loop3A_343 = arith.mulf %parallel_loop3A_315, %parallel_loop3A_291 : vector<16xf32>
        %parallel_loop3A_344 = arith.addf %parallel_loop3A_342, %parallel_loop3A_343 : vector<16xf32>
        %parallel_loop3A_345 = arith.mulf %parallel_loop3A_339, %parallel_loop3A_279 : vector<16xf32>
        %parallel_loop3A_346 = arith.constant 2.000000e+00 : f32
        %parallel_loop3A_347 = vector.broadcast %parallel_loop3A_346 : f32 to vector<16xf32>
        %parallel_loop3A_348 = arith.mulf %parallel_loop3A_347, %parallel_loop3A_344 : vector<16xf32>
        %parallel_loop3A_349 = arith.addf %parallel_loop3A_345, %parallel_loop3A_348 : vector<16xf32>
        %parallel_loop3A_350 = arith.cmpi ne, %parallel_loop3A_275, %parallel_loop3A_328 : vector<16xi32>
        %parallel_loop3A_351 = arith.constant 15 : i32
        %parallel_loop3A_352 = vector.broadcast %parallel_loop3A_351 : i32 to vector<16xi32>
        %parallel_loop3A_353 = arith.cmpi eq, %iota3A, %parallel_loop3A_352 : vector<16xi32>
        %parallel_loop3A_354 = arith.ori %parallel_loop3A_350, %parallel_loop3A_353 : vector<16xi1>
        %parallel_loop3A_355 = arith.constant true
        %parallel_loop3A_356 = vector.broadcast %parallel_loop3A_355 : i1 to vector<16xi1>
        %parallel_loop3A_357 = tpu.scan <sum>, %parallel_loop3A_279 masked %parallel_loop3A_356 : vector<16xf32>, vector<16xi1> -> vector<16xf32>
        %parallel_loop3A_358 = arith.constant 0 : i32
        %parallel_loop3A_359 = vector.broadcast %parallel_loop3A_358 : i32 to vector<16xi32>
        %parallel_loop3A_360 = arith.addi %parallel_loop3A_275, %parallel_loop3A_359 : vector<16xi32>
        tpu.vector_store_idx %arg8[%parallel_loop3A_360], %parallel_loop3A_357 masked %parallel_loop3A_354 {add = true} : memref<20480xf32, #tpu.memory_space<vmem>>[vector<16xi32>], vector<16xf32>, vector<16xi1>
        %parallel_loop3A_361 = arith.constant 0 : i32
        %parallel_loop3A_362 = vector.broadcast %parallel_loop3A_361 : i32 to vector<16xi32>
        %parallel_loop3A_363 = arith.addi %parallel_loop3A_328, %parallel_loop3A_362 : vector<16xi32>
        %parallel_loop3A_364 = arith.constant 0.000000e+00 : f32
        %parallel_loop3A_365 = vector.broadcast %parallel_loop3A_364 : f32 to vector<16xf32>
        %parallel_loop3A_366 = arith.subf %parallel_loop3A_365, %parallel_loop3A_357 : vector<16xf32>
        tpu.vector_store_idx %arg8[%parallel_loop3A_363], %parallel_loop3A_366 masked %parallel_loop3A_350 {add = true} : memref<20480xf32, #tpu.memory_space<vmem>>[vector<16xi32>], vector<16xf32>, vector<16xi1>
        %parallel_loop3A_367 = arith.constant true
        %parallel_loop3A_368 = vector.broadcast %parallel_loop3A_367 : i1 to vector<16xi1>
        %parallel_loop3A_369 = tpu.scan <sum>, %parallel_loop3A_330 masked %parallel_loop3A_368 : vector<16xf32>, vector<16xi1> -> vector<16xf32>
        %parallel_loop3A_370 = arith.constant 4096 : i32
        %parallel_loop3A_371 = vector.broadcast %parallel_loop3A_370 : i32 to vector<16xi32>
        %parallel_loop3A_372 = arith.addi %parallel_loop3A_275, %parallel_loop3A_371 : vector<16xi32>
        tpu.vector_store_idx %arg8[%parallel_loop3A_372], %parallel_loop3A_369 masked %parallel_loop3A_354 {add = true} : memref<20480xf32, #tpu.memory_space<vmem>>[vector<16xi32>], vector<16xf32>, vector<16xi1>
        %parallel_loop3A_373 = arith.constant 4096 : i32
        %parallel_loop3A_374 = vector.broadcast %parallel_loop3A_373 : i32 to vector<16xi32>
        %parallel_loop3A_375 = arith.addi %parallel_loop3A_328, %parallel_loop3A_374 : vector<16xi32>
        %parallel_loop3A_376 = arith.constant 0.000000e+00 : f32
        %parallel_loop3A_377 = vector.broadcast %parallel_loop3A_376 : f32 to vector<16xf32>
        %parallel_loop3A_378 = arith.subf %parallel_loop3A_377, %parallel_loop3A_369 : vector<16xf32>
        tpu.vector_store_idx %arg8[%parallel_loop3A_375], %parallel_loop3A_378 masked %parallel_loop3A_350 {add = true} : memref<20480xf32, #tpu.memory_space<vmem>>[vector<16xi32>], vector<16xf32>, vector<16xi1>
        %parallel_loop3A_379 = arith.constant true
        %parallel_loop3A_380 = vector.broadcast %parallel_loop3A_379 : i1 to vector<16xi1>
        %parallel_loop3A_381 = tpu.scan <sum>, %parallel_loop3A_332 masked %parallel_loop3A_380 : vector<16xf32>, vector<16xi1> -> vector<16xf32>
        %parallel_loop3A_382 = arith.constant 8192 : i32
        %parallel_loop3A_383 = vector.broadcast %parallel_loop3A_382 : i32 to vector<16xi32>
        %parallel_loop3A_384 = arith.addi %parallel_loop3A_275, %parallel_loop3A_383 : vector<16xi32>
        tpu.vector_store_idx %arg8[%parallel_loop3A_384], %parallel_loop3A_381 masked %parallel_loop3A_354 {add = true} : memref<20480xf32, #tpu.memory_space<vmem>>[vector<16xi32>], vector<16xf32>, vector<16xi1>
        %parallel_loop3A_385 = arith.constant 8192 : i32
        %parallel_loop3A_386 = vector.broadcast %parallel_loop3A_385 : i32 to vector<16xi32>
        %parallel_loop3A_387 = arith.addi %parallel_loop3A_328, %parallel_loop3A_386 : vector<16xi32>
        %parallel_loop3A_388 = arith.constant 0.000000e+00 : f32
        %parallel_loop3A_389 = vector.broadcast %parallel_loop3A_388 : f32 to vector<16xf32>
        %parallel_loop3A_390 = arith.subf %parallel_loop3A_389, %parallel_loop3A_381 : vector<16xf32>
        tpu.vector_store_idx %arg8[%parallel_loop3A_387], %parallel_loop3A_390 masked %parallel_loop3A_350 {add = true} : memref<20480xf32, #tpu.memory_space<vmem>>[vector<16xi32>], vector<16xf32>, vector<16xi1>
        %parallel_loop3A_391 = arith.constant true
        %parallel_loop3A_392 = vector.broadcast %parallel_loop3A_391 : i1 to vector<16xi1>
        %parallel_loop3A_393 = tpu.scan <sum>, %parallel_loop3A_334 masked %parallel_loop3A_392 : vector<16xf32>, vector<16xi1> -> vector<16xf32>
        %parallel_loop3A_394 = arith.constant 12288 : i32
        %parallel_loop3A_395 = vector.broadcast %parallel_loop3A_394 : i32 to vector<16xi32>
        %parallel_loop3A_396 = arith.addi %parallel_loop3A_275, %parallel_loop3A_395 : vector<16xi32>
        tpu.vector_store_idx %arg8[%parallel_loop3A_396], %parallel_loop3A_393 masked %parallel_loop3A_354 {add = true} : memref<20480xf32, #tpu.memory_space<vmem>>[vector<16xi32>], vector<16xf32>, vector<16xi1>
        %parallel_loop3A_397 = arith.constant 12288 : i32
        %parallel_loop3A_398 = vector.broadcast %parallel_loop3A_397 : i32 to vector<16xi32>
        %parallel_loop3A_399 = arith.addi %parallel_loop3A_328, %parallel_loop3A_398 : vector<16xi32>
        %parallel_loop3A_400 = arith.constant 0.000000e+00 : f32
        %parallel_loop3A_401 = vector.broadcast %parallel_loop3A_400 : f32 to vector<16xf32>
        %parallel_loop3A_402 = arith.subf %parallel_loop3A_401, %parallel_loop3A_393 : vector<16xf32>
        tpu.vector_store_idx %arg8[%parallel_loop3A_399], %parallel_loop3A_402 masked %parallel_loop3A_350 {add = true} : memref<20480xf32, #tpu.memory_space<vmem>>[vector<16xi32>], vector<16xf32>, vector<16xi1>
        %parallel_loop3A_403 = arith.constant true
        %parallel_loop3A_404 = vector.broadcast %parallel_loop3A_403 : i1 to vector<16xi1>
        %parallel_loop3A_405 = tpu.scan <sum>, %parallel_loop3A_349 masked %parallel_loop3A_404 : vector<16xf32>, vector<16xi1> -> vector<16xf32>
        %parallel_loop3A_406 = arith.constant 16384 : i32
        %parallel_loop3A_407 = vector.broadcast %parallel_loop3A_406 : i32 to vector<16xi32>
        %parallel_loop3A_408 = arith.addi %parallel_loop3A_275, %parallel_loop3A_407 : vector<16xi32>
        tpu.vector_store_idx %arg8[%parallel_loop3A_408], %parallel_loop3A_405 masked %parallel_loop3A_354 {add = true} : memref<20480xf32, #tpu.memory_space<vmem>>[vector<16xi32>], vector<16xf32>, vector<16xi1>
        %parallel_loop3A_409 = arith.constant 16384 : i32
        %parallel_loop3A_410 = vector.broadcast %parallel_loop3A_409 : i32 to vector<16xi32>
        %parallel_loop3A_411 = arith.addi %parallel_loop3A_328, %parallel_loop3A_410 : vector<16xi32>
        %parallel_loop3A_412 = arith.constant 0.000000e+00 : f32
        %parallel_loop3A_413 = vector.broadcast %parallel_loop3A_412 : f32 to vector<16xf32>
        %parallel_loop3A_414 = arith.subf %parallel_loop3A_413, %parallel_loop3A_405 : vector<16xf32>
        tpu.vector_store_idx %arg8[%parallel_loop3A_411], %parallel_loop3A_414 masked %parallel_loop3A_350 {add = true} : memref<20480xf32, #tpu.memory_space<vmem>>[vector<16xi32>], vector<16xf32>, vector<16xi1>
        scf.yield %parallel_loop3A_260 : i32
      } {sc.loop_unroll_factor = 2 : i64, sc.parallel_access}
      %add3A_193 = arith.constant 2 : i32
      %add3A_194 = arith.addi %mul3A_74, %add3A_193 : i32
      %lt3A = arith.constant 8 : i32
      %lt3A_195 = arith.cmpi slt, %add3A_194, %lt3A : i32
      %convert_element_type3A = arith.extui %lt3A_195 : i1 to i32
      %cond3A = arith.constant 0 : i32
      %cond3A_196 = arith.cmpi ne, %convert_element_type3A, %cond3A : i32
      scf.if %cond3A_196 {
        %add3A_259 = arith.constant 2 : i32
        %add3A_260 = arith.addi %mul3A_74, %add3A_259 : i32
        %mul3A_261 = arith.constant 16 : i32
        %mul3A_262 = arith.muli %add3A_260, %mul3A_261 : i32
        %add3A_263 = arith.addi %mul3A_2, %mul3A_262 : i32
        %mul3A_264 = arith.constant 512 : i32
        %mul3A_265 = arith.muli %add3A_263, %mul3A_264 : i32
        %dma_start3A_266 = arith.constant 0 : i32
        %dma_start3A_267 = arith.constant 0 : i32
        %dma_start3A_268 = tpu.memref_slice %arg9[%dma_start3A_266, %dma_start3A_267] : memref<2x8192xf32, #tpu.memory_space<vmem>> -> memref<1x8192xf32, #tpu.memory_space<vmem>>
        %dma_start3A_269 = tpu.memref_squeeze %dma_start3A_268 : memref<1x8192xf32, #tpu.memory_space<vmem>> -> memref<8192xf32, #tpu.memory_space<vmem>>
        %dma_start3A_270 = tpu.memref_slice %arg2[%mul3A_265] : memref<2097152xf32, #tpu.memory_space<hbm>> -> memref<8192xf32, #tpu.memory_space<hbm>>
        %dma_start3A_271 = arith.constant 0 : i32
        %dma_start3A_272 = tpu.memref_slice %arg9[%dma_start3A_266, %dma_start3A_271] : memref<2x8192xf32, #tpu.memory_space<vmem>> -> memref<1x8192xf32, #tpu.memory_space<vmem>>
        %dma_start3A_273 = tpu.memref_squeeze %dma_start3A_272 : memref<1x8192xf32, #tpu.memory_space<vmem>> -> memref<8192xf32, #tpu.memory_space<vmem>>
        %dma_start3A_274 = tpu.memref_slice %arg2[%mul3A_265] : memref<2097152xf32, #tpu.memory_space<hbm>> -> memref<8192xf32, #tpu.memory_space<hbm>>
        tpu.enqueue_dma source(%dma_start3A_274 : memref<8192xf32, #tpu.memory_space<hbm>>) target(%dma_start3A_273 : memref<8192xf32, #tpu.memory_space<vmem>>) target_semaphore(%arg12 : memref<!tpu.dma_semaphore, #tpu.memory_space<semaphore_mem>>)
        %mul3A_275 = arith.constant 2048 : i32
        %mul3A_276 = arith.muli %add3A_260, %mul3A_275 : i32
        %add3A_277 = arith.addi %mul3A_4, %mul3A_276 : i32
        %dma_start3A_278 = arith.constant 0 : i32
        %dma_start3A_279 = arith.constant 0 : i32
        %dma_start3A_280 = arith.constant 0 : i32
        %dma_start3A_281 = tpu.memref_slice %arg10[%dma_start3A_278, %dma_start3A_279, %dma_start3A_280] : memref<2x3x2048xf32, #tpu.memory_space<vmem>> -> memref<1x1x2048xf32, #tpu.memory_space<vmem>>
        %dma_start3A_282 = tpu.memref_squeeze %dma_start3A_281 : memref<1x1x2048xf32, #tpu.memory_space<vmem>> -> memref<2048xf32, #tpu.memory_space<vmem>>
        %dma_start3A_283 = tpu.memref_slice %arg3[%add3A_277] : memref<524288xf32, #tpu.memory_space<hbm>> -> memref<2048xf32, #tpu.memory_space<hbm>>
        %dma_start3A_284 = arith.constant 0 : i32
        %dma_start3A_285 = tpu.memref_slice %arg10[%dma_start3A_278, %dma_start3A_279, %dma_start3A_284] : memref<2x3x2048xf32, #tpu.memory_space<vmem>> -> memref<1x1x2048xf32, #tpu.memory_space<vmem>>
        %dma_start3A_286 = tpu.memref_squeeze %dma_start3A_285 : memref<1x1x2048xf32, #tpu.memory_space<vmem>> -> memref<2048xf32, #tpu.memory_space<vmem>>
        %dma_start3A_287 = tpu.memref_slice %arg3[%add3A_277] : memref<524288xf32, #tpu.memory_space<hbm>> -> memref<2048xf32, #tpu.memory_space<hbm>>
        tpu.enqueue_dma source(%dma_start3A_287 : memref<2048xf32, #tpu.memory_space<hbm>>) target(%dma_start3A_286 : memref<2048xf32, #tpu.memory_space<vmem>>) target_semaphore(%arg12 : memref<!tpu.dma_semaphore, #tpu.memory_space<semaphore_mem>>)
        %dma_start3A_288 = arith.constant 0 : i32
        %dma_start3A_289 = arith.constant 1 : i32
        %dma_start3A_290 = arith.constant 0 : i32
        %dma_start3A_291 = tpu.memref_slice %arg10[%dma_start3A_288, %dma_start3A_289, %dma_start3A_290] : memref<2x3x2048xf32, #tpu.memory_space<vmem>> -> memref<1x1x2048xf32, #tpu.memory_space<vmem>>
        %dma_start3A_292 = tpu.memref_squeeze %dma_start3A_291 : memref<1x1x2048xf32, #tpu.memory_space<vmem>> -> memref<2048xf32, #tpu.memory_space<vmem>>
        %dma_start3A_293 = tpu.memref_slice %arg4[%add3A_277] : memref<524288xf32, #tpu.memory_space<hbm>> -> memref<2048xf32, #tpu.memory_space<hbm>>
        %dma_start3A_294 = arith.constant 0 : i32
        %dma_start3A_295 = tpu.memref_slice %arg10[%dma_start3A_288, %dma_start3A_289, %dma_start3A_294] : memref<2x3x2048xf32, #tpu.memory_space<vmem>> -> memref<1x1x2048xf32, #tpu.memory_space<vmem>>
        %dma_start3A_296 = tpu.memref_squeeze %dma_start3A_295 : memref<1x1x2048xf32, #tpu.memory_space<vmem>> -> memref<2048xf32, #tpu.memory_space<vmem>>
        %dma_start3A_297 = tpu.memref_slice %arg4[%add3A_277] : memref<524288xf32, #tpu.memory_space<hbm>> -> memref<2048xf32, #tpu.memory_space<hbm>>
        tpu.enqueue_dma source(%dma_start3A_297 : memref<2048xf32, #tpu.memory_space<hbm>>) target(%dma_start3A_296 : memref<2048xf32, #tpu.memory_space<vmem>>) target_semaphore(%arg12 : memref<!tpu.dma_semaphore, #tpu.memory_space<semaphore_mem>>)
        %dma_start3A_298 = arith.constant 0 : i32
        %dma_start3A_299 = arith.constant 2 : i32
        %dma_start3A_300 = arith.constant 0 : i32
        %dma_start3A_301 = tpu.memref_slice %arg10[%dma_start3A_298, %dma_start3A_299, %dma_start3A_300] : memref<2x3x2048xf32, #tpu.memory_space<vmem>> -> memref<1x1x2048xf32, #tpu.memory_space<vmem>>
        %dma_start3A_302 = tpu.memref_squeeze %dma_start3A_301 : memref<1x1x2048xf32, #tpu.memory_space<vmem>> -> memref<2048xf32, #tpu.memory_space<vmem>>
        %dma_start3A_303 = tpu.memref_slice %arg5[%add3A_277] : memref<524288xf32, #tpu.memory_space<hbm>> -> memref<2048xf32, #tpu.memory_space<hbm>>
        %dma_start3A_304 = arith.constant 0 : i32
        %dma_start3A_305 = tpu.memref_slice %arg10[%dma_start3A_298, %dma_start3A_299, %dma_start3A_304] : memref<2x3x2048xf32, #tpu.memory_space<vmem>> -> memref<1x1x2048xf32, #tpu.memory_space<vmem>>
        %dma_start3A_306 = tpu.memref_squeeze %dma_start3A_305 : memref<1x1x2048xf32, #tpu.memory_space<vmem>> -> memref<2048xf32, #tpu.memory_space<vmem>>
        %dma_start3A_307 = tpu.memref_slice %arg5[%add3A_277] : memref<524288xf32, #tpu.memory_space<hbm>> -> memref<2048xf32, #tpu.memory_space<hbm>>
        tpu.enqueue_dma source(%dma_start3A_307 : memref<2048xf32, #tpu.memory_space<hbm>>) target(%dma_start3A_306 : memref<2048xf32, #tpu.memory_space<vmem>>) target_semaphore(%arg12 : memref<!tpu.dma_semaphore, #tpu.memory_space<semaphore_mem>>)
        %dma_start3A_308 = arith.constant 0 : i32
        %dma_start3A_309 = arith.constant 0 : i32
        %dma_start3A_310 = tpu.memref_slice %arg11[%dma_start3A_308, %dma_start3A_309] : memref<2x2048xi32, #tpu.memory_space<vmem>> -> memref<1x2048xi32, #tpu.memory_space<vmem>>
        %dma_start3A_311 = tpu.memref_squeeze %dma_start3A_310 : memref<1x2048xi32, #tpu.memory_space<vmem>> -> memref<2048xi32, #tpu.memory_space<vmem>>
        %dma_start3A_312 = tpu.memref_slice %arg6[%add3A_277] : memref<524288xi32, #tpu.memory_space<hbm>> -> memref<2048xi32, #tpu.memory_space<hbm>>
        %dma_start3A_313 = arith.constant 0 : i32
        %dma_start3A_314 = tpu.memref_slice %arg11[%dma_start3A_308, %dma_start3A_313] : memref<2x2048xi32, #tpu.memory_space<vmem>> -> memref<1x2048xi32, #tpu.memory_space<vmem>>
        %dma_start3A_315 = tpu.memref_squeeze %dma_start3A_314 : memref<1x2048xi32, #tpu.memory_space<vmem>> -> memref<2048xi32, #tpu.memory_space<vmem>>
        %dma_start3A_316 = tpu.memref_slice %arg6[%add3A_277] : memref<524288xi32, #tpu.memory_space<hbm>> -> memref<2048xi32, #tpu.memory_space<hbm>>
        tpu.enqueue_dma source(%dma_start3A_316 : memref<2048xi32, #tpu.memory_space<hbm>>) target(%dma_start3A_315 : memref<2048xi32, #tpu.memory_space<vmem>>) target_semaphore(%arg12 : memref<!tpu.dma_semaphore, #tpu.memory_space<semaphore_mem>>)
      } else {
      }
      %dma_wait3A_197 = arith.constant 1 : i32
      %dma_wait3A_198 = arith.constant 0 : i32
      %dma_wait3A_199 = tpu.memref_slice %arg9[%dma_wait3A_197, %dma_wait3A_198] : memref<2x8192xf32, #tpu.memory_space<vmem>> -> memref<1x8192xf32, #tpu.memory_space<vmem>>
      %dma_wait3A_200 = tpu.memref_squeeze %dma_wait3A_199 : memref<1x8192xf32, #tpu.memory_space<vmem>> -> memref<8192xf32, #tpu.memory_space<vmem>>
      %dma_wait3A_201 = arith.constant 0 : i32
      %dma_wait3A_202 = tpu.memref_slice %arg2[%dma_wait3A_201] : memref<2097152xf32, #tpu.memory_space<hbm>> -> memref<8192xf32, #tpu.memory_space<hbm>>
      %dma_wait3A_203 = arith.constant 0 : i32
      %dma_wait3A_204 = tpu.memref_slice %arg9[%dma_wait3A_197, %dma_wait3A_203] : memref<2x8192xf32, #tpu.memory_space<vmem>> -> memref<1x8192xf32, #tpu.memory_space<vmem>>
      %dma_wait3A_205 = tpu.memref_squeeze %dma_wait3A_204 : memref<1x8192xf32, #tpu.memory_space<vmem>> -> memref<8192xf32, #tpu.memory_space<vmem>>
      %dma_wait3A_206 = arith.constant 0 : i32
      %dma_wait3A_207 = tpu.memref_slice %arg2[%dma_wait3A_206] : memref<2097152xf32, #tpu.memory_space<hbm>> -> memref<8192xf32, #tpu.memory_space<hbm>>
      tpu.wait_dma2 semaphore(%arg13 : memref<!tpu.dma_semaphore, #tpu.memory_space<semaphore_mem>>) src(%dma_wait3A_207 : memref<8192xf32, #tpu.memory_space<hbm>>) dst(%dma_wait3A_205 : memref<8192xf32, #tpu.memory_space<vmem>>)
      %dma_wait3A_208 = arith.constant 1 : i32
      %dma_wait3A_209 = arith.constant 0 : i32
      %dma_wait3A_210 = arith.constant 0 : i32
      %dma_wait3A_211 = tpu.memref_slice %arg10[%dma_wait3A_208, %dma_wait3A_209, %dma_wait3A_210] : memref<2x3x2048xf32, #tpu.memory_space<vmem>> -> memref<1x1x2048xf32, #tpu.memory_space<vmem>>
      %dma_wait3A_212 = tpu.memref_squeeze %dma_wait3A_211 : memref<1x1x2048xf32, #tpu.memory_space<vmem>> -> memref<2048xf32, #tpu.memory_space<vmem>>
      %dma_wait3A_213 = arith.constant 0 : i32
      %dma_wait3A_214 = tpu.memref_slice %arg3[%dma_wait3A_213] : memref<524288xf32, #tpu.memory_space<hbm>> -> memref<2048xf32, #tpu.memory_space<hbm>>
      %dma_wait3A_215 = arith.constant 0 : i32
      %dma_wait3A_216 = tpu.memref_slice %arg10[%dma_wait3A_208, %dma_wait3A_209, %dma_wait3A_215] : memref<2x3x2048xf32, #tpu.memory_space<vmem>> -> memref<1x1x2048xf32, #tpu.memory_space<vmem>>
      %dma_wait3A_217 = tpu.memref_squeeze %dma_wait3A_216 : memref<1x1x2048xf32, #tpu.memory_space<vmem>> -> memref<2048xf32, #tpu.memory_space<vmem>>
      %dma_wait3A_218 = arith.constant 0 : i32
      %dma_wait3A_219 = tpu.memref_slice %arg3[%dma_wait3A_218] : memref<524288xf32, #tpu.memory_space<hbm>> -> memref<2048xf32, #tpu.memory_space<hbm>>
      tpu.wait_dma2 semaphore(%arg13 : memref<!tpu.dma_semaphore, #tpu.memory_space<semaphore_mem>>) src(%dma_wait3A_219 : memref<2048xf32, #tpu.memory_space<hbm>>) dst(%dma_wait3A_217 : memref<2048xf32, #tpu.memory_space<vmem>>)
      %dma_wait3A_220 = arith.constant 1 : i32
      %dma_wait3A_221 = arith.constant 1 : i32
      %dma_wait3A_222 = arith.constant 0 : i32
      %dma_wait3A_223 = tpu.memref_slice %arg10[%dma_wait3A_220, %dma_wait3A_221, %dma_wait3A_222] : memref<2x3x2048xf32, #tpu.memory_space<vmem>> -> memref<1x1x2048xf32, #tpu.memory_space<vmem>>
      %dma_wait3A_224 = tpu.memref_squeeze %dma_wait3A_223 : memref<1x1x2048xf32, #tpu.memory_space<vmem>> -> memref<2048xf32, #tpu.memory_space<vmem>>
      %dma_wait3A_225 = arith.constant 0 : i32
      %dma_wait3A_226 = tpu.memref_slice %arg4[%dma_wait3A_225] : memref<524288xf32, #tpu.memory_space<hbm>> -> memref<2048xf32, #tpu.memory_space<hbm>>
      %dma_wait3A_227 = arith.constant 0 : i32
      %dma_wait3A_228 = tpu.memref_slice %arg10[%dma_wait3A_220, %dma_wait3A_221, %dma_wait3A_227] : memref<2x3x2048xf32, #tpu.memory_space<vmem>> -> memref<1x1x2048xf32, #tpu.memory_space<vmem>>
      %dma_wait3A_229 = tpu.memref_squeeze %dma_wait3A_228 : memref<1x1x2048xf32, #tpu.memory_space<vmem>> -> memref<2048xf32, #tpu.memory_space<vmem>>
      %dma_wait3A_230 = arith.constant 0 : i32
      %dma_wait3A_231 = tpu.memref_slice %arg4[%dma_wait3A_230] : memref<524288xf32, #tpu.memory_space<hbm>> -> memref<2048xf32, #tpu.memory_space<hbm>>
      tpu.wait_dma2 semaphore(%arg13 : memref<!tpu.dma_semaphore, #tpu.memory_space<semaphore_mem>>) src(%dma_wait3A_231 : memref<2048xf32, #tpu.memory_space<hbm>>) dst(%dma_wait3A_229 : memref<2048xf32, #tpu.memory_space<vmem>>)
      %dma_wait3A_232 = arith.constant 1 : i32
      %dma_wait3A_233 = arith.constant 2 : i32
      %dma_wait3A_234 = arith.constant 0 : i32
      %dma_wait3A_235 = tpu.memref_slice %arg10[%dma_wait3A_232, %dma_wait3A_233, %dma_wait3A_234] : memref<2x3x2048xf32, #tpu.memory_space<vmem>> -> memref<1x1x2048xf32, #tpu.memory_space<vmem>>
      %dma_wait3A_236 = tpu.memref_squeeze %dma_wait3A_235 : memref<1x1x2048xf32, #tpu.memory_space<vmem>> -> memref<2048xf32, #tpu.memory_space<vmem>>
      %dma_wait3A_237 = arith.constant 0 : i32
      %dma_wait3A_238 = tpu.memref_slice %arg5[%dma_wait3A_237] : memref<524288xf32, #tpu.memory_space<hbm>> -> memref<2048xf32, #tpu.memory_space<hbm>>
      %dma_wait3A_239 = arith.constant 0 : i32
      %dma_wait3A_240 = tpu.memref_slice %arg10[%dma_wait3A_232, %dma_wait3A_233, %dma_wait3A_239] : memref<2x3x2048xf32, #tpu.memory_space<vmem>> -> memref<1x1x2048xf32, #tpu.memory_space<vmem>>
      %dma_wait3A_241 = tpu.memref_squeeze %dma_wait3A_240 : memref<1x1x2048xf32, #tpu.memory_space<vmem>> -> memref<2048xf32, #tpu.memory_space<vmem>>
      %dma_wait3A_242 = arith.constant 0 : i32
      %dma_wait3A_243 = tpu.memref_slice %arg5[%dma_wait3A_242] : memref<524288xf32, #tpu.memory_space<hbm>> -> memref<2048xf32, #tpu.memory_space<hbm>>
      tpu.wait_dma2 semaphore(%arg13 : memref<!tpu.dma_semaphore, #tpu.memory_space<semaphore_mem>>) src(%dma_wait3A_243 : memref<2048xf32, #tpu.memory_space<hbm>>) dst(%dma_wait3A_241 : memref<2048xf32, #tpu.memory_space<vmem>>)
      %dma_wait3A_244 = arith.constant 1 : i32
      %dma_wait3A_245 = arith.constant 0 : i32
      %dma_wait3A_246 = tpu.memref_slice %arg11[%dma_wait3A_244, %dma_wait3A_245] : memref<2x2048xi32, #tpu.memory_space<vmem>> -> memref<1x2048xi32, #tpu.memory_space<vmem>>
      %dma_wait3A_247 = tpu.memref_squeeze %dma_wait3A_246 : memref<1x2048xi32, #tpu.memory_space<vmem>> -> memref<2048xi32, #tpu.memory_space<vmem>>
      %dma_wait3A_248 = arith.constant 0 : i32
      %dma_wait3A_249 = tpu.memref_slice %arg6[%dma_wait3A_248] : memref<524288xi32, #tpu.memory_space<hbm>> -> memref<2048xi32, #tpu.memory_space<hbm>>
      %dma_wait3A_250 = arith.constant 0 : i32
      %dma_wait3A_251 = tpu.memref_slice %arg11[%dma_wait3A_244, %dma_wait3A_250] : memref<2x2048xi32, #tpu.memory_space<vmem>> -> memref<1x2048xi32, #tpu.memory_space<vmem>>
      %dma_wait3A_252 = tpu.memref_squeeze %dma_wait3A_251 : memref<1x2048xi32, #tpu.memory_space<vmem>> -> memref<2048xi32, #tpu.memory_space<vmem>>
      %dma_wait3A_253 = arith.constant 0 : i32
      %dma_wait3A_254 = tpu.memref_slice %arg6[%dma_wait3A_253] : memref<524288xi32, #tpu.memory_space<hbm>> -> memref<2048xi32, #tpu.memory_space<hbm>>
      tpu.wait_dma2 semaphore(%arg13 : memref<!tpu.dma_semaphore, #tpu.memory_space<semaphore_mem>>) src(%dma_wait3A_254 : memref<2048xi32, #tpu.memory_space<hbm>>) dst(%dma_wait3A_252 : memref<2048xi32, #tpu.memory_space<vmem>>)
      %parallel_loop3A_255 = arith.constant 0 : i32
      %parallel_loop3A_256 = arith.constant 128 : i32
      %parallel_loop3A_257 = arith.constant 1 : i32
      %parallel_loop3A_258 = scf.for %parallel_loop3A_259 = %parallel_loop3A_255 to %parallel_loop3A_256 step %parallel_loop3A_257 iter_args(%parallel_loop3A_260 = %parallel_loop3A_192) -> (i32)  : i32 {
        %parallel_loop3A_261 = arith.constant 16 : i32
        %parallel_loop3A_262 = arith.muli %parallel_loop3A_259, %parallel_loop3A_261 : i32
        %parallel_loop3A_263 = arith.constant 3 : i32
        %parallel_loop3A_264 = arith.shrui %parallel_loop3A_259, %parallel_loop3A_263 : i32
        %parallel_loop3A_265 = arith.constant 512 : i32
        %parallel_loop3A_266 = arith.muli %parallel_loop3A_264, %parallel_loop3A_265 : i32
        %parallel_loop3A_267 = arith.constant 7 : i32
        %parallel_loop3A_268 = arith.andi %parallel_loop3A_259, %parallel_loop3A_267 : i32
        %parallel_loop3A_269 = arith.constant 16 : i32
        %parallel_loop3A_270 = arith.muli %parallel_loop3A_268, %parallel_loop3A_269 : i32
        %parallel_loop3A_271 = arith.addi %parallel_loop3A_266, %parallel_loop3A_270 : i32
        %parallel_loop3A_272 = arith.constant 1 : i32
        %parallel_loop3A_273 = arith.index_cast %parallel_loop3A_272 : i32 to index
        %parallel_loop3A_274 = arith.index_cast %parallel_loop3A_262 : i32 to index
        %parallel_loop3A_275 = tpu.vector_load %arg11[%parallel_loop3A_273, %parallel_loop3A_274] {strides = array<i32>} : memref<2x2048xi32, #tpu.memory_space<vmem>>, vector<16xi32>,
        %parallel_loop3A_276 = arith.constant 1 : i32
        %parallel_loop3A_277 = arith.index_cast %parallel_loop3A_276 : i32 to index
        %parallel_loop3A_278 = arith.index_cast %parallel_loop3A_271 : i32 to index
        %parallel_loop3A_279 = tpu.vector_load %arg9[%parallel_loop3A_277, %parallel_loop3A_278] {strides = array<i32>} : memref<2x8192xf32, #tpu.memory_space<vmem>>, vector<16xf32>,
        %parallel_loop3A_280 = arith.constant 128 : i32
        %parallel_loop3A_281 = arith.addi %parallel_loop3A_271, %parallel_loop3A_280 : i32
        %parallel_loop3A_282 = arith.constant 1 : i32
        %parallel_loop3A_283 = arith.index_cast %parallel_loop3A_282 : i32 to index
        %parallel_loop3A_284 = arith.index_cast %parallel_loop3A_281 : i32 to index
        %parallel_loop3A_285 = tpu.vector_load %arg9[%parallel_loop3A_283, %parallel_loop3A_284] {strides = array<i32>} : memref<2x8192xf32, #tpu.memory_space<vmem>>, vector<16xf32>,
        %parallel_loop3A_286 = arith.constant 256 : i32
        %parallel_loop3A_287 = arith.addi %parallel_loop3A_271, %parallel_loop3A_286 : i32
        %parallel_loop3A_288 = arith.constant 1 : i32
        %parallel_loop3A_289 = arith.index_cast %parallel_loop3A_288 : i32 to index
        %parallel_loop3A_290 = arith.index_cast %parallel_loop3A_287 : i32 to index
        %parallel_loop3A_291 = tpu.vector_load %arg9[%parallel_loop3A_289, %parallel_loop3A_290] {strides = array<i32>} : memref<2x8192xf32, #tpu.memory_space<vmem>>, vector<16xf32>,
        %parallel_loop3A_292 = arith.constant 384 : i32
        %parallel_loop3A_293 = arith.addi %parallel_loop3A_271, %parallel_loop3A_292 : i32
        %parallel_loop3A_294 = arith.constant 1 : i32
        %parallel_loop3A_295 = arith.index_cast %parallel_loop3A_294 : i32 to index
        %parallel_loop3A_296 = arith.index_cast %parallel_loop3A_293 : i32 to index
        %parallel_loop3A_297 = tpu.vector_load %arg9[%parallel_loop3A_295, %parallel_loop3A_296] {strides = array<i32>} : memref<2x8192xf32, #tpu.memory_space<vmem>>, vector<16xf32>,
        %parallel_loop3A_298 = arith.constant 1 : i32
        %parallel_loop3A_299 = arith.constant 0 : i32
        %parallel_loop3A_300 = arith.index_cast %parallel_loop3A_298 : i32 to index
        %parallel_loop3A_301 = arith.index_cast %parallel_loop3A_299 : i32 to index
        %parallel_loop3A_302 = arith.index_cast %parallel_loop3A_262 : i32 to index
        %parallel_loop3A_303 = tpu.vector_load %arg10[%parallel_loop3A_300, %parallel_loop3A_301, %parallel_loop3A_302] {strides = array<i32>} : memref<2x3x2048xf32, #tpu.memory_space<vmem>>, vector<16xf32>,
        %parallel_loop3A_304 = arith.constant 1 : i32
        %parallel_loop3A_305 = arith.constant 1 : i32
        %parallel_loop3A_306 = arith.index_cast %parallel_loop3A_304 : i32 to index
        %parallel_loop3A_307 = arith.index_cast %parallel_loop3A_305 : i32 to index
        %parallel_loop3A_308 = arith.index_cast %parallel_loop3A_262 : i32 to index
        %parallel_loop3A_309 = tpu.vector_load %arg10[%parallel_loop3A_306, %parallel_loop3A_307, %parallel_loop3A_308] {strides = array<i32>} : memref<2x3x2048xf32, #tpu.memory_space<vmem>>, vector<16xf32>,
        %parallel_loop3A_310 = arith.constant 1 : i32
        %parallel_loop3A_311 = arith.constant 2 : i32
        %parallel_loop3A_312 = arith.index_cast %parallel_loop3A_310 : i32 to index
        %parallel_loop3A_313 = arith.index_cast %parallel_loop3A_311 : i32 to index
        %parallel_loop3A_314 = arith.index_cast %parallel_loop3A_262 : i32 to index
        %parallel_loop3A_315 = tpu.vector_load %arg10[%parallel_loop3A_312, %parallel_loop3A_313, %parallel_loop3A_314] {strides = array<i32>} : memref<2x3x2048xf32, #tpu.memory_space<vmem>>, vector<16xf32>,
        %parallel_loop3A_316 = arith.constant 1 : i32
        %parallel_loop3A_317 = vector.broadcast %parallel_loop3A_316 : i32 to vector<16xi32>
        %parallel_loop3A_318 = arith.addi %iota3A, %parallel_loop3A_317 : vector<16xi32>
        %parallel_loop3A_319 = arith.constant 15 : i32
        %parallel_loop3A_320 = vector.broadcast %parallel_loop3A_319 : i32 to vector<16xi32>
        %parallel_loop3A_321 = arith.minsi %parallel_loop3A_318, %parallel_loop3A_320 : vector<16xi32>
        %parallel_loop3A_322 = vector.broadcast %parallel_loop3A_262 : i32 to vector<16xi32>
        %parallel_loop3A_323 = arith.addi %parallel_loop3A_322, %parallel_loop3A_321 : vector<16xi32>
        %parallel_loop3A_324 = arith.constant 1 : i32
        %parallel_loop3A_325 = arith.constant 0 : i32
        %parallel_loop3A_326 = tpu.memref_slice %arg11[%parallel_loop3A_324, %parallel_loop3A_325] : memref<2x2048xi32, #tpu.memory_space<vmem>> -> memref<1x2048xi32, #tpu.memory_space<vmem>>
        %parallel_loop3A_327 = tpu.memref_squeeze %parallel_loop3A_326 : memref<1x2048xi32, #tpu.memory_space<vmem>> -> memref<2048xi32, #tpu.memory_space<vmem>>
        %parallel_loop3A_328 = tpu.vector_load_idx %parallel_loop3A_327[%parallel_loop3A_323] : memref<2048xi32, #tpu.memory_space<vmem>>[vector<16xi32>], vector<16xi32>,
        %parallel_loop3A_329 = arith.mulf %parallel_loop3A_279, %parallel_loop3A_303 : vector<16xf32>
        %parallel_loop3A_330 = arith.addf %parallel_loop3A_329, %parallel_loop3A_297 : vector<16xf32>
        %parallel_loop3A_331 = arith.mulf %parallel_loop3A_279, %parallel_loop3A_309 : vector<16xf32>
        %parallel_loop3A_332 = arith.addf %parallel_loop3A_331, %parallel_loop3A_285 : vector<16xf32>
        %parallel_loop3A_333 = arith.mulf %parallel_loop3A_279, %parallel_loop3A_315 : vector<16xf32>
        %parallel_loop3A_334 = arith.addf %parallel_loop3A_333, %parallel_loop3A_291 : vector<16xf32>
        %parallel_loop3A_335 = arith.mulf %parallel_loop3A_303, %parallel_loop3A_303 : vector<16xf32>
        %parallel_loop3A_336 = arith.mulf %parallel_loop3A_309, %parallel_loop3A_309 : vector<16xf32>
        %parallel_loop3A_337 = arith.addf %parallel_loop3A_335, %parallel_loop3A_336 : vector<16xf32>
        %parallel_loop3A_338 = arith.mulf %parallel_loop3A_315, %parallel_loop3A_315 : vector<16xf32>
        %parallel_loop3A_339 = arith.addf %parallel_loop3A_337, %parallel_loop3A_338 : vector<16xf32>
        %parallel_loop3A_340 = arith.mulf %parallel_loop3A_303, %parallel_loop3A_297 : vector<16xf32>
        %parallel_loop3A_341 = arith.mulf %parallel_loop3A_309, %parallel_loop3A_285 : vector<16xf32>
        %parallel_loop3A_342 = arith.addf %parallel_loop3A_340, %parallel_loop3A_341 : vector<16xf32>
        %parallel_loop3A_343 = arith.mulf %parallel_loop3A_315, %parallel_loop3A_291 : vector<16xf32>
        %parallel_loop3A_344 = arith.addf %parallel_loop3A_342, %parallel_loop3A_343 : vector<16xf32>
        %parallel_loop3A_345 = arith.mulf %parallel_loop3A_339, %parallel_loop3A_279 : vector<16xf32>
        %parallel_loop3A_346 = arith.constant 2.000000e+00 : f32
        %parallel_loop3A_347 = vector.broadcast %parallel_loop3A_346 : f32 to vector<16xf32>
        %parallel_loop3A_348 = arith.mulf %parallel_loop3A_347, %parallel_loop3A_344 : vector<16xf32>
        %parallel_loop3A_349 = arith.addf %parallel_loop3A_345, %parallel_loop3A_348 : vector<16xf32>
        %parallel_loop3A_350 = arith.cmpi ne, %parallel_loop3A_275, %parallel_loop3A_328 : vector<16xi32>
        %parallel_loop3A_351 = arith.constant 15 : i32
        %parallel_loop3A_352 = vector.broadcast %parallel_loop3A_351 : i32 to vector<16xi32>
        %parallel_loop3A_353 = arith.cmpi eq, %iota3A, %parallel_loop3A_352 : vector<16xi32>
        %parallel_loop3A_354 = arith.ori %parallel_loop3A_350, %parallel_loop3A_353 : vector<16xi1>
        %parallel_loop3A_355 = arith.constant true
        %parallel_loop3A_356 = vector.broadcast %parallel_loop3A_355 : i1 to vector<16xi1>
        %parallel_loop3A_357 = tpu.scan <sum>, %parallel_loop3A_279 masked %parallel_loop3A_356 : vector<16xf32>, vector<16xi1> -> vector<16xf32>
        %parallel_loop3A_358 = arith.constant 0 : i32
        %parallel_loop3A_359 = vector.broadcast %parallel_loop3A_358 : i32 to vector<16xi32>
        %parallel_loop3A_360 = arith.addi %parallel_loop3A_275, %parallel_loop3A_359 : vector<16xi32>
        tpu.vector_store_idx %arg8[%parallel_loop3A_360], %parallel_loop3A_357 masked %parallel_loop3A_354 {add = true} : memref<20480xf32, #tpu.memory_space<vmem>>[vector<16xi32>], vector<16xf32>, vector<16xi1>
        %parallel_loop3A_361 = arith.constant 0 : i32
        %parallel_loop3A_362 = vector.broadcast %parallel_loop3A_361 : i32 to vector<16xi32>
        %parallel_loop3A_363 = arith.addi %parallel_loop3A_328, %parallel_loop3A_362 : vector<16xi32>
        %parallel_loop3A_364 = arith.constant 0.000000e+00 : f32
        %parallel_loop3A_365 = vector.broadcast %parallel_loop3A_364 : f32 to vector<16xf32>
        %parallel_loop3A_366 = arith.subf %parallel_loop3A_365, %parallel_loop3A_357 : vector<16xf32>
        tpu.vector_store_idx %arg8[%parallel_loop3A_363], %parallel_loop3A_366 masked %parallel_loop3A_350 {add = true} : memref<20480xf32, #tpu.memory_space<vmem>>[vector<16xi32>], vector<16xf32>, vector<16xi1>
        %parallel_loop3A_367 = arith.constant true
        %parallel_loop3A_368 = vector.broadcast %parallel_loop3A_367 : i1 to vector<16xi1>
        %parallel_loop3A_369 = tpu.scan <sum>, %parallel_loop3A_330 masked %parallel_loop3A_368 : vector<16xf32>, vector<16xi1> -> vector<16xf32>
        %parallel_loop3A_370 = arith.constant 4096 : i32
        %parallel_loop3A_371 = vector.broadcast %parallel_loop3A_370 : i32 to vector<16xi32>
        %parallel_loop3A_372 = arith.addi %parallel_loop3A_275, %parallel_loop3A_371 : vector<16xi32>
        tpu.vector_store_idx %arg8[%parallel_loop3A_372], %parallel_loop3A_369 masked %parallel_loop3A_354 {add = true} : memref<20480xf32, #tpu.memory_space<vmem>>[vector<16xi32>], vector<16xf32>, vector<16xi1>
        %parallel_loop3A_373 = arith.constant 4096 : i32
        %parallel_loop3A_374 = vector.broadcast %parallel_loop3A_373 : i32 to vector<16xi32>
        %parallel_loop3A_375 = arith.addi %parallel_loop3A_328, %parallel_loop3A_374 : vector<16xi32>
        %parallel_loop3A_376 = arith.constant 0.000000e+00 : f32
        %parallel_loop3A_377 = vector.broadcast %parallel_loop3A_376 : f32 to vector<16xf32>
        %parallel_loop3A_378 = arith.subf %parallel_loop3A_377, %parallel_loop3A_369 : vector<16xf32>
        tpu.vector_store_idx %arg8[%parallel_loop3A_375], %parallel_loop3A_378 masked %parallel_loop3A_350 {add = true} : memref<20480xf32, #tpu.memory_space<vmem>>[vector<16xi32>], vector<16xf32>, vector<16xi1>
        %parallel_loop3A_379 = arith.constant true
        %parallel_loop3A_380 = vector.broadcast %parallel_loop3A_379 : i1 to vector<16xi1>
        %parallel_loop3A_381 = tpu.scan <sum>, %parallel_loop3A_332 masked %parallel_loop3A_380 : vector<16xf32>, vector<16xi1> -> vector<16xf32>
        %parallel_loop3A_382 = arith.constant 8192 : i32
        %parallel_loop3A_383 = vector.broadcast %parallel_loop3A_382 : i32 to vector<16xi32>
        %parallel_loop3A_384 = arith.addi %parallel_loop3A_275, %parallel_loop3A_383 : vector<16xi32>
        tpu.vector_store_idx %arg8[%parallel_loop3A_384], %parallel_loop3A_381 masked %parallel_loop3A_354 {add = true} : memref<20480xf32, #tpu.memory_space<vmem>>[vector<16xi32>], vector<16xf32>, vector<16xi1>
        %parallel_loop3A_385 = arith.constant 8192 : i32
        %parallel_loop3A_386 = vector.broadcast %parallel_loop3A_385 : i32 to vector<16xi32>
        %parallel_loop3A_387 = arith.addi %parallel_loop3A_328, %parallel_loop3A_386 : vector<16xi32>
        %parallel_loop3A_388 = arith.constant 0.000000e+00 : f32
        %parallel_loop3A_389 = vector.broadcast %parallel_loop3A_388 : f32 to vector<16xf32>
        %parallel_loop3A_390 = arith.subf %parallel_loop3A_389, %parallel_loop3A_381 : vector<16xf32>
        tpu.vector_store_idx %arg8[%parallel_loop3A_387], %parallel_loop3A_390 masked %parallel_loop3A_350 {add = true} : memref<20480xf32, #tpu.memory_space<vmem>>[vector<16xi32>], vector<16xf32>, vector<16xi1>
        %parallel_loop3A_391 = arith.constant true
        %parallel_loop3A_392 = vector.broadcast %parallel_loop3A_391 : i1 to vector<16xi1>
        %parallel_loop3A_393 = tpu.scan <sum>, %parallel_loop3A_334 masked %parallel_loop3A_392 : vector<16xf32>, vector<16xi1> -> vector<16xf32>
        %parallel_loop3A_394 = arith.constant 12288 : i32
        %parallel_loop3A_395 = vector.broadcast %parallel_loop3A_394 : i32 to vector<16xi32>
        %parallel_loop3A_396 = arith.addi %parallel_loop3A_275, %parallel_loop3A_395 : vector<16xi32>
        tpu.vector_store_idx %arg8[%parallel_loop3A_396], %parallel_loop3A_393 masked %parallel_loop3A_354 {add = true} : memref<20480xf32, #tpu.memory_space<vmem>>[vector<16xi32>], vector<16xf32>, vector<16xi1>
        %parallel_loop3A_397 = arith.constant 12288 : i32
        %parallel_loop3A_398 = vector.broadcast %parallel_loop3A_397 : i32 to vector<16xi32>
        %parallel_loop3A_399 = arith.addi %parallel_loop3A_328, %parallel_loop3A_398 : vector<16xi32>
        %parallel_loop3A_400 = arith.constant 0.000000e+00 : f32
        %parallel_loop3A_401 = vector.broadcast %parallel_loop3A_400 : f32 to vector<16xf32>
        %parallel_loop3A_402 = arith.subf %parallel_loop3A_401, %parallel_loop3A_393 : vector<16xf32>
        tpu.vector_store_idx %arg8[%parallel_loop3A_399], %parallel_loop3A_402 masked %parallel_loop3A_350 {add = true} : memref<20480xf32, #tpu.memory_space<vmem>>[vector<16xi32>], vector<16xf32>, vector<16xi1>
        %parallel_loop3A_403 = arith.constant true
        %parallel_loop3A_404 = vector.broadcast %parallel_loop3A_403 : i1 to vector<16xi1>
        %parallel_loop3A_405 = tpu.scan <sum>, %parallel_loop3A_349 masked %parallel_loop3A_404 : vector<16xf32>, vector<16xi1> -> vector<16xf32>
        %parallel_loop3A_406 = arith.constant 16384 : i32
        %parallel_loop3A_407 = vector.broadcast %parallel_loop3A_406 : i32 to vector<16xi32>
        %parallel_loop3A_408 = arith.addi %parallel_loop3A_275, %parallel_loop3A_407 : vector<16xi32>
        tpu.vector_store_idx %arg8[%parallel_loop3A_408], %parallel_loop3A_405 masked %parallel_loop3A_354 {add = true} : memref<20480xf32, #tpu.memory_space<vmem>>[vector<16xi32>], vector<16xf32>, vector<16xi1>
        %parallel_loop3A_409 = arith.constant 16384 : i32
        %parallel_loop3A_410 = vector.broadcast %parallel_loop3A_409 : i32 to vector<16xi32>
        %parallel_loop3A_411 = arith.addi %parallel_loop3A_328, %parallel_loop3A_410 : vector<16xi32>
        %parallel_loop3A_412 = arith.constant 0.000000e+00 : f32
        %parallel_loop3A_413 = vector.broadcast %parallel_loop3A_412 : f32 to vector<16xf32>
        %parallel_loop3A_414 = arith.subf %parallel_loop3A_413, %parallel_loop3A_405 : vector<16xf32>
        tpu.vector_store_idx %arg8[%parallel_loop3A_411], %parallel_loop3A_414 masked %parallel_loop3A_350 {add = true} : memref<20480xf32, #tpu.memory_space<vmem>>[vector<16xi32>], vector<16xf32>, vector<16xi1>
        scf.yield %parallel_loop3A_260 : i32
      } {sc.loop_unroll_factor = 2 : i64, sc.parallel_access}
      scf.yield %parallel_loop3A_258 : i32
    }
    %scan3A_70 = arith.constant 4 : i32
    "tpu.region"() ({
      %run_scoped3A = tpu.sem_alloc : memref<!tpu.dma_semaphore, #tpu.memory_space<semaphore_mem>>
      %dma_start3A_71 = arith.constant 0 : i32
      %dma_start3A_72 = tpu.memref_slice %arg7[%add3A, %dma_start3A_71] : memref<32x20480xf32, #tpu.memory_space<hbm>> -> memref<1x20480xf32, #tpu.memory_space<hbm>>
      %dma_start3A_73 = tpu.memref_squeeze %dma_start3A_72 : memref<1x20480xf32, #tpu.memory_space<hbm>> -> memref<20480xf32, #tpu.memory_space<hbm>>
      %dma_start3A_74 = arith.constant 0 : i32
      %dma_start3A_75 = tpu.memref_slice %arg7[%add3A, %dma_start3A_74] : memref<32x20480xf32, #tpu.memory_space<hbm>> -> memref<1x20480xf32, #tpu.memory_space<hbm>>
      %dma_start3A_76 = tpu.memref_squeeze %dma_start3A_75 : memref<1x20480xf32, #tpu.memory_space<hbm>> -> memref<20480xf32, #tpu.memory_space<hbm>>
      tpu.enqueue_dma source(%arg8 : memref<20480xf32, #tpu.memory_space<vmem>>) target(%dma_start3A_76 : memref<20480xf32, #tpu.memory_space<hbm>>) target_semaphore(%run_scoped3A : memref<!tpu.dma_semaphore, #tpu.memory_space<semaphore_mem>>)
      %dma_wait3A = arith.constant 0 : i32
      %dma_wait3A_77 = tpu.memref_slice %arg7[%add3A, %dma_wait3A] : memref<32x20480xf32, #tpu.memory_space<hbm>> -> memref<1x20480xf32, #tpu.memory_space<hbm>>
      %dma_wait3A_78 = tpu.memref_squeeze %dma_wait3A_77 : memref<1x20480xf32, #tpu.memory_space<hbm>> -> memref<20480xf32, #tpu.memory_space<hbm>>
      %dma_wait3A_79 = arith.constant 0 : i32
      %dma_wait3A_80 = tpu.memref_slice %arg7[%add3A, %dma_wait3A_79] : memref<32x20480xf32, #tpu.memory_space<hbm>> -> memref<1x20480xf32, #tpu.memory_space<hbm>>
      %dma_wait3A_81 = tpu.memref_squeeze %dma_wait3A_80 : memref<1x20480xf32, #tpu.memory_space<hbm>> -> memref<20480xf32, #tpu.memory_space<hbm>>
      tpu.wait_dma2 semaphore(%run_scoped3A : memref<!tpu.dma_semaphore, #tpu.memory_space<semaphore_mem>>) src(%arg8 : memref<20480xf32, #tpu.memory_space<vmem>>) dst(%dma_wait3A_81 : memref<20480xf32, #tpu.memory_space<hbm>>)
      tpu.yield
    }) : () -> ()
    return
  }
}

#map = affine_map<(d0, d1) -> (0)>
#map1 = affine_map<(d0, d1) -> (0, 0)>
module attributes {stable_mosaic.version = 14 : i64} {
  func.func @body(%arg0: i32, %arg1: i32, %arg2: memref<27136xf32, #tpu.memory_space<hbm>>, %arg3: memref<27136xf32, #tpu.memory_space<hbm>>, %arg4: memref<27136xf32, #tpu.memory_space<hbm>>, %arg5: memref<27136xf32, #tpu.memory_space<hbm>>, %arg6: memref<27136xf32, #tpu.memory_space<hbm>>, %arg7: memref<27136xf32, #tpu.memory_space<hbm>>, %arg8: memref<27136xf32, #tpu.memory_space<hbm>>, %arg9: memref<27136xi32, #tpu.memory_space<hbm>>, %arg10: memref<32x20480xf32, #tpu.memory_space<hbm>>, %arg11: memref<20480xf32, #tpu.memory_space<vmem>>, %arg12: memref<7x848xf32, #tpu.memory_space<vmem>>, %arg13: memref<848xi32, #tpu.memory_space<vmem>>) attributes {dimension_semantics = [#tpu.dimension_semantics<core_parallel>, #tpu.dimension_semantics<subcore_parallel>], iteration_bounds = array<i64: 2, 16>, scalar_prefetch = 0 : i64, scratch_operands = 3 : i64, tpu.core_type = #tpu.core_type<sc_vector_subcore>, window_params = [{transform_indices = #map}, {transform_indices = #map}, {transform_indices = #map}, {transform_indices = #map}, {transform_indices = #map}, {transform_indices = #map}, {transform_indices = #map}, {transform_indices = #map}, {transform_indices = #map1}]} {
    %mul3A = arith.constant 2 : i32
    %mul3A_0 = arith.muli %arg1, %mul3A : i32
    %add3A = arith.addi %mul3A_0, %arg0 : i32
    %mul3A_1 = arith.constant 848 : i32
    %mul3A_2 = arith.muli %add3A, %mul3A_1 : i32
    %iota3A = tpu.iota {dimensions = array<i32: 0>} : vector<16xi32>
    %broadcast_in_dim3A = arith.constant 0.000000e+00 : f32
    %broadcast_in_dim3A_3 = vector.broadcast %broadcast_in_dim3A : f32 to vector<16xf32>
    %scan3A = arith.constant 0 : i32
    %scan3A_4 = arith.constant 0 : i32
    %scan3A_5 = arith.constant 1280 : i32
    %scan3A_6 = arith.addi %scan3A_4, %scan3A_5 : i32
    %scan3A_7 = arith.constant 1 : i32
    scf.for %scan3A_21 = %scan3A_4 to %scan3A_6 step %scan3A_7  : i32 {
      %mul3A_22 = arith.constant 16 : i32
      %mul3A_23 = arith.muli %scan3A_21, %mul3A_22 : i32
      %swap3A = arith.index_cast %mul3A_23 : i32 to index
      %swap3A_24 = tpu.vector_load %arg11[%swap3A] {strides = array<i32>} : memref<20480xf32, #tpu.memory_space<vmem>>, vector<16xf32>,
      tpu.vector_store %arg11[%swap3A], %broadcast_in_dim3A_3 {strides = array<i32>} : memref<20480xf32, #tpu.memory_space<vmem>>, vector<16xf32>,
    }
    %scan3A_8 = arith.constant 1280 : i32
    %run_scoped3A = arith.constant 0 : i32
    "tpu.region"() ({
      %run_scoped3A_21 = tpu.sem_alloc : memref<!tpu.dma_semaphore, #tpu.memory_space<semaphore_mem>>
      %dma_start3A = arith.constant 0 : i32
      %dma_start3A_22 = tpu.memref_slice %arg12[%run_scoped3A, %dma_start3A] : memref<7x848xf32, #tpu.memory_space<vmem>> -> memref<1x848xf32, #tpu.memory_space<vmem>>
      %dma_start3A_23 = tpu.memref_squeeze %dma_start3A_22 : memref<1x848xf32, #tpu.memory_space<vmem>> -> memref<848xf32, #tpu.memory_space<vmem>>
      %dma_start3A_24 = tpu.memref_slice %arg2[%mul3A_2] : memref<27136xf32, #tpu.memory_space<hbm>> -> memref<848xf32, #tpu.memory_space<hbm>>
      %dma_start3A_25 = arith.constant 0 : i32
      %dma_start3A_26 = tpu.memref_slice %arg12[%run_scoped3A, %dma_start3A_25] : memref<7x848xf32, #tpu.memory_space<vmem>> -> memref<1x848xf32, #tpu.memory_space<vmem>>
      %dma_start3A_27 = tpu.memref_squeeze %dma_start3A_26 : memref<1x848xf32, #tpu.memory_space<vmem>> -> memref<848xf32, #tpu.memory_space<vmem>>
      %dma_start3A_28 = tpu.memref_slice %arg2[%mul3A_2] : memref<27136xf32, #tpu.memory_space<hbm>> -> memref<848xf32, #tpu.memory_space<hbm>>
      tpu.enqueue_dma source(%dma_start3A_28 : memref<848xf32, #tpu.memory_space<hbm>>) target(%dma_start3A_27 : memref<848xf32, #tpu.memory_space<vmem>>) target_semaphore(%run_scoped3A_21 : memref<!tpu.dma_semaphore, #tpu.memory_space<semaphore_mem>>)
      %dma_wait3A = arith.constant 0 : i32
      %dma_wait3A_29 = tpu.memref_slice %arg12[%run_scoped3A, %dma_wait3A] : memref<7x848xf32, #tpu.memory_space<vmem>> -> memref<1x848xf32, #tpu.memory_space<vmem>>
      %dma_wait3A_30 = tpu.memref_squeeze %dma_wait3A_29 : memref<1x848xf32, #tpu.memory_space<vmem>> -> memref<848xf32, #tpu.memory_space<vmem>>
      %dma_wait3A_31 = tpu.memref_slice %arg2[%mul3A_2] : memref<27136xf32, #tpu.memory_space<hbm>> -> memref<848xf32, #tpu.memory_space<hbm>>
      %dma_wait3A_32 = arith.constant 0 : i32
      %dma_wait3A_33 = tpu.memref_slice %arg12[%run_scoped3A, %dma_wait3A_32] : memref<7x848xf32, #tpu.memory_space<vmem>> -> memref<1x848xf32, #tpu.memory_space<vmem>>
      %dma_wait3A_34 = tpu.memref_squeeze %dma_wait3A_33 : memref<1x848xf32, #tpu.memory_space<vmem>> -> memref<848xf32, #tpu.memory_space<vmem>>
      %dma_wait3A_35 = tpu.memref_slice %arg2[%mul3A_2] : memref<27136xf32, #tpu.memory_space<hbm>> -> memref<848xf32, #tpu.memory_space<hbm>>
      tpu.wait_dma2 semaphore(%run_scoped3A_21 : memref<!tpu.dma_semaphore, #tpu.memory_space<semaphore_mem>>) src(%dma_wait3A_35 : memref<848xf32, #tpu.memory_space<hbm>>) dst(%dma_wait3A_34 : memref<848xf32, #tpu.memory_space<vmem>>)
      tpu.yield
    }) : () -> ()
    %run_scoped3A_9 = arith.constant 1 : i32
    "tpu.region"() ({
      %run_scoped3A_21 = tpu.sem_alloc : memref<!tpu.dma_semaphore, #tpu.memory_space<semaphore_mem>>
      %dma_start3A = arith.constant 0 : i32
      %dma_start3A_22 = tpu.memref_slice %arg12[%run_scoped3A_9, %dma_start3A] : memref<7x848xf32, #tpu.memory_space<vmem>> -> memref<1x848xf32, #tpu.memory_space<vmem>>
      %dma_start3A_23 = tpu.memref_squeeze %dma_start3A_22 : memref<1x848xf32, #tpu.memory_space<vmem>> -> memref<848xf32, #tpu.memory_space<vmem>>
      %dma_start3A_24 = tpu.memref_slice %arg3[%mul3A_2] : memref<27136xf32, #tpu.memory_space<hbm>> -> memref<848xf32, #tpu.memory_space<hbm>>
      %dma_start3A_25 = arith.constant 0 : i32
      %dma_start3A_26 = tpu.memref_slice %arg12[%run_scoped3A_9, %dma_start3A_25] : memref<7x848xf32, #tpu.memory_space<vmem>> -> memref<1x848xf32, #tpu.memory_space<vmem>>
      %dma_start3A_27 = tpu.memref_squeeze %dma_start3A_26 : memref<1x848xf32, #tpu.memory_space<vmem>> -> memref<848xf32, #tpu.memory_space<vmem>>
      %dma_start3A_28 = tpu.memref_slice %arg3[%mul3A_2] : memref<27136xf32, #tpu.memory_space<hbm>> -> memref<848xf32, #tpu.memory_space<hbm>>
      tpu.enqueue_dma source(%dma_start3A_28 : memref<848xf32, #tpu.memory_space<hbm>>) target(%dma_start3A_27 : memref<848xf32, #tpu.memory_space<vmem>>) target_semaphore(%run_scoped3A_21 : memref<!tpu.dma_semaphore, #tpu.memory_space<semaphore_mem>>)
      %dma_wait3A = arith.constant 0 : i32
      %dma_wait3A_29 = tpu.memref_slice %arg12[%run_scoped3A_9, %dma_wait3A] : memref<7x848xf32, #tpu.memory_space<vmem>> -> memref<1x848xf32, #tpu.memory_space<vmem>>
      %dma_wait3A_30 = tpu.memref_squeeze %dma_wait3A_29 : memref<1x848xf32, #tpu.memory_space<vmem>> -> memref<848xf32, #tpu.memory_space<vmem>>
      %dma_wait3A_31 = tpu.memref_slice %arg3[%mul3A_2] : memref<27136xf32, #tpu.memory_space<hbm>> -> memref<848xf32, #tpu.memory_space<hbm>>
      %dma_wait3A_32 = arith.constant 0 : i32
      %dma_wait3A_33 = tpu.memref_slice %arg12[%run_scoped3A_9, %dma_wait3A_32] : memref<7x848xf32, #tpu.memory_space<vmem>> -> memref<1x848xf32, #tpu.memory_space<vmem>>
      %dma_wait3A_34 = tpu.memref_squeeze %dma_wait3A_33 : memref<1x848xf32, #tpu.memory_space<vmem>> -> memref<848xf32, #tpu.memory_space<vmem>>
      %dma_wait3A_35 = tpu.memref_slice %arg3[%mul3A_2] : memref<27136xf32, #tpu.memory_space<hbm>> -> memref<848xf32, #tpu.memory_space<hbm>>
      tpu.wait_dma2 semaphore(%run_scoped3A_21 : memref<!tpu.dma_semaphore, #tpu.memory_space<semaphore_mem>>) src(%dma_wait3A_35 : memref<848xf32, #tpu.memory_space<hbm>>) dst(%dma_wait3A_34 : memref<848xf32, #tpu.memory_space<vmem>>)
      tpu.yield
    }) : () -> ()
    %run_scoped3A_10 = arith.constant 2 : i32
    "tpu.region"() ({
      %run_scoped3A_21 = tpu.sem_alloc : memref<!tpu.dma_semaphore, #tpu.memory_space<semaphore_mem>>
      %dma_start3A = arith.constant 0 : i32
      %dma_start3A_22 = tpu.memref_slice %arg12[%run_scoped3A_10, %dma_start3A] : memref<7x848xf32, #tpu.memory_space<vmem>> -> memref<1x848xf32, #tpu.memory_space<vmem>>
      %dma_start3A_23 = tpu.memref_squeeze %dma_start3A_22 : memref<1x848xf32, #tpu.memory_space<vmem>> -> memref<848xf32, #tpu.memory_space<vmem>>
      %dma_start3A_24 = tpu.memref_slice %arg4[%mul3A_2] : memref<27136xf32, #tpu.memory_space<hbm>> -> memref<848xf32, #tpu.memory_space<hbm>>
      %dma_start3A_25 = arith.constant 0 : i32
      %dma_start3A_26 = tpu.memref_slice %arg12[%run_scoped3A_10, %dma_start3A_25] : memref<7x848xf32, #tpu.memory_space<vmem>> -> memref<1x848xf32, #tpu.memory_space<vmem>>
      %dma_start3A_27 = tpu.memref_squeeze %dma_start3A_26 : memref<1x848xf32, #tpu.memory_space<vmem>> -> memref<848xf32, #tpu.memory_space<vmem>>
      %dma_start3A_28 = tpu.memref_slice %arg4[%mul3A_2] : memref<27136xf32, #tpu.memory_space<hbm>> -> memref<848xf32, #tpu.memory_space<hbm>>
      tpu.enqueue_dma source(%dma_start3A_28 : memref<848xf32, #tpu.memory_space<hbm>>) target(%dma_start3A_27 : memref<848xf32, #tpu.memory_space<vmem>>) target_semaphore(%run_scoped3A_21 : memref<!tpu.dma_semaphore, #tpu.memory_space<semaphore_mem>>)
      %dma_wait3A = arith.constant 0 : i32
      %dma_wait3A_29 = tpu.memref_slice %arg12[%run_scoped3A_10, %dma_wait3A] : memref<7x848xf32, #tpu.memory_space<vmem>> -> memref<1x848xf32, #tpu.memory_space<vmem>>
      %dma_wait3A_30 = tpu.memref_squeeze %dma_wait3A_29 : memref<1x848xf32, #tpu.memory_space<vmem>> -> memref<848xf32, #tpu.memory_space<vmem>>
      %dma_wait3A_31 = tpu.memref_slice %arg4[%mul3A_2] : memref<27136xf32, #tpu.memory_space<hbm>> -> memref<848xf32, #tpu.memory_space<hbm>>
      %dma_wait3A_32 = arith.constant 0 : i32
      %dma_wait3A_33 = tpu.memref_slice %arg12[%run_scoped3A_10, %dma_wait3A_32] : memref<7x848xf32, #tpu.memory_space<vmem>> -> memref<1x848xf32, #tpu.memory_space<vmem>>
      %dma_wait3A_34 = tpu.memref_squeeze %dma_wait3A_33 : memref<1x848xf32, #tpu.memory_space<vmem>> -> memref<848xf32, #tpu.memory_space<vmem>>
      %dma_wait3A_35 = tpu.memref_slice %arg4[%mul3A_2] : memref<27136xf32, #tpu.memory_space<hbm>> -> memref<848xf32, #tpu.memory_space<hbm>>
      tpu.wait_dma2 semaphore(%run_scoped3A_21 : memref<!tpu.dma_semaphore, #tpu.memory_space<semaphore_mem>>) src(%dma_wait3A_35 : memref<848xf32, #tpu.memory_space<hbm>>) dst(%dma_wait3A_34 : memref<848xf32, #tpu.memory_space<vmem>>)
      tpu.yield
    }) : () -> ()
    %run_scoped3A_11 = arith.constant 3 : i32
    "tpu.region"() ({
      %run_scoped3A_21 = tpu.sem_alloc : memref<!tpu.dma_semaphore, #tpu.memory_space<semaphore_mem>>
      %dma_start3A = arith.constant 0 : i32
      %dma_start3A_22 = tpu.memref_slice %arg12[%run_scoped3A_11, %dma_start3A] : memref<7x848xf32, #tpu.memory_space<vmem>> -> memref<1x848xf32, #tpu.memory_space<vmem>>
      %dma_start3A_23 = tpu.memref_squeeze %dma_start3A_22 : memref<1x848xf32, #tpu.memory_space<vmem>> -> memref<848xf32, #tpu.memory_space<vmem>>
      %dma_start3A_24 = tpu.memref_slice %arg5[%mul3A_2] : memref<27136xf32, #tpu.memory_space<hbm>> -> memref<848xf32, #tpu.memory_space<hbm>>
      %dma_start3A_25 = arith.constant 0 : i32
      %dma_start3A_26 = tpu.memref_slice %arg12[%run_scoped3A_11, %dma_start3A_25] : memref<7x848xf32, #tpu.memory_space<vmem>> -> memref<1x848xf32, #tpu.memory_space<vmem>>
      %dma_start3A_27 = tpu.memref_squeeze %dma_start3A_26 : memref<1x848xf32, #tpu.memory_space<vmem>> -> memref<848xf32, #tpu.memory_space<vmem>>
      %dma_start3A_28 = tpu.memref_slice %arg5[%mul3A_2] : memref<27136xf32, #tpu.memory_space<hbm>> -> memref<848xf32, #tpu.memory_space<hbm>>
      tpu.enqueue_dma source(%dma_start3A_28 : memref<848xf32, #tpu.memory_space<hbm>>) target(%dma_start3A_27 : memref<848xf32, #tpu.memory_space<vmem>>) target_semaphore(%run_scoped3A_21 : memref<!tpu.dma_semaphore, #tpu.memory_space<semaphore_mem>>)
      %dma_wait3A = arith.constant 0 : i32
      %dma_wait3A_29 = tpu.memref_slice %arg12[%run_scoped3A_11, %dma_wait3A] : memref<7x848xf32, #tpu.memory_space<vmem>> -> memref<1x848xf32, #tpu.memory_space<vmem>>
      %dma_wait3A_30 = tpu.memref_squeeze %dma_wait3A_29 : memref<1x848xf32, #tpu.memory_space<vmem>> -> memref<848xf32, #tpu.memory_space<vmem>>
      %dma_wait3A_31 = tpu.memref_slice %arg5[%mul3A_2] : memref<27136xf32, #tpu.memory_space<hbm>> -> memref<848xf32, #tpu.memory_space<hbm>>
      %dma_wait3A_32 = arith.constant 0 : i32
      %dma_wait3A_33 = tpu.memref_slice %arg12[%run_scoped3A_11, %dma_wait3A_32] : memref<7x848xf32, #tpu.memory_space<vmem>> -> memref<1x848xf32, #tpu.memory_space<vmem>>
      %dma_wait3A_34 = tpu.memref_squeeze %dma_wait3A_33 : memref<1x848xf32, #tpu.memory_space<vmem>> -> memref<848xf32, #tpu.memory_space<vmem>>
      %dma_wait3A_35 = tpu.memref_slice %arg5[%mul3A_2] : memref<27136xf32, #tpu.memory_space<hbm>> -> memref<848xf32, #tpu.memory_space<hbm>>
      tpu.wait_dma2 semaphore(%run_scoped3A_21 : memref<!tpu.dma_semaphore, #tpu.memory_space<semaphore_mem>>) src(%dma_wait3A_35 : memref<848xf32, #tpu.memory_space<hbm>>) dst(%dma_wait3A_34 : memref<848xf32, #tpu.memory_space<vmem>>)
      tpu.yield
    }) : () -> ()
    %run_scoped3A_12 = arith.constant 4 : i32
    "tpu.region"() ({
      %run_scoped3A_21 = tpu.sem_alloc : memref<!tpu.dma_semaphore, #tpu.memory_space<semaphore_mem>>
      %dma_start3A = arith.constant 0 : i32
      %dma_start3A_22 = tpu.memref_slice %arg12[%run_scoped3A_12, %dma_start3A] : memref<7x848xf32, #tpu.memory_space<vmem>> -> memref<1x848xf32, #tpu.memory_space<vmem>>
      %dma_start3A_23 = tpu.memref_squeeze %dma_start3A_22 : memref<1x848xf32, #tpu.memory_space<vmem>> -> memref<848xf32, #tpu.memory_space<vmem>>
      %dma_start3A_24 = tpu.memref_slice %arg6[%mul3A_2] : memref<27136xf32, #tpu.memory_space<hbm>> -> memref<848xf32, #tpu.memory_space<hbm>>
      %dma_start3A_25 = arith.constant 0 : i32
      %dma_start3A_26 = tpu.memref_slice %arg12[%run_scoped3A_12, %dma_start3A_25] : memref<7x848xf32, #tpu.memory_space<vmem>> -> memref<1x848xf32, #tpu.memory_space<vmem>>
      %dma_start3A_27 = tpu.memref_squeeze %dma_start3A_26 : memref<1x848xf32, #tpu.memory_space<vmem>> -> memref<848xf32, #tpu.memory_space<vmem>>
      %dma_start3A_28 = tpu.memref_slice %arg6[%mul3A_2] : memref<27136xf32, #tpu.memory_space<hbm>> -> memref<848xf32, #tpu.memory_space<hbm>>
      tpu.enqueue_dma source(%dma_start3A_28 : memref<848xf32, #tpu.memory_space<hbm>>) target(%dma_start3A_27 : memref<848xf32, #tpu.memory_space<vmem>>) target_semaphore(%run_scoped3A_21 : memref<!tpu.dma_semaphore, #tpu.memory_space<semaphore_mem>>)
      %dma_wait3A = arith.constant 0 : i32
      %dma_wait3A_29 = tpu.memref_slice %arg12[%run_scoped3A_12, %dma_wait3A] : memref<7x848xf32, #tpu.memory_space<vmem>> -> memref<1x848xf32, #tpu.memory_space<vmem>>
      %dma_wait3A_30 = tpu.memref_squeeze %dma_wait3A_29 : memref<1x848xf32, #tpu.memory_space<vmem>> -> memref<848xf32, #tpu.memory_space<vmem>>
      %dma_wait3A_31 = tpu.memref_slice %arg6[%mul3A_2] : memref<27136xf32, #tpu.memory_space<hbm>> -> memref<848xf32, #tpu.memory_space<hbm>>
      %dma_wait3A_32 = arith.constant 0 : i32
      %dma_wait3A_33 = tpu.memref_slice %arg12[%run_scoped3A_12, %dma_wait3A_32] : memref<7x848xf32, #tpu.memory_space<vmem>> -> memref<1x848xf32, #tpu.memory_space<vmem>>
      %dma_wait3A_34 = tpu.memref_squeeze %dma_wait3A_33 : memref<1x848xf32, #tpu.memory_space<vmem>> -> memref<848xf32, #tpu.memory_space<vmem>>
      %dma_wait3A_35 = tpu.memref_slice %arg6[%mul3A_2] : memref<27136xf32, #tpu.memory_space<hbm>> -> memref<848xf32, #tpu.memory_space<hbm>>
      tpu.wait_dma2 semaphore(%run_scoped3A_21 : memref<!tpu.dma_semaphore, #tpu.memory_space<semaphore_mem>>) src(%dma_wait3A_35 : memref<848xf32, #tpu.memory_space<hbm>>) dst(%dma_wait3A_34 : memref<848xf32, #tpu.memory_space<vmem>>)
      tpu.yield
    }) : () -> ()
    %run_scoped3A_13 = arith.constant 5 : i32
    "tpu.region"() ({
      %run_scoped3A_21 = tpu.sem_alloc : memref<!tpu.dma_semaphore, #tpu.memory_space<semaphore_mem>>
      %dma_start3A = arith.constant 0 : i32
      %dma_start3A_22 = tpu.memref_slice %arg12[%run_scoped3A_13, %dma_start3A] : memref<7x848xf32, #tpu.memory_space<vmem>> -> memref<1x848xf32, #tpu.memory_space<vmem>>
      %dma_start3A_23 = tpu.memref_squeeze %dma_start3A_22 : memref<1x848xf32, #tpu.memory_space<vmem>> -> memref<848xf32, #tpu.memory_space<vmem>>
      %dma_start3A_24 = tpu.memref_slice %arg7[%mul3A_2] : memref<27136xf32, #tpu.memory_space<hbm>> -> memref<848xf32, #tpu.memory_space<hbm>>
      %dma_start3A_25 = arith.constant 0 : i32
      %dma_start3A_26 = tpu.memref_slice %arg12[%run_scoped3A_13, %dma_start3A_25] : memref<7x848xf32, #tpu.memory_space<vmem>> -> memref<1x848xf32, #tpu.memory_space<vmem>>
      %dma_start3A_27 = tpu.memref_squeeze %dma_start3A_26 : memref<1x848xf32, #tpu.memory_space<vmem>> -> memref<848xf32, #tpu.memory_space<vmem>>
      %dma_start3A_28 = tpu.memref_slice %arg7[%mul3A_2] : memref<27136xf32, #tpu.memory_space<hbm>> -> memref<848xf32, #tpu.memory_space<hbm>>
      tpu.enqueue_dma source(%dma_start3A_28 : memref<848xf32, #tpu.memory_space<hbm>>) target(%dma_start3A_27 : memref<848xf32, #tpu.memory_space<vmem>>) target_semaphore(%run_scoped3A_21 : memref<!tpu.dma_semaphore, #tpu.memory_space<semaphore_mem>>)
      %dma_wait3A = arith.constant 0 : i32
      %dma_wait3A_29 = tpu.memref_slice %arg12[%run_scoped3A_13, %dma_wait3A] : memref<7x848xf32, #tpu.memory_space<vmem>> -> memref<1x848xf32, #tpu.memory_space<vmem>>
      %dma_wait3A_30 = tpu.memref_squeeze %dma_wait3A_29 : memref<1x848xf32, #tpu.memory_space<vmem>> -> memref<848xf32, #tpu.memory_space<vmem>>
      %dma_wait3A_31 = tpu.memref_slice %arg7[%mul3A_2] : memref<27136xf32, #tpu.memory_space<hbm>> -> memref<848xf32, #tpu.memory_space<hbm>>
      %dma_wait3A_32 = arith.constant 0 : i32
      %dma_wait3A_33 = tpu.memref_slice %arg12[%run_scoped3A_13, %dma_wait3A_32] : memref<7x848xf32, #tpu.memory_space<vmem>> -> memref<1x848xf32, #tpu.memory_space<vmem>>
      %dma_wait3A_34 = tpu.memref_squeeze %dma_wait3A_33 : memref<1x848xf32, #tpu.memory_space<vmem>> -> memref<848xf32, #tpu.memory_space<vmem>>
      %dma_wait3A_35 = tpu.memref_slice %arg7[%mul3A_2] : memref<27136xf32, #tpu.memory_space<hbm>> -> memref<848xf32, #tpu.memory_space<hbm>>
      tpu.wait_dma2 semaphore(%run_scoped3A_21 : memref<!tpu.dma_semaphore, #tpu.memory_space<semaphore_mem>>) src(%dma_wait3A_35 : memref<848xf32, #tpu.memory_space<hbm>>) dst(%dma_wait3A_34 : memref<848xf32, #tpu.memory_space<vmem>>)
      tpu.yield
    }) : () -> ()
    %run_scoped3A_14 = arith.constant 6 : i32
    "tpu.region"() ({
      %run_scoped3A_21 = tpu.sem_alloc : memref<!tpu.dma_semaphore, #tpu.memory_space<semaphore_mem>>
      %dma_start3A = arith.constant 0 : i32
      %dma_start3A_22 = tpu.memref_slice %arg12[%run_scoped3A_14, %dma_start3A] : memref<7x848xf32, #tpu.memory_space<vmem>> -> memref<1x848xf32, #tpu.memory_space<vmem>>
      %dma_start3A_23 = tpu.memref_squeeze %dma_start3A_22 : memref<1x848xf32, #tpu.memory_space<vmem>> -> memref<848xf32, #tpu.memory_space<vmem>>
      %dma_start3A_24 = tpu.memref_slice %arg8[%mul3A_2] : memref<27136xf32, #tpu.memory_space<hbm>> -> memref<848xf32, #tpu.memory_space<hbm>>
      %dma_start3A_25 = arith.constant 0 : i32
      %dma_start3A_26 = tpu.memref_slice %arg12[%run_scoped3A_14, %dma_start3A_25] : memref<7x848xf32, #tpu.memory_space<vmem>> -> memref<1x848xf32, #tpu.memory_space<vmem>>
      %dma_start3A_27 = tpu.memref_squeeze %dma_start3A_26 : memref<1x848xf32, #tpu.memory_space<vmem>> -> memref<848xf32, #tpu.memory_space<vmem>>
      %dma_start3A_28 = tpu.memref_slice %arg8[%mul3A_2] : memref<27136xf32, #tpu.memory_space<hbm>> -> memref<848xf32, #tpu.memory_space<hbm>>
      tpu.enqueue_dma source(%dma_start3A_28 : memref<848xf32, #tpu.memory_space<hbm>>) target(%dma_start3A_27 : memref<848xf32, #tpu.memory_space<vmem>>) target_semaphore(%run_scoped3A_21 : memref<!tpu.dma_semaphore, #tpu.memory_space<semaphore_mem>>)
      %dma_wait3A = arith.constant 0 : i32
      %dma_wait3A_29 = tpu.memref_slice %arg12[%run_scoped3A_14, %dma_wait3A] : memref<7x848xf32, #tpu.memory_space<vmem>> -> memref<1x848xf32, #tpu.memory_space<vmem>>
      %dma_wait3A_30 = tpu.memref_squeeze %dma_wait3A_29 : memref<1x848xf32, #tpu.memory_space<vmem>> -> memref<848xf32, #tpu.memory_space<vmem>>
      %dma_wait3A_31 = tpu.memref_slice %arg8[%mul3A_2] : memref<27136xf32, #tpu.memory_space<hbm>> -> memref<848xf32, #tpu.memory_space<hbm>>
      %dma_wait3A_32 = arith.constant 0 : i32
      %dma_wait3A_33 = tpu.memref_slice %arg12[%run_scoped3A_14, %dma_wait3A_32] : memref<7x848xf32, #tpu.memory_space<vmem>> -> memref<1x848xf32, #tpu.memory_space<vmem>>
      %dma_wait3A_34 = tpu.memref_squeeze %dma_wait3A_33 : memref<1x848xf32, #tpu.memory_space<vmem>> -> memref<848xf32, #tpu.memory_space<vmem>>
      %dma_wait3A_35 = tpu.memref_slice %arg8[%mul3A_2] : memref<27136xf32, #tpu.memory_space<hbm>> -> memref<848xf32, #tpu.memory_space<hbm>>
      tpu.wait_dma2 semaphore(%run_scoped3A_21 : memref<!tpu.dma_semaphore, #tpu.memory_space<semaphore_mem>>) src(%dma_wait3A_35 : memref<848xf32, #tpu.memory_space<hbm>>) dst(%dma_wait3A_34 : memref<848xf32, #tpu.memory_space<vmem>>)
      tpu.yield
    }) : () -> ()
    "tpu.region"() ({
      %run_scoped3A_21 = tpu.sem_alloc : memref<!tpu.dma_semaphore, #tpu.memory_space<semaphore_mem>>
      %dma_start3A = tpu.memref_slice %arg9[%mul3A_2] : memref<27136xi32, #tpu.memory_space<hbm>> -> memref<848xi32, #tpu.memory_space<hbm>>
      %dma_start3A_22 = tpu.memref_slice %arg9[%mul3A_2] : memref<27136xi32, #tpu.memory_space<hbm>> -> memref<848xi32, #tpu.memory_space<hbm>>
      tpu.enqueue_dma source(%dma_start3A_22 : memref<848xi32, #tpu.memory_space<hbm>>) target(%arg13 : memref<848xi32, #tpu.memory_space<vmem>>) target_semaphore(%run_scoped3A_21 : memref<!tpu.dma_semaphore, #tpu.memory_space<semaphore_mem>>)
      %dma_wait3A = tpu.memref_slice %arg9[%mul3A_2] : memref<27136xi32, #tpu.memory_space<hbm>> -> memref<848xi32, #tpu.memory_space<hbm>>
      %dma_wait3A_23 = tpu.memref_slice %arg9[%mul3A_2] : memref<27136xi32, #tpu.memory_space<hbm>> -> memref<848xi32, #tpu.memory_space<hbm>>
      tpu.wait_dma2 semaphore(%run_scoped3A_21 : memref<!tpu.dma_semaphore, #tpu.memory_space<semaphore_mem>>) src(%dma_wait3A_23 : memref<848xi32, #tpu.memory_space<hbm>>) dst(%arg13 : memref<848xi32, #tpu.memory_space<vmem>>)
      tpu.yield
    }) : () -> ()
    %scan3A_15 = arith.constant 0 : i32
    %scan3A_16 = arith.constant 0 : i32
    %scan3A_17 = arith.constant 53 : i32
    %scan3A_18 = arith.addi %scan3A_16, %scan3A_17 : i32
    %scan3A_19 = arith.constant 1 : i32
    scf.for %scan3A_21 = %scan3A_16 to %scan3A_18 step %scan3A_19  : i32 {
      %mul3A_22 = arith.constant 16 : i32
      %mul3A_23 = arith.muli %scan3A_21, %mul3A_22 : i32
      %get3A = arith.index_cast %mul3A_23 : i32 to index
      %get3A_24 = tpu.vector_load %arg13[%get3A] {strides = array<i32>} : memref<848xi32, #tpu.memory_space<vmem>>, vector<16xi32>,
      %get3A_25 = arith.constant 0 : i32
      %get3A_26 = arith.index_cast %get3A_25 : i32 to index
      %get3A_27 = arith.index_cast %mul3A_23 : i32 to index
      %get3A_28 = tpu.vector_load %arg12[%get3A_26, %get3A_27] {strides = array<i32>} : memref<7x848xf32, #tpu.memory_space<vmem>>, vector<16xf32>,
      %get3A_29 = arith.constant 1 : i32
      %get3A_30 = arith.index_cast %get3A_29 : i32 to index
      %get3A_31 = arith.index_cast %mul3A_23 : i32 to index
      %get3A_32 = tpu.vector_load %arg12[%get3A_30, %get3A_31] {strides = array<i32>} : memref<7x848xf32, #tpu.memory_space<vmem>>, vector<16xf32>,
      %get3A_33 = arith.constant 2 : i32
      %get3A_34 = arith.index_cast %get3A_33 : i32 to index
      %get3A_35 = arith.index_cast %mul3A_23 : i32 to index
      %get3A_36 = tpu.vector_load %arg12[%get3A_34, %get3A_35] {strides = array<i32>} : memref<7x848xf32, #tpu.memory_space<vmem>>, vector<16xf32>,
      %get3A_37 = arith.constant 3 : i32
      %get3A_38 = arith.index_cast %get3A_37 : i32 to index
      %get3A_39 = arith.index_cast %mul3A_23 : i32 to index
      %get3A_40 = tpu.vector_load %arg12[%get3A_38, %get3A_39] {strides = array<i32>} : memref<7x848xf32, #tpu.memory_space<vmem>>, vector<16xf32>,
      %get3A_41 = arith.constant 4 : i32
      %get3A_42 = arith.index_cast %get3A_41 : i32 to index
      %get3A_43 = arith.index_cast %mul3A_23 : i32 to index
      %get3A_44 = tpu.vector_load %arg12[%get3A_42, %get3A_43] {strides = array<i32>} : memref<7x848xf32, #tpu.memory_space<vmem>>, vector<16xf32>,
      %get3A_45 = arith.constant 5 : i32
      %get3A_46 = arith.index_cast %get3A_45 : i32 to index
      %get3A_47 = arith.index_cast %mul3A_23 : i32 to index
      %get3A_48 = tpu.vector_load %arg12[%get3A_46, %get3A_47] {strides = array<i32>} : memref<7x848xf32, #tpu.memory_space<vmem>>, vector<16xf32>,
      %get3A_49 = arith.constant 6 : i32
      %get3A_50 = arith.index_cast %get3A_49 : i32 to index
      %get3A_51 = arith.index_cast %mul3A_23 : i32 to index
      %get3A_52 = tpu.vector_load %arg12[%get3A_50, %get3A_51] {strides = array<i32>} : memref<7x848xf32, #tpu.memory_space<vmem>>, vector<16xf32>,
      %add3A_53 = arith.constant 1 : i32
      %add3A_54 = vector.broadcast %add3A_53 : i32 to vector<16xi32>
      %add3A_55 = arith.addi %iota3A, %add3A_54 : vector<16xi32>
      %min3A = arith.constant 15 : i32
      %min3A_56 = vector.broadcast %min3A : i32 to vector<16xi32>
      %min3A_57 = arith.minsi %add3A_55, %min3A_56 : vector<16xi32>
      %add3A_58 = vector.broadcast %mul3A_23 : i32 to vector<16xi32>
      %add3A_59 = arith.addi %add3A_58, %min3A_57 : vector<16xi32>
      %gather3A = tpu.vector_load_idx %arg13[%add3A_59] : memref<848xi32, #tpu.memory_space<vmem>>[vector<16xi32>], vector<16xi32>,
      %mul3A_60 = arith.mulf %get3A_28, %get3A_44 : vector<16xf32>
      %add3A_61 = arith.addf %mul3A_60, %get3A_40 : vector<16xf32>
      %mul3A_62 = arith.mulf %get3A_28, %get3A_48 : vector<16xf32>
      %add3A_63 = arith.addf %mul3A_62, %get3A_32 : vector<16xf32>
      %mul3A_64 = arith.mulf %get3A_28, %get3A_52 : vector<16xf32>
      %add3A_65 = arith.addf %mul3A_64, %get3A_36 : vector<16xf32>
      %mul3A_66 = arith.mulf %get3A_44, %get3A_44 : vector<16xf32>
      %mul3A_67 = arith.mulf %get3A_48, %get3A_48 : vector<16xf32>
      %add3A_68 = arith.addf %mul3A_66, %mul3A_67 : vector<16xf32>
      %mul3A_69 = arith.mulf %get3A_52, %get3A_52 : vector<16xf32>
      %add3A_70 = arith.addf %add3A_68, %mul3A_69 : vector<16xf32>
      %mul3A_71 = arith.mulf %get3A_44, %get3A_40 : vector<16xf32>
      %mul3A_72 = arith.mulf %get3A_48, %get3A_32 : vector<16xf32>
      %add3A_73 = arith.addf %mul3A_71, %mul3A_72 : vector<16xf32>
      %mul3A_74 = arith.mulf %get3A_52, %get3A_36 : vector<16xf32>
      %add3A_75 = arith.addf %add3A_73, %mul3A_74 : vector<16xf32>
      %mul3A_76 = arith.mulf %add3A_70, %get3A_28 : vector<16xf32>
      %mul3A_77 = arith.constant 2.000000e+00 : f32
      %mul3A_78 = vector.broadcast %mul3A_77 : f32 to vector<16xf32>
      %mul3A_79 = arith.mulf %mul3A_78, %add3A_75 : vector<16xf32>
      %add3A_80 = arith.addf %mul3A_76, %mul3A_79 : vector<16xf32>
      %ne3A = arith.cmpi ne, %get3A_24, %gather3A : vector<16xi32>
      %eq3A = arith.constant 15 : i32
      %eq3A_81 = vector.broadcast %eq3A : i32 to vector<16xi32>
      %eq3A_82 = arith.cmpi eq, %iota3A, %eq3A_81 : vector<16xi32>
      %or3A = arith.ori %ne3A, %eq3A_82 : vector<16xi1>
      %broadcast_in_dim3A_83 = arith.constant true
      %broadcast_in_dim3A_84 = vector.broadcast %broadcast_in_dim3A_83 : i1 to vector<16xi1>
      %masked_cumsum3A = tpu.scan <sum>, %get3A_28 masked %broadcast_in_dim3A_84 : vector<16xf32>, vector<16xi1> -> vector<16xf32>
      %add3A_85 = arith.constant 0 : i32
      %add3A_86 = vector.broadcast %add3A_85 : i32 to vector<16xi32>
      %add3A_87 = arith.addi %get3A_24, %add3A_86 : vector<16xi32>
      tpu.vector_store_idx %arg11[%add3A_87], %masked_cumsum3A masked %or3A {add = true} : memref<20480xf32, #tpu.memory_space<vmem>>[vector<16xi32>], vector<16xf32>, vector<16xi1>
      %add3A_88 = arith.constant 0 : i32
      %add3A_89 = vector.broadcast %add3A_88 : i32 to vector<16xi32>
      %add3A_90 = arith.addi %gather3A, %add3A_89 : vector<16xi32>
      %neg3A = arith.constant 0.000000e+00 : f32
      %neg3A_91 = vector.broadcast %neg3A : f32 to vector<16xf32>
      %neg3A_92 = arith.subf %neg3A_91, %masked_cumsum3A : vector<16xf32>
      tpu.vector_store_idx %arg11[%add3A_90], %neg3A_92 masked %ne3A {add = true} : memref<20480xf32, #tpu.memory_space<vmem>>[vector<16xi32>], vector<16xf32>, vector<16xi1>
      %broadcast_in_dim3A_93 = arith.constant true
      %broadcast_in_dim3A_94 = vector.broadcast %broadcast_in_dim3A_93 : i1 to vector<16xi1>
      %masked_cumsum3A_95 = tpu.scan <sum>, %add3A_61 masked %broadcast_in_dim3A_94 : vector<16xf32>, vector<16xi1> -> vector<16xf32>
      %add3A_96 = arith.constant 4096 : i32
      %add3A_97 = vector.broadcast %add3A_96 : i32 to vector<16xi32>
      %add3A_98 = arith.addi %get3A_24, %add3A_97 : vector<16xi32>
      tpu.vector_store_idx %arg11[%add3A_98], %masked_cumsum3A_95 masked %or3A {add = true} : memref<20480xf32, #tpu.memory_space<vmem>>[vector<16xi32>], vector<16xf32>, vector<16xi1>
      %add3A_99 = arith.constant 4096 : i32
      %add3A_100 = vector.broadcast %add3A_99 : i32 to vector<16xi32>
      %add3A_101 = arith.addi %gather3A, %add3A_100 : vector<16xi32>
      %neg3A_102 = arith.constant 0.000000e+00 : f32
      %neg3A_103 = vector.broadcast %neg3A_102 : f32 to vector<16xf32>
      %neg3A_104 = arith.subf %neg3A_103, %masked_cumsum3A_95 : vector<16xf32>
      tpu.vector_store_idx %arg11[%add3A_101], %neg3A_104 masked %ne3A {add = true} : memref<20480xf32, #tpu.memory_space<vmem>>[vector<16xi32>], vector<16xf32>, vector<16xi1>
      %broadcast_in_dim3A_105 = arith.constant true
      %broadcast_in_dim3A_106 = vector.broadcast %broadcast_in_dim3A_105 : i1 to vector<16xi1>
      %masked_cumsum3A_107 = tpu.scan <sum>, %add3A_63 masked %broadcast_in_dim3A_106 : vector<16xf32>, vector<16xi1> -> vector<16xf32>
      %add3A_108 = arith.constant 8192 : i32
      %add3A_109 = vector.broadcast %add3A_108 : i32 to vector<16xi32>
      %add3A_110 = arith.addi %get3A_24, %add3A_109 : vector<16xi32>
      tpu.vector_store_idx %arg11[%add3A_110], %masked_cumsum3A_107 masked %or3A {add = true} : memref<20480xf32, #tpu.memory_space<vmem>>[vector<16xi32>], vector<16xf32>, vector<16xi1>
      %add3A_111 = arith.constant 8192 : i32
      %add3A_112 = vector.broadcast %add3A_111 : i32 to vector<16xi32>
      %add3A_113 = arith.addi %gather3A, %add3A_112 : vector<16xi32>
      %neg3A_114 = arith.constant 0.000000e+00 : f32
      %neg3A_115 = vector.broadcast %neg3A_114 : f32 to vector<16xf32>
      %neg3A_116 = arith.subf %neg3A_115, %masked_cumsum3A_107 : vector<16xf32>
      tpu.vector_store_idx %arg11[%add3A_113], %neg3A_116 masked %ne3A {add = true} : memref<20480xf32, #tpu.memory_space<vmem>>[vector<16xi32>], vector<16xf32>, vector<16xi1>
      %broadcast_in_dim3A_117 = arith.constant true
      %broadcast_in_dim3A_118 = vector.broadcast %broadcast_in_dim3A_117 : i1 to vector<16xi1>
      %masked_cumsum3A_119 = tpu.scan <sum>, %add3A_65 masked %broadcast_in_dim3A_118 : vector<16xf32>, vector<16xi1> -> vector<16xf32>
      %add3A_120 = arith.constant 12288 : i32
      %add3A_121 = vector.broadcast %add3A_120 : i32 to vector<16xi32>
      %add3A_122 = arith.addi %get3A_24, %add3A_121 : vector<16xi32>
      tpu.vector_store_idx %arg11[%add3A_122], %masked_cumsum3A_119 masked %or3A {add = true} : memref<20480xf32, #tpu.memory_space<vmem>>[vector<16xi32>], vector<16xf32>, vector<16xi1>
      %add3A_123 = arith.constant 12288 : i32
      %add3A_124 = vector.broadcast %add3A_123 : i32 to vector<16xi32>
      %add3A_125 = arith.addi %gather3A, %add3A_124 : vector<16xi32>
      %neg3A_126 = arith.constant 0.000000e+00 : f32
      %neg3A_127 = vector.broadcast %neg3A_126 : f32 to vector<16xf32>
      %neg3A_128 = arith.subf %neg3A_127, %masked_cumsum3A_119 : vector<16xf32>
      tpu.vector_store_idx %arg11[%add3A_125], %neg3A_128 masked %ne3A {add = true} : memref<20480xf32, #tpu.memory_space<vmem>>[vector<16xi32>], vector<16xf32>, vector<16xi1>
      %broadcast_in_dim3A_129 = arith.constant true
      %broadcast_in_dim3A_130 = vector.broadcast %broadcast_in_dim3A_129 : i1 to vector<16xi1>
      %masked_cumsum3A_131 = tpu.scan <sum>, %add3A_80 masked %broadcast_in_dim3A_130 : vector<16xf32>, vector<16xi1> -> vector<16xf32>
      %add3A_132 = arith.constant 16384 : i32
      %add3A_133 = vector.broadcast %add3A_132 : i32 to vector<16xi32>
      %add3A_134 = arith.addi %get3A_24, %add3A_133 : vector<16xi32>
      tpu.vector_store_idx %arg11[%add3A_134], %masked_cumsum3A_131 masked %or3A {add = true} : memref<20480xf32, #tpu.memory_space<vmem>>[vector<16xi32>], vector<16xf32>, vector<16xi1>
      %add3A_135 = arith.constant 16384 : i32
      %add3A_136 = vector.broadcast %add3A_135 : i32 to vector<16xi32>
      %add3A_137 = arith.addi %gather3A, %add3A_136 : vector<16xi32>
      %neg3A_138 = arith.constant 0.000000e+00 : f32
      %neg3A_139 = vector.broadcast %neg3A_138 : f32 to vector<16xf32>
      %neg3A_140 = arith.subf %neg3A_139, %masked_cumsum3A_131 : vector<16xf32>
      tpu.vector_store_idx %arg11[%add3A_137], %neg3A_140 masked %ne3A {add = true} : memref<20480xf32, #tpu.memory_space<vmem>>[vector<16xi32>], vector<16xf32>, vector<16xi1>
    }
    %scan3A_20 = arith.constant 53 : i32
    "tpu.region"() ({
      %run_scoped3A_21 = tpu.sem_alloc : memref<!tpu.dma_semaphore, #tpu.memory_space<semaphore_mem>>
      %dma_start3A = arith.constant 0 : i32
      %dma_start3A_22 = tpu.memref_slice %arg10[%add3A, %dma_start3A] : memref<32x20480xf32, #tpu.memory_space<hbm>> -> memref<1x20480xf32, #tpu.memory_space<hbm>>
      %dma_start3A_23 = tpu.memref_squeeze %dma_start3A_22 : memref<1x20480xf32, #tpu.memory_space<hbm>> -> memref<20480xf32, #tpu.memory_space<hbm>>
      %dma_start3A_24 = arith.constant 0 : i32
      %dma_start3A_25 = tpu.memref_slice %arg10[%add3A, %dma_start3A_24] : memref<32x20480xf32, #tpu.memory_space<hbm>> -> memref<1x20480xf32, #tpu.memory_space<hbm>>
      %dma_start3A_26 = tpu.memref_squeeze %dma_start3A_25 : memref<1x20480xf32, #tpu.memory_space<hbm>> -> memref<20480xf32, #tpu.memory_space<hbm>>
      tpu.enqueue_dma source(%arg11 : memref<20480xf32, #tpu.memory_space<vmem>>) target(%dma_start3A_26 : memref<20480xf32, #tpu.memory_space<hbm>>) target_semaphore(%run_scoped3A_21 : memref<!tpu.dma_semaphore, #tpu.memory_space<semaphore_mem>>)
      %dma_wait3A = arith.constant 0 : i32
      %dma_wait3A_27 = tpu.memref_slice %arg10[%add3A, %dma_wait3A] : memref<32x20480xf32, #tpu.memory_space<hbm>> -> memref<1x20480xf32, #tpu.memory_space<hbm>>
      %dma_wait3A_28 = tpu.memref_squeeze %dma_wait3A_27 : memref<1x20480xf32, #tpu.memory_space<hbm>> -> memref<20480xf32, #tpu.memory_space<hbm>>
      %dma_wait3A_29 = arith.constant 0 : i32
      %dma_wait3A_30 = tpu.memref_slice %arg10[%add3A, %dma_wait3A_29] : memref<32x20480xf32, #tpu.memory_space<hbm>> -> memref<1x20480xf32, #tpu.memory_space<hbm>>
      %dma_wait3A_31 = tpu.memref_squeeze %dma_wait3A_30 : memref<1x20480xf32, #tpu.memory_space<hbm>> -> memref<20480xf32, #tpu.memory_space<hbm>>
      tpu.wait_dma2 semaphore(%run_scoped3A_21 : memref<!tpu.dma_semaphore, #tpu.memory_space<semaphore_mem>>) src(%arg11 : memref<20480xf32, #tpu.memory_space<vmem>>) dst(%dma_wait3A_31 : memref<20480xf32, #tpu.memory_space<hbm>>)
      tpu.yield
    }) : () -> ()
    return
  }
}

module attributes {stable_mosaic.version = 14 : i64} {
  func.func @_tc_combine_body(%arg0: memref<128x20480xf32, #tpu.memory_space<vmem>>, %arg1: memref<4096xf32, #tpu.memory_space<vmem>>, %arg2: memref<4096xf32, #tpu.memory_space<vmem>>) attributes {dimension_semantics = [], scalar_prefetch = 0 : i64, scratch_operands = 0 : i64, tpu.core_type = #tpu.core_type<tc>} {
    %get3A = arith.constant 0 : index
    %get3A_0 = arith.constant 0 : index
    %get3A_1 = vector.load %arg0[%get3A, %get3A_0] : memref<128x20480xf32, #tpu.memory_space<vmem>>, vector<128x20480xf32>
    %reduce_sum3A = arith.constant dense<0.000000e+00> : vector<20480xf32>
    %reduce_sum3A_2 = vector.multi_reduction <add>, %get3A_1, %reduce_sum3A [0] : vector<128x20480xf32> to vector<20480xf32>
    %slice3A = vector.extract_strided_slice %reduce_sum3A_2 {offsets = [0], sizes = [4096], strides = [1]} : vector<20480xf32> to vector<4096xf32>
    %slice3A_3 = vector.extract_strided_slice %reduce_sum3A_2 {offsets = [4096], sizes = [4096], strides = [1]} : vector<20480xf32> to vector<4096xf32>
    %slice3A_4 = vector.extract_strided_slice %reduce_sum3A_2 {offsets = [8192], sizes = [4096], strides = [1]} : vector<20480xf32> to vector<4096xf32>
    %slice3A_5 = vector.extract_strided_slice %reduce_sum3A_2 {offsets = [12288], sizes = [4096], strides = [1]} : vector<20480xf32> to vector<4096xf32>
    %slice3A_6 = vector.extract_strided_slice %reduce_sum3A_2 {offsets = [16384], sizes = [4096], strides = [1]} : vector<20480xf32> to vector<4096xf32>
    %get3A_7 = arith.constant 0 : index
    %get3A_8 = vector.load %arg1[%get3A_7] : memref<4096xf32, #tpu.memory_space<vmem>>, vector<4096xf32>
    %pow3A = arith.constant 3.333000e-01 : f32
    %pow3A_9 = vector.broadcast %pow3A : f32 to vector<4096xf32>
    %pow3A_10 = math.powf %get3A_8, %pow3A_9 : vector<4096xf32>
    %mul3A = arith.constant -20.4280396 : f32
    %mul3A_11 = vector.broadcast %mul3A : f32 to vector<4096xf32>
    %mul3A_12 = arith.mulf %mul3A_11, %slice3A : vector<4096xf32>
    %mul3A_13 = arith.mulf %mul3A_12, %slice3A : vector<4096xf32>
    %div3A = arith.divf %mul3A_13, %pow3A_10 : vector<4096xf32>
    %mul3A_14 = arith.mulf %slice3A_3, %slice3A_3 : vector<4096xf32>
    %mul3A_15 = arith.mulf %slice3A_4, %slice3A_4 : vector<4096xf32>
    %add3A = arith.addf %mul3A_14, %mul3A_15 : vector<4096xf32>
    %mul3A_16 = arith.mulf %slice3A_5, %slice3A_5 : vector<4096xf32>
    %add3A_17 = arith.addf %add3A, %mul3A_16 : vector<4096xf32>
    %mul3A_18 = arith.constant 90.4756393 : f32
    %mul3A_19 = vector.broadcast %mul3A_18 : f32 to vector<4096xf32>
    %mul3A_20 = arith.mulf %mul3A_19, %add3A_17 : vector<4096xf32>
    %mul3A_21 = arith.constant 3.000000e+00 : f32
    %mul3A_22 = vector.broadcast %mul3A_21 : f32 to vector<4096xf32>
    %mul3A_23 = arith.mulf %mul3A_22, %get3A_8 : vector<4096xf32>
    %div3A_24 = arith.divf %mul3A_20, %mul3A_23 : vector<4096xf32>
    %add3A_25 = arith.addf %div3A, %div3A_24 : vector<4096xf32>
    %mul3A_26 = arith.constant 90.4756393 : f32
    %mul3A_27 = vector.broadcast %mul3A_26 : f32 to vector<4096xf32>
    %mul3A_28 = arith.mulf %mul3A_27, %slice3A : vector<4096xf32>
    %mul3A_29 = arith.mulf %mul3A_28, %slice3A_6 : vector<4096xf32>
    %mul3A_30 = arith.constant 3.000000e+00 : f32
    %mul3A_31 = vector.broadcast %mul3A_30 : f32 to vector<4096xf32>
    %mul3A_32 = arith.mulf %mul3A_31, %get3A_8 : vector<4096xf32>
    %div3A_33 = arith.divf %mul3A_29, %mul3A_32 : vector<4096xf32>
    %sub3A = arith.subf %add3A_25, %div3A_33 : vector<4096xf32>
    %swap3A = arith.constant 0 : index
    %swap3A_34 = vector.load %arg2[%swap3A] : memref<4096xf32, #tpu.memory_space<vmem>>, vector<4096xf32>
    tpu.vector_store %arg2[%swap3A], %sub3A {strides = array<i32>} : memref<4096xf32, #tpu.memory_space<vmem>>, vector<4096xf32>,
    return
  }
}

</mosaic_0001>

<sc_bundles>
// kernel: kernel.10.cloned.1.call-start
scs
__scs_entry_jumppad:
0x0: {  	(pc) =	sbr.rel $0x88, $3  }
0x1: {  	(tag) =	ssettag $0x0;
	lr =	simm.s32 $0x1  }
0x2: {  	[smem:$0x3F9D] =	sst lr;
	_ =	strace $0xD0000000  }
0x3: {  	_ = 	snop  }
0x4: {  	_ = 	snop  }
0x5: {  	_ = 	snop  }
0x6: {  	_ = 	snop  }
0x7: {  	_ = 	snop  }
__scs_overlays_trampoline_lowered:
0x8: {  	[smem:$0x3FAC] =	sst s0  }
0x9: {  	[smem:$0x3FAD] =	sst s1  }
0xa: {  	[smem:$0x3FAE] =	sst s2  }
0xb: {  	[smem:$0x3FAF] =	sst s3  }
0xc: {  	[smem:$0x3FB0] =	sst s4  }
0xd: {  	[smem:$0x3FB1] =	sst s5  }
0xe: {  	[smem:$0x3FB2] =	sst s6  }
0xf: {  	[smem:$0x3FB3] =	sst s7  }
0x10: {  	[smem:$0x3FB4] =	sst s8  }
0x11: {  	[smem:$0x3FB5] =	sst s9;
	s0 =	simm.s32 @!p0 $0x0  }
0x12: {  	s1 =	sld [smem:$0x3F9B];
	s0 =	simm.s32 @p0 $0x1  }
0x13: {  	[smem:$0x3FB6] =	sst s0;
	s0 =	simm.s32 @!p1 $0x0  }
0x14: {  	s2 =	sld [smem:$0x3F9A];
	s0 =	simm.s32 @p1 $0x1  }
0x15: {  	[smem:$0x3FB7] =	sst s0;
	s0 =	simm.s32 @!p2 $0x0  }
0x16: {  	s3 =	sld [smem:$0x3FDB];
	s0 =	simm.s32 @p2 $0x1  }
0x17: {  	s4 =	simm.s32 $0x1BF5;
	[smem:$0x3FB9] =	sst s0  }
0x18: {  	s0 =	sld [smem:$0x3F9C];
	_ =	swait.ge [sflag:s4], $0x0  }
0x19: {  	s7 =	sld [smem:$0x3F9D]  }
0x1a: {  	s8 =	sadd.s32 $0xFFFFE003, lr  }
0x1b: {  	s9 =	sadd.s32 $0xFFFFFEF7, lr;
	s5 =	simm.s32 $0xFFFFFFFF;
	p2 =	slt.u32 s8, $0xFFFFF086  }
0x1c: {  	p1 =	slt.u32 s9, $0xF7A;
	s5 =	simm.s32 @!p2 $0x0  }
0x1d: {  	s5 =	simm.s32 @p1 $0x1;
	p0 =	seq.s32 s7, s2  }
0x1e: {  	s7 =	smul.u32 @!p0 $0xF7A, s2;
	p2 =	seq.s32 @!p0 s5, $0x0  }
0x1f: {  	s9 =	smul.u32 $0xF7A, s1;
	s8 =	simm.s32 @!p0 $0x1BF5;
	p2 =	por !p2, p0  }
0x20: {  	[sflag:s8] =	ssyncset.s32 @!p0 $0xFFFFF086;
	s6 =	sadd.s32 @!p0 s3, s7;
	s7 =	simm.s32 @!p0 $0x108  }
0x21: {  	s3 =	sadd.s32 s3, s9;
	s6 =	sadd.s32 @!p0 $0x88, s6;
	s7 =	simm.s32 @p2 $0x1082  }
0x22: {  	[simem:s7], [sflag:s8] =	dma.local @!p0 [hbm:s6], $0xF7A  }
0x23: {  	s9 =	sor.u32 $0xD0000000, s2;
	s6 =	simm.s32 $0x108;
	_ =	swait.ge @!p0 [sflag:s8], $0x0  }
0x24: {  	s3 =	sadd.s32 $0x88, s3;
	s6 =	simm.s32 @!p1 $0x1082;
	[sflag:s4] =	ssyncset.s32 $0xFFFFF086  }
0x25: {  	[simem:s6], [sflag:s4] =	dma.local [hbm:s3], $0xF7A  }
0x26: {  	[smem:$0x3F9D] =	sst s1;
	(tag) =	ssettag s2;
	_ =	strace s9  }
0x27: {  	s1 =	sld [smem:$0x3FAD]  }
0x28: {  	s2 =	sld [smem:$0x3FAE]  }
0x29: {  	s4 =	sld [smem:$0x3FB0]  }
0x2a: {  	p0 =	seq.s32 s5, $0x0;
	s5 =	sld [smem:$0x3FB1]  }
0x2b: {  	s6 =	sld [smem:$0x3FB2]  }
0x2c: {  	s7 =	sld [smem:$0x3FB3]  }
0x2d: {  	s3 =	simm.s32 $0x108;
	s8 =	sld [smem:$0x3FB4]  }
0x2e: {  	s3 =	simm.s32 @!p0 $0x1082;
	s9 =	sld [smem:$0x3FB5]  }
0x2f: {  	lr =	sadd.s32 s0, s3;
	s0 =	sld [smem:$0x3FAC]  }
0x30: {  	s3 =	sld [smem:$0x3FAF]  }
0x31: {  	[smem:$0x3FB8] =	sst s10  }
0x32: {  	s10 =	sld [smem:$0x3FB6];
	_ =	sdelay $0x3  }
0x33: {  	p0 =	seq.s32 s10, $0x1;
	s10 =	sld [smem:$0x3FB8];
	_ =	sdelay $0x3  }
0x34: {  	[smem:$0x3FB8] =	sst s10  }
0x35: {  	s10 =	sld [smem:$0x3FB7];
	_ =	sdelay $0x3  }
0x36: {  	p1 =	seq.s32 s10, $0x1;
	s10 =	sld [smem:$0x3FB8];
	_ =	sdelay $0x3  }
0x37: {  	[smem:$0x3FB8] =	sst s10  }
0x38: {  	s10 =	sld [smem:$0x3FB9]  }
0x39: {  	_ = 	snop;
	(pc) =	sbr.ind lr, $3  }
0x3a: {  	_ = 	snop  }
0x3b: {  	_ = 	snop  }
0x3c: {  	p2 =	seq.s32 s10, $0x1;
	s10 =	sld [smem:$0x3FB8]  }
0x3d: {  	_ =	shalt  }
0x3e: {  	_ =	shalt  }
0x3f: {  	_ =	shalt  }
0x40: {  	_ =	shalt  }
0x41: {  	_ =	shalt  }
0x42: {  	_ =	shalt  }
0x43: {  	_ =	shalt  }
0x44: {  	_ =	shalt  }
0x45: {  	_ =	shalt  }
0x46: {  	_ =	shalt  }
0x47: {  	_ =	shalt  }
0x48: {  	_ =	shalt  }
0x49: {  	_ =	shalt  }
0x4a: {  	_ =	shalt  }
0x4b: {  	_ =	shalt  }
0x4c: {  	_ =	shalt  }
0x4d: {  	_ =	shalt  }
0x4e: {  	_ =	shalt  }
0x4f: {  	_ =	shalt  }
0x50: {  	_ =	shalt  }
0x51: {  	_ =	shalt  }
0x52: {  	_ =	shalt  }
0x53: {  	_ =	shalt  }
0x54: {  	_ =	shalt  }
0x55: {  	_ =	shalt  }
0x56: {  	_ =	shalt  }
0x57: {  	_ =	shalt  }
0x58: {  	_ =	shalt  }
0x59: {  	_ =	shalt  }
0x5a: {  	_ =	shalt  }
0x5b: {  	_ =	shalt  }
0x5c: {  	_ =	shalt  }
0x5d: {  	_ =	shalt  }
0x5e: {  	_ =	shalt  }
0x5f: {  	_ =	shalt  }
0x60: {  	_ =	shalt  }
0x61: {  	_ =	shalt  }
0x62: {  	_ =	shalt  }
0x63: {  	_ =	shalt  }
0x64: {  	_ =	shalt  }
0x65: {  	_ =	shalt  }
0x66: {  	_ =	shalt  }
0x67: {  	_ =	shalt  }
0x68: {  	_ =	shalt  }
0x69: {  	_ =	shalt  }
0x6a: {  	_ =	shalt  }
0x6b: {  	_ =	shalt  }
0x6c: {  	_ =	shalt  }
0x6d: {  	_ =	shalt  }
0x6e: {  	_ =	shalt  }
0x6f: {  	_ =	shalt  }
0x70: {  	_ =	shalt  }
0x71: {  	_ =	shalt  }
0x72: {  	_ =	shalt  }
0x73: {  	_ =	shalt  }
0x74: {  	_ =	shalt  }
0x75: {  	_ =	shalt  }
0x76: {  	_ =	shalt  }
0x77: {  	_ =	shalt  }
0x78: {  	_ =	shalt  }
0x79: {  	_ =	shalt  }
0x7a: {  	_ =	shalt  }
0x7b: {  	_ =	shalt  }
0x7c: {  	_ =	shalt  }
0x7d: {  	_ =	shalt  }
0x7e: {  	_ =	shalt  }
0x7f: {  	_ =	shalt  }
0x80: {  	_ =	shalt  }
0x81: {  	_ =	shalt  }
0x82: {  	_ =	shalt  }
0x83: {  	_ =	shalt  }
0x84: {  	_ =	shalt  }
0x85: {  	_ =	shalt  }
0x86: {  	_ =	shalt  }
0x87: {  	_ =	shalt  }
.Lfunc_end0:
.L_simem_size_0:
called_computation.1_lowered:
.L_overlay_start_0:
0x88: {  	s2 =	sld [smem:$0x3FD9]  }
0x89: {  	s3 =	sld [smem:$0x3FFE];
	_ =	sdelay $0x1  }
0x8a: {  	s1 =	srdreg.scid  }
0x8b: {  	s0 =	sand.u32 $0x1, s1  }
0x8c: {  	s17 =	sshll.u32 s0, $0xA;
	s2 =	sadd.s32 s3, s2  }
0x8d: {  	s2 =	sadd.s32 s2, s17  }
0x8e: {  	[smem:$0x3FC4] =	sst s2  }
0x8f: {  	_ = 	snop  }
0x90: {  	(tm) =	ssettm $0x1  }
0x91: {  	s18 =	sld [smem:$0x3FFB];
	_ =	sdelay $0x3  }
0x92: {  	_ =	strace s18  }
0x93: {  	s2 =	sld [smem:$0x3FFC];
	_ =	sdelay $0x3  }
0x94: {  	_ =	strace s2  }
0x95: {  	s2 =	sld [smem:$0x3FFD];
	_ =	sdelay $0x3  }
0x96: {  	_ =	strace s2  }
0x97: {  	_ =	strace $0x8FFFFFFF  }
0x98: {  	s19 =	sld [smem:$0x3FDB];
	_ =	sdelay $0x1  }
0x99: {  	s20 =	simm.s32 $_scs_section_size  }
0x9a: {  	s4 =	simm.s32 $_size__tile_overlayer_lowered;
	s5 =	simm.s32 $_tile_overlayer_lowered  }
0x9b: {  	s6 =	simm.s32 $0x1BFF;
	s21 =	sshll.u32 s5, $0x1;
	s3 =	sadd.s32 s20, s19  }
0x9c: {  	s22 =	simm.s32 $0x0;
	s4 =	sshll.u32 s4, $0x1;
	s5 =	sadd.s32 s21, s3  }
0x9d: {  	[timem:s22], [sflag:s6] =	dma.local [hbm:s5], s4  }
0x9e: {  	_ =	swait.ge [sflag:s6], s4  }
0x9f: {  	s4 =	ssub.s32 $0x0, s4;
	[sflag:s6] =	ssyncset.done $0x0  }
0xa0: {  	[sflag:s6] =	ssyncadd.s32 s4;
	_ =	sdelay $0x1  }
0xa1: {  	s23 =	simm.s32 $0x1B8B  }
0xa2: {  	_ =	swait.ge [sflag:s23], $0x1  }
0xa3: {  	[sflag:s23] =	ssyncset.done $0x0  }
0xa4: {  	[sflag:s23] =	ssyncadd.s32 $0xFFFFFFFF  }
0xa5: {  	s4 =	sld [smem:$0x0]  }
0xa6: {  	s5 =	sand.u32 $0xFFFFFFFE, s1  }
0xa7: {  	p0 =	sne.s32 s1, s5  }
0xa8: {  	s5 =	sshll.u32 @p0 s5, $0xE  }
0xa9: {  	s5 =	sadd.s32 @p0 $0x11B8D, s5;
	s6 =	sshll.u32 @p0 s4, $0x11  }
0xaa: {  	s5 =	sor.u32 @p0 s6, s5  }
0xab: {  	[sflag:s5] =	ssyncadd.remote.s32 @p0 $0x1;
	_ =	sdelay $0x1  }
0xac: {  	s5 =	simm.s32 @p0 $0x1B8D  }
0xad: {  	_ =	swait.eq @p0 [sflag:s5], $0x1  }
0xae: {  	[sflag:s5] =	ssyncadd.s32 @p0 $0xFFFFFFFF  }
0xaf: {  	s6 =	sshll.u32 @!p0 s1, $0xE  }
0xb0: {  	s6 =	sor.u32 @!p0 $0x4000, s6;
	s5 =	simm.s32 @!p0 $0x1B8D  }
0xb1: {  	s4 =	sshll.u32 @!p0 s4, $0x11;
	s6 =	sadd.s32 @!p0 $0x11B8D, s6;
	_ =	swait.eq @!p0 [sflag:s5], $0x1  }
0xb2: {  	s4 =	sor.u32 @!p0 s4, s6;
	[sflag:s5] =	ssyncadd.s32 @!p0 $0xFFFFFFFF  }
0xb3: {  	s25 =	simm.s32 $0x1B8E;
	s24 =	sld [smem:$0x3FFE];
	[sflag:s4] =	ssyncadd.remote.s32 @!p0 $0x1  }
0xb4: {  	s26 =	simm.s32 $execute0_lowered;
	[smem:$0x3FD2] =	sst s25  }
0xb5: {  	s5 =	sshll.u32 s26, $0x1;
	_ =	strace $0x80000049;
	[dreg:$0x1] =	wrdreg $0xFFFFFFFF  }
0xb6: {  	s28 =	simm.s32 $_size_execute0_lowered;
	s3 =	sadd.s32 s3, s5;
	[dreg:$0x0] =	wrdreg $0x0  }
0xb7: {  	s5 =	sshll.u32 s28, $0x1;
	[dreg:$0x2] =	wrdreg s3  }
0xb8: {  	[dreg:$0x3] =	wrdreg s5  }
0xb9: {  	[dreg:$0x4] =	wrdreg $0xC0  }
0xba: {  	_ =	task [dreg:s22], $0x5FFFF  }
0xbb: {  	[dreg:$0x1] =	wrdreg $0xFFFFFFFF  }
0xbc: {  	[dreg:$0x0] =	wrdreg $0x60  }
0xbd: {  	[dreg:$0x2] =	wrdreg s24  }
0xbe: {  	[dreg:$0x3] =	wrdreg $0xA  }
0xbf: {  	_ =	task.clear_ibuf [dreg:s22], $0x4FFFF;
	_ =	strace $0x90000049  }
0xc0: {  	s29 =	simm.s32 $0xA;
	_ =	strace $0x8000004B  }
0xc1: {  	_ =	swait.ge [sflag:s29], $0x1  }
0xc2: {  	[sflag:s29] =	ssyncadd.s32 $0xFFFFFFFF  }
0xc3: {  	_ =	strace $0x9000004B  }
0xc4: {  	_ =	sfence  }
0xc5: {  	s30 =	sld [smem:$0x0];
	_ =	sdelay $0x2  }
0xc6: {  	s31 =	sshll.u32 s1, $0xD;
	s1 =	sshrl.u32 s1, $0x2  }
0xc7: {  	s4 =	sand.u32 $0x4000, s31;
	s1 =	sadd.s32 s1, s30  }
0xc8: {  	s0 =	sor.u32 s4, s0;
	s1 =	sshll.u32 s1, $0x11  }
0xc9: {  	s0 =	sor.u32 s1, s0  }
0xca: {  	s0 =	sadd.s32 $0x8F2B, s0  }
0xcb: {  	[sflag:s0] =	ssyncadd.remote.s32 $0x1  }
0xcc: {  	_ =	sfence.sel $0xFFFF  }
0xcd: {  	[dreg:$0x0] =	wrdreg $0xFFFFFFFF;
	(pc) =	sbr.abs _section_cstart, $3  }
0xce: {  	[dreg:$0x1] =	wrdreg $0xFFFFFFFF  }
0xcf: {  	_ =	task.clear_ibuf [dreg:s22], $0x2FFFF;
	_ =	strace $0x9FFFFFFF  }
0xd0: {  	(tm) =	ssettm $0x7FFFFFFF  }
0xd1: {  	_ =	shalt  }
tec
execute0_lowered:
.L_overlay_start_1:
0x0: {  	(tag) =	ssettag $0x1  }
0x1: {  	s0 =	rddreg [dreg:$0x0]  }
0x2: {  	s1 =	srdreg.scid;
	s3 =	stileid.u32;
	s2 =	simm.s32 $0x0  }
0x3: {  	s19 =	simm.s32 $0xC000;
	s20 =	simm.s32 $0x7000;
	s21 =	simm.s32 $0xA800  }
0x4: {  	s22 =	simm.s32 $0xB000;
	s23 =	simm.s32 $0xB800;
	s28 =	simm.s32 $0x3  }
0x5: {  	s29 =	simm.s32 $0x0;
	s30 =	simm.s32 $0x0;
	s1 =	sand.u32 $0x1, s1  }
0x6: {  	s3 =	sshll.u32 s3, $0x1;
	[smem:$0x7FF] =	sst s2;
	s4 =	sadd.s32 $0x40000, s0  }
0x7: {  	v0 =	vimm.s32 $0xFFEDCBA9;
	s5 =	sadd.s32 $0x30000, s0;
	s6 =	sadd.s32 $0x160000, s0;
	s8 =	sor.u32 s1, s3  }
0x8: {  	v1 =	vimm.s32 $0x87654321;
	_ =	strace $0x8000004A;
	s1 =	ssub.s32 $0x2, s1;
	s3 =	sshll.u32 s8, $0xD  }
0x9: {  	v0 =	vunpack.c.l.s4.s8 v0;
	v1 =	vunpack.c.l.s4.s8 v1;
	s7 =	smul.u32 $0xA00, s8;
	s24 =	sshrl.u32 s1, $0x1;
	s12 =	sshll.u32 s8, $0xB  }
0xa: {  	s9 =	sadd.s32 s3, s0;
	s3 =	sadd.s32 $0x50000, s0;
	s1 =	ssub.s32 s1, s24  }
0xb: {  	v0 =	vunpack.c.0.s8.s32 v0;
	v1 =	vunpack.c.0.s8.s32 v1;
	s26 =	sadd.s32 s4, s12;
	s31 =	sadd.s32 s5, s12;
	s24 =	simm.s32 $0xC800  }
0xc: {  	s0 =	sadd.s32 s7, s0;
	s7 =	sshll.u32 s8, $0xE;
	[dreg:$0x3] =	wrdreg s26  }
0xd: {  	s8 =	sadd.s32 $0xD0000, s9;
	s25 =	sadd.s32 s3, s12;
	[dreg:$0x4] =	wrdreg s31;
	v1 =	vcombine.low v1, v0  }
0xe: {  	s12 =	sadd.s32 s6, s12;
	s14 =	smax.u32 s1, $0x1;
	s26 =	simm.s32 $0x2  }
0xf: {  	vm0 =	vcmask $0x3F3C;
	v0 =	vimm.f32 $0.0e+00;
	[dreg:$0x2] =	wrdreg s25;
	s13 =	sadd.s32 $0x194000, s0;
	s25 =	simm.s32 $0x1;
	v1 =	vand.u32 $0xF, v1  }
.LBB2_1:
0x10: {  	s0 =	simm.s32 $0x40;
	s1 =	simm.s32 $0x0  }
.LBB2_2:
0x11: {  	p0 =	sne.s32 s0, $0x13FC0;
	[tilespmem:s1+$0x0] =	vst v0;
	s1 =	smov.u32 s0;
	s0 =	sadd.s32 $0x40, s0  }
.Ltmp0:
0x12: {  	(pc) =	sbr.rel @p0 .LBB2_2-.Ltmp0, $2  }
0x13: {  	_ =	sdelay $0x2  }
0x14: {  	s1 =	sshra.s32 s1, $0x2  }
0x15: {  	[tilespmem:s1+$0x0] =	vst v0;
	s0 =	simm.s32 $0x5000  }
0x16: {  	[tilespmem:s0], [sflag:$0x1] =	stream.linear.gather [hbm4b:s8+s30], $0x2000, $0x38;
	[tilespmem:$0xD000] =	vst v63  }
0x17: {  	s10 =	rddreg [dreg:$0x2];
	s11 =	simm.s32 $0x9000  }
0x18: {  	[tilespmem:s11], [sflag:$0x1] =	stream.linear.gather [hbm4b:s10+s30], $0x800, $0x38;
	[tilespmem:$0xD000] =	vst v63  }
0x19: {  	s15 =	rddreg [dreg:$0x3];
	s16 =	simm.s32 $0x9800  }
0x1a: {  	[tilespmem:s16], [sflag:$0x1] =	stream.linear.gather [hbm4b:s15+s30], $0x800, $0x38;
	[tilespmem:$0xD000] =	vst v63  }
0x1b: {  	s17 =	rddreg [dreg:$0x4];
	s18 =	simm.s32 $0xA000  }
0x1c: {  	[tilespmem:s18], [sflag:$0x1] =	stream.linear.gather [hbm4b:s17+s30], $0x800, $0x38;
	[tilespmem:$0xD000] =	vst v63  }
0x1d: {  	s31 =	simm.s32 $0x0  }
0x1e: {  	[tilespmem:s19], [sflag:$0x1] =	stream.linear.gather [hbm4b:s12+s30], $0x800, $0x38;
	[tilespmem:$0xD000] =	vst v63  }
.LBB2_4:
0x1f: {  	s0 =	sshllo.u32 s31, $0x1  }
0x20: {  	s1 =	sshll.u32 s0, $0xA;
	s0 =	sshll.u32 s0, $0xB  }
0x21: {  	s1 =	sadd.s32 s1, s8;
	s0 =	sadd.s32 s7, s0  }
0x22: {  	[tilespmem:s20], [sflag:$0x2] =	stream.linear.gather [hbm4b:s1+s30], $0x2000, $0x38;
	[tilespmem:$0xD000] =	vst v63  }
0x23: {  	s0 =	sshrl.u32 s0, $0x3  }
0x24: {  	s10 =	sadd.s32 s3, s0  }
0x25: {  	[tilespmem:s21], [sflag:$0x2] =	stream.linear.gather [hbm4b:s10+s30], $0x800, $0x38;
	[tilespmem:$0xD000] =	vst v63  }
0x26: {  	s11 =	sadd.s32 s4, s0  }
0x27: {  	[tilespmem:s22], [sflag:$0x2] =	stream.linear.gather [hbm4b:s11+s30], $0x800, $0x38;
	[tilespmem:$0xD000] =	vst v63  }
0x28: {  	s15 =	sadd.s32 s5, s0  }
0x29: {  	[tilespmem:s23], [sflag:$0x2] =	stream.linear.gather [hbm4b:s15+s30], $0x800, $0x38;
	[tilespmem:$0xD000] =	vst v63  }
0x2a: {  	s0 =	sadd.s32 s6, s0  }
0x2b: {  	[tilespmem:s24], [sflag:$0x2] =	stream.linear.gather [hbm4b:s0+s30], $0x800, $0x38;
	[tilespmem:$0xD000] =	vst v63  }
0x2c: {  	_ =	swait.ge [sflag:s25], $0x2000  }
0x2d: {  	[sflag:s25] =	ssyncset.done $0x0  }
0x2e: {  	[sflag:s25] =	ssyncadd.s32 $0xFFFFE000  }
0x2f: {  	_ =	swait.ge [sflag:s25], $0x800  }
0x30: {  	[sflag:s25] =	ssyncset.done $0x0  }
0x31: {  	[sflag:s25] =	ssyncadd.s32 $0xFFFFF800  }
0x32: {  	_ =	swait.ge [sflag:s25], $0x800  }
0x33: {  	[sflag:s25] =	ssyncset.done $0x0  }
0x34: {  	[sflag:s25] =	ssyncadd.s32 $0xFFFFF800  }
0x35: {  	_ =	swait.ge [sflag:s25], $0x800  }
0x36: {  	[sflag:s25] =	ssyncset.done $0x0  }
0x37: {  	[sflag:s25] =	ssyncadd.s32 $0xFFFFF800  }
0x38: {  	_ =	swait.ge [sflag:s25], $0x800  }
0x39: {  	s16 =	simm.s32 $0x10;
	[sflag:s25] =	ssyncset.done $0x0  }
0x3a: {  	s17 =	sand.u32 $0x1E00, s30;
	s9 =	simm.s32 $0x0;
	[sflag:s25] =	ssyncadd.s32 $0xFFFFF800  }
0x3b: {  	s1 =	sadd.s32 $0x5000, s17;
	s15 =	sand.u32 $0x70, s16;
	v2 =	vld [tilespmem:s9+$0xC010]  }
0x3c: {  	s15 =	sor.u32 s15, s1;
	v8 =	vld [tilespmem:s9+$0x9010]  }
0x3d: {  	v10 =	vld [tilespmem:s15+$0x80]  }
0x3e: {  	v12 =	vld [tilespmem:s15+$0x180]  }
0x3f: {  	v3 =	vor.u32 s16, v1;
	v16 =	vld [tilespmem:s9+$0xA010]  }
0x40: {  	s18 =	simm.s32 $0x0;
	v7 =	vld [tilespmem:s9+$0x9810]  }
0x41: {  	s16 =	sand.u32 $0x60, s18;
	v11 =	vld [tilespmem:s9+$0x9000]  }
0x42: {  	s1 =	sor.u32 s16, s1;
	v14 =	vld [tilespmem:s15+$0x0]  }
0x43: {  	v13 =	vld [tilespmem:s1+$0x180]  }
0x44: {  	v4 =	vor.u32 s18, v1;
	v3 =	vld.idx.msk [tilespmem:v3+s19+$0x0], $0xffff  }
0x45: {  	v17 =	vld [tilespmem:s1+$0x0]  }
0x46: {  	v6 =	vld [tilespmem:s9+$0x9800];
	v15 =	vmul.f32 v8, v12;
	v18 =	vmul.f32 v7, v10  }
0x47: {  	v5 =	vld [tilespmem:s9+$0xC000];
	(xrf2) =	vadd.scan.msk.f32 $0xffff, v14;
	v20 =	vmul.f32 v8, v8;
	v21 =	vmul.f32 v7, v7  }
0x48: {  	v23 =	vld [tilespmem:s9+$0xA000];
	v19 =	vmul.f32 v11, v11;
	v9 =	vmul.f32 v11, v13  }
0x49: {  	v4 =	vld.idx.msk [tilespmem:v4+s19+$0x0], $0xffff;
	v8 =	vmul.f32 v8, v14;
	v20 =	vadd.f32 v21, v20;
	v21 =	vmul.f32 v7, v14  }
0x4a: {  	vm5 =	vne.s32 v2, v3;
	v7 =	vadd.f32 v18, v15;
	v15 =	vmul.f32 v11, v17  }
0x4b: {  	(xrf2) =	vadd.scan.msk.f32 $0xffff, v17;
	v8 =	vadd.f32 v8, v12;
	v11 =	vadd.f32 v21, v10;
	v10 =	vmul.f32 v6, v6  }
0x4c: {  	v22 =	vmul.f32 v16, v16;
	vm4 =	vmor vm5, vm0  }
0x4d: {  	v21 =	vadd.f32 v15, v13;
	(xrf2) =	vadd.scan.msk.f32 $0xffff, v8;
	v15 =	vadd.f32 v10, v19;
	v19 =	vmul.f32 v23, v23  }
0x4e: {  	vm1 =	vne.s32 v5, v4;
	v18 =	vld [tilespmem:s1+$0x100]  }
0x4f: {  	vm2 =	vmor vm1, vm0;
	v12 =	vadd.f32 v22, v20;
	v22 =	vld [tilespmem:s15+$0x100]  }
0x50: {  	v24 =	vmul.f32 v16, v14;
	vm2 =	vmmov vm2  }
0x51: {  	v10 =	vmul.f32 v12, v14;
	v12 =	vmul.f32 v23, v17;
	v14 =	vadd.f32 v19, v15;
	v19, _, _ =	vpop (xrf2);
	(xrf2) =	vadd.scan.msk.f32 $0xffff, v21  }
0x52: {  	vm3 =	vmmov vm1;
	vm1 =	vmmov vm5;
	[tilespmem:v2+s2+$0x0] =	vst.idx.add.f32.msk vm4, v19;
	vm4 =	vmmov vm4  }
0x53: {  	v13 =	vmul.f32 v6, v17;
	v25 =	vsub.f32 $0.0e+00, v19;
	v19 =	vadd.s32 $0x1000, v2  }
0x54: {  	s16 =	simm.s32 $0x30;
	v20 =	vld [tilespmem:s1+$0x80];
	v15 =	vadd.f32 v12, v18;
	v18 =	vmul.f32 v23, v18;
	v16 =	vmul.f32 v16, v22  }
0x55: {  	s0 =	sshll.u32 s31, $0x1;
	v8 =	vadd.s32 $0x1000, v4;
	s1 =	simm.s32 $0x0;
	s15 =	simm.s32 $0x80;
	v14 =	vmul.f32 v14, v17;
	v17 =	vadd.f32 v24, v22;
	v12, _, _ =	vpop (xrf2);
	[tilespmem:v3+s2+$0x0] =	vst.idx.add.f32.msk vm5, v25  }
.LBB2_5:
0x56: {  	s17 =	sand.u32 $0x1E00, s15;
	s9 =	sshra.s32 s15, $0x2;
	v21 =	vor.u32 s16, v1;
	s1 =	sadd.s32 $0x2, s1;
	[tilespmem:v5+s2+$0x0] =	vst.idx.add.f32.msk vm2, v12  }
0x57: {  	s10 =	sadd.s32 $0xFFFFFFF0, s16;
	s18 =	sand.u32 $0x70, s16;
	s17 =	sadd.s32 $0x5000, s17;
	v22 =	vld [tilespmem:s9+$0xC010];
	v23, _, _ =	vpop (xrf2)  }
0x58: {  	s11 =	sand.u32 $0x60, s10;
	p0 =	slt.u32 s1, $0x7E;
	s18 =	sor.u32 s18, s17;
	[tilespmem:v19+s2+$0x0] =	vst.idx.add.f32.msk vm4, v23  }
0x59: {  	s17 =	sor.u32 s11, s17;
	v19 =	vld [tilespmem:s9+$0xC000];
	v13 =	vadd.f32 v13, v20;
	(xrf2) =	vadd.scan.msk.f32 $0xffff, v11  }
0x5a: {  	v11 =	vadd.s32 $0x1000, v3;
	v24 =	vld [tilespmem:s9+$0x9800]  }
0x5b: {  	v12 =	vsub.f32 $0.0e+00, v12;
	v25 =	vor.u32 s10, v1;
	v6 =	vmul.f32 v6, v20;
	v26 =	vld [tilespmem:s9+$0x9010];
	v20, _, _ =	vpop (xrf2)  }
0x5c: {  	v27 =	vld [tilespmem:s18+$0x80];
	(xrf2) =	vadd.scan.msk.f32 $0xffff, v13  }
0x5d: {  	v28 =	vadd.f32 v6, v9;
	v9 =	vsub.f32 $0.0e+00, v23;
	[tilespmem:v4+s2+$0x0] =	vst.idx.add.f32.msk vm3, v12  }
0x5e: {  	v13 =	vld [tilespmem:s18+$0x180]  }
0x5f: {  	v18 =	vadd.f32 v18, v28;
	[tilespmem:v11+s2+$0x0] =	vst.idx.add.f32.msk vm1, v9;
	(xrf2) =	vadd.scan.msk.f32 $0xffff, v15;
	v6 =	vmov v24  }
0x60: {  	v12 =	vld [tilespmem:s9+$0xA010]  }
0x61: {  	v9 =	vadd.f32 v18, v18;
	v15 =	vld [tilespmem:s17+$0x180]  }
0x62: {  	v11 =	vld [tilespmem:s9+$0x9810];
	(xrf2) =	vadd.scan.msk.f32 $0xffff, v17  }
0x63: {  	v18 =	vadd.s32 $0x4000, v2;
	v9 =	vadd.f32 v9, v14;
	v14 =	vadd.s32 $0x4000, v5;
	v17 =	vld [tilespmem:s9+$0x9000];
	v23, _, _ =	vpop (xrf2)  }
0x64: {  	v29 =	vadd.s32 $0x3000, v5;
	v7 =	vadd.f32 v16, v7;
	v16 =	vadd.s32 $0x2000, v2;
	v28 =	vld [tilespmem:s17+$0x100]  }
0x65: {  	v30 =	vadd.s32 $0x1000, v5;
	v31 =	vadd.s32 $0x2000, v5;
	v32 =	vadd.s32 $0x3000, v2;
	v2 =	vmovc v22;
	v25 =	vld.idx.msk [tilespmem:v25+s19+$0x0], $0xffff;
	(xrf2) =	vadd.scan.msk.f32 $0xffff, v9  }
0x66: {  	v33 =	vadd.s32 $0x4000, v4;
	v7 =	vadd.f32 v7, v7;
	v22 =	vadd.s32 $0x2000, v4;
	v21 =	vld.idx.msk [tilespmem:v21+s19+$0x0], $0xffff;
	v34, _, _ =	vpop (xrf2)  }
0x67: {  	v38 =	vadd.s32 $0x2000, v3;
	v5 =	vmovc v19;
	v36 =	vmul.f32 v26, v13;
	v35 =	vld [tilespmem:s18+$0x0];
	v37 =	vmul.f32 v11, v27  }
0x68: {  	v7 =	vadd.f32 v7, v10;
	v40 =	vmul.f32 v26, v26;
	v19 =	vld [tilespmem:s17+$0x0];
	v39 =	vmul.f32 v17, v17  }
0x69: {  	v41 =	vsub.f32 $0.0e+00, v20;
	v10 =	vmul.f32 v11, v11;
	v9 =	vmul.f32 v17, v15;
	[tilespmem:v16+s2+$0x0] =	vst.idx.add.f32.msk vm4, v23;
	v16, _, _ =	vpop (xrf2)  }
0x6a: {  	v42 =	vmul.f32 v12, v12;
	[tilespmem:v30+s2+$0x0] =	vst.idx.add.f32.msk vm2, v20;
	v30 =	vsub.f32 $0.0e+00, v23;
	(xrf2) =	vadd.scan.msk.f32 $0xffff, v7  }
0x6b: {  	v10 =	vadd.f32 v10, v40;
	v7 =	vadd.f32 v37, v36;
	[tilespmem:v8+s2+$0x0] =	vst.idx.add.f32.msk vm3, v41;
	v8 =	vadd.s32 $0x3000, v3  }
0x6c: {  	v23 =	vsub.f32 $0.0e+00, v34;
	vm5 =	vne.s32 v2, v21;
	v11 =	vmul.f32 v11, v35;
	[tilespmem:v38+s2+$0x0] =	vst.idx.add.f32.msk vm1, v30;
	v20, _, _ =	vpop (xrf2)  }
0x6d: {  	vm6 =	vmor vm5, vm0;
	v17 =	vmul.f32 v17, v19;
	(xrf2) =	vadd.scan.msk.f32 $0xffff, v35;
	[tilespmem:v31+s2+$0x0] =	vst.idx.add.f32.msk vm2, v34  }
0x6e: {  	v26 =	vmul.f32 v26, v35;
	v11 =	vadd.f32 v11, v27;
	v27 =	vadd.s32 $0x3000, v4;
	[tilespmem:v32+s2+$0x0] =	vst.idx.add.f32.msk vm4, v20  }
0x6f: {  	vm7 =	vne.s32 v5, v25;
	v17 =	vadd.f32 v17, v15;
	[tilespmem:v22+s2+$0x0] =	vst.idx.add.f32.msk vm3, v23;
	v15 =	vsub.f32 $0.0e+00, v20;
	v20, _, _ =	vpop (xrf2)  }
0x70: {  	vm8 =	vmor vm7, vm0;
	v4 =	vmovc v25;
	v23 =	vadd.f32 v26, v13;
	v22 =	vld [tilespmem:s9+$0xA000];
	(xrf2) =	vadd.scan.msk.f32 $0xffff, v19;
	v26 =	vsub.f32 $0.0e+00, v20  }
0x71: {  	v30 =	vsub.f32 $0.0e+00, v16;
	v25 =	vmul.f32 v12, v35;
	v13 =	vmul.f32 v6, v19;
	[tilespmem:v8+s2+$0x0] =	vst.idx.add.f32.msk vm1, v15  }
0x72: {  	v10 =	vadd.f32 v42, v10;
	v8 =	vmul.f32 v24, v6;
	[tilespmem:v29+s2+$0x0] =	vst.idx.add.f32.msk vm2, v16;
	v16 =	vadd.s32 $0x4000, v3  }
0x73: {  	v3 =	vmov v21;
	(xrf2) =	vadd.scan.msk.f32 $0xffff, v23;
	[tilespmem:v27+s2+$0x0] =	vst.idx.add.f32.msk vm3, v30  }
0x74: {  	v10 =	vmul.f32 v10, v35;
	v21 =	vadd.f32 v8, v39;
	[tilespmem:v14+s2+$0x0] =	vst.idx.add.f32.msk vm2, v20;
	v14, _, _ =	vpop (xrf2);
	vm2 =	vmmov vm8  }
0x75: {  	v8 =	vadd.s32 $0x1000, v4;
	v15 =	vmul.f32 v22, v19;
	v20 =	vmul.f32 v22, v22;
	v23 =	vld [tilespmem:s18+$0x100]  }
0x76: {  	v24 =	vsub.f32 $0.0e+00, v14;
	[tilespmem:v33+s2+$0x0] =	vst.idx.add.f32.msk vm3, v26;
	vm3 =	vmmov vm7  }
.Ltmp1:
0x77: {  	v15 =	vadd.f32 v15, v28;
	v20 =	vadd.f32 v20, v21;
	(xrf2) =	vadd.scan.msk.f32 $0xffff, v17;
	v17, _, _ =	vpop (xrf2);
	[tilespmem:v18+s2+$0x0] =	vst.idx.add.f32.msk vm4, v14;
	(pc) =	sbr.rel @p0 .LBB2_5-.Ltmp1, $4  }
0x78: {  	vm4 =	vmmov vm6;
	[tilespmem:v16+s2+$0x0] =	vst.idx.add.f32.msk vm1, v24;
	vm1 =	vmmov vm5  }
0x79: {  	v21 =	vsub.f32 $0.0e+00, v17;
	v14 =	vmul.f32 v20, v19;
	[tilespmem:v2+s2+$0x0] =	vst.idx.add.f32.msk vm6, v17;
	v19 =	vadd.s32 $0x1000, v2  }
0x7a: {  	v20 =	vld [tilespmem:s17+$0x80];
	v17 =	vadd.f32 v25, v23;
	v16 =	vmul.f32 v12, v23;
	v12, _, _ =	vpop (xrf2)  }
0x7b: {  	s15 =	sadd.s32 $0x80, s15;
	s16 =	sadd.s32 $0x20, s16;
	v18 =	vmul.f32 v22, v28;
	[tilespmem:v3+s2+$0x0] =	vst.idx.add.f32.msk vm5, v21  }
0x7c: {  	_ =	sdelay $0x2  }
0x7d: {  	v6 =	vmul.f32 v6, v20  }
0x7e: {  	(xrf2) =	vadd.scan.msk.f32 $0xffff, v11  }
0x7f: {  	v11 =	vadd.f32 v13, v20;
	v6 =	vadd.f32 v6, v9;
	_ =	sdelay $0x1  }
0x80: {  	(xrf2) =	vadd.scan.msk.f32 $0xffff, v11;
	v6 =	vadd.f32 v18, v6  }
0x81: {  	v7 =	vadd.f32 v16, v7;
	(xrf2) =	vadd.scan.msk.f32 $0xffff, v15  }
0x82: {  	v9 =	vadd.s32 $0x1000, v3;
	(xrf2) =	vadd.scan.msk.f32 $0xffff, v17;
	v6 =	vadd.f32 v6, v6  }
0x83: {  	v7 =	vadd.f32 v7, v7;
	v13 =	vadd.s32 $0x2000, v2  }
0x84: {  	[tilespmem:v5+s2+$0x0] =	vst.idx.add.f32.msk vm2, v12;
	v11 =	vsub.f32 $0.0e+00, v12;
	v12 =	vadd.s32 $0x1000, v5;
	v15, _, _ =	vpop (xrf2);
	v6 =	vadd.f32 v6, v14  }
0x85: {  	[tilespmem:v19+s2+$0x0] =	vst.idx.add.f32.msk vm4, v15;
	v14 =	vsub.f32 $0.0e+00, v15  }
0x86: {  	v7 =	vadd.f32 v7, v10;
	v10 =	vadd.s32 $0x2000, v5;
	[tilespmem:v4+s2+$0x0] =	vst.idx.add.f32.msk vm3, v11;
	v15, _, _ =	vpop (xrf2);
	(xrf2) =	vadd.scan.msk.f32 $0xffff, v6  }
0x87: {  	v6 =	vadd.s32 $0x2000, v3;
	[tilespmem:v9+s2+$0x0] =	vst.idx.add.f32.msk vm1, v14;
	v9, _, _ =	vpop (xrf2);
	v14 =	vsub.f32 $0.0e+00, v15  }
0x88: {  	v11 =	vadd.s32 $0x3000, v2;
	[tilespmem:v13+s2+$0x0] =	vst.idx.add.f32.msk vm4, v9;
	(xrf2) =	vadd.scan.msk.f32 $0xffff, v7;
	v9 =	vsub.f32 $0.0e+00, v9  }
0x89: {  	[tilespmem:v12+s2+$0x0] =	vst.idx.add.f32.msk vm2, v15;
	v7 =	vadd.s32 $0x2000, v4  }
0x8a: {  	v12, _, _ =	vpop (xrf2);
	[tilespmem:v8+s2+$0x0] =	vst.idx.add.f32.msk vm3, v14;
	v8 =	vadd.s32 $0x3000, v3  }
0x8b: {  	v13 =	vadd.s32 $0x3000, v5;
	[tilespmem:v10+s2+$0x0] =	vst.idx.add.f32.msk vm2, v12;
	v14, _, _ =	vpop (xrf2)  }
0x8c: {  	v10 =	vadd.s32 $0x3000, v4;
	[tilespmem:v6+s2+$0x0] =	vst.idx.add.f32.msk vm1, v9;
	v6 =	vsub.f32 $0.0e+00, v12;
	v9, _, _ =	vpop (xrf2)  }
0x8d: {  	v5 =	vadd.s32 $0x4000, v5;
	[tilespmem:v11+s2+$0x0] =	vst.idx.add.f32.msk vm4, v9;
	v9 =	vsub.f32 $0.0e+00, v9  }
0x8e: {  	v4 =	vadd.s32 $0x4000, v4;
	[tilespmem:v7+s2+$0x0] =	vst.idx.add.f32.msk vm3, v6  }
0x8f: {  	v2 =	vadd.s32 $0x4000, v2;
	v6 =	vsub.f32 $0.0e+00, v14;
	[tilespmem:v8+s2+$0x0] =	vst.idx.add.f32.msk vm1, v9  }
0x90: {  	v3 =	vadd.s32 $0x4000, v3;
	[tilespmem:v13+s2+$0x0] =	vst.idx.add.f32.msk vm2, v14;
	v7, _, _ =	vpop (xrf2)  }
0x91: {  	p0 =	seq.s32 s31, $0x3;
	[tilespmem:v10+s2+$0x0] =	vst.idx.add.f32.msk vm3, v6;
	v8 =	vsub.f32 $0.0e+00, v7  }
0x92: {  	s0 =	sadd.s32 @!p0 $0x2, s0;
	[tilespmem:v5+s2+$0x0] =	vst.idx.add.f32.msk vm2, v7;
	v5, _, _ =	vpop (xrf2)  }
0x93: {  	s1 =	sshll.u32 @!p0 s0, $0xA;
	s0 =	sshll.u32 @!p0 s0, $0xB;
	[tilespmem:v4+s2+$0x0] =	vst.idx.add.f32.msk vm3, v8;
	v4 =	vsub.f32 $0.0e+00, v5  }
0x94: {  	s9 =	simm.s32 @!p0 $0x0;
	s0 =	sadd.s32 @!p0 s7, s0;
	[tilespmem:v2+s2+$0x0] =	vst.idx.add.f32.msk vm4, v5  }
0x95: {  	s10 =	simm.s32 @!p0 $0x5000;
	s1 =	sadd.s32 @!p0 s1, s8;
	s0 =	sshrl.u32 @!p0 s0, $0x3;
	[tilespmem:v3+s2+$0x0] =	vst.idx.add.f32.msk vm1, v4  }
0x96: {  	[tilespmem:s10], [sflag:$0x1] =	stream.linear.gather @!p0 [hbm4b:s1+s9], $0x2000, $0x38;
	[tilespmem:$0xD000] =	vst v63  }
0x97: {  	s1 =	sadd.s32 @!p0 s3, s0;
	s10 =	simm.s32 @!p0 $0x9000  }
0x98: {  	[tilespmem:s10], [sflag:$0x1] =	stream.linear.gather @!p0 [hbm4b:s1+s9], $0x800, $0x38;
	[tilespmem:$0xD000] =	vst v63  }
0x99: {  	s1 =	sadd.s32 @!p0 s4, s0;
	s10 =	simm.s32 @!p0 $0x9800  }
0x9a: {  	[tilespmem:s10], [sflag:$0x1] =	stream.linear.gather @!p0 [hbm4b:s1+s9], $0x800, $0x38;
	[tilespmem:$0xD000] =	vst v63  }
0x9b: {  	s1 =	sadd.s32 @!p0 s5, s0;
	s10 =	simm.s32 @!p0 $0xA000  }
0x9c: {  	[tilespmem:s10], [sflag:$0x1] =	stream.linear.gather @!p0 [hbm4b:s1+s9], $0x800, $0x38;
	[tilespmem:$0xD000] =	vst v63  }
0x9d: {  	s0 =	sadd.s32 @!p0 s6, s0;
	s1 =	simm.s32 @!p0 $0xC000  }
0x9e: {  	[tilespmem:s1], [sflag:$0x1] =	stream.linear.gather @!p0 [hbm4b:s0+s9], $0x800, $0x38;
	[tilespmem:$0xD000] =	vst v63  }
0x9f: {  	_ =	swait.ge [sflag:s26], $0x2000  }
0xa0: {  	[sflag:s26] =	ssyncset.done $0x0  }
0xa1: {  	[sflag:s26] =	ssyncadd.s32 $0xFFFFE000  }
0xa2: {  	_ =	swait.ge [sflag:s26], $0x800  }
0xa3: {  	[sflag:s26] =	ssyncset.done $0x0  }
0xa4: {  	[sflag:s26] =	ssyncadd.s32 $0xFFFFF800  }
0xa5: {  	_ =	swait.ge [sflag:s26], $0x800  }
0xa6: {  	[sflag:s26] =	ssyncset.done $0x0  }
0xa7: {  	[sflag:s26] =	ssyncadd.s32 $0xFFFFF800  }
0xa8: {  	_ =	swait.ge [sflag:s26], $0x800  }
0xa9: {  	[sflag:s26] =	ssyncset.done $0x0  }
0xaa: {  	[sflag:s26] =	ssyncadd.s32 $0xFFFFF800  }
0xab: {  	_ =	swait.ge [sflag:s26], $0x800  }
0xac: {  	s11 =	simm.s32 $0x0;
	s15 =	simm.s32 $0x10;
	[sflag:s26] =	ssyncset.done $0x0  }
0xad: {  	s16 =	simm.s32 $0x0;
	s0 =	sand.u32 $0x1E00, s11;
	[sflag:s26] =	ssyncadd.s32 $0xFFFFF800  }
0xae: {  	s17 =	sand.u32 $0x70, s15;
	s0 =	sadd.s32 $0x5000, s0;
	v2 =	vld [tilespmem:s16+$0xC810]  }
0xaf: {  	s10 =	sor.u32 s17, s0;
	v8 =	vld [tilespmem:s16+$0xA810]  }
0xb0: {  	v10 =	vld [tilespmem:s10+$0x2080]  }
0xb1: {  	v11 =	vld [tilespmem:s10+$0x2180]  }
0xb2: {  	v3 =	vor.u32 s15, v1;
	v16 =	vld [tilespmem:s16+$0xB810]  }
0xb3: {  	s18 =	simm.s32 $0x0;
	v7 =	vld [tilespmem:s16+$0xB010]  }
0xb4: {  	s11 =	sand.u32 $0x60, s18;
	v12 =	vld [tilespmem:s16+$0xA800]  }
0xb5: {  	s0 =	sor.u32 s11, s0;
	v14 =	vld [tilespmem:s10+$0x2000]  }
0xb6: {  	v13 =	vld [tilespmem:s0+$0x2180]  }
0xb7: {  	v4 =	vor.u32 s18, v1;
	v3 =	vld.idx.msk [tilespmem:v3+s24+$0x0], $0xffff  }
0xb8: {  	v17 =	vld [tilespmem:s0+$0x2000]  }
0xb9: {  	v6 =	vld [tilespmem:s16+$0xB000];
	v15 =	vmul.f32 v8, v11;
	v18 =	vmul.f32 v7, v10  }
0xba: {  	v5 =	vld [tilespmem:s16+$0xC800];
	(xrf2) =	vadd.scan.msk.f32 $0xffff, v14;
	v20 =	vmul.f32 v8, v8;
	v21 =	vmul.f32 v7, v7  }
0xbb: {  	v23 =	vld [tilespmem:s16+$0xB800];
	v19 =	vmul.f32 v12, v12;
	v9 =	vmul.f32 v12, v13  }
0xbc: {  	v4 =	vld.idx.msk [tilespmem:v4+s24+$0x0], $0xffff;
	v8 =	vmul.f32 v8, v14;
	v20 =	vadd.f32 v21, v20;
	v21 =	vmul.f32 v7, v14  }
0xbd: {  	vm5 =	vne.s32 v2, v3;
	v7 =	vadd.f32 v18, v15;
	v15 =	vmul.f32 v12, v17  }
0xbe: {  	(xrf2) =	vadd.scan.msk.f32 $0xffff, v17;
	v8 =	vadd.f32 v8, v11;
	v12 =	vadd.f32 v21, v10;
	v10 =	vmul.f32 v6, v6  }
0xbf: {  	v22 =	vmul.f32 v16, v16;
	vm4 =	vmor vm5, vm0  }
0xc0: {  	v21 =	vadd.f32 v15, v13;
	(xrf2) =	vadd.scan.msk.f32 $0xffff, v8;
	v15 =	vadd.f32 v10, v19;
	v19 =	vmul.f32 v23, v23  }
0xc1: {  	vm2 =	vne.s32 v5, v4;
	v18 =	vld [tilespmem:s0+$0x2100]  }
0xc2: {  	vm1 =	vmor vm2, vm0;
	v11 =	vadd.f32 v22, v20;
	v22 =	vld [tilespmem:s10+$0x2100]  }
0xc3: {  	v24 =	vmul.f32 v16, v14;
	vm1 =	vmmov vm1  }
0xc4: {  	v10 =	vmul.f32 v11, v14;
	v11 =	vmul.f32 v23, v17;
	v14 =	vadd.f32 v19, v15;
	v19, _, _ =	vpop (xrf2);
	(xrf2) =	vadd.scan.msk.f32 $0xffff, v21  }
0xc5: {  	vm3 =	vmmov vm2;
	vm2 =	vmmov vm5;
	[tilespmem:v2+s2+$0x0] =	vst.idx.add.f32.msk vm4, v19;
	vm4 =	vmmov vm4  }
0xc6: {  	v13 =	vmul.f32 v6, v17;
	v25 =	vsub.f32 $0.0e+00, v19;
	v19 =	vadd.s32 $0x1000, v2  }
0xc7: {  	v20 =	vld [tilespmem:s0+$0x2080];
	v15 =	vadd.f32 v11, v18;
	v18 =	vmul.f32 v23, v18;
	v16 =	vmul.f32 v16, v22  }
0xc8: {  	s15 =	simm.s32 $0x30;
	s1 =	simm.s32 $0x80;
	v8 =	vadd.s32 $0x1000, v4;
	s0 =	simm.s32 $0x0;
	v14 =	vmul.f32 v14, v17;
	v17 =	vadd.f32 v24, v22;
	v11, _, _ =	vpop (xrf2);
	[tilespmem:v3+s2+$0x0] =	vst.idx.add.f32.msk vm5, v25  }
.LBB2_7:
0xc9: {  	s10 =	sand.u32 $0x1E00, s1;
	s9 =	sshra.s32 s1, $0x2;
	v21 =	vor.u32 s15, v1;
	s0 =	sadd.s32 $0x2, s0;
	[tilespmem:v5+s2+$0x0] =	vst.idx.add.f32.msk vm1, v11  }
0xca: {  	s11 =	sadd.s32 $0xFFFFFFF0, s15;
	s16 =	sand.u32 $0x70, s15;
	s10 =	sadd.s32 $0x5000, s10;
	v22 =	vld [tilespmem:s9+$0xC810];
	v23, _, _ =	vpop (xrf2)  }
0xcb: {  	s18 =	sand.u32 $0x60, s11;
	p0 =	slt.u32 s0, $0x7E;
	s17 =	sor.u32 s16, s10;
	[tilespmem:v19+s2+$0x0] =	vst.idx.add.f32.msk vm4, v23  }
0xcc: {  	s16 =	sor.u32 s18, s10;
	v19 =	vld [tilespmem:s9+$0xC800];
	v13 =	vadd.f32 v13, v20;
	(xrf2) =	vadd.scan.msk.f32 $0xffff, v12  }
0xcd: {  	v12 =	vadd.s32 $0x1000, v3;
	v24 =	vld [tilespmem:s9+$0xB000]  }
0xce: {  	v11 =	vsub.f32 $0.0e+00, v11;
	v25 =	vor.u32 s11, v1;
	v6 =	vmul.f32 v6, v20;
	v26 =	vld [tilespmem:s9+$0xA810];
	v20, _, _ =	vpop (xrf2)  }
0xcf: {  	v27 =	vld [tilespmem:s17+$0x2080];
	(xrf2) =	vadd.scan.msk.f32 $0xffff, v13  }
0xd0: {  	v28 =	vadd.f32 v6, v9;
	v9 =	vsub.f32 $0.0e+00, v23;
	[tilespmem:v4+s2+$0x0] =	vst.idx.add.f32.msk vm3, v11  }
0xd1: {  	v13 =	vld [tilespmem:s17+$0x2180]  }
0xd2: {  	v18 =	vadd.f32 v18, v28;
	[tilespmem:v12+s2+$0x0] =	vst.idx.add.f32.msk vm2, v9;
	(xrf2) =	vadd.scan.msk.f32 $0xffff, v15;
	v6 =	vmov v24  }
0xd3: {  	v11 =	vld [tilespmem:s9+$0xB810]  }
0xd4: {  	v9 =	vadd.f32 v18, v18;
	v15 =	vld [tilespmem:s16+$0x2180]  }
0xd5: {  	v12 =	vld [tilespmem:s9+$0xB010];
	(xrf2) =	vadd.scan.msk.f32 $0xffff, v17  }
0xd6: {  	v18 =	vadd.s32 $0x4000, v2;
	v9 =	vadd.f32 v9, v14;
	v14 =	vadd.s32 $0x4000, v5;
	v17 =	vld [tilespmem:s9+$0xA800];
	v23, _, _ =	vpop (xrf2)  }
0xd7: {  	v29 =	vadd.s32 $0x3000, v5;
	v7 =	vadd.f32 v16, v7;
	v16 =	vadd.s32 $0x2000, v2;
	v28 =	vld [tilespmem:s16+$0x2100]  }
0xd8: {  	v30 =	vadd.s32 $0x1000, v5;
	v31 =	vadd.s32 $0x2000, v5;
	v32 =	vadd.s32 $0x3000, v2;
	v2 =	vmovc v22;
	v25 =	vld.idx.msk [tilespmem:v25+s24+$0x0], $0xffff;
	(xrf2) =	vadd.scan.msk.f32 $0xffff, v9  }
0xd9: {  	v33 =	vadd.s32 $0x4000, v4;
	v7 =	vadd.f32 v7, v7;
	v22 =	vadd.s32 $0x2000, v4;
	v21 =	vld.idx.msk [tilespmem:v21+s24+$0x0], $0xffff;
	v34, _, _ =	vpop (xrf2)  }
0xda: {  	v38 =	vadd.s32 $0x2000, v3;
	v5 =	vmovc v19;
	v36 =	vmul.f32 v26, v13;
	v35 =	vld [tilespmem:s17+$0x2000];
	v37 =	vmul.f32 v12, v27  }
0xdb: {  	v7 =	vadd.f32 v7, v10;
	v40 =	vmul.f32 v26, v26;
	v19 =	vld [tilespmem:s16+$0x2000];
	v39 =	vmul.f32 v17, v17  }
0xdc: {  	v41 =	vsub.f32 $0.0e+00, v20;
	v10 =	vmul.f32 v12, v12;
	v9 =	vmul.f32 v17, v15;
	[tilespmem:v16+s2+$0x0] =	vst.idx.add.f32.msk vm4, v23;
	v16, _, _ =	vpop (xrf2)  }
0xdd: {  	v42 =	vmul.f32 v11, v11;
	[tilespmem:v30+s2+$0x0] =	vst.idx.add.f32.msk vm1, v20;
	v30 =	vsub.f32 $0.0e+00, v23;
	(xrf2) =	vadd.scan.msk.f32 $0xffff, v7  }
0xde: {  	v10 =	vadd.f32 v10, v40;
	v7 =	vadd.f32 v37, v36;
	[tilespmem:v8+s2+$0x0] =	vst.idx.add.f32.msk vm3, v41;
	v8 =	vadd.s32 $0x3000, v3  }
0xdf: {  	v23 =	vsub.f32 $0.0e+00, v34;
	vm5 =	vne.s32 v2, v21;
	v12 =	vmul.f32 v12, v35;
	[tilespmem:v38+s2+$0x0] =	vst.idx.add.f32.msk vm2, v30;
	v20, _, _ =	vpop (xrf2)  }
0xe0: {  	vm6 =	vmor vm5, vm0;
	v17 =	vmul.f32 v17, v19;
	(xrf2) =	vadd.scan.msk.f32 $0xffff, v35;
	[tilespmem:v31+s2+$0x0] =	vst.idx.add.f32.msk vm1, v34  }
0xe1: {  	v26 =	vmul.f32 v26, v35;
	v12 =	vadd.f32 v12, v27;
	v27 =	vadd.s32 $0x3000, v4;
	[tilespmem:v32+s2+$0x0] =	vst.idx.add.f32.msk vm4, v20  }
0xe2: {  	vm7 =	vne.s32 v5, v25;
	v17 =	vadd.f32 v17, v15;
	[tilespmem:v22+s2+$0x0] =	vst.idx.add.f32.msk vm3, v23;
	v15 =	vsub.f32 $0.0e+00, v20;
	v20, _, _ =	vpop (xrf2)  }
0xe3: {  	vm8 =	vmor vm7, vm0;
	v4 =	vmovc v25;
	v23 =	vadd.f32 v26, v13;
	v22 =	vld [tilespmem:s9+$0xB800];
	(xrf2) =	vadd.scan.msk.f32 $0xffff, v19;
	v26 =	vsub.f32 $0.0e+00, v20  }
0xe4: {  	v30 =	vsub.f32 $0.0e+00, v16;
	v25 =	vmul.f32 v11, v35;
	v13 =	vmul.f32 v6, v19;
	[tilespmem:v8+s2+$0x0] =	vst.idx.add.f32.msk vm2, v15  }
0xe5: {  	v10 =	vadd.f32 v42, v10;
	v8 =	vmul.f32 v24, v6;
	[tilespmem:v29+s2+$0x0] =	vst.idx.add.f32.msk vm1, v16;
	v16 =	vadd.s32 $0x4000, v3  }
0xe6: {  	v3 =	vmov v21;
	(xrf2) =	vadd.scan.msk.f32 $0xffff, v23;
	[tilespmem:v27+s2+$0x0] =	vst.idx.add.f32.msk vm3, v30  }
0xe7: {  	v10 =	vmul.f32 v10, v35;
	v21 =	vadd.f32 v8, v39;
	[tilespmem:v14+s2+$0x0] =	vst.idx.add.f32.msk vm1, v20;
	v14, _, _ =	vpop (xrf2);
	vm1 =	vmmov vm8  }
0xe8: {  	v8 =	vadd.s32 $0x1000, v4;
	v15 =	vmul.f32 v22, v19;
	v20 =	vmul.f32 v22, v22;
	v23 =	vld [tilespmem:s17+$0x2100]  }
0xe9: {  	v24 =	vsub.f32 $0.0e+00, v14;
	[tilespmem:v33+s2+$0x0] =	vst.idx.add.f32.msk vm3, v26;
	vm3 =	vmmov vm7  }
.Ltmp2:
0xea: {  	v15 =	vadd.f32 v15, v28;
	v20 =	vadd.f32 v20, v21;
	(xrf2) =	vadd.scan.msk.f32 $0xffff, v17;
	v17, _, _ =	vpop (xrf2);
	[tilespmem:v18+s2+$0x0] =	vst.idx.add.f32.msk vm4, v14;
	(pc) =	sbr.rel @p0 .LBB2_7-.Ltmp2, $4  }
0xeb: {  	vm4 =	vmmov vm6;
	[tilespmem:v16+s2+$0x0] =	vst.idx.add.f32.msk vm2, v24;
	vm2 =	vmmov vm5  }
0xec: {  	v21 =	vsub.f32 $0.0e+00, v17;
	v14 =	vmul.f32 v20, v19;
	[tilespmem:v2+s2+$0x0] =	vst.idx.add.f32.msk vm6, v17;
	v19 =	vadd.s32 $0x1000, v2  }
0xed: {  	v20 =	vld [tilespmem:s16+$0x2080];
	v17 =	vadd.f32 v25, v23;
	v16 =	vmul.f32 v11, v23;
	v11, _, _ =	vpop (xrf2)  }
0xee: {  	s1 =	sadd.s32 $0x80, s1;
	s15 =	sadd.s32 $0x20, s15;
	v18 =	vmul.f32 v22, v28;
	[tilespmem:v3+s2+$0x0] =	vst.idx.add.f32.msk vm5, v21  }
0xef: {  	_ =	sdelay $0x2  }
0xf0: {  	v6 =	vmul.f32 v6, v20  }
0xf1: {  	(xrf2) =	vadd.scan.msk.f32 $0xffff, v12;
	v36 =	vadd.f32 v13, v20  }
0xf2: {  	v6 =	vadd.f32 v6, v9  }
0xf3: {  	(xrf2) =	vadd.scan.msk.f32 $0xffff, v36  }
0xf4: {  	(xrf2) =	vadd.scan.msk.f32 $0xffff, v15;
	v6 =	vadd.f32 v18, v6  }
0xf5: {  	v37 =	vadd.s32 $0x1000, v3;
	v7 =	vadd.f32 v16, v7;
	(xrf2) =	vadd.scan.msk.f32 $0xffff, v17  }
0xf6: {  	v41 =	vadd.s32 $0x1000, v5;
	v6 =	vadd.f32 v6, v6  }
0xf7: {  	v38 =	vsub.f32 $0.0e+00, v11;
	[tilespmem:v5+s2+$0x0] =	vst.idx.add.f32.msk vm1, v11;
	v40, _, _ =	vpop (xrf2);
	v7 =	vadd.f32 v7, v7  }
0xf8: {  	v39 =	vadd.s32 $0x2000, v2;
	[tilespmem:v19+s2+$0x0] =	vst.idx.add.f32.msk vm4, v40;
	v42 =	vsub.f32 $0.0e+00, v40;
	v6 =	vadd.f32 v6, v14  }
0xf9: {  	v44 =	vadd.s32 $0x2000, v3;
	[tilespmem:v4+s2+$0x0] =	vst.idx.add.f32.msk vm3, v38;
	v7 =	vadd.f32 v7, v10;
	v43, _, _ =	vpop (xrf2)  }
0xfa: {  	v46 =	vadd.s32 $0x2000, v5;
	[tilespmem:v37+s2+$0x0] =	vst.idx.add.f32.msk vm2, v42;
	v48 =	vsub.f32 $0.0e+00, v43;
	(xrf2) =	vadd.scan.msk.f32 $0xffff, v6  }
0xfb: {  	v47 =	vadd.s32 $0x3000, v2;
	[tilespmem:v41+s2+$0x0] =	vst.idx.add.f32.msk vm1, v43;
	v45, _, _ =	vpop (xrf2);
	(xrf2) =	vadd.scan.msk.f32 $0xffff, v7  }
0xfc: {  	v49 =	vadd.s32 $0x2000, v4;
	[tilespmem:v8+s2+$0x0] =	vst.idx.add.f32.msk vm3, v48;
	v9 =	vsub.f32 $0.0e+00, v45  }
0xfd: {  	v52 =	vadd.s32 $0x3000, v5;
	[tilespmem:v39+s2+$0x0] =	vst.idx.add.f32.msk vm4, v45;
	v50, _, _ =	vpop (xrf2)  }
0xfe: {  	v51 =	vadd.s32 $0x3000, v3;
	[tilespmem:v44+s2+$0x0] =	vst.idx.add.f32.msk vm2, v9;
	v53, _, _ =	vpop (xrf2)  }
0xff: {  	v56 =	vadd.s32 $0x3000, v4;
	v54 =	vsub.f32 $0.0e+00, v50;
	[tilespmem:v46+s2+$0x0] =	vst.idx.add.f32.msk vm1, v50;
	v55, _, _ =	vpop (xrf2)  }
0x100: {  	v57 =	vadd.s32 $0x4000, v5;
	[tilespmem:v47+s2+$0x0] =	vst.idx.add.f32.msk vm4, v55  }
0x101: {  	v2 =	vadd.s32 $0x4000, v2;
	v9 =	vsub.f32 $0.0e+00, v55;
	[tilespmem:v49+s2+$0x0] =	vst.idx.add.f32.msk vm3, v54  }
0x102: {  	v58 =	vadd.s32 $0x4000, v4;
	s31 =	sadd.s32 $0x1, s31;
	v59 =	vsub.f32 $0.0e+00, v53;
	[tilespmem:v52+s2+$0x0] =	vst.idx.add.f32.msk vm1, v53  }
0x103: {  	v3 =	vadd.s32 $0x4000, v3;
	p0 =	sne.s32 s31, $0x4;
	[tilespmem:v51+s2+$0x0] =	vst.idx.add.f32.msk vm2, v9  }
.Ltmp3:
0x104: {  	[tilespmem:v56+s2+$0x0] =	vst.idx.add.f32.msk vm3, v59;
	v60, _, _ =	vpop (xrf2);
	(pc) =	sbr.rel @p0 .LBB2_4-.Ltmp3, $4  }
0x105: {  	v61 =	vsub.f32 $0.0e+00, v60;
	[tilespmem:v57+s2+$0x0] =	vst.idx.add.f32.msk vm1, v60;
	v62, _, _ =	vpop (xrf2)  }
0x106: {  	v63 =	vsub.f32 $0.0e+00, v62;
	[tilespmem:v2+s2+$0x0] =	vst.idx.add.f32.msk vm4, v62  }
0x107: {  	[tilespmem:v58+s2+$0x0] =	vst.idx.add.f32.msk vm3, v61  }
0x108: {  	[tilespmem:v3+s2+$0x0] =	vst.idx.add.f32.msk vm2, v63  }
0x109: {  	s29 =	sadd.s32 $0x1, s29  }
0x10a: {  	p0 =	sne.s32 s29, s14  }
.Ltmp4:
0x10b: {  	_ = 	snop;
	(pc) =	sbr.rel @p0 .LBB2_1-.Ltmp4, $4  }
0x10c: {  	[hbm4b:s13+s2] =	stream.linear.scatter [tilespmem:s2], [sflag:$0x3], $0x5000, $0x38;
	[tilespmem:$0xD000] =	vst v63  }
0x10d: {  	_ =	swait.ge [sflag:s28], $0x5000  }
0x10e: {  	[sflag:s28] =	ssyncset.done $0x0  }
0x10f: {  	[sflag:s28] =	ssyncadd.s32 $0xFFFFB000  }
0x110: {  	_ =	sfence.sel $0x180000  }
0x111: {  	[bflag:$0x0] =	sbarrier.arrive $0xFFFF  }
0x112: {  	_ =	strace $0x9000004A  }
0x113: {  	s0 =	stileid.u32;
	[bflag:$0x2] =	sbarrier.arrive $0xFFFF  }
0x114: {  	p0 =	sne.s32 s0, $0x0;
	s0 =	rddreg [dreg:$0x1]  }
0x115: {  	s0 =	sadd.s32 @!p0 $0x100000, s0  }
0x116: {  	[sflag:s0] =	ssyncadd.tile.s32 @!p0 $0x1;
	_ =	shalt  }
.Lfunc_end2:
_tile_overlayer_lowered:
.L_overlay_start_2:
0x117: {  	(tag) =	ssettag $0x2  }
0x118: {  	s0 =	rddreg [dreg:$0x0];
	s2 =	stileid.u32  }
0x119: {  	s1 =	rddreg [dreg:$0x1];
	p0 =	sne.s32 s2, $0x0  }
0x11a: {  	s3 =	rddreg [dreg:$0x2];
	[bflag:$0x3] =	sbarrier.arrive $0xFFFF;
	s2 =	simm.s32 @!p0 $0x1C03  }
0x11b: {  	[timem:s3], [sflag:s2] =	dma.local @!p0 [hbm:s0], s1  }
0x11c: {  	s0 =	simm.s32 @!p0 $0x3  }
0x11d: {  	_ =	swait.ge @!p0 [sflag:s0], s1  }
0x11e: {  	s1 =	ssub.s32 @!p0 $0x0, s1;
	[sflag:s0] =	ssyncset.done @!p0 $0x0  }
0x11f: {  	[sflag:s0] =	ssyncadd.s32 @!p0 s1  }
0x120: {  	[bflag:$0x3] =	sbarrier.arrive $0xFFFF  }
0x121: {  	_ =	shalt  }

// kernel: kernel.13.cloned.1.call-start
scs
__scs_entry_jumppad:
0x0: {  	(pc) =	sbr.rel $0x88, $3  }
0x1: {  	(tag) =	ssettag $0x0;
	lr =	simm.s32 $0x1  }
0x2: {  	[smem:$0x3F9D] =	sst lr;
	_ =	strace $0xD0000000  }
0x3: {  	_ = 	snop  }
0x4: {  	_ = 	snop  }
0x5: {  	_ = 	snop  }
0x6: {  	_ = 	snop  }
0x7: {  	_ = 	snop  }
__scs_overlays_trampoline_lowered:
0x8: {  	[smem:$0x3FAC] =	sst s0  }
0x9: {  	[smem:$0x3FAD] =	sst s1  }
0xa: {  	[smem:$0x3FAE] =	sst s2  }
0xb: {  	[smem:$0x3FAF] =	sst s3  }
0xc: {  	[smem:$0x3FB0] =	sst s4  }
0xd: {  	[smem:$0x3FB1] =	sst s5  }
0xe: {  	[smem:$0x3FB2] =	sst s6  }
0xf: {  	[smem:$0x3FB3] =	sst s7  }
0x10: {  	[smem:$0x3FB4] =	sst s8  }
0x11: {  	[smem:$0x3FB5] =	sst s9;
	s0 =	simm.s32 @!p0 $0x0  }
0x12: {  	s1 =	sld [smem:$0x3F9B];
	s0 =	simm.s32 @p0 $0x1  }
0x13: {  	[smem:$0x3FB6] =	sst s0;
	s0 =	simm.s32 @!p1 $0x0  }
0x14: {  	s2 =	sld [smem:$0x3F9A];
	s0 =	simm.s32 @p1 $0x1  }
0x15: {  	[smem:$0x3FB7] =	sst s0;
	s0 =	simm.s32 @!p2 $0x0  }
0x16: {  	s3 =	sld [smem:$0x3FDB];
	s0 =	simm.s32 @p2 $0x1  }
0x17: {  	s4 =	simm.s32 $0x1BF5;
	[smem:$0x3FB9] =	sst s0  }
0x18: {  	s0 =	sld [smem:$0x3F9C];
	_ =	swait.ge [sflag:s4], $0x0  }
0x19: {  	s7 =	sld [smem:$0x3F9D]  }
0x1a: {  	s8 =	sadd.s32 $0xFFFFE003, lr  }
0x1b: {  	s9 =	sadd.s32 $0xFFFFFEF7, lr;
	s5 =	simm.s32 $0xFFFFFFFF;
	p2 =	slt.u32 s8, $0xFFFFF086  }
0x1c: {  	p1 =	slt.u32 s9, $0xF7A;
	s5 =	simm.s32 @!p2 $0x0  }
0x1d: {  	s5 =	simm.s32 @p1 $0x1;
	p0 =	seq.s32 s7, s2  }
0x1e: {  	s7 =	smul.u32 @!p0 $0xF7A, s2;
	p2 =	seq.s32 @!p0 s5, $0x0  }
0x1f: {  	s9 =	smul.u32 $0xF7A, s1;
	s8 =	simm.s32 @!p0 $0x1BF5;
	p2 =	por !p2, p0  }
0x20: {  	[sflag:s8] =	ssyncset.s32 @!p0 $0xFFFFF086;
	s6 =	sadd.s32 @!p0 s3, s7;
	s7 =	simm.s32 @!p0 $0x108  }
0x21: {  	s3 =	sadd.s32 s3, s9;
	s6 =	sadd.s32 @!p0 $0x88, s6;
	s7 =	simm.s32 @p2 $0x1082  }
0x22: {  	[simem:s7], [sflag:s8] =	dma.local @!p0 [hbm:s6], $0xF7A  }
0x23: {  	s9 =	sor.u32 $0xD0000000, s2;
	s6 =	simm.s32 $0x108;
	_ =	swait.ge @!p0 [sflag:s8], $0x0  }
0x24: {  	s3 =	sadd.s32 $0x88, s3;
	s6 =	simm.s32 @!p1 $0x1082;
	[sflag:s4] =	ssyncset.s32 $0xFFFFF086  }
0x25: {  	[simem:s6], [sflag:s4] =	dma.local [hbm:s3], $0xF7A  }
0x26: {  	[smem:$0x3F9D] =	sst s1;
	(tag) =	ssettag s2;
	_ =	strace s9  }
0x27: {  	s1 =	sld [smem:$0x3FAD]  }
0x28: {  	s2 =	sld [smem:$0x3FAE]  }
0x29: {  	s4 =	sld [smem:$0x3FB0]  }
0x2a: {  	p0 =	seq.s32 s5, $0x0;
	s5 =	sld [smem:$0x3FB1]  }
0x2b: {  	s6 =	sld [smem:$0x3FB2]  }
0x2c: {  	s7 =	sld [smem:$0x3FB3]  }
0x2d: {  	s3 =	simm.s32 $0x108;
	s8 =	sld [smem:$0x3FB4]  }
0x2e: {  	s3 =	simm.s32 @!p0 $0x1082;
	s9 =	sld [smem:$0x3FB5]  }
0x2f: {  	lr =	sadd.s32 s0, s3;
	s0 =	sld [smem:$0x3FAC]  }
0x30: {  	s3 =	sld [smem:$0x3FAF]  }
0x31: {  	[smem:$0x3FB8] =	sst s10  }
0x32: {  	s10 =	sld [smem:$0x3FB6];
	_ =	sdelay $0x3  }
0x33: {  	p0 =	seq.s32 s10, $0x1;
	s10 =	sld [smem:$0x3FB8];
	_ =	sdelay $0x3  }
0x34: {  	[smem:$0x3FB8] =	sst s10  }
0x35: {  	s10 =	sld [smem:$0x3FB7];
	_ =	sdelay $0x3  }
0x36: {  	p1 =	seq.s32 s10, $0x1;
	s10 =	sld [smem:$0x3FB8];
	_ =	sdelay $0x3  }
0x37: {  	[smem:$0x3FB8] =	sst s10  }
0x38: {  	s10 =	sld [smem:$0x3FB9]  }
0x39: {  	_ = 	snop;
	(pc) =	sbr.ind lr, $3  }
0x3a: {  	_ = 	snop  }
0x3b: {  	_ = 	snop  }
0x3c: {  	p2 =	seq.s32 s10, $0x1;
	s10 =	sld [smem:$0x3FB8]  }
0x3d: {  	_ =	shalt  }
0x3e: {  	_ =	shalt  }
0x3f: {  	_ =	shalt  }
0x40: {  	_ =	shalt  }
0x41: {  	_ =	shalt  }
0x42: {  	_ =	shalt  }
0x43: {  	_ =	shalt  }
0x44: {  	_ =	shalt  }
0x45: {  	_ =	shalt  }
0x46: {  	_ =	shalt  }
0x47: {  	_ =	shalt  }
0x48: {  	_ =	shalt  }
0x49: {  	_ =	shalt  }
0x4a: {  	_ =	shalt  }
0x4b: {  	_ =	shalt  }
0x4c: {  	_ =	shalt  }
0x4d: {  	_ =	shalt  }
0x4e: {  	_ =	shalt  }
0x4f: {  	_ =	shalt  }
0x50: {  	_ =	shalt  }
0x51: {  	_ =	shalt  }
0x52: {  	_ =	shalt  }
0x53: {  	_ =	shalt  }
0x54: {  	_ =	shalt  }
0x55: {  	_ =	shalt  }
0x56: {  	_ =	shalt  }
0x57: {  	_ =	shalt  }
0x58: {  	_ =	shalt  }
0x59: {  	_ =	shalt  }
0x5a: {  	_ =	shalt  }
0x5b: {  	_ =	shalt  }
0x5c: {  	_ =	shalt  }
0x5d: {  	_ =	shalt  }
0x5e: {  	_ =	shalt  }
0x5f: {  	_ =	shalt  }
0x60: {  	_ =	shalt  }
0x61: {  	_ =	shalt  }
0x62: {  	_ =	shalt  }
0x63: {  	_ =	shalt  }
0x64: {  	_ =	shalt  }
0x65: {  	_ =	shalt  }
0x66: {  	_ =	shalt  }
0x67: {  	_ =	shalt  }
0x68: {  	_ =	shalt  }
0x69: {  	_ =	shalt  }
0x6a: {  	_ =	shalt  }
0x6b: {  	_ =	shalt  }
0x6c: {  	_ =	shalt  }
0x6d: {  	_ =	shalt  }
0x6e: {  	_ =	shalt  }
0x6f: {  	_ =	shalt  }
0x70: {  	_ =	shalt  }
0x71: {  	_ =	shalt  }
0x72: {  	_ =	shalt  }
0x73: {  	_ =	shalt  }
0x74: {  	_ =	shalt  }
0x75: {  	_ =	shalt  }
0x76: {  	_ =	shalt  }
0x77: {  	_ =	shalt  }
0x78: {  	_ =	shalt  }
0x79: {  	_ =	shalt  }
0x7a: {  	_ =	shalt  }
0x7b: {  	_ =	shalt  }
0x7c: {  	_ =	shalt  }
0x7d: {  	_ =	shalt  }
0x7e: {  	_ =	shalt  }
0x7f: {  	_ =	shalt  }
0x80: {  	_ =	shalt  }
0x81: {  	_ =	shalt  }
0x82: {  	_ =	shalt  }
0x83: {  	_ =	shalt  }
0x84: {  	_ =	shalt  }
0x85: {  	_ =	shalt  }
0x86: {  	_ =	shalt  }
0x87: {  	_ =	shalt  }
.Lfunc_end0:
.L_simem_size_0:
called_computation.2_lowered:
.L_overlay_start_0:
0x88: {  	s2 =	sld [smem:$0x3FD9]  }
0x89: {  	s3 =	sld [smem:$0x3FFE];
	_ =	sdelay $0x1  }
0x8a: {  	s1 =	srdreg.scid  }
0x8b: {  	s0 =	sand.u32 $0x1, s1  }
0x8c: {  	s17 =	sshll.u32 s0, $0xA;
	s2 =	sadd.s32 s3, s2  }
0x8d: {  	s2 =	sadd.s32 s2, s17  }
0x8e: {  	[smem:$0x3FC4] =	sst s2  }
0x8f: {  	_ = 	snop  }
0x90: {  	(tm) =	ssettm $0x1  }
0x91: {  	s18 =	sld [smem:$0x3FFB];
	_ =	sdelay $0x3  }
0x92: {  	_ =	strace s18  }
0x93: {  	s2 =	sld [smem:$0x3FFC];
	_ =	sdelay $0x3  }
0x94: {  	_ =	strace s2  }
0x95: {  	s2 =	sld [smem:$0x3FFD];
	_ =	sdelay $0x3  }
0x96: {  	_ =	strace s2  }
0x97: {  	_ =	strace $0x8FFFFFFF  }
0x98: {  	s19 =	sld [smem:$0x3FDB];
	_ =	sdelay $0x1  }
0x99: {  	s20 =	simm.s32 $_scs_section_size  }
0x9a: {  	s4 =	simm.s32 $_size__tile_overlayer_lowered;
	s5 =	simm.s32 $_tile_overlayer_lowered  }
0x9b: {  	s6 =	simm.s32 $0x1BFF;
	s21 =	sshll.u32 s5, $0x1;
	s3 =	sadd.s32 s20, s19  }
0x9c: {  	s22 =	simm.s32 $0x0;
	s4 =	sshll.u32 s4, $0x1;
	s5 =	sadd.s32 s21, s3  }
0x9d: {  	[timem:s22], [sflag:s6] =	dma.local [hbm:s5], s4  }
0x9e: {  	_ =	swait.ge [sflag:s6], s4  }
0x9f: {  	s4 =	ssub.s32 $0x0, s4;
	[sflag:s6] =	ssyncset.done $0x0  }
0xa0: {  	[sflag:s6] =	ssyncadd.s32 s4;
	_ =	sdelay $0x1  }
0xa1: {  	s23 =	simm.s32 $0x1B8B  }
0xa2: {  	_ =	swait.ge [sflag:s23], $0x1  }
0xa3: {  	[sflag:s23] =	ssyncset.done $0x0  }
0xa4: {  	[sflag:s23] =	ssyncadd.s32 $0xFFFFFFFF  }
0xa5: {  	s4 =	sld [smem:$0x0]  }
0xa6: {  	s5 =	sand.u32 $0xFFFFFFFE, s1  }
0xa7: {  	p0 =	sne.s32 s1, s5  }
0xa8: {  	s5 =	sshll.u32 @p0 s5, $0xE  }
0xa9: {  	s5 =	sadd.s32 @p0 $0x11B8D, s5;
	s6 =	sshll.u32 @p0 s4, $0x11  }
0xaa: {  	s5 =	sor.u32 @p0 s6, s5  }
0xab: {  	[sflag:s5] =	ssyncadd.remote.s32 @p0 $0x1;
	_ =	sdelay $0x1  }
0xac: {  	s5 =	simm.s32 @p0 $0x1B8D  }
0xad: {  	_ =	swait.eq @p0 [sflag:s5], $0x1  }
0xae: {  	[sflag:s5] =	ssyncadd.s32 @p0 $0xFFFFFFFF  }
0xaf: {  	s6 =	sshll.u32 @!p0 s1, $0xE  }
0xb0: {  	s6 =	sor.u32 @!p0 $0x4000, s6;
	s5 =	simm.s32 @!p0 $0x1B8D  }
0xb1: {  	s4 =	sshll.u32 @!p0 s4, $0x11;
	s6 =	sadd.s32 @!p0 $0x11B8D, s6;
	_ =	swait.eq @!p0 [sflag:s5], $0x1  }
0xb2: {  	s4 =	sor.u32 @!p0 s4, s6;
	[sflag:s5] =	ssyncadd.s32 @!p0 $0xFFFFFFFF  }
0xb3: {  	s25 =	simm.s32 $0x1B8E;
	s24 =	sld [smem:$0x3FFE];
	[sflag:s4] =	ssyncadd.remote.s32 @!p0 $0x1  }
0xb4: {  	s26 =	simm.s32 $execute0_lowered;
	[smem:$0x3FD2] =	sst s25  }
0xb5: {  	s5 =	sshll.u32 s26, $0x1;
	_ =	strace $0x8000004C;
	[dreg:$0x1] =	wrdreg $0xFFFFFFFF  }
0xb6: {  	s28 =	simm.s32 $_size_execute0_lowered;
	s3 =	sadd.s32 s3, s5;
	[dreg:$0x0] =	wrdreg $0x0  }
0xb7: {  	s5 =	sshll.u32 s28, $0x1;
	[dreg:$0x2] =	wrdreg s3  }
0xb8: {  	[dreg:$0x3] =	wrdreg s5  }
0xb9: {  	[dreg:$0x4] =	wrdreg $0xC0  }
0xba: {  	_ =	task [dreg:s22], $0x5FFFF  }
0xbb: {  	[dreg:$0x1] =	wrdreg $0xFFFFFFFF  }
0xbc: {  	[dreg:$0x0] =	wrdreg $0x60  }
0xbd: {  	[dreg:$0x2] =	wrdreg s24  }
0xbe: {  	[dreg:$0x3] =	wrdreg $0xB  }
0xbf: {  	_ =	task.clear_ibuf [dreg:s22], $0x4FFFF;
	_ =	strace $0x9000004C  }
0xc0: {  	s29 =	simm.s32 $0xB;
	_ =	strace $0x8000004E  }
0xc1: {  	_ =	swait.ge [sflag:s29], $0x1  }
0xc2: {  	[sflag:s29] =	ssyncadd.s32 $0xFFFFFFFF  }
0xc3: {  	_ =	strace $0x9000004E  }
0xc4: {  	_ =	sfence  }
0xc5: {  	s30 =	sld [smem:$0x0];
	_ =	sdelay $0x2  }
0xc6: {  	s31 =	sshll.u32 s1, $0xD;
	s1 =	sshrl.u32 s1, $0x2  }
0xc7: {  	s4 =	sand.u32 $0x4000, s31;
	s1 =	sadd.s32 s1, s30  }
0xc8: {  	s0 =	sor.u32 s4, s0;
	s1 =	sshll.u32 s1, $0x11  }
0xc9: {  	s0 =	sor.u32 s1, s0  }
0xca: {  	s0 =	sadd.s32 $0x8F2B, s0  }
0xcb: {  	[sflag:s0] =	ssyncadd.remote.s32 $0x1  }
0xcc: {  	_ =	sfence.sel $0xFFFF  }
0xcd: {  	[dreg:$0x0] =	wrdreg $0xFFFFFFFF;
	(pc) =	sbr.abs _section_cstart, $3  }
0xce: {  	[dreg:$0x1] =	wrdreg $0xFFFFFFFF  }
0xcf: {  	_ =	task.clear_ibuf [dreg:s22], $0x2FFFF;
	_ =	strace $0x9FFFFFFF  }
0xd0: {  	(tm) =	ssettm $0x7FFFFFFF  }
0xd1: {  	_ =	shalt  }
tec
execute0_lowered:
.L_overlay_start_1:
0x0: {  	(tag) =	ssettag $0x1  }
0x1: {  	s0 =	rddreg [dreg:$0x0]  }
0x2: {  	s1 =	srdreg.scid;
	s3 =	stileid.u32;
	s2 =	simm.s32 $0x0  }
0x3: {  	s19 =	simm.s32 $0xC000;
	s20 =	simm.s32 $0x7000;
	s21 =	simm.s32 $0xA800  }
0x4: {  	s22 =	simm.s32 $0xB000;
	s23 =	simm.s32 $0xB800;
	s28 =	simm.s32 $0x3  }
0x5: {  	s29 =	simm.s32 $0x0;
	s30 =	simm.s32 $0x0;
	s1 =	sand.u32 $0x1, s1  }
0x6: {  	s3 =	sshll.u32 s3, $0x1;
	[smem:$0x7FF] =	sst s2;
	s4 =	sadd.s32 $0x70000, s0  }
0x7: {  	v0 =	vimm.s32 $0xFFEDCBA9;
	s5 =	sadd.s32 $0x60000, s0;
	s6 =	sadd.s32 $0x170000, s0;
	s8 =	sor.u32 s1, s3  }
0x8: {  	v1 =	vimm.s32 $0x87654321;
	_ =	strace $0x8000004D;
	s1 =	ssub.s32 $0x2, s1;
	s3 =	sshll.u32 s8, $0xD  }
0x9: {  	v0 =	vunpack.c.l.s4.s8 v0;
	v1 =	vunpack.c.l.s4.s8 v1;
	s7 =	smul.u32 $0xA00, s8;
	s24 =	sshrl.u32 s1, $0x1;
	s12 =	sshll.u32 s8, $0xB  }
0xa: {  	s9 =	sadd.s32 s3, s0;
	s3 =	sadd.s32 $0x80000, s0;
	s1 =	ssub.s32 s1, s24  }
0xb: {  	v0 =	vunpack.c.0.s8.s32 v0;
	v1 =	vunpack.c.0.s8.s32 v1;
	s26 =	sadd.s32 s4, s12;
	s31 =	sadd.s32 s5, s12;
	s24 =	simm.s32 $0xC800  }
0xc: {  	s0 =	sadd.s32 s7, s0;
	s7 =	sshll.u32 s8, $0xE;
	[dreg:$0x3] =	wrdreg s26  }
0xd: {  	s8 =	sadd.s32 $0x110000, s9;
	s25 =	sadd.s32 s3, s12;
	[dreg:$0x4] =	wrdreg s31;
	v1 =	vcombine.low v1, v0  }
0xe: {  	s12 =	sadd.s32 s6, s12;
	s14 =	smax.u32 s1, $0x1;
	s26 =	simm.s32 $0x2  }
0xf: {  	vm0 =	vcmask $0x3F3C;
	v0 =	vimm.f32 $0.0e+00;
	[dreg:$0x2] =	wrdreg s25;
	s13 =	sadd.s32 $0x1A8000, s0;
	s25 =	simm.s32 $0x1;
	v1 =	vand.u32 $0xF, v1  }
.LBB2_1:
0x10: {  	s0 =	simm.s32 $0x40;
	s1 =	simm.s32 $0x0  }
.LBB2_2:
0x11: {  	p0 =	sne.s32 s0, $0x13FC0;
	[tilespmem:s1+$0x0] =	vst v0;
	s1 =	smov.u32 s0;
	s0 =	sadd.s32 $0x40, s0  }
.Ltmp0:
0x12: {  	(pc) =	sbr.rel @p0 .LBB2_2-.Ltmp0, $2  }
0x13: {  	_ =	sdelay $0x2  }
0x14: {  	s1 =	sshra.s32 s1, $0x2  }
0x15: {  	[tilespmem:s1+$0x0] =	vst v0;
	s0 =	simm.s32 $0x5000  }
0x16: {  	[tilespmem:s0], [sflag:$0x1] =	stream.linear.gather [hbm4b:s8+s30], $0x2000, $0x38;
	[tilespmem:$0xD000] =	vst v63  }
0x17: {  	s10 =	rddreg [dreg:$0x2];
	s11 =	simm.s32 $0x9000  }
0x18: {  	[tilespmem:s11], [sflag:$0x1] =	stream.linear.gather [hbm4b:s10+s30], $0x800, $0x38;
	[tilespmem:$0xD000] =	vst v63  }
0x19: {  	s15 =	rddreg [dreg:$0x3];
	s16 =	simm.s32 $0x9800  }
0x1a: {  	[tilespmem:s16], [sflag:$0x1] =	stream.linear.gather [hbm4b:s15+s30], $0x800, $0x38;
	[tilespmem:$0xD000] =	vst v63  }
0x1b: {  	s17 =	rddreg [dreg:$0x4];
	s18 =	simm.s32 $0xA000  }
0x1c: {  	[tilespmem:s18], [sflag:$0x1] =	stream.linear.gather [hbm4b:s17+s30], $0x800, $0x38;
	[tilespmem:$0xD000] =	vst v63  }
0x1d: {  	s31 =	simm.s32 $0x0  }
0x1e: {  	[tilespmem:s19], [sflag:$0x1] =	stream.linear.gather [hbm4b:s12+s30], $0x800, $0x38;
	[tilespmem:$0xD000] =	vst v63  }
.LBB2_4:
0x1f: {  	s0 =	sshllo.u32 s31, $0x1  }
0x20: {  	s1 =	sshll.u32 s0, $0xA;
	s0 =	sshll.u32 s0, $0xB  }
0x21: {  	s1 =	sadd.s32 s1, s8;
	s0 =	sadd.s32 s7, s0  }
0x22: {  	[tilespmem:s20], [sflag:$0x2] =	stream.linear.gather [hbm4b:s1+s30], $0x2000, $0x38;
	[tilespmem:$0xD000] =	vst v63  }
0x23: {  	s0 =	sshrl.u32 s0, $0x3  }
0x24: {  	s10 =	sadd.s32 s3, s0  }
0x25: {  	[tilespmem:s21], [sflag:$0x2] =	stream.linear.gather [hbm4b:s10+s30], $0x800, $0x38;
	[tilespmem:$0xD000] =	vst v63  }
0x26: {  	s11 =	sadd.s32 s4, s0  }
0x27: {  	[tilespmem:s22], [sflag:$0x2] =	stream.linear.gather [hbm4b:s11+s30], $0x800, $0x38;
	[tilespmem:$0xD000] =	vst v63  }
0x28: {  	s15 =	sadd.s32 s5, s0  }
0x29: {  	[tilespmem:s23], [sflag:$0x2] =	stream.linear.gather [hbm4b:s15+s30], $0x800, $0x38;
	[tilespmem:$0xD000] =	vst v63  }
0x2a: {  	s0 =	sadd.s32 s6, s0  }
0x2b: {  	[tilespmem:s24], [sflag:$0x2] =	stream.linear.gather [hbm4b:s0+s30], $0x800, $0x38;
	[tilespmem:$0xD000] =	vst v63  }
0x2c: {  	_ =	swait.ge [sflag:s25], $0x2000  }
0x2d: {  	[sflag:s25] =	ssyncset.done $0x0  }
0x2e: {  	[sflag:s25] =	ssyncadd.s32 $0xFFFFE000  }
0x2f: {  	_ =	swait.ge [sflag:s25], $0x800  }
0x30: {  	[sflag:s25] =	ssyncset.done $0x0  }
0x31: {  	[sflag:s25] =	ssyncadd.s32 $0xFFFFF800  }
0x32: {  	_ =	swait.ge [sflag:s25], $0x800  }
0x33: {  	[sflag:s25] =	ssyncset.done $0x0  }
0x34: {  	[sflag:s25] =	ssyncadd.s32 $0xFFFFF800  }
0x35: {  	_ =	swait.ge [sflag:s25], $0x800  }
0x36: {  	[sflag:s25] =	ssyncset.done $0x0  }
0x37: {  	[sflag:s25] =	ssyncadd.s32 $0xFFFFF800  }
0x38: {  	_ =	swait.ge [sflag:s25], $0x800  }
0x39: {  	s16 =	simm.s32 $0x10;
	[sflag:s25] =	ssyncset.done $0x0  }
0x3a: {  	s17 =	sand.u32 $0x1E00, s30;
	s9 =	simm.s32 $0x0;
	[sflag:s25] =	ssyncadd.s32 $0xFFFFF800  }
0x3b: {  	s1 =	sadd.s32 $0x5000, s17;
	s15 =	sand.u32 $0x70, s16;
	v2 =	vld [tilespmem:s9+$0xC010]  }
0x3c: {  	s15 =	sor.u32 s15, s1;
	v8 =	vld [tilespmem:s9+$0x9010]  }
0x3d: {  	v10 =	vld [tilespmem:s15+$0x80]  }
0x3e: {  	v12 =	vld [tilespmem:s15+$0x180]  }
0x3f: {  	v3 =	vor.u32 s16, v1;
	v16 =	vld [tilespmem:s9+$0xA010]  }
0x40: {  	s18 =	simm.s32 $0x0;
	v7 =	vld [tilespmem:s9+$0x9810]  }
0x41: {  	s16 =	sand.u32 $0x60, s18;
	v11 =	vld [tilespmem:s9+$0x9000]  }
0x42: {  	s1 =	sor.u32 s16, s1;
	v14 =	vld [tilespmem:s15+$0x0]  }
0x43: {  	v13 =	vld [tilespmem:s1+$0x180]  }
0x44: {  	v4 =	vor.u32 s18, v1;
	v3 =	vld.idx.msk [tilespmem:v3+s19+$0x0], $0xffff  }
0x45: {  	v17 =	vld [tilespmem:s1+$0x0]  }
0x46: {  	v6 =	vld [tilespmem:s9+$0x9800];
	v15 =	vmul.f32 v8, v12;
	v18 =	vmul.f32 v7, v10  }
0x47: {  	v5 =	vld [tilespmem:s9+$0xC000];
	(xrf2) =	vadd.scan.msk.f32 $0xffff, v14;
	v20 =	vmul.f32 v8, v8;
	v21 =	vmul.f32 v7, v7  }
0x48: {  	v23 =	vld [tilespmem:s9+$0xA000];
	v19 =	vmul.f32 v11, v11;
	v9 =	vmul.f32 v11, v13  }
0x49: {  	v4 =	vld.idx.msk [tilespmem:v4+s19+$0x0], $0xffff;
	v8 =	vmul.f32 v8, v14;
	v20 =	vadd.f32 v21, v20;
	v21 =	vmul.f32 v7, v14  }
0x4a: {  	vm5 =	vne.s32 v2, v3;
	v7 =	vadd.f32 v18, v15;
	v15 =	vmul.f32 v11, v17  }
0x4b: {  	(xrf2) =	vadd.scan.msk.f32 $0xffff, v17;
	v8 =	vadd.f32 v8, v12;
	v11 =	vadd.f32 v21, v10;
	v10 =	vmul.f32 v6, v6  }
0x4c: {  	v22 =	vmul.f32 v16, v16;
	vm4 =	vmor vm5, vm0  }
0x4d: {  	v21 =	vadd.f32 v15, v13;
	(xrf2) =	vadd.scan.msk.f32 $0xffff, v8;
	v15 =	vadd.f32 v10, v19;
	v19 =	vmul.f32 v23, v23  }
0x4e: {  	vm1 =	vne.s32 v5, v4;
	v18 =	vld [tilespmem:s1+$0x100]  }
0x4f: {  	vm2 =	vmor vm1, vm0;
	v12 =	vadd.f32 v22, v20;
	v22 =	vld [tilespmem:s15+$0x100]  }
0x50: {  	v24 =	vmul.f32 v16, v14;
	vm2 =	vmmov vm2  }
0x51: {  	v10 =	vmul.f32 v12, v14;
	v12 =	vmul.f32 v23, v17;
	v14 =	vadd.f32 v19, v15;
	v19, _, _ =	vpop (xrf2);
	(xrf2) =	vadd.scan.msk.f32 $0xffff, v21  }
0x52: {  	vm3 =	vmmov vm1;
	vm1 =	vmmov vm5;
	[tilespmem:v2+s2+$0x0] =	vst.idx.add.f32.msk vm4, v19;
	vm4 =	vmmov vm4  }
0x53: {  	v13 =	vmul.f32 v6, v17;
	v25 =	vsub.f32 $0.0e+00, v19;
	v19 =	vadd.s32 $0x1000, v2  }
0x54: {  	s16 =	simm.s32 $0x30;
	v20 =	vld [tilespmem:s1+$0x80];
	v15 =	vadd.f32 v12, v18;
	v18 =	vmul.f32 v23, v18;
	v16 =	vmul.f32 v16, v22  }
0x55: {  	s0 =	sshll.u32 s31, $0x1;
	v8 =	vadd.s32 $0x1000, v4;
	s1 =	simm.s32 $0x0;
	s15 =	simm.s32 $0x80;
	v14 =	vmul.f32 v14, v17;
	v17 =	vadd.f32 v24, v22;
	v12, _, _ =	vpop (xrf2);
	[tilespmem:v3+s2+$0x0] =	vst.idx.add.f32.msk vm5, v25  }
.LBB2_5:
0x56: {  	s17 =	sand.u32 $0x1E00, s15;
	s9 =	sshra.s32 s15, $0x2;
	v21 =	vor.u32 s16, v1;
	s1 =	sadd.s32 $0x2, s1;
	[tilespmem:v5+s2+$0x0] =	vst.idx.add.f32.msk vm2, v12  }
0x57: {  	s10 =	sadd.s32 $0xFFFFFFF0, s16;
	s18 =	sand.u32 $0x70, s16;
	s17 =	sadd.s32 $0x5000, s17;
	v22 =	vld [tilespmem:s9+$0xC010];
	v23, _, _ =	vpop (xrf2)  }
0x58: {  	s11 =	sand.u32 $0x60, s10;
	p0 =	slt.u32 s1, $0x7E;
	s18 =	sor.u32 s18, s17;
	[tilespmem:v19+s2+$0x0] =	vst.idx.add.f32.msk vm4, v23  }
0x59: {  	s17 =	sor.u32 s11, s17;
	v19 =	vld [tilespmem:s9+$0xC000];
	v13 =	vadd.f32 v13, v20;
	(xrf2) =	vadd.scan.msk.f32 $0xffff, v11  }
0x5a: {  	v11 =	vadd.s32 $0x1000, v3;
	v24 =	vld [tilespmem:s9+$0x9800]  }
0x5b: {  	v12 =	vsub.f32 $0.0e+00, v12;
	v25 =	vor.u32 s10, v1;
	v6 =	vmul.f32 v6, v20;
	v26 =	vld [tilespmem:s9+$0x9010];
	v20, _, _ =	vpop (xrf2)  }
0x5c: {  	v27 =	vld [tilespmem:s18+$0x80];
	(xrf2) =	vadd.scan.msk.f32 $0xffff, v13  }
0x5d: {  	v28 =	vadd.f32 v6, v9;
	v9 =	vsub.f32 $0.0e+00, v23;
	[tilespmem:v4+s2+$0x0] =	vst.idx.add.f32.msk vm3, v12  }
0x5e: {  	v13 =	vld [tilespmem:s18+$0x180]  }
0x5f: {  	v18 =	vadd.f32 v18, v28;
	[tilespmem:v11+s2+$0x0] =	vst.idx.add.f32.msk vm1, v9;
	(xrf2) =	vadd.scan.msk.f32 $0xffff, v15;
	v6 =	vmov v24  }
0x60: {  	v12 =	vld [tilespmem:s9+$0xA010]  }
0x61: {  	v9 =	vadd.f32 v18, v18;
	v15 =	vld [tilespmem:s17+$0x180]  }
0x62: {  	v11 =	vld [tilespmem:s9+$0x9810];
	(xrf2) =	vadd.scan.msk.f32 $0xffff, v17  }
0x63: {  	v18 =	vadd.s32 $0x4000, v2;
	v9 =	vadd.f32 v9, v14;
	v14 =	vadd.s32 $0x4000, v5;
	v17 =	vld [tilespmem:s9+$0x9000];
	v23, _, _ =	vpop (xrf2)  }
0x64: {  	v29 =	vadd.s32 $0x3000, v5;
	v7 =	vadd.f32 v16, v7;
	v16 =	vadd.s32 $0x2000, v2;
	v28 =	vld [tilespmem:s17+$0x100]  }
0x65: {  	v30 =	vadd.s32 $0x1000, v5;
	v31 =	vadd.s32 $0x2000, v5;
	v32 =	vadd.s32 $0x3000, v2;
	v2 =	vmovc v22;
	v25 =	vld.idx.msk [tilespmem:v25+s19+$0x0], $0xffff;
	(xrf2) =	vadd.scan.msk.f32 $0xffff, v9  }
0x66: {  	v33 =	vadd.s32 $0x4000, v4;
	v7 =	vadd.f32 v7, v7;
	v22 =	vadd.s32 $0x2000, v4;
	v21 =	vld.idx.msk [tilespmem:v21+s19+$0x0], $0xffff;
	v34, _, _ =	vpop (xrf2)  }
0x67: {  	v38 =	vadd.s32 $0x2000, v3;
	v5 =	vmovc v19;
	v36 =	vmul.f32 v26, v13;
	v35 =	vld [tilespmem:s18+$0x0];
	v37 =	vmul.f32 v11, v27  }
0x68: {  	v7 =	vadd.f32 v7, v10;
	v40 =	vmul.f32 v26, v26;
	v19 =	vld [tilespmem:s17+$0x0];
	v39 =	vmul.f32 v17, v17  }
0x69: {  	v41 =	vsub.f32 $0.0e+00, v20;
	v10 =	vmul.f32 v11, v11;
	v9 =	vmul.f32 v17, v15;
	[tilespmem:v16+s2+$0x0] =	vst.idx.add.f32.msk vm4, v23;
	v16, _, _ =	vpop (xrf2)  }
0x6a: {  	v42 =	vmul.f32 v12, v12;
	[tilespmem:v30+s2+$0x0] =	vst.idx.add.f32.msk vm2, v20;
	v30 =	vsub.f32 $0.0e+00, v23;
	(xrf2) =	vadd.scan.msk.f32 $0xffff, v7  }
0x6b: {  	v10 =	vadd.f32 v10, v40;
	v7 =	vadd.f32 v37, v36;
	[tilespmem:v8+s2+$0x0] =	vst.idx.add.f32.msk vm3, v41;
	v8 =	vadd.s32 $0x3000, v3  }
0x6c: {  	v23 =	vsub.f32 $0.0e+00, v34;
	vm5 =	vne.s32 v2, v21;
	v11 =	vmul.f32 v11, v35;
	[tilespmem:v38+s2+$0x0] =	vst.idx.add.f32.msk vm1, v30;
	v20, _, _ =	vpop (xrf2)  }
0x6d: {  	vm6 =	vmor vm5, vm0;
	v17 =	vmul.f32 v17, v19;
	(xrf2) =	vadd.scan.msk.f32 $0xffff, v35;
	[tilespmem:v31+s2+$0x0] =	vst.idx.add.f32.msk vm2, v34  }
0x6e: {  	v26 =	vmul.f32 v26, v35;
	v11 =	vadd.f32 v11, v27;
	v27 =	vadd.s32 $0x3000, v4;
	[tilespmem:v32+s2+$0x0] =	vst.idx.add.f32.msk vm4, v20  }
0x6f: {  	vm7 =	vne.s32 v5, v25;
	v17 =	vadd.f32 v17, v15;
	[tilespmem:v22+s2+$0x0] =	vst.idx.add.f32.msk vm3, v23;
	v15 =	vsub.f32 $0.0e+00, v20;
	v20, _, _ =	vpop (xrf2)  }
0x70: {  	vm8 =	vmor vm7, vm0;
	v4 =	vmovc v25;
	v23 =	vadd.f32 v26, v13;
	v22 =	vld [tilespmem:s9+$0xA000];
	(xrf2) =	vadd.scan.msk.f32 $0xffff, v19;
	v26 =	vsub.f32 $0.0e+00, v20  }
0x71: {  	v30 =	vsub.f32 $0.0e+00, v16;
	v25 =	vmul.f32 v12, v35;
	v13 =	vmul.f32 v6, v19;
	[tilespmem:v8+s2+$0x0] =	vst.idx.add.f32.msk vm1, v15  }
0x72: {  	v10 =	vadd.f32 v42, v10;
	v8 =	vmul.f32 v24, v6;
	[tilespmem:v29+s2+$0x0] =	vst.idx.add.f32.msk vm2, v16;
	v16 =	vadd.s32 $0x4000, v3  }
0x73: {  	v3 =	vmov v21;
	(xrf2) =	vadd.scan.msk.f32 $0xffff, v23;
	[tilespmem:v27+s2+$0x0] =	vst.idx.add.f32.msk vm3, v30  }
0x74: {  	v10 =	vmul.f32 v10, v35;
	v21 =	vadd.f32 v8, v39;
	[tilespmem:v14+s2+$0x0] =	vst.idx.add.f32.msk vm2, v20;
	v14, _, _ =	vpop (xrf2);
	vm2 =	vmmov vm8  }
0x75: {  	v8 =	vadd.s32 $0x1000, v4;
	v15 =	vmul.f32 v22, v19;
	v20 =	vmul.f32 v22, v22;
	v23 =	vld [tilespmem:s18+$0x100]  }
0x76: {  	v24 =	vsub.f32 $0.0e+00, v14;
	[tilespmem:v33+s2+$0x0] =	vst.idx.add.f32.msk vm3, v26;
	vm3 =	vmmov vm7  }
.Ltmp1:
0x77: {  	v15 =	vadd.f32 v15, v28;
	v20 =	vadd.f32 v20, v21;
	(xrf2) =	vadd.scan.msk.f32 $0xffff, v17;
	v17, _, _ =	vpop (xrf2);
	[tilespmem:v18+s2+$0x0] =	vst.idx.add.f32.msk vm4, v14;
	(pc) =	sbr.rel @p0 .LBB2_5-.Ltmp1, $4  }
0x78: {  	vm4 =	vmmov vm6;
	[tilespmem:v16+s2+$0x0] =	vst.idx.add.f32.msk vm1, v24;
	vm1 =	vmmov vm5  }
0x79: {  	v21 =	vsub.f32 $0.0e+00, v17;
	v14 =	vmul.f32 v20, v19;
	[tilespmem:v2+s2+$0x0] =	vst.idx.add.f32.msk vm6, v17;
	v19 =	vadd.s32 $0x1000, v2  }
0x7a: {  	v20 =	vld [tilespmem:s17+$0x80];
	v17 =	vadd.f32 v25, v23;
	v16 =	vmul.f32 v12, v23;
	v12, _, _ =	vpop (xrf2)  }
0x7b: {  	s15 =	sadd.s32 $0x80, s15;
	s16 =	sadd.s32 $0x20, s16;
	v18 =	vmul.f32 v22, v28;
	[tilespmem:v3+s2+$0x0] =	vst.idx.add.f32.msk vm5, v21  }
0x7c: {  	_ =	sdelay $0x2  }
0x7d: {  	v6 =	vmul.f32 v6, v20  }
0x7e: {  	(xrf2) =	vadd.scan.msk.f32 $0xffff, v11  }
0x7f: {  	v11 =	vadd.f32 v13, v20;
	v6 =	vadd.f32 v6, v9;
	_ =	sdelay $0x1  }
0x80: {  	(xrf2) =	vadd.scan.msk.f32 $0xffff, v11;
	v6 =	vadd.f32 v18, v6  }
0x81: {  	v7 =	vadd.f32 v16, v7;
	(xrf2) =	vadd.scan.msk.f32 $0xffff, v15  }
0x82: {  	v9 =	vadd.s32 $0x1000, v3;
	(xrf2) =	vadd.scan.msk.f32 $0xffff, v17;
	v6 =	vadd.f32 v6, v6  }
0x83: {  	v7 =	vadd.f32 v7, v7;
	v13 =	vadd.s32 $0x2000, v2  }
0x84: {  	[tilespmem:v5+s2+$0x0] =	vst.idx.add.f32.msk vm2, v12;
	v11 =	vsub.f32 $0.0e+00, v12;
	v12 =	vadd.s32 $0x1000, v5;
	v15, _, _ =	vpop (xrf2);
	v6 =	vadd.f32 v6, v14  }
0x85: {  	[tilespmem:v19+s2+$0x0] =	vst.idx.add.f32.msk vm4, v15;
	v14 =	vsub.f32 $0.0e+00, v15  }
0x86: {  	v7 =	vadd.f32 v7, v10;
	v10 =	vadd.s32 $0x2000, v5;
	[tilespmem:v4+s2+$0x0] =	vst.idx.add.f32.msk vm3, v11;
	v15, _, _ =	vpop (xrf2);
	(xrf2) =	vadd.scan.msk.f32 $0xffff, v6  }
0x87: {  	v6 =	vadd.s32 $0x2000, v3;
	[tilespmem:v9+s2+$0x0] =	vst.idx.add.f32.msk vm1, v14;
	v9, _, _ =	vpop (xrf2);
	v14 =	vsub.f32 $0.0e+00, v15  }
0x88: {  	v11 =	vadd.s32 $0x3000, v2;
	[tilespmem:v13+s2+$0x0] =	vst.idx.add.f32.msk vm4, v9;
	(xrf2) =	vadd.scan.msk.f32 $0xffff, v7;
	v9 =	vsub.f32 $0.0e+00, v9  }
0x89: {  	[tilespmem:v12+s2+$0x0] =	vst.idx.add.f32.msk vm2, v15;
	v7 =	vadd.s32 $0x2000, v4  }
0x8a: {  	v12, _, _ =	vpop (xrf2);
	[tilespmem:v8+s2+$0x0] =	vst.idx.add.f32.msk vm3, v14;
	v8 =	vadd.s32 $0x3000, v3  }
0x8b: {  	v13 =	vadd.s32 $0x3000, v5;
	[tilespmem:v10+s2+$0x0] =	vst.idx.add.f32.msk vm2, v12;
	v14, _, _ =	vpop (xrf2)  }
0x8c: {  	v10 =	vadd.s32 $0x3000, v4;
	[tilespmem:v6+s2+$0x0] =	vst.idx.add.f32.msk vm1, v9;
	v6 =	vsub.f32 $0.0e+00, v12;
	v9, _, _ =	vpop (xrf2)  }
0x8d: {  	v5 =	vadd.s32 $0x4000, v5;
	[tilespmem:v11+s2+$0x0] =	vst.idx.add.f32.msk vm4, v9;
	v9 =	vsub.f32 $0.0e+00, v9  }
0x8e: {  	v4 =	vadd.s32 $0x4000, v4;
	[tilespmem:v7+s2+$0x0] =	vst.idx.add.f32.msk vm3, v6  }
0x8f: {  	v2 =	vadd.s32 $0x4000, v2;
	v6 =	vsub.f32 $0.0e+00, v14;
	[tilespmem:v8+s2+$0x0] =	vst.idx.add.f32.msk vm1, v9  }
0x90: {  	v3 =	vadd.s32 $0x4000, v3;
	[tilespmem:v13+s2+$0x0] =	vst.idx.add.f32.msk vm2, v14;
	v7, _, _ =	vpop (xrf2)  }
0x91: {  	p0 =	seq.s32 s31, $0x3;
	[tilespmem:v10+s2+$0x0] =	vst.idx.add.f32.msk vm3, v6;
	v8 =	vsub.f32 $0.0e+00, v7  }
0x92: {  	s0 =	sadd.s32 @!p0 $0x2, s0;
	[tilespmem:v5+s2+$0x0] =	vst.idx.add.f32.msk vm2, v7;
	v5, _, _ =	vpop (xrf2)  }
0x93: {  	s1 =	sshll.u32 @!p0 s0, $0xA;
	s0 =	sshll.u32 @!p0 s0, $0xB;
	[tilespmem:v4+s2+$0x0] =	vst.idx.add.f32.msk vm3, v8;
	v4 =	vsub.f32 $0.0e+00, v5  }
0x94: {  	s9 =	simm.s32 @!p0 $0x0;
	s0 =	sadd.s32 @!p0 s7, s0;
	[tilespmem:v2+s2+$0x0] =	vst.idx.add.f32.msk vm4, v5  }
0x95: {  	s10 =	simm.s32 @!p0 $0x5000;
	s1 =	sadd.s32 @!p0 s1, s8;
	s0 =	sshrl.u32 @!p0 s0, $0x3;
	[tilespmem:v3+s2+$0x0] =	vst.idx.add.f32.msk vm1, v4  }
0x96: {  	[tilespmem:s10], [sflag:$0x1] =	stream.linear.gather @!p0 [hbm4b:s1+s9], $0x2000, $0x38;
	[tilespmem:$0xD000] =	vst v63  }
0x97: {  	s1 =	sadd.s32 @!p0 s3, s0;
	s10 =	simm.s32 @!p0 $0x9000  }
0x98: {  	[tilespmem:s10], [sflag:$0x1] =	stream.linear.gather @!p0 [hbm4b:s1+s9], $0x800, $0x38;
	[tilespmem:$0xD000] =	vst v63  }
0x99: {  	s1 =	sadd.s32 @!p0 s4, s0;
	s10 =	simm.s32 @!p0 $0x9800  }
0x9a: {  	[tilespmem:s10], [sflag:$0x1] =	stream.linear.gather @!p0 [hbm4b:s1+s9], $0x800, $0x38;
	[tilespmem:$0xD000] =	vst v63  }
0x9b: {  	s1 =	sadd.s32 @!p0 s5, s0;
	s10 =	simm.s32 @!p0 $0xA000  }
0x9c: {  	[tilespmem:s10], [sflag:$0x1] =	stream.linear.gather @!p0 [hbm4b:s1+s9], $0x800, $0x38;
	[tilespmem:$0xD000] =	vst v63  }
0x9d: {  	s0 =	sadd.s32 @!p0 s6, s0;
	s1 =	simm.s32 @!p0 $0xC000  }
0x9e: {  	[tilespmem:s1], [sflag:$0x1] =	stream.linear.gather @!p0 [hbm4b:s0+s9], $0x800, $0x38;
	[tilespmem:$0xD000] =	vst v63  }
0x9f: {  	_ =	swait.ge [sflag:s26], $0x2000  }
0xa0: {  	[sflag:s26] =	ssyncset.done $0x0  }
0xa1: {  	[sflag:s26] =	ssyncadd.s32 $0xFFFFE000  }
0xa2: {  	_ =	swait.ge [sflag:s26], $0x800  }
0xa3: {  	[sflag:s26] =	ssyncset.done $0x0  }
0xa4: {  	[sflag:s26] =	ssyncadd.s32 $0xFFFFF800  }
0xa5: {  	_ =	swait.ge [sflag:s26], $0x800  }
0xa6: {  	[sflag:s26] =	ssyncset.done $0x0  }
0xa7: {  	[sflag:s26] =	ssyncadd.s32 $0xFFFFF800  }
0xa8: {  	_ =	swait.ge [sflag:s26], $0x800  }
0xa9: {  	[sflag:s26] =	ssyncset.done $0x0  }
0xaa: {  	[sflag:s26] =	ssyncadd.s32 $0xFFFFF800  }
0xab: {  	_ =	swait.ge [sflag:s26], $0x800  }
0xac: {  	s11 =	simm.s32 $0x0;
	s15 =	simm.s32 $0x10;
	[sflag:s26] =	ssyncset.done $0x0  }
0xad: {  	s16 =	simm.s32 $0x0;
	s0 =	sand.u32 $0x1E00, s11;
	[sflag:s26] =	ssyncadd.s32 $0xFFFFF800  }
0xae: {  	s17 =	sand.u32 $0x70, s15;
	s0 =	sadd.s32 $0x5000, s0;
	v2 =	vld [tilespmem:s16+$0xC810]  }
0xaf: {  	s10 =	sor.u32 s17, s0;
	v8 =	vld [tilespmem:s16+$0xA810]  }
0xb0: {  	v10 =	vld [tilespmem:s10+$0x2080]  }
0xb1: {  	v11 =	vld [tilespmem:s10+$0x2180]  }
0xb2: {  	v3 =	vor.u32 s15, v1;
	v16 =	vld [tilespmem:s16+$0xB810]  }
0xb3: {  	s18 =	simm.s32 $0x0;
	v7 =	vld [tilespmem:s16+$0xB010]  }
0xb4: {  	s11 =	sand.u32 $0x60, s18;
	v12 =	vld [tilespmem:s16+$0xA800]  }
0xb5: {  	s0 =	sor.u32 s11, s0;
	v14 =	vld [tilespmem:s10+$0x2000]  }
0xb6: {  	v13 =	vld [tilespmem:s0+$0x2180]  }
0xb7: {  	v4 =	vor.u32 s18, v1;
	v3 =	vld.idx.msk [tilespmem:v3+s24+$0x0], $0xffff  }
0xb8: {  	v17 =	vld [tilespmem:s0+$0x2000]  }
0xb9: {  	v6 =	vld [tilespmem:s16+$0xB000];
	v15 =	vmul.f32 v8, v11;
	v18 =	vmul.f32 v7, v10  }
0xba: {  	v5 =	vld [tilespmem:s16+$0xC800];
	(xrf2) =	vadd.scan.msk.f32 $0xffff, v14;
	v20 =	vmul.f32 v8, v8;
	v21 =	vmul.f32 v7, v7  }
0xbb: {  	v23 =	vld [tilespmem:s16+$0xB800];
	v19 =	vmul.f32 v12, v12;
	v9 =	vmul.f32 v12, v13  }
0xbc: {  	v4 =	vld.idx.msk [tilespmem:v4+s24+$0x0], $0xffff;
	v8 =	vmul.f32 v8, v14;
	v20 =	vadd.f32 v21, v20;
	v21 =	vmul.f32 v7, v14  }
0xbd: {  	vm5 =	vne.s32 v2, v3;
	v7 =	vadd.f32 v18, v15;
	v15 =	vmul.f32 v12, v17  }
0xbe: {  	(xrf2) =	vadd.scan.msk.f32 $0xffff, v17;
	v8 =	vadd.f32 v8, v11;
	v12 =	vadd.f32 v21, v10;
	v10 =	vmul.f32 v6, v6  }
0xbf: {  	v22 =	vmul.f32 v16, v16;
	vm4 =	vmor vm5, vm0  }
0xc0: {  	v21 =	vadd.f32 v15, v13;
	(xrf2) =	vadd.scan.msk.f32 $0xffff, v8;
	v15 =	vadd.f32 v10, v19;
	v19 =	vmul.f32 v23, v23  }
0xc1: {  	vm2 =	vne.s32 v5, v4;
	v18 =	vld [tilespmem:s0+$0x2100]  }
0xc2: {  	vm1 =	vmor vm2, vm0;
	v11 =	vadd.f32 v22, v20;
	v22 =	vld [tilespmem:s10+$0x2100]  }
0xc3: {  	v24 =	vmul.f32 v16, v14;
	vm1 =	vmmov vm1  }
0xc4: {  	v10 =	vmul.f32 v11, v14;
	v11 =	vmul.f32 v23, v17;
	v14 =	vadd.f32 v19, v15;
	v19, _, _ =	vpop (xrf2);
	(xrf2) =	vadd.scan.msk.f32 $0xffff, v21  }
0xc5: {  	vm3 =	vmmov vm2;
	vm2 =	vmmov vm5;
	[tilespmem:v2+s2+$0x0] =	vst.idx.add.f32.msk vm4, v19;
	vm4 =	vmmov vm4  }
0xc6: {  	v13 =	vmul.f32 v6, v17;
	v25 =	vsub.f32 $0.0e+00, v19;
	v19 =	vadd.s32 $0x1000, v2  }
0xc7: {  	v20 =	vld [tilespmem:s0+$0x2080];
	v15 =	vadd.f32 v11, v18;
	v18 =	vmul.f32 v23, v18;
	v16 =	vmul.f32 v16, v22  }
0xc8: {  	s15 =	simm.s32 $0x30;
	s1 =	simm.s32 $0x80;
	v8 =	vadd.s32 $0x1000, v4;
	s0 =	simm.s32 $0x0;
	v14 =	vmul.f32 v14, v17;
	v17 =	vadd.f32 v24, v22;
	v11, _, _ =	vpop (xrf2);
	[tilespmem:v3+s2+$0x0] =	vst.idx.add.f32.msk vm5, v25  }
.LBB2_7:
0xc9: {  	s10 =	sand.u32 $0x1E00, s1;
	s9 =	sshra.s32 s1, $0x2;
	v21 =	vor.u32 s15, v1;
	s0 =	sadd.s32 $0x2, s0;
	[tilespmem:v5+s2+$0x0] =	vst.idx.add.f32.msk vm1, v11  }
0xca: {  	s11 =	sadd.s32 $0xFFFFFFF0, s15;
	s16 =	sand.u32 $0x70, s15;
	s10 =	sadd.s32 $0x5000, s10;
	v22 =	vld [tilespmem:s9+$0xC810];
	v23, _, _ =	vpop (xrf2)  }
0xcb: {  	s18 =	sand.u32 $0x60, s11;
	p0 =	slt.u32 s0, $0x7E;
	s17 =	sor.u32 s16, s10;
	[tilespmem:v19+s2+$0x0] =	vst.idx.add.f32.msk vm4, v23  }
0xcc: {  	s16 =	sor.u32 s18, s10;
	v19 =	vld [tilespmem:s9+$0xC800];
	v13 =	vadd.f32 v13, v20;
	(xrf2) =	vadd.scan.msk.f32 $0xffff, v12  }
0xcd: {  	v12 =	vadd.s32 $0x1000, v3;
	v24 =	vld [tilespmem:s9+$0xB000]  }
0xce: {  	v11 =	vsub.f32 $0.0e+00, v11;
	v25 =	vor.u32 s11, v1;
	v6 =	vmul.f32 v6, v20;
	v26 =	vld [tilespmem:s9+$0xA810];
	v20, _, _ =	vpop (xrf2)  }
0xcf: {  	v27 =	vld [tilespmem:s17+$0x2080];
	(xrf2) =	vadd.scan.msk.f32 $0xffff, v13  }
0xd0: {  	v28 =	vadd.f32 v6, v9;
	v9 =	vsub.f32 $0.0e+00, v23;
	[tilespmem:v4+s2+$0x0] =	vst.idx.add.f32.msk vm3, v11  }
0xd1: {  	v13 =	vld [tilespmem:s17+$0x2180]  }
0xd2: {  	v18 =	vadd.f32 v18, v28;
	[tilespmem:v12+s2+$0x0] =	vst.idx.add.f32.msk vm2, v9;
	(xrf2) =	vadd.scan.msk.f32 $0xffff, v15;
	v6 =	vmov v24  }
0xd3: {  	v11 =	vld [tilespmem:s9+$0xB810]  }
0xd4: {  	v9 =	vadd.f32 v18, v18;
	v15 =	vld [tilespmem:s16+$0x2180]  }
0xd5: {  	v12 =	vld [tilespmem:s9+$0xB010];
	(xrf2) =	vadd.scan.msk.f32 $0xffff, v17  }
0xd6: {  	v18 =	vadd.s32 $0x4000, v2;
	v9 =	vadd.f32 v9, v14;
	v14 =	vadd.s32 $0x4000, v5;
	v17 =	vld [tilespmem:s9+$0xA800];
	v23, _, _ =	vpop (xrf2)  }
0xd7: {  	v29 =	vadd.s32 $0x3000, v5;
	v7 =	vadd.f32 v16, v7;
	v16 =	vadd.s32 $0x2000, v2;
	v28 =	vld [tilespmem:s16+$0x2100]  }
0xd8: {  	v30 =	vadd.s32 $0x1000, v5;
	v31 =	vadd.s32 $0x2000, v5;
	v32 =	vadd.s32 $0x3000, v2;
	v2 =	vmovc v22;
	v25 =	vld.idx.msk [tilespmem:v25+s24+$0x0], $0xffff;
	(xrf2) =	vadd.scan.msk.f32 $0xffff, v9  }
0xd9: {  	v33 =	vadd.s32 $0x4000, v4;
	v7 =	vadd.f32 v7, v7;
	v22 =	vadd.s32 $0x2000, v4;
	v21 =	vld.idx.msk [tilespmem:v21+s24+$0x0], $0xffff;
	v34, _, _ =	vpop (xrf2)  }
0xda: {  	v38 =	vadd.s32 $0x2000, v3;
	v5 =	vmovc v19;
	v36 =	vmul.f32 v26, v13;
	v35 =	vld [tilespmem:s17+$0x2000];
	v37 =	vmul.f32 v12, v27  }
0xdb: {  	v7 =	vadd.f32 v7, v10;
	v40 =	vmul.f32 v26, v26;
	v19 =	vld [tilespmem:s16+$0x2000];
	v39 =	vmul.f32 v17, v17  }
0xdc: {  	v41 =	vsub.f32 $0.0e+00, v20;
	v10 =	vmul.f32 v12, v12;
	v9 =	vmul.f32 v17, v15;
	[tilespmem:v16+s2+$0x0] =	vst.idx.add.f32.msk vm4, v23;
	v16, _, _ =	vpop (xrf2)  }
0xdd: {  	v42 =	vmul.f32 v11, v11;
	[tilespmem:v30+s2+$0x0] =	vst.idx.add.f32.msk vm1, v20;
	v30 =	vsub.f32 $0.0e+00, v23;
	(xrf2) =	vadd.scan.msk.f32 $0xffff, v7  }
0xde: {  	v10 =	vadd.f32 v10, v40;
	v7 =	vadd.f32 v37, v36;
	[tilespmem:v8+s2+$0x0] =	vst.idx.add.f32.msk vm3, v41;
	v8 =	vadd.s32 $0x3000, v3  }
0xdf: {  	v23 =	vsub.f32 $0.0e+00, v34;
	vm5 =	vne.s32 v2, v21;
	v12 =	vmul.f32 v12, v35;
	[tilespmem:v38+s2+$0x0] =	vst.idx.add.f32.msk vm2, v30;
	v20, _, _ =	vpop (xrf2)  }
0xe0: {  	vm6 =	vmor vm5, vm0;
	v17 =	vmul.f32 v17, v19;
	(xrf2) =	vadd.scan.msk.f32 $0xffff, v35;
	[tilespmem:v31+s2+$0x0] =	vst.idx.add.f32.msk vm1, v34  }
0xe1: {  	v26 =	vmul.f32 v26, v35;
	v12 =	vadd.f32 v12, v27;
	v27 =	vadd.s32 $0x3000, v4;
	[tilespmem:v32+s2+$0x0] =	vst.idx.add.f32.msk vm4, v20  }
0xe2: {  	vm7 =	vne.s32 v5, v25;
	v17 =	vadd.f32 v17, v15;
	[tilespmem:v22+s2+$0x0] =	vst.idx.add.f32.msk vm3, v23;
	v15 =	vsub.f32 $0.0e+00, v20;
	v20, _, _ =	vpop (xrf2)  }
0xe3: {  	vm8 =	vmor vm7, vm0;
	v4 =	vmovc v25;
	v23 =	vadd.f32 v26, v13;
	v22 =	vld [tilespmem:s9+$0xB800];
	(xrf2) =	vadd.scan.msk.f32 $0xffff, v19;
	v26 =	vsub.f32 $0.0e+00, v20  }
0xe4: {  	v30 =	vsub.f32 $0.0e+00, v16;
	v25 =	vmul.f32 v11, v35;
	v13 =	vmul.f32 v6, v19;
	[tilespmem:v8+s2+$0x0] =	vst.idx.add.f32.msk vm2, v15  }
0xe5: {  	v10 =	vadd.f32 v42, v10;
	v8 =	vmul.f32 v24, v6;
	[tilespmem:v29+s2+$0x0] =	vst.idx.add.f32.msk vm1, v16;
	v16 =	vadd.s32 $0x4000, v3  }
0xe6: {  	v3 =	vmov v21;
	(xrf2) =	vadd.scan.msk.f32 $0xffff, v23;
	[tilespmem:v27+s2+$0x0] =	vst.idx.add.f32.msk vm3, v30  }
0xe7: {  	v10 =	vmul.f32 v10, v35;
	v21 =	vadd.f32 v8, v39;
	[tilespmem:v14+s2+$0x0] =	vst.idx.add.f32.msk vm1, v20;
	v14, _, _ =	vpop (xrf2);
	vm1 =	vmmov vm8  }
0xe8: {  	v8 =	vadd.s32 $0x1000, v4;
	v15 =	vmul.f32 v22, v19;
	v20 =	vmul.f32 v22, v22;
	v23 =	vld [tilespmem:s17+$0x2100]  }
0xe9: {  	v24 =	vsub.f32 $0.0e+00, v14;
	[tilespmem:v33+s2+$0x0] =	vst.idx.add.f32.msk vm3, v26;
	vm3 =	vmmov vm7  }
.Ltmp2:
0xea: {  	v15 =	vadd.f32 v15, v28;
	v20 =	vadd.f32 v20, v21;
	(xrf2) =	vadd.scan.msk.f32 $0xffff, v17;
	v17, _, _ =	vpop (xrf2);
	[tilespmem:v18+s2+$0x0] =	vst.idx.add.f32.msk vm4, v14;
	(pc) =	sbr.rel @p0 .LBB2_7-.Ltmp2, $4  }
0xeb: {  	vm4 =	vmmov vm6;
	[tilespmem:v16+s2+$0x0] =	vst.idx.add.f32.msk vm2, v24;
	vm2 =	vmmov vm5  }
0xec: {  	v21 =	vsub.f32 $0.0e+00, v17;
	v14 =	vmul.f32 v20, v19;
	[tilespmem:v2+s2+$0x0] =	vst.idx.add.f32.msk vm6, v17;
	v19 =	vadd.s32 $0x1000, v2  }
0xed: {  	v20 =	vld [tilespmem:s16+$0x2080];
	v17 =	vadd.f32 v25, v23;
	v16 =	vmul.f32 v11, v23;
	v11, _, _ =	vpop (xrf2)  }
0xee: {  	s1 =	sadd.s32 $0x80, s1;
	s15 =	sadd.s32 $0x20, s15;
	v18 =	vmul.f32 v22, v28;
	[tilespmem:v3+s2+$0x0] =	vst.idx.add.f32.msk vm5, v21  }
0xef: {  	_ =	sdelay $0x2  }
0xf0: {  	v6 =	vmul.f32 v6, v20  }
0xf1: {  	(xrf2) =	vadd.scan.msk.f32 $0xffff, v12;
	v36 =	vadd.f32 v13, v20  }
0xf2: {  	v6 =	vadd.f32 v6, v9  }
0xf3: {  	(xrf2) =	vadd.scan.msk.f32 $0xffff, v36  }
0xf4: {  	(xrf2) =	vadd.scan.msk.f32 $0xffff, v15;
	v6 =	vadd.f32 v18, v6  }
0xf5: {  	v37 =	vadd.s32 $0x1000, v3;
	v7 =	vadd.f32 v16, v7;
	(xrf2) =	vadd.scan.msk.f32 $0xffff, v17  }
0xf6: {  	v41 =	vadd.s32 $0x1000, v5;
	v6 =	vadd.f32 v6, v6  }
0xf7: {  	v38 =	vsub.f32 $0.0e+00, v11;
	[tilespmem:v5+s2+$0x0] =	vst.idx.add.f32.msk vm1, v11;
	v40, _, _ =	vpop (xrf2);
	v7 =	vadd.f32 v7, v7  }
0xf8: {  	v39 =	vadd.s32 $0x2000, v2;
	[tilespmem:v19+s2+$0x0] =	vst.idx.add.f32.msk vm4, v40;
	v42 =	vsub.f32 $0.0e+00, v40;
	v6 =	vadd.f32 v6, v14  }
0xf9: {  	v44 =	vadd.s32 $0x2000, v3;
	[tilespmem:v4+s2+$0x0] =	vst.idx.add.f32.msk vm3, v38;
	v7 =	vadd.f32 v7, v10;
	v43, _, _ =	vpop (xrf2)  }
0xfa: {  	v46 =	vadd.s32 $0x2000, v5;
	[tilespmem:v37+s2+$0x0] =	vst.idx.add.f32.msk vm2, v42;
	v48 =	vsub.f32 $0.0e+00, v43;
	(xrf2) =	vadd.scan.msk.f32 $0xffff, v6  }
0xfb: {  	v47 =	vadd.s32 $0x3000, v2;
	[tilespmem:v41+s2+$0x0] =	vst.idx.add.f32.msk vm1, v43;
	v45, _, _ =	vpop (xrf2);
	(xrf2) =	vadd.scan.msk.f32 $0xffff, v7  }
0xfc: {  	v49 =	vadd.s32 $0x2000, v4;
	[tilespmem:v8+s2+$0x0] =	vst.idx.add.f32.msk vm3, v48;
	v9 =	vsub.f32 $0.0e+00, v45  }
0xfd: {  	v52 =	vadd.s32 $0x3000, v5;
	[tilespmem:v39+s2+$0x0] =	vst.idx.add.f32.msk vm4, v45;
	v50, _, _ =	vpop (xrf2)  }
0xfe: {  	v51 =	vadd.s32 $0x3000, v3;
	[tilespmem:v44+s2+$0x0] =	vst.idx.add.f32.msk vm2, v9;
	v53, _, _ =	vpop (xrf2)  }
0xff: {  	v56 =	vadd.s32 $0x3000, v4;
	v54 =	vsub.f32 $0.0e+00, v50;
	[tilespmem:v46+s2+$0x0] =	vst.idx.add.f32.msk vm1, v50;
	v55, _, _ =	vpop (xrf2)  }
0x100: {  	v57 =	vadd.s32 $0x4000, v5;
	[tilespmem:v47+s2+$0x0] =	vst.idx.add.f32.msk vm4, v55  }
0x101: {  	v2 =	vadd.s32 $0x4000, v2;
	v9 =	vsub.f32 $0.0e+00, v55;
	[tilespmem:v49+s2+$0x0] =	vst.idx.add.f32.msk vm3, v54  }
0x102: {  	v58 =	vadd.s32 $0x4000, v4;
	s31 =	sadd.s32 $0x1, s31;
	v59 =	vsub.f32 $0.0e+00, v53;
	[tilespmem:v52+s2+$0x0] =	vst.idx.add.f32.msk vm1, v53  }
0x103: {  	v3 =	vadd.s32 $0x4000, v3;
	p0 =	sne.s32 s31, $0x4;
	[tilespmem:v51+s2+$0x0] =	vst.idx.add.f32.msk vm2, v9  }
.Ltmp3:
0x104: {  	[tilespmem:v56+s2+$0x0] =	vst.idx.add.f32.msk vm3, v59;
	v60, _, _ =	vpop (xrf2);
	(pc) =	sbr.rel @p0 .LBB2_4-.Ltmp3, $4  }
0x105: {  	v61 =	vsub.f32 $0.0e+00, v60;
	[tilespmem:v57+s2+$0x0] =	vst.idx.add.f32.msk vm1, v60;
	v62, _, _ =	vpop (xrf2)  }
0x106: {  	v63 =	vsub.f32 $0.0e+00, v62;
	[tilespmem:v2+s2+$0x0] =	vst.idx.add.f32.msk vm4, v62  }
0x107: {  	[tilespmem:v58+s2+$0x0] =	vst.idx.add.f32.msk vm3, v61  }
0x108: {  	[tilespmem:v3+s2+$0x0] =	vst.idx.add.f32.msk vm2, v63  }
0x109: {  	s29 =	sadd.s32 $0x1, s29  }
0x10a: {  	p0 =	sne.s32 s29, s14  }
.Ltmp4:
0x10b: {  	_ = 	snop;
	(pc) =	sbr.rel @p0 .LBB2_1-.Ltmp4, $4  }
0x10c: {  	[hbm4b:s13+s2] =	stream.linear.scatter [tilespmem:s2], [sflag:$0x3], $0x5000, $0x38;
	[tilespmem:$0xD000] =	vst v63  }
0x10d: {  	_ =	swait.ge [sflag:s28], $0x5000  }
0x10e: {  	[sflag:s28] =	ssyncset.done $0x0  }
0x10f: {  	[sflag:s28] =	ssyncadd.s32 $0xFFFFB000  }
0x110: {  	_ =	sfence.sel $0x180000  }
0x111: {  	[bflag:$0x0] =	sbarrier.arrive $0xFFFF  }
0x112: {  	_ =	strace $0x9000004D  }
0x113: {  	s0 =	stileid.u32;
	[bflag:$0x2] =	sbarrier.arrive $0xFFFF  }
0x114: {  	p0 =	sne.s32 s0, $0x0;
	s0 =	rddreg [dreg:$0x1]  }
0x115: {  	s0 =	sadd.s32 @!p0 $0x100000, s0  }
0x116: {  	[sflag:s0] =	ssyncadd.tile.s32 @!p0 $0x1;
	_ =	shalt  }
.Lfunc_end2:
_tile_overlayer_lowered:
.L_overlay_start_2:
0x117: {  	(tag) =	ssettag $0x2  }
0x118: {  	s0 =	rddreg [dreg:$0x0];
	s2 =	stileid.u32  }
0x119: {  	s1 =	rddreg [dreg:$0x1];
	p0 =	sne.s32 s2, $0x0  }
0x11a: {  	s3 =	rddreg [dreg:$0x2];
	[bflag:$0x3] =	sbarrier.arrive $0xFFFF;
	s2 =	simm.s32 @!p0 $0x1C03  }
0x11b: {  	[timem:s3], [sflag:s2] =	dma.local @!p0 [hbm:s0], s1  }
0x11c: {  	s0 =	simm.s32 @!p0 $0x3  }
0x11d: {  	_ =	swait.ge @!p0 [sflag:s0], s1  }
0x11e: {  	s1 =	ssub.s32 @!p0 $0x0, s1;
	[sflag:s0] =	ssyncset.done @!p0 $0x0  }
0x11f: {  	[sflag:s0] =	ssyncadd.s32 @!p0 s1  }
0x120: {  	[bflag:$0x3] =	sbarrier.arrive $0xFFFF  }
0x121: {  	_ =	shalt  }

// kernel: kernel.16.cloned.1.call-start
scs
__scs_entry_jumppad:
0x0: {  	(pc) =	sbr.rel $0x88, $3  }
0x1: {  	(tag) =	ssettag $0x0;
	lr =	simm.s32 $0x1  }
0x2: {  	[smem:$0x3F9D] =	sst lr;
	_ =	strace $0xD0000000  }
0x3: {  	_ = 	snop  }
0x4: {  	_ = 	snop  }
0x5: {  	_ = 	snop  }
0x6: {  	_ = 	snop  }
0x7: {  	_ = 	snop  }
__scs_overlays_trampoline_lowered:
0x8: {  	[smem:$0x3FAC] =	sst s0  }
0x9: {  	[smem:$0x3FAD] =	sst s1  }
0xa: {  	[smem:$0x3FAE] =	sst s2  }
0xb: {  	[smem:$0x3FAF] =	sst s3  }
0xc: {  	[smem:$0x3FB0] =	sst s4  }
0xd: {  	[smem:$0x3FB1] =	sst s5  }
0xe: {  	[smem:$0x3FB2] =	sst s6  }
0xf: {  	[smem:$0x3FB3] =	sst s7  }
0x10: {  	[smem:$0x3FB4] =	sst s8  }
0x11: {  	[smem:$0x3FB5] =	sst s9;
	s0 =	simm.s32 @!p0 $0x0  }
0x12: {  	s1 =	sld [smem:$0x3F9B];
	s0 =	simm.s32 @p0 $0x1  }
0x13: {  	[smem:$0x3FB6] =	sst s0;
	s0 =	simm.s32 @!p1 $0x0  }
0x14: {  	s2 =	sld [smem:$0x3F9A];
	s0 =	simm.s32 @p1 $0x1  }
0x15: {  	[smem:$0x3FB7] =	sst s0;
	s0 =	simm.s32 @!p2 $0x0  }
0x16: {  	s3 =	sld [smem:$0x3FDB];
	s0 =	simm.s32 @p2 $0x1  }
0x17: {  	s4 =	simm.s32 $0x1BF5;
	[smem:$0x3FB9] =	sst s0  }
0x18: {  	s0 =	sld [smem:$0x3F9C];
	_ =	swait.ge [sflag:s4], $0x0  }
0x19: {  	s7 =	sld [smem:$0x3F9D]  }
0x1a: {  	s8 =	sadd.s32 $0xFFFFE003, lr  }
0x1b: {  	s9 =	sadd.s32 $0xFFFFFEF7, lr;
	s5 =	simm.s32 $0xFFFFFFFF;
	p2 =	slt.u32 s8, $0xFFFFF086  }
0x1c: {  	p1 =	slt.u32 s9, $0xF7A;
	s5 =	simm.s32 @!p2 $0x0  }
0x1d: {  	s5 =	simm.s32 @p1 $0x1;
	p0 =	seq.s32 s7, s2  }
0x1e: {  	s7 =	smul.u32 @!p0 $0xF7A, s2;
	p2 =	seq.s32 @!p0 s5, $0x0  }
0x1f: {  	s9 =	smul.u32 $0xF7A, s1;
	s8 =	simm.s32 @!p0 $0x1BF5;
	p2 =	por !p2, p0  }
0x20: {  	[sflag:s8] =	ssyncset.s32 @!p0 $0xFFFFF086;
	s6 =	sadd.s32 @!p0 s3, s7;
	s7 =	simm.s32 @!p0 $0x108  }
0x21: {  	s3 =	sadd.s32 s3, s9;
	s6 =	sadd.s32 @!p0 $0x88, s6;
	s7 =	simm.s32 @p2 $0x1082  }
0x22: {  	[simem:s7], [sflag:s8] =	dma.local @!p0 [hbm:s6], $0xF7A  }
0x23: {  	s9 =	sor.u32 $0xD0000000, s2;
	s6 =	simm.s32 $0x108;
	_ =	swait.ge @!p0 [sflag:s8], $0x0  }
0x24: {  	s3 =	sadd.s32 $0x88, s3;
	s6 =	simm.s32 @!p1 $0x1082;
	[sflag:s4] =	ssyncset.s32 $0xFFFFF086  }
0x25: {  	[simem:s6], [sflag:s4] =	dma.local [hbm:s3], $0xF7A  }
0x26: {  	[smem:$0x3F9D] =	sst s1;
	(tag) =	ssettag s2;
	_ =	strace s9  }
0x27: {  	s1 =	sld [smem:$0x3FAD]  }
0x28: {  	s2 =	sld [smem:$0x3FAE]  }
0x29: {  	s4 =	sld [smem:$0x3FB0]  }
0x2a: {  	p0 =	seq.s32 s5, $0x0;
	s5 =	sld [smem:$0x3FB1]  }
0x2b: {  	s6 =	sld [smem:$0x3FB2]  }
0x2c: {  	s7 =	sld [smem:$0x3FB3]  }
0x2d: {  	s3 =	simm.s32 $0x108;
	s8 =	sld [smem:$0x3FB4]  }
0x2e: {  	s3 =	simm.s32 @!p0 $0x1082;
	s9 =	sld [smem:$0x3FB5]  }
0x2f: {  	lr =	sadd.s32 s0, s3;
	s0 =	sld [smem:$0x3FAC]  }
0x30: {  	s3 =	sld [smem:$0x3FAF]  }
0x31: {  	[smem:$0x3FB8] =	sst s10  }
0x32: {  	s10 =	sld [smem:$0x3FB6];
	_ =	sdelay $0x3  }
0x33: {  	p0 =	seq.s32 s10, $0x1;
	s10 =	sld [smem:$0x3FB8];
	_ =	sdelay $0x3  }
0x34: {  	[smem:$0x3FB8] =	sst s10  }
0x35: {  	s10 =	sld [smem:$0x3FB7];
	_ =	sdelay $0x3  }
0x36: {  	p1 =	seq.s32 s10, $0x1;
	s10 =	sld [smem:$0x3FB8];
	_ =	sdelay $0x3  }
0x37: {  	[smem:$0x3FB8] =	sst s10  }
0x38: {  	s10 =	sld [smem:$0x3FB9]  }
0x39: {  	_ = 	snop;
	(pc) =	sbr.ind lr, $3  }
0x3a: {  	_ = 	snop  }
0x3b: {  	_ = 	snop  }
0x3c: {  	p2 =	seq.s32 s10, $0x1;
	s10 =	sld [smem:$0x3FB8]  }
0x3d: {  	_ =	shalt  }
0x3e: {  	_ =	shalt  }
0x3f: {  	_ =	shalt  }
0x40: {  	_ =	shalt  }
0x41: {  	_ =	shalt  }
0x42: {  	_ =	shalt  }
0x43: {  	_ =	shalt  }
0x44: {  	_ =	shalt  }
0x45: {  	_ =	shalt  }
0x46: {  	_ =	shalt  }
0x47: {  	_ =	shalt  }
0x48: {  	_ =	shalt  }
0x49: {  	_ =	shalt  }
0x4a: {  	_ =	shalt  }
0x4b: {  	_ =	shalt  }
0x4c: {  	_ =	shalt  }
0x4d: {  	_ =	shalt  }
0x4e: {  	_ =	shalt  }
0x4f: {  	_ =	shalt  }
0x50: {  	_ =	shalt  }
0x51: {  	_ =	shalt  }
0x52: {  	_ =	shalt  }
0x53: {  	_ =	shalt  }
0x54: {  	_ =	shalt  }
0x55: {  	_ =	shalt  }
0x56: {  	_ =	shalt  }
0x57: {  	_ =	shalt  }
0x58: {  	_ =	shalt  }
0x59: {  	_ =	shalt  }
0x5a: {  	_ =	shalt  }
0x5b: {  	_ =	shalt  }
0x5c: {  	_ =	shalt  }
0x5d: {  	_ =	shalt  }
0x5e: {  	_ =	shalt  }
0x5f: {  	_ =	shalt  }
0x60: {  	_ =	shalt  }
0x61: {  	_ =	shalt  }
0x62: {  	_ =	shalt  }
0x63: {  	_ =	shalt  }
0x64: {  	_ =	shalt  }
0x65: {  	_ =	shalt  }
0x66: {  	_ =	shalt  }
0x67: {  	_ =	shalt  }
0x68: {  	_ =	shalt  }
0x69: {  	_ =	shalt  }
0x6a: {  	_ =	shalt  }
0x6b: {  	_ =	shalt  }
0x6c: {  	_ =	shalt  }
0x6d: {  	_ =	shalt  }
0x6e: {  	_ =	shalt  }
0x6f: {  	_ =	shalt  }
0x70: {  	_ =	shalt  }
0x71: {  	_ =	shalt  }
0x72: {  	_ =	shalt  }
0x73: {  	_ =	shalt  }
0x74: {  	_ =	shalt  }
0x75: {  	_ =	shalt  }
0x76: {  	_ =	shalt  }
0x77: {  	_ =	shalt  }
0x78: {  	_ =	shalt  }
0x79: {  	_ =	shalt  }
0x7a: {  	_ =	shalt  }
0x7b: {  	_ =	shalt  }
0x7c: {  	_ =	shalt  }
0x7d: {  	_ =	shalt  }
0x7e: {  	_ =	shalt  }
0x7f: {  	_ =	shalt  }
0x80: {  	_ =	shalt  }
0x81: {  	_ =	shalt  }
0x82: {  	_ =	shalt  }
0x83: {  	_ =	shalt  }
0x84: {  	_ =	shalt  }
0x85: {  	_ =	shalt  }
0x86: {  	_ =	shalt  }
0x87: {  	_ =	shalt  }
.Lfunc_end0:
.L_simem_size_0:
called_computation.3_lowered:
.L_overlay_start_0:
0x88: {  	s2 =	sld [smem:$0x3FD9]  }
0x89: {  	s3 =	sld [smem:$0x3FFE];
	_ =	sdelay $0x1  }
0x8a: {  	s1 =	srdreg.scid  }
0x8b: {  	s0 =	sand.u32 $0x1, s1  }
0x8c: {  	s17 =	sshll.u32 s0, $0xA;
	s2 =	sadd.s32 s3, s2  }
0x8d: {  	s2 =	sadd.s32 s2, s17  }
0x8e: {  	[smem:$0x3FC4] =	sst s2  }
0x8f: {  	_ = 	snop  }
0x90: {  	(tm) =	ssettm $0x1  }
0x91: {  	s18 =	sld [smem:$0x3FFB];
	_ =	sdelay $0x3  }
0x92: {  	_ =	strace s18  }
0x93: {  	s2 =	sld [smem:$0x3FFC];
	_ =	sdelay $0x3  }
0x94: {  	_ =	strace s2  }
0x95: {  	s2 =	sld [smem:$0x3FFD];
	_ =	sdelay $0x3  }
0x96: {  	_ =	strace s2  }
0x97: {  	_ =	strace $0x8FFFFFFF  }
0x98: {  	s19 =	sld [smem:$0x3FDB];
	_ =	sdelay $0x1  }
0x99: {  	s20 =	simm.s32 $_scs_section_size  }
0x9a: {  	s4 =	simm.s32 $_size__tile_overlayer_lowered;
	s5 =	simm.s32 $_tile_overlayer_lowered  }
0x9b: {  	s6 =	simm.s32 $0x1BFF;
	s21 =	sshll.u32 s5, $0x1;
	s3 =	sadd.s32 s20, s19  }
0x9c: {  	s22 =	simm.s32 $0x0;
	s4 =	sshll.u32 s4, $0x1;
	s5 =	sadd.s32 s21, s3  }
0x9d: {  	[timem:s22], [sflag:s6] =	dma.local [hbm:s5], s4  }
0x9e: {  	_ =	swait.ge [sflag:s6], s4  }
0x9f: {  	s4 =	ssub.s32 $0x0, s4;
	[sflag:s6] =	ssyncset.done $0x0  }
0xa0: {  	[sflag:s6] =	ssyncadd.s32 s4;
	_ =	sdelay $0x1  }
0xa1: {  	s23 =	simm.s32 $0x1B8B  }
0xa2: {  	_ =	swait.ge [sflag:s23], $0x1  }
0xa3: {  	[sflag:s23] =	ssyncset.done $0x0  }
0xa4: {  	[sflag:s23] =	ssyncadd.s32 $0xFFFFFFFF  }
0xa5: {  	s4 =	sld [smem:$0x0]  }
0xa6: {  	s5 =	sand.u32 $0xFFFFFFFE, s1  }
0xa7: {  	p0 =	sne.s32 s1, s5  }
0xa8: {  	s5 =	sshll.u32 @p0 s5, $0xE  }
0xa9: {  	s5 =	sadd.s32 @p0 $0x11B8D, s5;
	s6 =	sshll.u32 @p0 s4, $0x11  }
0xaa: {  	s5 =	sor.u32 @p0 s6, s5  }
0xab: {  	[sflag:s5] =	ssyncadd.remote.s32 @p0 $0x1;
	_ =	sdelay $0x1  }
0xac: {  	s5 =	simm.s32 @p0 $0x1B8D  }
0xad: {  	_ =	swait.eq @p0 [sflag:s5], $0x1  }
0xae: {  	[sflag:s5] =	ssyncadd.s32 @p0 $0xFFFFFFFF  }
0xaf: {  	s6 =	sshll.u32 @!p0 s1, $0xE  }
0xb0: {  	s6 =	sor.u32 @!p0 $0x4000, s6;
	s5 =	simm.s32 @!p0 $0x1B8D  }
0xb1: {  	s4 =	sshll.u32 @!p0 s4, $0x11;
	s6 =	sadd.s32 @!p0 $0x11B8D, s6;
	_ =	swait.eq @!p0 [sflag:s5], $0x1  }
0xb2: {  	s4 =	sor.u32 @!p0 s4, s6;
	[sflag:s5] =	ssyncadd.s32 @!p0 $0xFFFFFFFF  }
0xb3: {  	s25 =	simm.s32 $0x1B8E;
	s24 =	sld [smem:$0x3FFE];
	[sflag:s4] =	ssyncadd.remote.s32 @!p0 $0x1  }
0xb4: {  	s26 =	simm.s32 $execute0_lowered;
	[smem:$0x3FD2] =	sst s25  }
0xb5: {  	s5 =	sshll.u32 s26, $0x1;
	_ =	strace $0x8000004F;
	[dreg:$0x1] =	wrdreg $0xFFFFFFFF  }
0xb6: {  	s28 =	simm.s32 $_size_execute0_lowered;
	s3 =	sadd.s32 s3, s5;
	[dreg:$0x0] =	wrdreg $0x0  }
0xb7: {  	s5 =	sshll.u32 s28, $0x1;
	[dreg:$0x2] =	wrdreg s3  }
0xb8: {  	[dreg:$0x3] =	wrdreg s5  }
0xb9: {  	[dreg:$0x4] =	wrdreg $0xC0  }
0xba: {  	_ =	task [dreg:s22], $0x5FFFF  }
0xbb: {  	[dreg:$0x1] =	wrdreg $0xFFFFFFFF  }
0xbc: {  	[dreg:$0x0] =	wrdreg $0x60  }
0xbd: {  	[dreg:$0x2] =	wrdreg s24  }
0xbe: {  	[dreg:$0x3] =	wrdreg $0xC  }
0xbf: {  	_ =	task.clear_ibuf [dreg:s22], $0x4FFFF;
	_ =	strace $0x9000004F  }
0xc0: {  	s29 =	simm.s32 $0xC;
	_ =	strace $0x80000051  }
0xc1: {  	_ =	swait.ge [sflag:s29], $0x1  }
0xc2: {  	[sflag:s29] =	ssyncadd.s32 $0xFFFFFFFF  }
0xc3: {  	_ =	strace $0x90000051  }
0xc4: {  	_ =	sfence  }
0xc5: {  	s30 =	sld [smem:$0x0];
	_ =	sdelay $0x2  }
0xc6: {  	s31 =	sshll.u32 s1, $0xD;
	s1 =	sshrl.u32 s1, $0x2  }
0xc7: {  	s4 =	sand.u32 $0x4000, s31;
	s1 =	sadd.s32 s1, s30  }
0xc8: {  	s0 =	sor.u32 s4, s0;
	s1 =	sshll.u32 s1, $0x11  }
0xc9: {  	s0 =	sor.u32 s1, s0  }
0xca: {  	s0 =	sadd.s32 $0x8F2B, s0  }
0xcb: {  	[sflag:s0] =	ssyncadd.remote.s32 $0x1  }
0xcc: {  	_ =	sfence.sel $0xFFFF  }
0xcd: {  	[dreg:$0x0] =	wrdreg $0xFFFFFFFF;
	(pc) =	sbr.abs _section_cstart, $3  }
0xce: {  	[dreg:$0x1] =	wrdreg $0xFFFFFFFF  }
0xcf: {  	_ =	task.clear_ibuf [dreg:s22], $0x2FFFF;
	_ =	strace $0x9FFFFFFF  }
0xd0: {  	(tm) =	ssettm $0x7FFFFFFF  }
0xd1: {  	_ =	shalt  }
tec
execute0_lowered:
.L_overlay_start_1:
0x0: {  	(tag) =	ssettag $0x1  }
0x1: {  	s1 =	srdreg.scid  }
0x2: {  	s0 =	stileid.u32;
	s3 =	rddreg [dreg:$0x0]  }
0x3: {  	s2 =	simm.s32 $0x0;
	s13 =	simm.s32 $0x5000;
	s14 =	simm.s32 $0x1  }
0x4: {  	s15 =	simm.s32 $0x5350;
	s16 =	simm.s32 $0x56A0;
	s17 =	simm.s32 $0x5D40  }
0x5: {  	s18 =	simm.s32 $0x6090;
	s4 =	sand.u32 $0x1, s1;
	s31 =	sshll.u32 s0, $0x1  }
0x6: {  	v0 =	vimm.s32 $0xFFEDCBA9;
	v1 =	vimm.s32 $0x87654321;
	s19 =	simm.s32 $0x63E0;
	s20 =	simm.s32 $0x6730;
	s5 =	sor.u32 s4, s31  }
0x7: {  	s21 =	simm.s32 $0x0;
	s1 =	rddreg [dreg:$0x1];
	v0 =	vunpack.c.l.s4.s8 v0;
	v1 =	vunpack.c.l.s4.s8 v1;
	s6 =	smul.u32 $0x6A, s5  }
0x8: {  	[smem:$0x7FF] =	sst s2;
	s8 =	ssub.s32 $0x2, s4;
	s5 =	smul.u32 $0xA00, s5  }
0x9: {  	_ =	strace $0x80000050;
	s9 =	sshrl.u32 s8, $0x1;
	v0 =	vunpack.c.0.s8.s32 v0;
	v1 =	vunpack.c.0.s8.s32 v1;
	s10 =	sadd.s32 s6, s3  }
0xa: {  	s11 =	sadd.s32 s5, s3;
	s3 =	sadd.s32 $0x1C2200, s10;
	s4 =	sadd.s32 $0x1C1400, s10  }
0xb: {  	s12 =	ssub.s32 s8, s9;
	v1 =	vcombine.low v1, v0;
	s5 =	sadd.s32 $0x1C0600, s10;
	s6 =	sadd.s32 $0x1BF800, s10  }
0xc: {  	s12 =	smax.u32 s12, $0x1;
	s7 =	sadd.s32 $0x1BEA00, s10;
	s8 =	sadd.s32 $0x1BDC00, s10  }
0xd: {  	vm0 =	vcmask $0x3F3C;
	v0 =	vimm.f32 $0.0e+00;
	s9 =	sadd.s32 $0x1BCE00, s10;
	s10 =	sadd.s32 $0x1BC000, s10;
	s11 =	sadd.s32 $0x1C3000, s11;
	v1 =	vand.u32 $0xF, v1  }
.LBB2_1:
0xe: {  	s22 =	simm.s32 $0x40;
	s23 =	simm.s32 $0x0  }
.LBB2_2:
0xf: {  	p0 =	sne.s32 s22, $0x13FC0;
	[tilespmem:s23+$0x0] =	vst v0;
	s23 =	smov.u32 s22;
	s22 =	sadd.s32 $0x40, s22  }
.Ltmp0:
0x10: {  	(pc) =	sbr.rel @p0 .LBB2_2-.Ltmp0, $2  }
0x11: {  	_ =	sdelay $0x2  }
0x12: {  	s23 =	sshra.s32 s23, $0x2  }
0x13: {  	[tilespmem:s23+$0x0] =	vst v0;
	s24 =	simm.s32 $0x0  }
0x14: {  	[tilespmem:s13], [sflag:$0x1] =	stream.linear.gather [hbm4b:s3+s24], $0x350, $0x38;
	[tilespmem:$0x6A80] =	vst v63  }
0x15: {  	_ =	swait.ge [sflag:s14], $0x350  }
0x16: {  	[sflag:s14] =	ssyncset.done $0x0  }
0x17: {  	[sflag:s14] =	ssyncadd.s32 $0xFFFFFCB0  }
0x18: {  	[tilespmem:s15], [sflag:$0x1] =	stream.linear.gather [hbm4b:s4+s24], $0x350, $0x38;
	[tilespmem:$0x6A80] =	vst v63  }
0x19: {  	_ =	swait.ge [sflag:s14], $0x350  }
0x1a: {  	[sflag:s14] =	ssyncset.done $0x0  }
0x1b: {  	[sflag:s14] =	ssyncadd.s32 $0xFFFFFCB0  }
0x1c: {  	[tilespmem:s16], [sflag:$0x1] =	stream.linear.gather [hbm4b:s5+s24], $0x350, $0x38;
	[tilespmem:$0x6A80] =	vst v63  }
0x1d: {  	_ =	swait.ge [sflag:s14], $0x350  }
0x1e: {  	[sflag:s14] =	ssyncset.done $0x0  }
0x1f: {  	s22 =	simm.s32 $0x59F0;
	[sflag:s14] =	ssyncadd.s32 $0xFFFFFCB0  }
0x20: {  	[tilespmem:s22], [sflag:$0x1] =	stream.linear.gather [hbm4b:s6+s24], $0x350, $0x38;
	[tilespmem:$0x6A80] =	vst v63  }
0x21: {  	_ =	swait.ge [sflag:s14], $0x350  }
0x22: {  	[sflag:s14] =	ssyncset.done $0x0  }
0x23: {  	[sflag:s14] =	ssyncadd.s32 $0xFFFFFCB0  }
0x24: {  	[tilespmem:s17], [sflag:$0x1] =	stream.linear.gather [hbm4b:s7+s24], $0x350, $0x38;
	[tilespmem:$0x6A80] =	vst v63  }
0x25: {  	_ =	swait.ge [sflag:s14], $0x350  }
0x26: {  	[sflag:s14] =	ssyncset.done $0x0  }
0x27: {  	[sflag:s14] =	ssyncadd.s32 $0xFFFFFCB0  }
0x28: {  	[tilespmem:s18], [sflag:$0x1] =	stream.linear.gather [hbm4b:s8+s24], $0x350, $0x38;
	[tilespmem:$0x6A80] =	vst v63  }
0x29: {  	_ =	swait.ge [sflag:s14], $0x350  }
0x2a: {  	[sflag:s14] =	ssyncset.done $0x0  }
0x2b: {  	[sflag:s14] =	ssyncadd.s32 $0xFFFFFCB0  }
0x2c: {  	[tilespmem:s19], [sflag:$0x1] =	stream.linear.gather [hbm4b:s9+s24], $0x350, $0x38;
	[tilespmem:$0x6A80] =	vst v63  }
0x2d: {  	_ =	swait.ge [sflag:s14], $0x350  }
0x2e: {  	[sflag:s14] =	ssyncset.done $0x0  }
0x2f: {  	s23 =	simm.s32 $0x6730;
	[sflag:s14] =	ssyncadd.s32 $0xFFFFFCB0  }
0x30: {  	[tilespmem:s23], [sflag:$0x1] =	stream.linear.gather [hbm4b:s10+s24], $0x350, $0x38;
	[tilespmem:$0x6A80] =	vst v63  }
0x31: {  	_ =	swait.ge [sflag:s14], $0x350  }
0x32: {  	[sflag:s14] =	ssyncset.done $0x0  }
0x33: {  	[sflag:s14] =	ssyncadd.s32 $0xFFFFFCB0  }
0x34: {  	v2 =	vld [tilespmem:s22+$0xFFFFF610]  }
0x35: {  	v3 =	vld [tilespmem:s22+$0x6A0]  }
0x36: {  	v6 =	vor.u32 s24, v1;
	v4 =	vld [tilespmem:s22+$0x350]  }
0x37: {  	v5 =	vld [tilespmem:s22+$0xFFFFF960]  }
0x38: {  	v7 =	vld [tilespmem:s22+$0x0]  }
0x39: {  	v8 =	vld [tilespmem:s22+$0x9F0]  }
0x3a: {  	v10 =	vld [tilespmem:s22+$0xFFFFFCB0];
	v9 =	vmul.f32 v3, v2  }
0x3b: {  	v6 =	vld.idx.msk [tilespmem:v6+s20+$0x0], $0xffff;
	v11 =	vmul.f32 v4, v2  }
0x3c: {  	v12 =	vld [tilespmem:s23+$0x0];
	v56 =	vmul.f32 v4, v4;
	v13 =	vmul.f32 v3, v3;
	v9 =	vadd.f32 v9, v5  }
0x3d: {  	(xrf2) =	vadd.scan.msk.f32 $0xffff, v2;
	v3 =	vmul.f32 v3, v5;
	v4 =	vmul.f32 v4, v7;
	v11 =	vadd.f32 v11, v7  }
0x3e: {  	v5 =	vadd.f32 v13, v56;
	(xrf2) =	vadd.scan.msk.f32 $0xffff, v9  }
0x3f: {  	v7 =	vmul.f32 v8, v8;
	v3 =	vadd.f32 v3, v4;
	v4 =	vmul.f32 v8, v10;
	(xrf2) =	vadd.scan.msk.f32 $0xffff, v11  }
0x40: {  	v55 =	vmul.f32 v8, v2  }
0x41: {  	vm1 =	vne.s32 v12, v6;
	v5 =	vadd.f32 v7, v5;
	v3 =	vadd.f32 v4, v3  }
0x42: {  	vm2 =	vmor vm1, vm0  }
0x43: {  	v9 =	vadd.f32 v55, v10;
	v2 =	vmul.f32 v5, v2;
	v3 =	vadd.f32 v3, v3;
	_ =	sdelay $0x1  }
0x44: {  	(xrf2) =	vadd.scan.msk.f32 $0xffff, v9;
	v2 =	vadd.f32 v3, v2  }
0x45: {  	v57 =	vadd.s32 $0x1000, v12  }
0x46: {  	v7 =	vadd.s32 $0x1000, v6;
	v58, _, _ =	vpop (xrf2);
	(xrf2) =	vadd.scan.msk.f32 $0xffff, v2  }
0x47: {  	v60 =	vadd.s32 $0x2000, v12;
	v59 =	vsub.f32 $0.0e+00, v58;
	v4, _, _ =	vpop (xrf2)  }
0x48: {  	v5 =	vadd.s32 $0x2000, v6;
	[tilespmem:v12+s2+$0x0] =	vst.idx.add.f32.msk vm2, v58;
	v61, _, _ =	vpop (xrf2)  }
0x49: {  	[tilespmem:v6+s2+$0x0] =	vst.idx.add.f32.msk vm1, v59;
	v62 =	vsub.f32 $0.0e+00, v61  }
0x4a: {  	v63 =	vadd.s32 $0x3000, v12;
	[tilespmem:v57+s2+$0x0] =	vst.idx.add.f32.msk vm2, v61  }
0x4b: {  	v3 =	vsub.f32 $0.0e+00, v4;
	[tilespmem:v7+s2+$0x0] =	vst.idx.add.f32.msk vm1, v62  }
0x4c: {  	v2 =	vadd.s32 $0x3000, v6;
	[tilespmem:v60+s2+$0x0] =	vst.idx.add.f32.msk vm2, v4  }
0x4d: {  	[tilespmem:v5+s2+$0x0] =	vst.idx.add.f32.msk vm1, v3;
	v3 =	vadd.s32 $0x4000, v12  }
0x4e: {  	v7, _, _ =	vpop (xrf2);
	v4 =	vadd.s32 $0x4000, v6  }
0x4f: {  	s24 =	simm.s32 $0x10;
	v5 =	vsub.f32 $0.0e+00, v7;
	[tilespmem:v63+s2+$0x0] =	vst.idx.add.f32.msk vm2, v7  }
.LBB2_4:
0x50: {  	p0 =	sne.s32 s24, $0x340;
	s23 =	sadd.s32 $0x10, s23;
	s22 =	sadd.s32 $0x10, s22;
	v6, _, _ =	vpop (xrf2)  }
0x51: {  	s25 =	smov.u32 s24;
	s24 =	sadd.s32 $0x10, s24;
	[tilespmem:v2+s2+$0x0] =	vst.idx.add.f32.msk vm1, v5;
	v2 =	vsub.f32 $0.0e+00, v6  }
0x52: {  	[tilespmem:v3+s2+$0x0] =	vst.idx.add.f32.msk vm2, v6  }
0x53: {  	[tilespmem:v4+s2+$0x0] =	vst.idx.add.f32.msk vm1, v2  }
0x54: {  	v2 =	vld [tilespmem:s22+$0xFFFFF610]  }
0x55: {  	v3 =	vld [tilespmem:s22+$0x6A0]  }
0x56: {  	v4 =	vld [tilespmem:s22+$0xFFFFF960]  }
0x57: {  	v5 =	vld [tilespmem:s22+$0x0]  }
0x58: {  	v7 =	vor.u32 s25, v1;
	v6 =	vld [tilespmem:s22+$0x350]  }
0x59: {  	(xrf2) =	vadd.scan.msk.f32 $0xffff, v2  }
0x5a: {  	v8 =	vld [tilespmem:s22+$0x9F0];
	v9 =	vmul.f32 v3, v2  }
0x5b: {  	v10 =	vld [tilespmem:s22+$0xFFFFFCB0]  }
0x5c: {  	v9 =	vadd.f32 v9, v4;
	v4 =	vmul.f32 v3, v4  }
0x5d: {  	v7 =	vld.idx.msk [tilespmem:v7+s20+$0x0], $0xffff;
	v11 =	vmul.f32 v6, v2;
	v12 =	vmul.f32 v6, v5  }
0x5e: {  	v3 =	vmul.f32 v3, v3;
	v6 =	vmul.f32 v6, v6;
	v13 =	vld [tilespmem:s23+$0x0];
	(xrf2) =	vadd.scan.msk.f32 $0xffff, v9  }
0x5f: {  	v5 =	vadd.f32 v11, v5;
	v9 =	vmul.f32 v8, v2;
	v4 =	vadd.f32 v4, v12  }
0x60: {  	v3 =	vadd.f32 v3, v6;
	v11 =	vmul.f32 v8, v8;
	v8 =	vmul.f32 v8, v10  }
0x61: {  	(xrf2) =	vadd.scan.msk.f32 $0xffff, v5  }
0x62: {  	v3 =	vadd.f32 v11, v3;
	v4 =	vadd.f32 v8, v4  }
0x63: {  	v5 =	vadd.f32 v9, v10;
	vm1 =	vne.s32 v13, v7;
	v6, _, _ =	vpop (xrf2)  }
0x64: {  	v2 =	vmul.f32 v3, v2;
	v3 =	vadd.f32 v4, v4;
	vm2 =	vmor vm1, vm0  }
0x65: {  	(xrf2) =	vadd.scan.msk.f32 $0xffff, v5  }
0x66: {  	v2 =	vadd.f32 v3, v2  }
0x67: {  	v3 =	vadd.s32 $0x1000, v13  }
0x68: {  	v4, _, _ =	vpop (xrf2);
	(xrf2) =	vadd.scan.msk.f32 $0xffff, v2  }
0x69: {  	v9 =	vsub.f32 $0.0e+00, v6;
	v5 =	vadd.s32 $0x1000, v7  }
0x6a: {  	[tilespmem:v13+s2+$0x0] =	vst.idx.add.f32.msk vm2, v6;
	v6 =	vadd.s32 $0x2000, v13  }
0x6b: {  	v8 =	vadd.s32 $0x2000, v7;
	[tilespmem:v7+s2+$0x0] =	vst.idx.add.f32.msk vm1, v9;
	v2, _, _ =	vpop (xrf2)  }
0x6c: {  	v9 =	vadd.s32 $0x3000, v13;
	[tilespmem:v3+s2+$0x0] =	vst.idx.add.f32.msk vm2, v2;
	v2 =	vsub.f32 $0.0e+00, v2  }
.Ltmp1:
0x6d: {  	(pc) =	sbr.rel @p0 .LBB2_4-.Ltmp1, $4  }
0x6e: {  	[tilespmem:v5+s2+$0x0] =	vst.idx.add.f32.msk vm1, v2;
	v5 =	vsub.f32 $0.0e+00, v4;
	v2 =	vadd.s32 $0x3000, v7  }
0x6f: {  	v3 =	vadd.s32 $0x4000, v13;
	[tilespmem:v6+s2+$0x0] =	vst.idx.add.f32.msk vm2, v4;
	v6, _, _ =	vpop (xrf2)  }
0x70: {  	v4 =	vadd.s32 $0x4000, v7;
	[tilespmem:v8+s2+$0x0] =	vst.idx.add.f32.msk vm1, v5  }
0x71: {  	v5 =	vsub.f32 $0.0e+00, v6;
	[tilespmem:v9+s2+$0x0] =	vst.idx.add.f32.msk vm2, v6  }
0x72: {  	_ =	sdelay $0x3  }
0x73: {  	v6, _, _ =	vpop (xrf2)  }
0x74: {  	s21 =	sadd.s32 $0x1, s21;
	[tilespmem:v2+s2+$0x0] =	vst.idx.add.f32.msk vm1, v5;
	v2 =	vsub.f32 $0.0e+00, v6  }
0x75: {  	p0 =	sne.s32 s21, s12;
	[tilespmem:v3+s2+$0x0] =	vst.idx.add.f32.msk vm2, v6  }
.Ltmp2:
0x76: {  	[tilespmem:v4+s2+$0x0] =	vst.idx.add.f32.msk vm1, v2;
	(pc) =	sbr.rel @p0 .LBB2_1-.Ltmp2, $4  }
0x77: {  	[hbm4b:s11+s2] =	stream.linear.scatter [tilespmem:s2], [sflag:$0x1], $0x5000, $0x38;
	[tilespmem:$0x6A80] =	vst v63  }
0x78: {  	_ =	swait.ge [sflag:s14], $0x5000  }
0x79: {  	[sflag:s14] =	ssyncset.done $0x0  }
0x7a: {  	[sflag:s14] =	ssyncadd.s32 $0xFFFFB000  }
0x7b: {  	_ =	sfence.sel $0x180000  }
0x7c: {  	[bflag:$0x0] =	sbarrier.arrive $0xFFFF  }
0x7d: {  	p0 =	sne.s32 s0, $0x0;
	_ =	strace $0x90000050  }
0x7e: {  	s0 =	sadd.s32 @!p0 $0x100000, s1;
	[bflag:$0x2] =	sbarrier.arrive $0xFFFF  }
0x7f: {  	[sflag:s0] =	ssyncadd.tile.s32 @!p0 $0x1;
	_ =	shalt  }
.Lfunc_end2:
_tile_overlayer_lowered:
.L_overlay_start_2:
0x80: {  	(tag) =	ssettag $0x2  }
0x81: {  	s0 =	rddreg [dreg:$0x0];
	s2 =	stileid.u32  }
0x82: {  	s1 =	rddreg [dreg:$0x1];
	p0 =	sne.s32 s2, $0x0  }
0x83: {  	s3 =	rddreg [dreg:$0x2];
	[bflag:$0x3] =	sbarrier.arrive $0xFFFF;
	s2 =	simm.s32 @!p0 $0x1C01  }
0x84: {  	[timem:s3], [sflag:s2] =	dma.local @!p0 [hbm:s0], s1  }
0x85: {  	s0 =	simm.s32 @!p0 $0x1  }
0x86: {  	_ =	swait.ge @!p0 [sflag:s0], s1  }
0x87: {  	s1 =	ssub.s32 @!p0 $0x0, s1;
	[sflag:s0] =	ssyncset.done @!p0 $0x0  }
0x88: {  	[sflag:s0] =	ssyncadd.s32 @!p0 s1  }
0x89: {  	[bflag:$0x3] =	sbarrier.arrive $0xFFFF  }
0x8a: {  	_ =	shalt  }

// kernel: kernel.7.cloned.1.call-start
scs
__scs_entry_jumppad:
0x0: {  	(pc) =	sbr.rel $0x88, $3  }
0x1: {  	(tag) =	ssettag $0x0;
	lr =	simm.s32 $0x1  }
0x2: {  	[smem:$0x3F9D] =	sst lr;
	_ =	strace $0xD0000000  }
0x3: {  	_ = 	snop  }
0x4: {  	_ = 	snop  }
0x5: {  	_ = 	snop  }
0x6: {  	_ = 	snop  }
0x7: {  	_ = 	snop  }
__scs_overlays_trampoline_lowered:
0x8: {  	[smem:$0x3FAC] =	sst s0  }
0x9: {  	[smem:$0x3FAD] =	sst s1  }
0xa: {  	[smem:$0x3FAE] =	sst s2  }
0xb: {  	[smem:$0x3FAF] =	sst s3  }
0xc: {  	[smem:$0x3FB0] =	sst s4  }
0xd: {  	[smem:$0x3FB1] =	sst s5  }
0xe: {  	[smem:$0x3FB2] =	sst s6  }
0xf: {  	[smem:$0x3FB3] =	sst s7  }
0x10: {  	[smem:$0x3FB4] =	sst s8  }
0x11: {  	[smem:$0x3FB5] =	sst s9;
	s0 =	simm.s32 @!p0 $0x0  }
0x12: {  	s1 =	sld [smem:$0x3F9B];
	s0 =	simm.s32 @p0 $0x1  }
0x13: {  	[smem:$0x3FB6] =	sst s0;
	s0 =	simm.s32 @!p1 $0x0  }
0x14: {  	s2 =	sld [smem:$0x3F9A];
	s0 =	simm.s32 @p1 $0x1  }
0x15: {  	[smem:$0x3FB7] =	sst s0;
	s0 =	simm.s32 @!p2 $0x0  }
0x16: {  	s3 =	sld [smem:$0x3FDB];
	s0 =	simm.s32 @p2 $0x1  }
0x17: {  	s4 =	simm.s32 $0x1BF5;
	[smem:$0x3FB9] =	sst s0  }
0x18: {  	s0 =	sld [smem:$0x3F9C];
	_ =	swait.ge [sflag:s4], $0x0  }
0x19: {  	s7 =	sld [smem:$0x3F9D]  }
0x1a: {  	s8 =	sadd.s32 $0xFFFFE003, lr  }
0x1b: {  	s9 =	sadd.s32 $0xFFFFFEF7, lr;
	s5 =	simm.s32 $0xFFFFFFFF;
	p2 =	slt.u32 s8, $0xFFFFF086  }
0x1c: {  	p1 =	slt.u32 s9, $0xF7A;
	s5 =	simm.s32 @!p2 $0x0  }
0x1d: {  	s5 =	simm.s32 @p1 $0x1;
	p0 =	seq.s32 s7, s2  }
0x1e: {  	s7 =	smul.u32 @!p0 $0xF7A, s2;
	p2 =	seq.s32 @!p0 s5, $0x0  }
0x1f: {  	s9 =	smul.u32 $0xF7A, s1;
	s8 =	simm.s32 @!p0 $0x1BF5;
	p2 =	por !p2, p0  }
0x20: {  	[sflag:s8] =	ssyncset.s32 @!p0 $0xFFFFF086;
	s6 =	sadd.s32 @!p0 s3, s7;
	s7 =	simm.s32 @!p0 $0x108  }
0x21: {  	s3 =	sadd.s32 s3, s9;
	s6 =	sadd.s32 @!p0 $0x88, s6;
	s7 =	simm.s32 @p2 $0x1082  }
0x22: {  	[simem:s7], [sflag:s8] =	dma.local @!p0 [hbm:s6], $0xF7A  }
0x23: {  	s9 =	sor.u32 $0xD0000000, s2;
	s6 =	simm.s32 $0x108;
	_ =	swait.ge @!p0 [sflag:s8], $0x0  }
0x24: {  	s3 =	sadd.s32 $0x88, s3;
	s6 =	simm.s32 @!p1 $0x1082;
	[sflag:s4] =	ssyncset.s32 $0xFFFFF086  }
0x25: {  	[simem:s6], [sflag:s4] =	dma.local [hbm:s3], $0xF7A  }
0x26: {  	[smem:$0x3F9D] =	sst s1;
	(tag) =	ssettag s2;
	_ =	strace s9  }
0x27: {  	s1 =	sld [smem:$0x3FAD]  }
0x28: {  	s2 =	sld [smem:$0x3FAE]  }
0x29: {  	s4 =	sld [smem:$0x3FB0]  }
0x2a: {  	p0 =	seq.s32 s5, $0x0;
	s5 =	sld [smem:$0x3FB1]  }
0x2b: {  	s6 =	sld [smem:$0x3FB2]  }
0x2c: {  	s7 =	sld [smem:$0x3FB3]  }
0x2d: {  	s3 =	simm.s32 $0x108;
	s8 =	sld [smem:$0x3FB4]  }
0x2e: {  	s3 =	simm.s32 @!p0 $0x1082;
	s9 =	sld [smem:$0x3FB5]  }
0x2f: {  	lr =	sadd.s32 s0, s3;
	s0 =	sld [smem:$0x3FAC]  }
0x30: {  	s3 =	sld [smem:$0x3FAF]  }
0x31: {  	[smem:$0x3FB8] =	sst s10  }
0x32: {  	s10 =	sld [smem:$0x3FB6];
	_ =	sdelay $0x3  }
0x33: {  	p0 =	seq.s32 s10, $0x1;
	s10 =	sld [smem:$0x3FB8];
	_ =	sdelay $0x3  }
0x34: {  	[smem:$0x3FB8] =	sst s10  }
0x35: {  	s10 =	sld [smem:$0x3FB7];
	_ =	sdelay $0x3  }
0x36: {  	p1 =	seq.s32 s10, $0x1;
	s10 =	sld [smem:$0x3FB8];
	_ =	sdelay $0x3  }
0x37: {  	[smem:$0x3FB8] =	sst s10  }
0x38: {  	s10 =	sld [smem:$0x3FB9]  }
0x39: {  	_ = 	snop;
	(pc) =	sbr.ind lr, $3  }
0x3a: {  	_ = 	snop  }
0x3b: {  	_ = 	snop  }
0x3c: {  	p2 =	seq.s32 s10, $0x1;
	s10 =	sld [smem:$0x3FB8]  }
0x3d: {  	_ =	shalt  }
0x3e: {  	_ =	shalt  }
0x3f: {  	_ =	shalt  }
0x40: {  	_ =	shalt  }
0x41: {  	_ =	shalt  }
0x42: {  	_ =	shalt  }
0x43: {  	_ =	shalt  }
0x44: {  	_ =	shalt  }
0x45: {  	_ =	shalt  }
0x46: {  	_ =	shalt  }
0x47: {  	_ =	shalt  }
0x48: {  	_ =	shalt  }
0x49: {  	_ =	shalt  }
0x4a: {  	_ =	shalt  }
0x4b: {  	_ =	shalt  }
0x4c: {  	_ =	shalt  }
0x4d: {  	_ =	shalt  }
0x4e: {  	_ =	shalt  }
0x4f: {  	_ =	shalt  }
0x50: {  	_ =	shalt  }
0x51: {  	_ =	shalt  }
0x52: {  	_ =	shalt  }
0x53: {  	_ =	shalt  }
0x54: {  	_ =	shalt  }
0x55: {  	_ =	shalt  }
0x56: {  	_ =	shalt  }
0x57: {  	_ =	shalt  }
0x58: {  	_ =	shalt  }
0x59: {  	_ =	shalt  }
0x5a: {  	_ =	shalt  }
0x5b: {  	_ =	shalt  }
0x5c: {  	_ =	shalt  }
0x5d: {  	_ =	shalt  }
0x5e: {  	_ =	shalt  }
0x5f: {  	_ =	shalt  }
0x60: {  	_ =	shalt  }
0x61: {  	_ =	shalt  }
0x62: {  	_ =	shalt  }
0x63: {  	_ =	shalt  }
0x64: {  	_ =	shalt  }
0x65: {  	_ =	shalt  }
0x66: {  	_ =	shalt  }
0x67: {  	_ =	shalt  }
0x68: {  	_ =	shalt  }
0x69: {  	_ =	shalt  }
0x6a: {  	_ =	shalt  }
0x6b: {  	_ =	shalt  }
0x6c: {  	_ =	shalt  }
0x6d: {  	_ =	shalt  }
0x6e: {  	_ =	shalt  }
0x6f: {  	_ =	shalt  }
0x70: {  	_ =	shalt  }
0x71: {  	_ =	shalt  }
0x72: {  	_ =	shalt  }
0x73: {  	_ =	shalt  }
0x74: {  	_ =	shalt  }
0x75: {  	_ =	shalt  }
0x76: {  	_ =	shalt  }
0x77: {  	_ =	shalt  }
0x78: {  	_ =	shalt  }
0x79: {  	_ =	shalt  }
0x7a: {  	_ =	shalt  }
0x7b: {  	_ =	shalt  }
0x7c: {  	_ =	shalt  }
0x7d: {  	_ =	shalt  }
0x7e: {  	_ =	shalt  }
0x7f: {  	_ =	shalt  }
0x80: {  	_ =	shalt  }
0x81: {  	_ =	shalt  }
0x82: {  	_ =	shalt  }
0x83: {  	_ =	shalt  }
0x84: {  	_ =	shalt  }
0x85: {  	_ =	shalt  }
0x86: {  	_ =	shalt  }
0x87: {  	_ =	shalt  }
.Lfunc_end0:
.L_simem_size_0:
called_computation_lowered:
.L_overlay_start_0:
0x88: {  	s2 =	sld [smem:$0x3FD9]  }
0x89: {  	s3 =	sld [smem:$0x3FFE];
	_ =	sdelay $0x1  }
0x8a: {  	s1 =	srdreg.scid  }
0x8b: {  	s0 =	sand.u32 $0x1, s1  }
0x8c: {  	s16 =	sshll.u32 s0, $0xA;
	s2 =	sadd.s32 s3, s2  }
0x8d: {  	s2 =	sadd.s32 s2, s16  }
0x8e: {  	[smem:$0x3FC4] =	sst s2  }
0x8f: {  	_ = 	snop  }
0x90: {  	(tm) =	ssettm $0x1  }
0x91: {  	s17 =	sld [smem:$0x3FFB];
	_ =	sdelay $0x3  }
0x92: {  	_ =	strace s17  }
0x93: {  	s2 =	sld [smem:$0x3FFC];
	_ =	sdelay $0x3  }
0x94: {  	_ =	strace s2  }
0x95: {  	s2 =	sld [smem:$0x3FFD];
	_ =	sdelay $0x3  }
0x96: {  	_ =	strace s2  }
0x97: {  	_ =	strace $0x8FFFFFFF  }
0x98: {  	s18 =	sld [smem:$0x3FDB];
	_ =	sdelay $0x1  }
0x99: {  	s19 =	simm.s32 $_scs_section_size  }
0x9a: {  	s4 =	simm.s32 $_size__tile_overlayer_lowered;
	s5 =	simm.s32 $_tile_overlayer_lowered  }
0x9b: {  	s22 =	simm.s32 $0x1BFF;
	s21 =	sshll.u32 s5, $0x1;
	s2 =	sadd.s32 s19, s18  }
0x9c: {  	s6 =	simm.s32 $0x0;
	s20 =	sshll.u32 s4, $0x1;
	s4 =	sadd.s32 s21, s2  }
0x9d: {  	[timem:s6], [sflag:s22] =	dma.local [hbm:s4], s20  }
0x9e: {  	_ =	swait.ge [sflag:s22], s20  }
0x9f: {  	s3 =	ssub.s32 $0x0, s20;
	[sflag:s22] =	ssyncset.done $0x0  }
0xa0: {  	[sflag:s22] =	ssyncadd.s32 s3;
	_ =	sdelay $0x1  }
0xa1: {  	s23 =	simm.s32 $0x1B8B  }
0xa2: {  	_ =	swait.ge [sflag:s23], $0x1  }
0xa3: {  	[sflag:s23] =	ssyncset.done $0x0  }
0xa4: {  	s25 =	simm.s32 $0x1B8E;
	s24 =	sld [smem:$0x3FFE];
	[sflag:s23] =	ssyncadd.s32 $0xFFFFFFFF  }
0xa5: {  	s26 =	simm.s32 $execute0_lowered;
	[smem:$0x3FD2] =	sst s25  }
0xa6: {  	s4 =	sshll.u32 s26, $0x1;
	_ =	strace $0x80000046;
	[dreg:$0x1] =	wrdreg $0xFFFFFFFF  }
0xa7: {  	s28 =	simm.s32 $_size_execute0_lowered;
	s2 =	sadd.s32 s2, s4;
	[dreg:$0x0] =	wrdreg $0x0  }
0xa8: {  	s4 =	sshll.u32 s28, $0x1;
	[dreg:$0x2] =	wrdreg s2  }
0xa9: {  	[dreg:$0x3] =	wrdreg s4  }
0xaa: {  	[dreg:$0x4] =	wrdreg $0xC0  }
0xab: {  	_ =	task [dreg:s6], $0x5FFFF  }
0xac: {  	[dreg:$0x1] =	wrdreg $0xFFFFFFFF  }
0xad: {  	[dreg:$0x0] =	wrdreg $0x60  }
0xae: {  	[dreg:$0x2] =	wrdreg s24  }
0xaf: {  	[dreg:$0x3] =	wrdreg $0x9  }
0xb0: {  	_ =	task.clear_ibuf [dreg:s6], $0x4FFFF;
	_ =	strace $0x90000046  }
0xb1: {  	s29 =	simm.s32 $0x9;
	_ =	strace $0x80000048  }
0xb2: {  	_ =	swait.ge [sflag:s29], $0x1  }
0xb3: {  	[sflag:s29] =	ssyncadd.s32 $0xFFFFFFFF  }
0xb4: {  	_ =	strace $0x90000048  }
0xb5: {  	_ =	sfence  }
0xb6: {  	s30 =	sld [smem:$0x0];
	_ =	sdelay $0x2  }
0xb7: {  	s31 =	sshll.u32 s1, $0xD;
	s1 =	sshrl.u32 s1, $0x2  }
0xb8: {  	s3 =	sand.u32 $0x4000, s31;
	s1 =	sadd.s32 s1, s30  }
0xb9: {  	s0 =	sor.u32 s3, s0;
	s1 =	sshll.u32 s1, $0x11  }
0xba: {  	s0 =	sor.u32 s1, s0  }
0xbb: {  	s0 =	sadd.s32 $0x8F2B, s0  }
0xbc: {  	[sflag:s0] =	ssyncadd.remote.s32 $0x1  }
0xbd: {  	_ =	sfence.sel $0xFFFF  }
0xbe: {  	[dreg:$0x0] =	wrdreg $0xFFFFFFFF;
	(pc) =	sbr.abs _section_cstart, $3  }
0xbf: {  	[dreg:$0x1] =	wrdreg $0xFFFFFFFF  }
0xc0: {  	_ =	task.clear_ibuf [dreg:s6], $0x2FFFF;
	_ =	strace $0x9FFFFFFF  }
0xc1: {  	(tm) =	ssettm $0x7FFFFFFF  }
tec
execute0_lowered:
.L_overlay_start_1:
0x0: {  	(tag) =	ssettag $0x1  }
0x1: {  	s0 =	srdreg.scid  }
0x2: {  	s1 =	stileid.u32;
	s2 =	rddreg [dreg:$0x0]  }
0x3: {  	s3 =	simm.s32 $0x0;
	s19 =	simm.s32 $0xC000;
	s20 =	simm.s32 $0x7000  }
0x4: {  	s21 =	simm.s32 $0xA800;
	s22 =	simm.s32 $0xB000;
	s23 =	simm.s32 $0xB800  }
0x5: {  	s24 =	simm.s32 $0xC800;
	s28 =	simm.s32 $0x3;
	s29 =	simm.s32 $0x0  }
0x6: {  	s30 =	simm.s32 $0x0;
	s0 =	sand.u32 $0x1, s0;
	s1 =	sshll.u32 s1, $0x1  }
0x7: {  	[smem:$0x7FF] =	sst s3;
	s5 =	sadd.s32 $0x10000, s2;
	s6 =	sadd.s32 $0x150000, s2  }
0x8: {  	v0 =	vimm.s32 $0xFFEDCBA9;
	v1 =	vimm.s32 $0x87654321;
	s1 =	sor.u32 s0, s1;
	_ =	strace $0x80000047;
	s0 =	ssub.s32 $0x2, s0  }
0x9: {  	v0 =	vunpack.c.l.s4.s8 v0;
	v1 =	vunpack.c.l.s4.s8 v1;
	s4 =	sshll.u32 s1, $0xD;
	s7 =	smul.u32 $0xA00, s1;
	s25 =	sshrl.u32 s0, $0x1  }
0xa: {  	s8 =	sadd.s32 s4, s2;
	s4 =	sadd.s32 $0x20000, s2;
	s0 =	ssub.s32 s0, s25  }
0xb: {  	v0 =	vunpack.c.0.s8.s32 v0;
	v1 =	vunpack.c.0.s8.s32 v1;
	s9 =	sadd.s32 s7, s2;
	s7 =	sshll.u32 s1, $0xE;
	s1 =	sshll.u32 s1, $0xB  }
0xc: {  	s25 =	simm.s32 $0x1;
	s8 =	sadd.s32 $0x90000, s8;
	s10 =	sadd.s32 s4, s1  }
0xd: {  	s14 =	smax.u32 s0, $0x1;
	v1 =	vcombine.low v1, v0;
	s26 =	sadd.s32 s5, s1;
	[dreg:$0x2] =	wrdreg s10  }
0xe: {  	s31 =	sadd.s32 s2, s1;
	s12 =	sadd.s32 s6, s1;
	[dreg:$0x3] =	wrdreg s26  }
0xf: {  	vm0 =	vcmask $0x3F3C;
	v0 =	vimm.f32 $0.0e+00;
	s13 =	sadd.s32 $0x180000, s9;
	[dreg:$0x4] =	wrdreg s31;
	v1 =	vand.u32 $0xF, v1;
	s26 =	simm.s32 $0x2  }
.LBB2_1:
0x10: {  	s0 =	simm.s32 $0x40;
	s1 =	simm.s32 $0x0  }
.LBB2_2:
0x11: {  	p0 =	sne.s32 s0, $0x13FC0;
	[tilespmem:s1+$0x0] =	vst v0;
	s1 =	smov.u32 s0;
	s0 =	sadd.s32 $0x40, s0  }
.Ltmp0:
0x12: {  	(pc) =	sbr.rel @p0 .LBB2_2-.Ltmp0, $2  }
0x13: {  	_ =	sdelay $0x2  }
0x14: {  	s1 =	sshra.s32 s1, $0x2  }
0x15: {  	[tilespmem:s1+$0x0] =	vst v0;
	s0 =	simm.s32 $0x5000  }
0x16: {  	[tilespmem:s0], [sflag:$0x1] =	stream.linear.gather [hbm4b:s8+s30], $0x2000, $0x38;
	[tilespmem:$0xD000] =	vst v63  }
0x17: {  	s10 =	rddreg [dreg:$0x2];
	s11 =	simm.s32 $0x9000  }
0x18: {  	[tilespmem:s11], [sflag:$0x1] =	stream.linear.gather [hbm4b:s10+s30], $0x800, $0x38;
	[tilespmem:$0xD000] =	vst v63  }
0x19: {  	s15 =	rddreg [dreg:$0x3];
	s16 =	simm.s32 $0x9800  }
0x1a: {  	[tilespmem:s16], [sflag:$0x1] =	stream.linear.gather [hbm4b:s15+s30], $0x800, $0x38;
	[tilespmem:$0xD000] =	vst v63  }
0x1b: {  	s17 =	rddreg [dreg:$0x4];
	s18 =	simm.s32 $0xA000  }
0x1c: {  	[tilespmem:s18], [sflag:$0x1] =	stream.linear.gather [hbm4b:s17+s30], $0x800, $0x38;
	[tilespmem:$0xD000] =	vst v63  }
0x1d: {  	s31 =	simm.s32 $0x0  }
0x1e: {  	[tilespmem:s19], [sflag:$0x1] =	stream.linear.gather [hbm4b:s12+s30], $0x800, $0x38;
	[tilespmem:$0xD000] =	vst v63  }
.LBB2_4:
0x1f: {  	s0 =	sshllo.u32 s31, $0x1  }
0x20: {  	s1 =	sshll.u32 s0, $0xA;
	s0 =	sshll.u32 s0, $0xB  }
0x21: {  	s1 =	sadd.s32 s1, s8;
	s0 =	sadd.s32 s7, s0  }
0x22: {  	[tilespmem:s20], [sflag:$0x2] =	stream.linear.gather [hbm4b:s1+s30], $0x2000, $0x38;
	[tilespmem:$0xD000] =	vst v63  }
0x23: {  	s0 =	sshrl.u32 s0, $0x3  }
0x24: {  	s10 =	sadd.s32 s4, s0  }
0x25: {  	[tilespmem:s21], [sflag:$0x2] =	stream.linear.gather [hbm4b:s10+s30], $0x800, $0x38;
	[tilespmem:$0xD000] =	vst v63  }
0x26: {  	s11 =	sadd.s32 s5, s0  }
0x27: {  	[tilespmem:s22], [sflag:$0x2] =	stream.linear.gather [hbm4b:s11+s30], $0x800, $0x38;
	[tilespmem:$0xD000] =	vst v63  }
0x28: {  	s15 =	sadd.s32 s2, s0  }
0x29: {  	[tilespmem:s23], [sflag:$0x2] =	stream.linear.gather [hbm4b:s15+s30], $0x800, $0x38;
	[tilespmem:$0xD000] =	vst v63  }
0x2a: {  	s0 =	sadd.s32 s6, s0  }
0x2b: {  	[tilespmem:s24], [sflag:$0x2] =	stream.linear.gather [hbm4b:s0+s30], $0x800, $0x38;
	[tilespmem:$0xD000] =	vst v63  }
0x2c: {  	_ =	swait.ge [sflag:s25], $0x2000  }
0x2d: {  	[sflag:s25] =	ssyncset.done $0x0  }
0x2e: {  	[sflag:s25] =	ssyncadd.s32 $0xFFFFE000  }
0x2f: {  	_ =	swait.ge [sflag:s25], $0x800  }
0x30: {  	[sflag:s25] =	ssyncset.done $0x0  }
0x31: {  	[sflag:s25] =	ssyncadd.s32 $0xFFFFF800  }
0x32: {  	_ =	swait.ge [sflag:s25], $0x800  }
0x33: {  	[sflag:s25] =	ssyncset.done $0x0  }
0x34: {  	[sflag:s25] =	ssyncadd.s32 $0xFFFFF800  }
0x35: {  	_ =	swait.ge [sflag:s25], $0x800  }
0x36: {  	[sflag:s25] =	ssyncset.done $0x0  }
0x37: {  	[sflag:s25] =	ssyncadd.s32 $0xFFFFF800  }
0x38: {  	_ =	swait.ge [sflag:s25], $0x800  }
0x39: {  	s16 =	simm.s32 $0x10;
	[sflag:s25] =	ssyncset.done $0x0  }
0x3a: {  	s17 =	sand.u32 $0x1E00, s30;
	s9 =	simm.s32 $0x0;
	[sflag:s25] =	ssyncadd.s32 $0xFFFFF800  }
0x3b: {  	s1 =	sadd.s32 $0x5000, s17;
	s15 =	sand.u32 $0x70, s16;
	v2 =	vld [tilespmem:s9+$0xC010]  }
0x3c: {  	s15 =	sor.u32 s15, s1;
	v8 =	vld [tilespmem:s9+$0x9010]  }
0x3d: {  	v10 =	vld [tilespmem:s15+$0x80]  }
0x3e: {  	v12 =	vld [tilespmem:s15+$0x180]  }
0x3f: {  	v3 =	vor.u32 s16, v1;
	v16 =	vld [tilespmem:s9+$0xA010]  }
0x40: {  	s18 =	simm.s32 $0x0;
	v7 =	vld [tilespmem:s9+$0x9810]  }
0x41: {  	s16 =	sand.u32 $0x60, s18;
	v11 =	vld [tilespmem:s9+$0x9000]  }
0x42: {  	s16 =	sor.u32 s16, s1;
	v14 =	vld [tilespmem:s15+$0x0]  }
0x43: {  	v13 =	vld [tilespmem:s16+$0x180]  }
0x44: {  	v4 =	vor.u32 s18, v1;
	v3 =	vld.idx.msk [tilespmem:v3+s19+$0x0], $0xffff  }
0x45: {  	v17 =	vld [tilespmem:s16+$0x0]  }
0x46: {  	v6 =	vld [tilespmem:s9+$0x9800];
	v15 =	vmul.f32 v8, v12;
	v18 =	vmul.f32 v7, v10  }
0x47: {  	v5 =	vld [tilespmem:s9+$0xC000];
	(xrf2) =	vadd.scan.msk.f32 $0xffff, v14;
	v20 =	vmul.f32 v8, v8;
	v21 =	vmul.f32 v7, v7  }
0x48: {  	v23 =	vld [tilespmem:s9+$0xA000];
	v19 =	vmul.f32 v11, v11;
	v9 =	vmul.f32 v11, v13  }
0x49: {  	v4 =	vld.idx.msk [tilespmem:v4+s19+$0x0], $0xffff;
	v8 =	vmul.f32 v8, v14;
	v20 =	vadd.f32 v21, v20;
	v21 =	vmul.f32 v7, v14  }
0x4a: {  	vm5 =	vne.s32 v2, v3;
	v7 =	vadd.f32 v18, v15;
	v15 =	vmul.f32 v11, v17  }
0x4b: {  	(xrf2) =	vadd.scan.msk.f32 $0xffff, v17;
	v8 =	vadd.f32 v8, v12;
	v11 =	vadd.f32 v21, v10;
	v10 =	vmul.f32 v6, v6  }
0x4c: {  	v22 =	vmul.f32 v16, v16;
	vm4 =	vmor vm5, vm0  }
0x4d: {  	v21 =	vadd.f32 v15, v13;
	(xrf2) =	vadd.scan.msk.f32 $0xffff, v8;
	v15 =	vadd.f32 v10, v19;
	v19 =	vmul.f32 v23, v23  }
0x4e: {  	vm1 =	vne.s32 v5, v4;
	v18 =	vld [tilespmem:s16+$0x100]  }
0x4f: {  	vm2 =	vmor vm1, vm0;
	v12 =	vadd.f32 v22, v20;
	v22 =	vld [tilespmem:s15+$0x100]  }
0x50: {  	v24 =	vmul.f32 v16, v14;
	vm2 =	vmmov vm2  }
0x51: {  	v10 =	vmul.f32 v12, v14;
	v12 =	vmul.f32 v23, v17;
	v14 =	vadd.f32 v19, v15;
	v19, _, _ =	vpop (xrf2);
	(xrf2) =	vadd.scan.msk.f32 $0xffff, v21  }
0x52: {  	vm3 =	vmmov vm1;
	vm1 =	vmmov vm5;
	[tilespmem:v2+s3+$0x0] =	vst.idx.add.f32.msk vm4, v19;
	vm4 =	vmmov vm4  }
0x53: {  	v13 =	vmul.f32 v6, v17;
	v25 =	vsub.f32 $0.0e+00, v19;
	v19 =	vadd.s32 $0x1000, v2  }
0x54: {  	s1 =	sshll.u32 s31, $0x1;
	v20 =	vld [tilespmem:s16+$0x80];
	v15 =	vadd.f32 v12, v18;
	v18 =	vmul.f32 v23, v18;
	v16 =	vmul.f32 v16, v22  }
0x55: {  	s0 =	simm.s32 $0x0;
	v8 =	vadd.s32 $0x1000, v4;
	s15 =	simm.s32 $0x80;
	s16 =	simm.s32 $0x30;
	v14 =	vmul.f32 v14, v17;
	v17 =	vadd.f32 v24, v22;
	v12, _, _ =	vpop (xrf2);
	[tilespmem:v3+s3+$0x0] =	vst.idx.add.f32.msk vm5, v25  }
.LBB2_5:
0x56: {  	s17 =	sand.u32 $0x1E00, s15;
	s9 =	sshra.s32 s15, $0x2;
	v21 =	vor.u32 s16, v1;
	s0 =	sadd.s32 $0x2, s0;
	[tilespmem:v5+s3+$0x0] =	vst.idx.add.f32.msk vm2, v12  }
0x57: {  	s10 =	sadd.s32 $0xFFFFFFF0, s16;
	s18 =	sand.u32 $0x70, s16;
	s17 =	sadd.s32 $0x5000, s17;
	v22 =	vld [tilespmem:s9+$0xC010];
	v23, _, _ =	vpop (xrf2)  }
0x58: {  	s11 =	sand.u32 $0x60, s10;
	p0 =	slt.u32 s0, $0x7E;
	s18 =	sor.u32 s18, s17;
	[tilespmem:v19+s3+$0x0] =	vst.idx.add.f32.msk vm4, v23  }
0x59: {  	s17 =	sor.u32 s11, s17;
	v19 =	vld [tilespmem:s9+$0xC000];
	v13 =	vadd.f32 v13, v20;
	(xrf2) =	vadd.scan.msk.f32 $0xffff, v11  }
0x5a: {  	v11 =	vadd.s32 $0x1000, v3;
	v24 =	vld [tilespmem:s9+$0x9800]  }
0x5b: {  	v12 =	vsub.f32 $0.0e+00, v12;
	v25 =	vor.u32 s10, v1;
	v6 =	vmul.f32 v6, v20;
	v26 =	vld [tilespmem:s9+$0x9010];
	v20, _, _ =	vpop (xrf2)  }
0x5c: {  	v27 =	vld [tilespmem:s18+$0x80];
	(xrf2) =	vadd.scan.msk.f32 $0xffff, v13  }
0x5d: {  	v28 =	vadd.f32 v6, v9;
	v9 =	vsub.f32 $0.0e+00, v23;
	[tilespmem:v4+s3+$0x0] =	vst.idx.add.f32.msk vm3, v12  }
0x5e: {  	v13 =	vld [tilespmem:s18+$0x180]  }
0x5f: {  	v18 =	vadd.f32 v18, v28;
	[tilespmem:v11+s3+$0x0] =	vst.idx.add.f32.msk vm1, v9;
	(xrf2) =	vadd.scan.msk.f32 $0xffff, v15;
	v6 =	vmov v24  }
0x60: {  	v12 =	vld [tilespmem:s9+$0xA010]  }
0x61: {  	v9 =	vadd.f32 v18, v18;
	v15 =	vld [tilespmem:s17+$0x180]  }
0x62: {  	v11 =	vld [tilespmem:s9+$0x9810];
	(xrf2) =	vadd.scan.msk.f32 $0xffff, v17  }
0x63: {  	v18 =	vadd.s32 $0x4000, v2;
	v9 =	vadd.f32 v9, v14;
	v14 =	vadd.s32 $0x4000, v5;
	v17 =	vld [tilespmem:s9+$0x9000];
	v23, _, _ =	vpop (xrf2)  }
0x64: {  	v29 =	vadd.s32 $0x3000, v5;
	v7 =	vadd.f32 v16, v7;
	v16 =	vadd.s32 $0x2000, v2;
	v28 =	vld [tilespmem:s17+$0x100]  }
0x65: {  	v30 =	vadd.s32 $0x1000, v5;
	v31 =	vadd.s32 $0x2000, v5;
	v32 =	vadd.s32 $0x3000, v2;
	v2 =	vmovc v22;
	v25 =	vld.idx.msk [tilespmem:v25+s19+$0x0], $0xffff;
	(xrf2) =	vadd.scan.msk.f32 $0xffff, v9  }
0x66: {  	v33 =	vadd.s32 $0x4000, v4;
	v7 =	vadd.f32 v7, v7;
	v22 =	vadd.s32 $0x2000, v4;
	v21 =	vld.idx.msk [tilespmem:v21+s19+$0x0], $0xffff;
	v34, _, _ =	vpop (xrf2)  }
0x67: {  	v38 =	vadd.s32 $0x2000, v3;
	v5 =	vmovc v19;
	v36 =	vmul.f32 v26, v13;
	v35 =	vld [tilespmem:s18+$0x0];
	v37 =	vmul.f32 v11, v27  }
0x68: {  	v7 =	vadd.f32 v7, v10;
	v40 =	vmul.f32 v26, v26;
	v19 =	vld [tilespmem:s17+$0x0];
	v39 =	vmul.f32 v17, v17  }
0x69: {  	v41 =	vsub.f32 $0.0e+00, v20;
	v10 =	vmul.f32 v11, v11;
	v9 =	vmul.f32 v17, v15;
	[tilespmem:v16+s3+$0x0] =	vst.idx.add.f32.msk vm4, v23;
	v16, _, _ =	vpop (xrf2)  }
0x6a: {  	v42 =	vmul.f32 v12, v12;
	[tilespmem:v30+s3+$0x0] =	vst.idx.add.f32.msk vm2, v20;
	v30 =	vsub.f32 $0.0e+00, v23;
	(xrf2) =	vadd.scan.msk.f32 $0xffff, v7  }
0x6b: {  	v10 =	vadd.f32 v10, v40;
	v7 =	vadd.f32 v37, v36;
	[tilespmem:v8+s3+$0x0] =	vst.idx.add.f32.msk vm3, v41;
	v8 =	vadd.s32 $0x3000, v3  }
0x6c: {  	v23 =	vsub.f32 $0.0e+00, v34;
	vm5 =	vne.s32 v2, v21;
	v11 =	vmul.f32 v11, v35;
	[tilespmem:v38+s3+$0x0] =	vst.idx.add.f32.msk vm1, v30;
	v20, _, _ =	vpop (xrf2)  }
0x6d: {  	vm6 =	vmor vm5, vm0;
	v17 =	vmul.f32 v17, v19;
	(xrf2) =	vadd.scan.msk.f32 $0xffff, v35;
	[tilespmem:v31+s3+$0x0] =	vst.idx.add.f32.msk vm2, v34  }
0x6e: {  	v26 =	vmul.f32 v26, v35;
	v11 =	vadd.f32 v11, v27;
	v27 =	vadd.s32 $0x3000, v4;
	[tilespmem:v32+s3+$0x0] =	vst.idx.add.f32.msk vm4, v20  }
0x6f: {  	vm7 =	vne.s32 v5, v25;
	v17 =	vadd.f32 v17, v15;
	[tilespmem:v22+s3+$0x0] =	vst.idx.add.f32.msk vm3, v23;
	v15 =	vsub.f32 $0.0e+00, v20;
	v20, _, _ =	vpop (xrf2)  }
0x70: {  	vm8 =	vmor vm7, vm0;
	v4 =	vmovc v25;
	v23 =	vadd.f32 v26, v13;
	v22 =	vld [tilespmem:s9+$0xA000];
	(xrf2) =	vadd.scan.msk.f32 $0xffff, v19;
	v26 =	vsub.f32 $0.0e+00, v20  }
0x71: {  	v30 =	vsub.f32 $0.0e+00, v16;
	v25 =	vmul.f32 v12, v35;
	v13 =	vmul.f32 v6, v19;
	[tilespmem:v8+s3+$0x0] =	vst.idx.add.f32.msk vm1, v15  }
0x72: {  	v10 =	vadd.f32 v42, v10;
	v8 =	vmul.f32 v24, v6;
	[tilespmem:v29+s3+$0x0] =	vst.idx.add.f32.msk vm2, v16;
	v16 =	vadd.s32 $0x4000, v3  }
0x73: {  	v3 =	vmov v21;
	(xrf2) =	vadd.scan.msk.f32 $0xffff, v23;
	[tilespmem:v27+s3+$0x0] =	vst.idx.add.f32.msk vm3, v30  }
0x74: {  	v10 =	vmul.f32 v10, v35;
	v21 =	vadd.f32 v8, v39;
	[tilespmem:v14+s3+$0x0] =	vst.idx.add.f32.msk vm2, v20;
	v14, _, _ =	vpop (xrf2);
	vm2 =	vmmov vm8  }
0x75: {  	v8 =	vadd.s32 $0x1000, v4;
	v15 =	vmul.f32 v22, v19;
	v20 =	vmul.f32 v22, v22;
	v23 =	vld [tilespmem:s18+$0x100]  }
0x76: {  	v24 =	vsub.f32 $0.0e+00, v14;
	[tilespmem:v33+s3+$0x0] =	vst.idx.add.f32.msk vm3, v26;
	vm3 =	vmmov vm7  }
.Ltmp1:
0x77: {  	v15 =	vadd.f32 v15, v28;
	v20 =	vadd.f32 v20, v21;
	(xrf2) =	vadd.scan.msk.f32 $0xffff, v17;
	v17, _, _ =	vpop (xrf2);
	[tilespmem:v18+s3+$0x0] =	vst.idx.add.f32.msk vm4, v14;
	(pc) =	sbr.rel @p0 .LBB2_5-.Ltmp1, $4  }
0x78: {  	vm4 =	vmmov vm6;
	[tilespmem:v16+s3+$0x0] =	vst.idx.add.f32.msk vm1, v24;
	vm1 =	vmmov vm5  }
0x79: {  	v21 =	vsub.f32 $0.0e+00, v17;
	v14 =	vmul.f32 v20, v19;
	[tilespmem:v2+s3+$0x0] =	vst.idx.add.f32.msk vm6, v17;
	v19 =	vadd.s32 $0x1000, v2  }
0x7a: {  	v20 =	vld [tilespmem:s17+$0x80];
	v17 =	vadd.f32 v25, v23;
	v16 =	vmul.f32 v12, v23;
	v12, _, _ =	vpop (xrf2)  }
0x7b: {  	s15 =	sadd.s32 $0x80, s15;
	s16 =	sadd.s32 $0x20, s16;
	v18 =	vmul.f32 v22, v28;
	[tilespmem:v3+s3+$0x0] =	vst.idx.add.f32.msk vm5, v21  }
0x7c: {  	_ =	sdelay $0x2  }
0x7d: {  	v6 =	vmul.f32 v6, v20  }
0x7e: {  	(xrf2) =	vadd.scan.msk.f32 $0xffff, v11  }
0x7f: {  	v11 =	vadd.f32 v13, v20;
	v6 =	vadd.f32 v6, v9;
	_ =	sdelay $0x1  }
0x80: {  	(xrf2) =	vadd.scan.msk.f32 $0xffff, v11;
	v6 =	vadd.f32 v18, v6  }
0x81: {  	v7 =	vadd.f32 v16, v7;
	(xrf2) =	vadd.scan.msk.f32 $0xffff, v15  }
0x82: {  	v9 =	vadd.s32 $0x1000, v3;
	(xrf2) =	vadd.scan.msk.f32 $0xffff, v17;
	v6 =	vadd.f32 v6, v6  }
0x83: {  	v7 =	vadd.f32 v7, v7;
	v13 =	vadd.s32 $0x2000, v2  }
0x84: {  	[tilespmem:v5+s3+$0x0] =	vst.idx.add.f32.msk vm2, v12;
	v11 =	vsub.f32 $0.0e+00, v12;
	v12 =	vadd.s32 $0x1000, v5;
	v15, _, _ =	vpop (xrf2);
	v6 =	vadd.f32 v6, v14  }
0x85: {  	[tilespmem:v19+s3+$0x0] =	vst.idx.add.f32.msk vm4, v15;
	v14 =	vsub.f32 $0.0e+00, v15  }
0x86: {  	v7 =	vadd.f32 v7, v10;
	v10 =	vadd.s32 $0x2000, v5;
	[tilespmem:v4+s3+$0x0] =	vst.idx.add.f32.msk vm3, v11;
	v15, _, _ =	vpop (xrf2);
	(xrf2) =	vadd.scan.msk.f32 $0xffff, v6  }
0x87: {  	v6 =	vadd.s32 $0x2000, v3;
	[tilespmem:v9+s3+$0x0] =	vst.idx.add.f32.msk vm1, v14;
	v9, _, _ =	vpop (xrf2);
	v14 =	vsub.f32 $0.0e+00, v15  }
0x88: {  	v11 =	vadd.s32 $0x3000, v2;
	[tilespmem:v13+s3+$0x0] =	vst.idx.add.f32.msk vm4, v9;
	(xrf2) =	vadd.scan.msk.f32 $0xffff, v7;
	v9 =	vsub.f32 $0.0e+00, v9  }
0x89: {  	[tilespmem:v12+s3+$0x0] =	vst.idx.add.f32.msk vm2, v15;
	v7 =	vadd.s32 $0x2000, v4  }
0x8a: {  	v12, _, _ =	vpop (xrf2);
	[tilespmem:v8+s3+$0x0] =	vst.idx.add.f32.msk vm3, v14;
	v8 =	vadd.s32 $0x3000, v3  }
0x8b: {  	v13 =	vadd.s32 $0x3000, v5;
	[tilespmem:v10+s3+$0x0] =	vst.idx.add.f32.msk vm2, v12;
	v14, _, _ =	vpop (xrf2)  }
0x8c: {  	v10 =	vadd.s32 $0x3000, v4;
	[tilespmem:v6+s3+$0x0] =	vst.idx.add.f32.msk vm1, v9;
	v6 =	vsub.f32 $0.0e+00, v12;
	v9, _, _ =	vpop (xrf2)  }
0x8d: {  	v5 =	vadd.s32 $0x4000, v5;
	[tilespmem:v11+s3+$0x0] =	vst.idx.add.f32.msk vm4, v9;
	v9 =	vsub.f32 $0.0e+00, v9  }
0x8e: {  	v4 =	vadd.s32 $0x4000, v4;
	[tilespmem:v7+s3+$0x0] =	vst.idx.add.f32.msk vm3, v6  }
0x8f: {  	v2 =	vadd.s32 $0x4000, v2;
	v6 =	vsub.f32 $0.0e+00, v14;
	[tilespmem:v8+s3+$0x0] =	vst.idx.add.f32.msk vm1, v9  }
0x90: {  	v3 =	vadd.s32 $0x4000, v3;
	[tilespmem:v13+s3+$0x0] =	vst.idx.add.f32.msk vm2, v14;
	v7, _, _ =	vpop (xrf2)  }
0x91: {  	p0 =	seq.s32 s31, $0x3;
	[tilespmem:v10+s3+$0x0] =	vst.idx.add.f32.msk vm3, v6;
	v8 =	vsub.f32 $0.0e+00, v7  }
0x92: {  	s0 =	sadd.s32 @!p0 $0x2, s1;
	[tilespmem:v5+s3+$0x0] =	vst.idx.add.f32.msk vm2, v7;
	v5, _, _ =	vpop (xrf2)  }
0x93: {  	s1 =	sshll.u32 @!p0 s0, $0xA;
	s0 =	sshll.u32 @!p0 s0, $0xB;
	[tilespmem:v4+s3+$0x0] =	vst.idx.add.f32.msk vm3, v8;
	v4 =	vsub.f32 $0.0e+00, v5  }
0x94: {  	s9 =	simm.s32 @!p0 $0x0;
	s0 =	sadd.s32 @!p0 s7, s0;
	[tilespmem:v2+s3+$0x0] =	vst.idx.add.f32.msk vm4, v5  }
0x95: {  	s10 =	simm.s32 @!p0 $0x5000;
	s1 =	sadd.s32 @!p0 s1, s8;
	s0 =	sshrl.u32 @!p0 s0, $0x3;
	[tilespmem:v3+s3+$0x0] =	vst.idx.add.f32.msk vm1, v4  }
0x96: {  	[tilespmem:s10], [sflag:$0x1] =	stream.linear.gather @!p0 [hbm4b:s1+s9], $0x2000, $0x38;
	[tilespmem:$0xD000] =	vst v63  }
0x97: {  	s1 =	sadd.s32 @!p0 s4, s0;
	s10 =	simm.s32 @!p0 $0x9000  }
0x98: {  	[tilespmem:s10], [sflag:$0x1] =	stream.linear.gather @!p0 [hbm4b:s1+s9], $0x800, $0x38;
	[tilespmem:$0xD000] =	vst v63  }
0x99: {  	s1 =	sadd.s32 @!p0 s5, s0;
	s10 =	simm.s32 @!p0 $0x9800  }
0x9a: {  	[tilespmem:s10], [sflag:$0x1] =	stream.linear.gather @!p0 [hbm4b:s1+s9], $0x800, $0x38;
	[tilespmem:$0xD000] =	vst v63  }
0x9b: {  	s1 =	sadd.s32 @!p0 s2, s0;
	s10 =	simm.s32 @!p0 $0xA000  }
0x9c: {  	[tilespmem:s10], [sflag:$0x1] =	stream.linear.gather @!p0 [hbm4b:s1+s9], $0x800, $0x38;
	[tilespmem:$0xD000] =	vst v63  }
0x9d: {  	s0 =	sadd.s32 @!p0 s6, s0;
	s1 =	simm.s32 @!p0 $0xC000  }
0x9e: {  	[tilespmem:s1], [sflag:$0x1] =	stream.linear.gather @!p0 [hbm4b:s0+s9], $0x800, $0x38;
	[tilespmem:$0xD000] =	vst v63  }
0x9f: {  	_ =	swait.ge [sflag:s26], $0x2000  }
0xa0: {  	[sflag:s26] =	ssyncset.done $0x0  }
0xa1: {  	[sflag:s26] =	ssyncadd.s32 $0xFFFFE000  }
0xa2: {  	_ =	swait.ge [sflag:s26], $0x800  }
0xa3: {  	[sflag:s26] =	ssyncset.done $0x0  }
0xa4: {  	[sflag:s26] =	ssyncadd.s32 $0xFFFFF800  }
0xa5: {  	_ =	swait.ge [sflag:s26], $0x800  }
0xa6: {  	[sflag:s26] =	ssyncset.done $0x0  }
0xa7: {  	[sflag:s26] =	ssyncadd.s32 $0xFFFFF800  }
0xa8: {  	_ =	swait.ge [sflag:s26], $0x800  }
0xa9: {  	[sflag:s26] =	ssyncset.done $0x0  }
0xaa: {  	[sflag:s26] =	ssyncadd.s32 $0xFFFFF800  }
0xab: {  	_ =	swait.ge [sflag:s26], $0x800  }
0xac: {  	s11 =	simm.s32 $0x0;
	s15 =	simm.s32 $0x10;
	[sflag:s26] =	ssyncset.done $0x0  }
0xad: {  	s16 =	simm.s32 $0x0;
	s0 =	sand.u32 $0x1E00, s11;
	[sflag:s26] =	ssyncadd.s32 $0xFFFFF800  }
0xae: {  	s17 =	sand.u32 $0x70, s15;
	s0 =	sadd.s32 $0x5000, s0;
	v2 =	vld [tilespmem:s16+$0xC810]  }
0xaf: {  	s10 =	sor.u32 s17, s0;
	v8 =	vld [tilespmem:s16+$0xA810]  }
0xb0: {  	v10 =	vld [tilespmem:s10+$0x2080]  }
0xb1: {  	v11 =	vld [tilespmem:s10+$0x2180]  }
0xb2: {  	v3 =	vor.u32 s15, v1;
	v16 =	vld [tilespmem:s16+$0xB810]  }
0xb3: {  	s18 =	simm.s32 $0x0;
	v7 =	vld [tilespmem:s16+$0xB010]  }
0xb4: {  	s11 =	sand.u32 $0x60, s18;
	v12 =	vld [tilespmem:s16+$0xA800]  }
0xb5: {  	s0 =	sor.u32 s11, s0;
	v14 =	vld [tilespmem:s10+$0x2000]  }
0xb6: {  	v13 =	vld [tilespmem:s0+$0x2180]  }
0xb7: {  	v4 =	vor.u32 s18, v1;
	v3 =	vld.idx.msk [tilespmem:v3+s24+$0x0], $0xffff  }
0xb8: {  	v17 =	vld [tilespmem:s0+$0x2000]  }
0xb9: {  	v6 =	vld [tilespmem:s16+$0xB000];
	v15 =	vmul.f32 v8, v11;
	v18 =	vmul.f32 v7, v10  }
0xba: {  	v5 =	vld [tilespmem:s16+$0xC800];
	(xrf2) =	vadd.scan.msk.f32 $0xffff, v14;
	v20 =	vmul.f32 v8, v8;
	v21 =	vmul.f32 v7, v7  }
0xbb: {  	v23 =	vld [tilespmem:s16+$0xB800];
	v19 =	vmul.f32 v12, v12;
	v9 =	vmul.f32 v12, v13  }
0xbc: {  	v4 =	vld.idx.msk [tilespmem:v4+s24+$0x0], $0xffff;
	v8 =	vmul.f32 v8, v14;
	v20 =	vadd.f32 v21, v20;
	v21 =	vmul.f32 v7, v14  }
0xbd: {  	vm5 =	vne.s32 v2, v3;
	v7 =	vadd.f32 v18, v15;
	v15 =	vmul.f32 v12, v17  }
0xbe: {  	(xrf2) =	vadd.scan.msk.f32 $0xffff, v17;
	v8 =	vadd.f32 v8, v11;
	v12 =	vadd.f32 v21, v10;
	v10 =	vmul.f32 v6, v6  }
0xbf: {  	v22 =	vmul.f32 v16, v16;
	vm4 =	vmor vm5, vm0  }
0xc0: {  	v21 =	vadd.f32 v15, v13;
	(xrf2) =	vadd.scan.msk.f32 $0xffff, v8;
	v15 =	vadd.f32 v10, v19;
	v19 =	vmul.f32 v23, v23  }
0xc1: {  	vm2 =	vne.s32 v5, v4;
	v18 =	vld [tilespmem:s0+$0x2100]  }
0xc2: {  	vm1 =	vmor vm2, vm0;
	v11 =	vadd.f32 v22, v20;
	v22 =	vld [tilespmem:s10+$0x2100]  }
0xc3: {  	v24 =	vmul.f32 v16, v14;
	vm1 =	vmmov vm1  }
0xc4: {  	v10 =	vmul.f32 v11, v14;
	v11 =	vmul.f32 v23, v17;
	v14 =	vadd.f32 v19, v15;
	v19, _, _ =	vpop (xrf2);
	(xrf2) =	vadd.scan.msk.f32 $0xffff, v21  }
0xc5: {  	vm3 =	vmmov vm2;
	vm2 =	vmmov vm5;
	[tilespmem:v2+s3+$0x0] =	vst.idx.add.f32.msk vm4, v19;
	vm4 =	vmmov vm4  }
0xc6: {  	v13 =	vmul.f32 v6, v17;
	v25 =	vsub.f32 $0.0e+00, v19;
	v19 =	vadd.s32 $0x1000, v2  }
0xc7: {  	v20 =	vld [tilespmem:s0+$0x2080];
	v15 =	vadd.f32 v11, v18;
	v18 =	vmul.f32 v23, v18;
	v16 =	vmul.f32 v16, v22  }
0xc8: {  	s15 =	simm.s32 $0x30;
	s1 =	simm.s32 $0x80;
	v8 =	vadd.s32 $0x1000, v4;
	s0 =	simm.s32 $0x0;
	v14 =	vmul.f32 v14, v17;
	v17 =	vadd.f32 v24, v22;
	v11, _, _ =	vpop (xrf2);
	[tilespmem:v3+s3+$0x0] =	vst.idx.add.f32.msk vm5, v25  }
.LBB2_7:
0xc9: {  	s10 =	sand.u32 $0x1E00, s1;
	s9 =	sshra.s32 s1, $0x2;
	v21 =	vor.u32 s15, v1;
	s0 =	sadd.s32 $0x2, s0;
	[tilespmem:v5+s3+$0x0] =	vst.idx.add.f32.msk vm1, v11  }
0xca: {  	s11 =	sadd.s32 $0xFFFFFFF0, s15;
	s16 =	sand.u32 $0x70, s15;
	s10 =	sadd.s32 $0x5000, s10;
	v22 =	vld [tilespmem:s9+$0xC810];
	v23, _, _ =	vpop (xrf2)  }
0xcb: {  	s18 =	sand.u32 $0x60, s11;
	p0 =	slt.u32 s0, $0x7E;
	s17 =	sor.u32 s16, s10;
	[tilespmem:v19+s3+$0x0] =	vst.idx.add.f32.msk vm4, v23  }
0xcc: {  	s16 =	sor.u32 s18, s10;
	v19 =	vld [tilespmem:s9+$0xC800];
	v13 =	vadd.f32 v13, v20;
	(xrf2) =	vadd.scan.msk.f32 $0xffff, v12  }
0xcd: {  	v12 =	vadd.s32 $0x1000, v3;
	v24 =	vld [tilespmem:s9+$0xB000]  }
0xce: {  	v11 =	vsub.f32 $0.0e+00, v11;
	v25 =	vor.u32 s11, v1;
	v6 =	vmul.f32 v6, v20;
	v26 =	vld [tilespmem:s9+$0xA810];
	v20, _, _ =	vpop (xrf2)  }
0xcf: {  	v27 =	vld [tilespmem:s17+$0x2080];
	(xrf2) =	vadd.scan.msk.f32 $0xffff, v13  }
0xd0: {  	v28 =	vadd.f32 v6, v9;
	v9 =	vsub.f32 $0.0e+00, v23;
	[tilespmem:v4+s3+$0x0] =	vst.idx.add.f32.msk vm3, v11  }
0xd1: {  	v13 =	vld [tilespmem:s17+$0x2180]  }
0xd2: {  	v18 =	vadd.f32 v18, v28;
	[tilespmem:v12+s3+$0x0] =	vst.idx.add.f32.msk vm2, v9;
	(xrf2) =	vadd.scan.msk.f32 $0xffff, v15;
	v6 =	vmov v24  }
0xd3: {  	v11 =	vld [tilespmem:s9+$0xB810]  }
0xd4: {  	v9 =	vadd.f32 v18, v18;
	v15 =	vld [tilespmem:s16+$0x2180]  }
0xd5: {  	v12 =	vld [tilespmem:s9+$0xB010];
	(xrf2) =	vadd.scan.msk.f32 $0xffff, v17  }
0xd6: {  	v18 =	vadd.s32 $0x4000, v2;
	v9 =	vadd.f32 v9, v14;
	v14 =	vadd.s32 $0x4000, v5;
	v17 =	vld [tilespmem:s9+$0xA800];
	v23, _, _ =	vpop (xrf2)  }
0xd7: {  	v29 =	vadd.s32 $0x3000, v5;
	v7 =	vadd.f32 v16, v7;
	v16 =	vadd.s32 $0x2000, v2;
	v28 =	vld [tilespmem:s16+$0x2100]  }
0xd8: {  	v30 =	vadd.s32 $0x1000, v5;
	v31 =	vadd.s32 $0x2000, v5;
	v32 =	vadd.s32 $0x3000, v2;
	v2 =	vmovc v22;
	v25 =	vld.idx.msk [tilespmem:v25+s24+$0x0], $0xffff;
	(xrf2) =	vadd.scan.msk.f32 $0xffff, v9  }
0xd9: {  	v33 =	vadd.s32 $0x4000, v4;
	v7 =	vadd.f32 v7, v7;
	v22 =	vadd.s32 $0x2000, v4;
	v21 =	vld.idx.msk [tilespmem:v21+s24+$0x0], $0xffff;
	v34, _, _ =	vpop (xrf2)  }
0xda: {  	v38 =	vadd.s32 $0x2000, v3;
	v5 =	vmovc v19;
	v36 =	vmul.f32 v26, v13;
	v35 =	vld [tilespmem:s17+$0x2000];
	v37 =	vmul.f32 v12, v27  }
0xdb: {  	v7 =	vadd.f32 v7, v10;
	v40 =	vmul.f32 v26, v26;
	v19 =	vld [tilespmem:s16+$0x2000];
	v39 =	vmul.f32 v17, v17  }
0xdc: {  	v41 =	vsub.f32 $0.0e+00, v20;
	v10 =	vmul.f32 v12, v12;
	v9 =	vmul.f32 v17, v15;
	[tilespmem:v16+s3+$0x0] =	vst.idx.add.f32.msk vm4, v23;
	v16, _, _ =	vpop (xrf2)  }
0xdd: {  	v42 =	vmul.f32 v11, v11;
	[tilespmem:v30+s3+$0x0] =	vst.idx.add.f32.msk vm1, v20;
	v30 =	vsub.f32 $0.0e+00, v23;
	(xrf2) =	vadd.scan.msk.f32 $0xffff, v7  }
0xde: {  	v10 =	vadd.f32 v10, v40;
	v7 =	vadd.f32 v37, v36;
	[tilespmem:v8+s3+$0x0] =	vst.idx.add.f32.msk vm3, v41;
	v8 =	vadd.s32 $0x3000, v3  }
0xdf: {  	v23 =	vsub.f32 $0.0e+00, v34;
	vm5 =	vne.s32 v2, v21;
	v12 =	vmul.f32 v12, v35;
	[tilespmem:v38+s3+$0x0] =	vst.idx.add.f32.msk vm2, v30;
	v20, _, _ =	vpop (xrf2)  }
0xe0: {  	vm6 =	vmor vm5, vm0;
	v17 =	vmul.f32 v17, v19;
	(xrf2) =	vadd.scan.msk.f32 $0xffff, v35;
	[tilespmem:v31+s3+$0x0] =	vst.idx.add.f32.msk vm1, v34  }
0xe1: {  	v26 =	vmul.f32 v26, v35;
	v12 =	vadd.f32 v12, v27;
	v27 =	vadd.s32 $0x3000, v4;
	[tilespmem:v32+s3+$0x0] =	vst.idx.add.f32.msk vm4, v20  }
0xe2: {  	vm7 =	vne.s32 v5, v25;
	v17 =	vadd.f32 v17, v15;
	[tilespmem:v22+s3+$0x0] =	vst.idx.add.f32.msk vm3, v23;
	v15 =	vsub.f32 $0.0e+00, v20;
	v20, _, _ =	vpop (xrf2)  }
0xe3: {  	vm8 =	vmor vm7, vm0;
	v4 =	vmovc v25;
	v23 =	vadd.f32 v26, v13;
	v22 =	vld [tilespmem:s9+$0xB800];
	(xrf2) =	vadd.scan.msk.f32 $0xffff, v19;
	v26 =	vsub.f32 $0.0e+00, v20  }
0xe4: {  	v30 =	vsub.f32 $0.0e+00, v16;
	v25 =	vmul.f32 v11, v35;
	v13 =	vmul.f32 v6, v19;
	[tilespmem:v8+s3+$0x0] =	vst.idx.add.f32.msk vm2, v15  }
0xe5: {  	v10 =	vadd.f32 v42, v10;
	v8 =	vmul.f32 v24, v6;
	[tilespmem:v29+s3+$0x0] =	vst.idx.add.f32.msk vm1, v16;
	v16 =	vadd.s32 $0x4000, v3  }
0xe6: {  	v3 =	vmov v21;
	(xrf2) =	vadd.scan.msk.f32 $0xffff, v23;
	[tilespmem:v27+s3+$0x0] =	vst.idx.add.f32.msk vm3, v30  }
0xe7: {  	v10 =	vmul.f32 v10, v35;
	v21 =	vadd.f32 v8, v39;
	[tilespmem:v14+s3+$0x0] =	vst.idx.add.f32.msk vm1, v20;
	v14, _, _ =	vpop (xrf2);
	vm1 =	vmmov vm8  }
0xe8: {  	v8 =	vadd.s32 $0x1000, v4;
	v15 =	vmul.f32 v22, v19;
	v20 =	vmul.f32 v22, v22;
	v23 =	vld [tilespmem:s17+$0x2100]  }
0xe9: {  	v24 =	vsub.f32 $0.0e+00, v14;
	[tilespmem:v33+s3+$0x0] =	vst.idx.add.f32.msk vm3, v26;
	vm3 =	vmmov vm7  }
.Ltmp2:
0xea: {  	v15 =	vadd.f32 v15, v28;
	v20 =	vadd.f32 v20, v21;
	(xrf2) =	vadd.scan.msk.f32 $0xffff, v17;
	v17, _, _ =	vpop (xrf2);
	[tilespmem:v18+s3+$0x0] =	vst.idx.add.f32.msk vm4, v14;
	(pc) =	sbr.rel @p0 .LBB2_7-.Ltmp2, $4  }
0xeb: {  	vm4 =	vmmov vm6;
	[tilespmem:v16+s3+$0x0] =	vst.idx.add.f32.msk vm2, v24;
	vm2 =	vmmov vm5  }
0xec: {  	v21 =	vsub.f32 $0.0e+00, v17;
	v14 =	vmul.f32 v20, v19;
	[tilespmem:v2+s3+$0x0] =	vst.idx.add.f32.msk vm6, v17;
	v19 =	vadd.s32 $0x1000, v2  }
0xed: {  	v20 =	vld [tilespmem:s16+$0x2080];
	v17 =	vadd.f32 v25, v23;
	v16 =	vmul.f32 v11, v23;
	v11, _, _ =	vpop (xrf2)  }
0xee: {  	s1 =	sadd.s32 $0x80, s1;
	s15 =	sadd.s32 $0x20, s15;
	v18 =	vmul.f32 v22, v28;
	[tilespmem:v3+s3+$0x0] =	vst.idx.add.f32.msk vm5, v21  }
0xef: {  	_ =	sdelay $0x2  }
0xf0: {  	v6 =	vmul.f32 v6, v20  }
0xf1: {  	(xrf2) =	vadd.scan.msk.f32 $0xffff, v12;
	v36 =	vadd.f32 v13, v20  }
0xf2: {  	v6 =	vadd.f32 v6, v9  }
0xf3: {  	(xrf2) =	vadd.scan.msk.f32 $0xffff, v36  }
0xf4: {  	(xrf2) =	vadd.scan.msk.f32 $0xffff, v15;
	v6 =	vadd.f32 v18, v6  }
0xf5: {  	v37 =	vadd.s32 $0x1000, v3;
	v7 =	vadd.f32 v16, v7;
	(xrf2) =	vadd.scan.msk.f32 $0xffff, v17  }
0xf6: {  	v41 =	vadd.s32 $0x1000, v5;
	v6 =	vadd.f32 v6, v6  }
0xf7: {  	v38 =	vsub.f32 $0.0e+00, v11;
	[tilespmem:v5+s3+$0x0] =	vst.idx.add.f32.msk vm1, v11;
	v40, _, _ =	vpop (xrf2);
	v7 =	vadd.f32 v7, v7  }
0xf8: {  	v39 =	vadd.s32 $0x2000, v2;
	[tilespmem:v19+s3+$0x0] =	vst.idx.add.f32.msk vm4, v40;
	v42 =	vsub.f32 $0.0e+00, v40;
	v6 =	vadd.f32 v6, v14  }
0xf9: {  	v44 =	vadd.s32 $0x2000, v3;
	[tilespmem:v4+s3+$0x0] =	vst.idx.add.f32.msk vm3, v38;
	v7 =	vadd.f32 v7, v10;
	v43, _, _ =	vpop (xrf2)  }
0xfa: {  	v46 =	vadd.s32 $0x2000, v5;
	[tilespmem:v37+s3+$0x0] =	vst.idx.add.f32.msk vm2, v42;
	v48 =	vsub.f32 $0.0e+00, v43;
	(xrf2) =	vadd.scan.msk.f32 $0xffff, v6  }
0xfb: {  	v47 =	vadd.s32 $0x3000, v2;
	[tilespmem:v41+s3+$0x0] =	vst.idx.add.f32.msk vm1, v43;
	v45, _, _ =	vpop (xrf2);
	(xrf2) =	vadd.scan.msk.f32 $0xffff, v7  }
0xfc: {  	v49 =	vadd.s32 $0x2000, v4;
	[tilespmem:v8+s3+$0x0] =	vst.idx.add.f32.msk vm3, v48;
	v9 =	vsub.f32 $0.0e+00, v45  }
0xfd: {  	v52 =	vadd.s32 $0x3000, v5;
	[tilespmem:v39+s3+$0x0] =	vst.idx.add.f32.msk vm4, v45;
	v50, _, _ =	vpop (xrf2)  }
0xfe: {  	v51 =	vadd.s32 $0x3000, v3;
	[tilespmem:v44+s3+$0x0] =	vst.idx.add.f32.msk vm2, v9;
	v53, _, _ =	vpop (xrf2)  }
0xff: {  	v56 =	vadd.s32 $0x3000, v4;
	v54 =	vsub.f32 $0.0e+00, v50;
	[tilespmem:v46+s3+$0x0] =	vst.idx.add.f32.msk vm1, v50;
	v55, _, _ =	vpop (xrf2)  }
0x100: {  	v57 =	vadd.s32 $0x4000, v5;
	[tilespmem:v47+s3+$0x0] =	vst.idx.add.f32.msk vm4, v55  }
0x101: {  	v2 =	vadd.s32 $0x4000, v2;
	v9 =	vsub.f32 $0.0e+00, v55;
	[tilespmem:v49+s3+$0x0] =	vst.idx.add.f32.msk vm3, v54  }
0x102: {  	v58 =	vadd.s32 $0x4000, v4;
	s31 =	sadd.s32 $0x1, s31;
	v59 =	vsub.f32 $0.0e+00, v53;
	[tilespmem:v52+s3+$0x0] =	vst.idx.add.f32.msk vm1, v53  }
0x103: {  	v3 =	vadd.s32 $0x4000, v3;
	p0 =	sne.s32 s31, $0x4;
	[tilespmem:v51+s3+$0x0] =	vst.idx.add.f32.msk vm2, v9  }
.Ltmp3:
0x104: {  	[tilespmem:v56+s3+$0x0] =	vst.idx.add.f32.msk vm3, v59;
	v60, _, _ =	vpop (xrf2);
	(pc) =	sbr.rel @p0 .LBB2_4-.Ltmp3, $4  }
0x105: {  	v61 =	vsub.f32 $0.0e+00, v60;
	[tilespmem:v57+s3+$0x0] =	vst.idx.add.f32.msk vm1, v60;
	v62, _, _ =	vpop (xrf2)  }
0x106: {  	v63 =	vsub.f32 $0.0e+00, v62;
	[tilespmem:v2+s3+$0x0] =	vst.idx.add.f32.msk vm4, v62  }
0x107: {  	[tilespmem:v58+s3+$0x0] =	vst.idx.add.f32.msk vm3, v61  }
0x108: {  	[tilespmem:v3+s3+$0x0] =	vst.idx.add.f32.msk vm2, v63  }
0x109: {  	s29 =	sadd.s32 $0x1, s29  }
0x10a: {  	p0 =	sne.s32 s29, s14  }
.Ltmp4:
0x10b: {  	_ = 	snop;
	(pc) =	sbr.rel @p0 .LBB2_1-.Ltmp4, $4  }
0x10c: {  	[hbm4b:s13+s3] =	stream.linear.scatter [tilespmem:s3], [sflag:$0x3], $0x5000, $0x38;
	[tilespmem:$0xD000] =	vst v63  }
0x10d: {  	_ =	swait.ge [sflag:s28], $0x5000  }
0x10e: {  	[sflag:s28] =	ssyncset.done $0x0  }
0x10f: {  	[sflag:s28] =	ssyncadd.s32 $0xFFFFB000  }
0x110: {  	_ =	sfence.sel $0x180000  }
0x111: {  	[bflag:$0x0] =	sbarrier.arrive $0xFFFF  }
0x112: {  	_ =	strace $0x90000047  }
0x113: {  	s0 =	stileid.u32;
	[bflag:$0x2] =	sbarrier.arrive $0xFFFF  }
0x114: {  	p0 =	sne.s32 s0, $0x0;
	s0 =	rddreg [dreg:$0x1]  }
0x115: {  	s0 =	sadd.s32 @!p0 $0x100000, s0  }
0x116: {  	[sflag:s0] =	ssyncadd.tile.s32 @!p0 $0x1;
	_ =	shalt  }
.Lfunc_end2:
_tile_overlayer_lowered:
.L_overlay_start_2:
0x117: {  	(tag) =	ssettag $0x2  }
0x118: {  	s0 =	rddreg [dreg:$0x0];
	s2 =	stileid.u32  }
0x119: {  	s1 =	rddreg [dreg:$0x1];
	p0 =	sne.s32 s2, $0x0  }
0x11a: {  	s3 =	rddreg [dreg:$0x2];
	[bflag:$0x3] =	sbarrier.arrive $0xFFFF;
	s2 =	simm.s32 @!p0 $0x1C03  }
0x11b: {  	[timem:s3], [sflag:s2] =	dma.local @!p0 [hbm:s0], s1  }
0x11c: {  	s0 =	simm.s32 @!p0 $0x3  }
0x11d: {  	_ =	swait.ge @!p0 [sflag:s0], s1  }
0x11e: {  	s1 =	ssub.s32 @!p0 $0x0, s1;
	[sflag:s0] =	ssyncset.done @!p0 $0x0  }
0x11f: {  	[sflag:s0] =	ssyncadd.s32 @!p0 s1  }
0x120: {  	[bflag:$0x3] =	sbarrier.arrive $0xFFFF  }
0x121: {  	_ =	shalt  }

</sc_bundles>
